<compile_context>
chip_gen: v7x
topology: tpu7x:2x2x1
jax: 0.10.2.dev20260603
libtpu: 0.0.44.dev20260713+nightly
codegen_flags: <defaults>
</compile_context>

<pallas_src>
import jax
import jax.numpy as jnp
from jax import lax
from jax.experimental import pallas as pl
from jax.experimental.pallas import tpu as pltpu
from jax.experimental.pallas import tpu_sc as plsc

_N = 10000
_E = 320000
_D = 128
_M = 10112
_K = 128
_CH = 79
_DUMMY = _M - 1
_RPT = _M // 16
_BM = 2528

_MESH = dict(core_axis_name="c", subcore_axis_name="s")


def _seg_pass():
    scratch = [
        pltpu.VMEM((2, _K), jnp.int32),
        pltpu.VMEM((2, _K), jnp.int32),
        pltpu.VMEM((2, _K), jnp.int32),
        pltpu.VMEM((2, _K), jnp.int32),
        pltpu.VMEM((_K, _D), jnp.float32),
        pltpu.VMEM((_K, _D), jnp.float32),
        pltpu.VMEM_SHARED((_M, _D), jnp.float32),
        pltpu.SemaphoreType.DMA,
        pltpu.SemaphoreType.DMA,
        pltpu.SemaphoreType.DMA,
        pltpu.SemaphoreType.DMA,
        pltpu.SemaphoreType.DMA,
        pltpu.SemaphoreType.DMA,
        pltpu.SemaphoreType.DMA,
        pltpu.SemaphoreType.DMA,
    ]

    def body(tbl, gs, z128, psum, gsb0, gsb1, gsb2, gsb3, rows0, rows1, acc,
             semg0, semg1, sems0, sems1, semi0, semi1, semi2, semi3):
        cid = lax.axis_index("c")
        sid = lax.axis_index("s")
        wid = cid * 16 + sid
        r0 = sid * _RPT
        gsl = (gsb0, gsb1, gsb2, gsb3)
        semil = (semi0, semi1, semi2, semi3)
        rowsl = (rows0, rows1)
        semgl = (semg0, semg1)
        semsl = (sems0, sems1)
        pltpu.sync_copy(z128.at[pl.ds(r0, _RPT)], acc.at[pl.ds(r0, _RPT)])
        pltpu.sync_copy(gs.at[wid, 0], gsb0)
        pltpu.sync_copy(gs.at[wid, 1], gsb1)
        pltpu.sync_copy(gs.at[wid, 2], gsb2)
        pltpu.async_copy(tbl.at[gsb0.at[0]], rows0, semg0)
        plsc.subcore_barrier()

        def step(j, carry):
            m4 = lax.rem(j, 4)
            for r in range(4):
                def branch(r=r):
                    cur = gsl[r]
                    nxtg = gsl[(r + 1) % 4]
                    ldb = gsl[(r + 3) % 4]
                    rows_c, semg_c, sems_c = (
                        rowsl[r % 2], semgl[r % 2], semsl[r % 2])
                    rows_n, semg_n, sems_n = (
                        rowsl[(r + 1) % 2], semgl[(r + 1) % 2],
                        semsl[(r + 1) % 2])
                    nxt = j + 1

                    @pl.when(nxt < _CH)
                    def _():
                        @pl.when(j >= 1)
                        def _():
                            pltpu.make_async_copy(
                                rows_n, acc.at[nxtg.at[1]], sems_n).wait()
                        @pl.when(j >= 2)
                        def _():
                            pltpu.make_async_copy(
                                gs.at[wid, nxt], nxtg,
                                semil[(r + 1) % 4]).wait()
                        pltpu.async_copy(tbl.at[nxtg.at[0]], rows_n, semg_n)

                    @pl.when(j + 3 < _CH)
                    def _():
                        pltpu.async_copy(gs.at[wid, j + 3], ldb,
                                         semil[(r + 3) % 4])

                    pltpu.make_async_copy(
                        tbl.at[cur.at[0]], rows_c, semg_c).wait()
                    pltpu.async_copy(rows_c, acc.at[cur.at[1]], sems_c,
                                     add=True)
                pl.when(m4 == r)(branch)
            return carry

        lax.fori_loop(0, _CH, step, 0)
        pltpu.make_async_copy(rows1, acc.at[gsb1.at[1]], sems1).wait()
        pltpu.make_async_copy(rows0, acc.at[gsb0.at[1]], sems0).wait()
        plsc.subcore_barrier()
        o0 = cid * _M + r0
        pltpu.sync_copy(acc.at[pl.ds(r0, _RPT)], psum.at[pl.ds(o0, _RPT)])

    return pl.kernel(
        body, mesh=plsc.VectorSubcoreMesh(**_MESH),
        out_type=jax.ShapeDtypeStruct((2 * _M, _D), jnp.float32),
        scratch_types=scratch)


def _cnt_pass():
    scratch = [
        pltpu.VMEM((2, _K), jnp.int32),
        pltpu.VMEM((2, _K), jnp.int32),
        pltpu.VMEM((2, _K), jnp.int32),
        pltpu.VMEM((2, _K), jnp.int32),
        pltpu.VMEM((_K, _D), jnp.float32),
        pltpu.VMEM_SHARED((_M, _D), jnp.float32),
        pltpu.SemaphoreType.DMA,
        pltpu.SemaphoreType.DMA,
        pltpu.SemaphoreType.DMA,
        pltpu.SemaphoreType.DMA,
        pltpu.SemaphoreType.DMA,
        pltpu.SemaphoreType.DMA,
    ]
    out_type = [jax.ShapeDtypeStruct((2 * _M, _D), jnp.float32),
                jax.ShapeDtypeStruct((2 * _M, _D), jnp.float32)]

    def body(gs, z128, ones, cn_out, ce_out, iv0, iv1, iv2, iv3, ones_v,
             acc, sems0, sems1, semi0, semi1, semi2, semi3):
        cid = lax.axis_index("c")
        sid = lax.axis_index("s")
        wid = cid * 16 + sid
        r0 = sid * _RPT
        o0 = cid * _M + r0
        ivl = (iv0, iv1, iv2, iv3)
        semil = (semi0, semi1, semi2, semi3)
        semsl = (sems0, sems1)
        pltpu.sync_copy(ones, ones_v)
        for row, out in ((0, cn_out), (1, ce_out)):
            pltpu.sync_copy(z128.at[pl.ds(r0, _RPT)], acc.at[pl.ds(r0, _RPT)])
            pltpu.sync_copy(gs.at[wid, 0], iv0)
            pltpu.sync_copy(gs.at[wid, 1], iv1)
            plsc.subcore_barrier()

            def step(j, carry, row=row):
                m4 = lax.rem(j, 4)
                for r in range(4):
                    def branch(r=r, row=row):
                        cur = ivl[r]
                        ldb = ivl[(r + 2) % 4]
                        sems_c = semsl[r % 2]

                        @pl.when(j >= 2)
                        def _():
                            pltpu.make_async_copy(
                                ones_v, acc.at[ldb.at[row]], sems_c).wait()

                        @pl.when(j + 2 < _CH)
                        def _():
                            pltpu.async_copy(gs.at[wid, j + 2], ldb,
                                             semil[(r + 2) % 4])

                        @pl.when(j >= 2)
                        def _():
                            pltpu.make_async_copy(
                                gs.at[wid, j], cur, semil[r]).wait()

                        pltpu.async_copy(
                            ones_v, acc.at[cur.at[row]], sems_c, add=True)
                    pl.when(m4 == r)(branch)
                return carry

            lax.fori_loop(0, _CH, step, 0)
            pltpu.make_async_copy(ones_v, acc.at[iv0.at[row]], sems0).wait()
            pltpu.make_async_copy(ones_v, acc.at[iv1.at[row]], sems1).wait()
            plsc.subcore_barrier()
            pltpu.sync_copy(acc.at[pl.ds(r0, _RPT)], out.at[pl.ds(o0, _RPT)])

    return pl.kernel(
        body, mesh=plsc.VectorSubcoreMesh(**_MESH),
        out_type=out_type, scratch_types=scratch)


def _mean_mm(relu):
    def body(pa, pb, ca, cb, w, b, out):
        s = pa[...] + pb[...]
        cnt = ca[..., 0:1] + cb[..., 0:1]
        inv = 1.0 / jnp.maximum(cnt, 1.0)
        h = jnp.dot(s * inv, w[...], preferred_element_type=jnp.float32)
        h = h + b[...]
        out[...] = jnp.maximum(h, 0.0) if relu else h

    nb = _M // _BM
    return pl.pallas_call(
        body,
        grid=(nb,),
        in_specs=[
            pl.BlockSpec((_BM, _D), lambda i: (i, 0)),
            pl.BlockSpec((_BM, _D), lambda i, nb=nb: (i + nb, 0)),
            pl.BlockSpec((_BM, _D), lambda i: (i, 0)),
            pl.BlockSpec((_BM, _D), lambda i, nb=nb: (i + nb, 0)),
            pl.BlockSpec((_D, _D), lambda i: (0, 0)),
            pl.BlockSpec((1, _D), lambda i: (0, 0)),
        ],
        out_specs=pl.BlockSpec((_BM, _D), lambda i: (i, 0)),
        out_shape=jax.ShapeDtypeStruct((_M, _D), jnp.float32),
    )


def kernel(x, ei, W1_e, b1_e, W1_n, b1_n, W2_e, b2_e, W2_n, b2_n):
    ids = ei.astype(jnp.int32).reshape(2, 32, _E // 32)
    ids = jnp.pad(ids, ((0, 0), (0, 0), (0, _CH * _K - _E // 32)),
                  constant_values=_DUMMY)
    ids = ids.reshape(2, 32, _CH, _K)
    gs_ne = jnp.stack([ids[0], ids[1]], axis=2)
    gs_en = jnp.stack([ids[1], ids[0]], axis=2)
    x_pad = jnp.pad(x, ((0, _M - _N), (0, 0)))
    z128 = jnp.zeros((_M, _D), jnp.float32)
    ones = jnp.ones((_K, _D), jnp.float32)
    b1_e2 = b1_e.reshape(1, _D)
    b1_n2 = b1_n.reshape(1, _D)
    b2_e2 = b2_e.reshape(1, _D)
    b2_n2 = b2_n.reshape(1, _D)

    seg = _seg_pass()
    mm_e = _mean_mm(False)
    mm_n = _mean_mm(True)

    cn, ce = _cnt_pass()(gs_ne, z128, ones)
    esum1 = seg(x_pad, gs_ne, z128)
    efeat1 = mm_e(esum1, esum1, ce, ce, W1_e, b1_e2)
    nsum1 = seg(efeat1, gs_en, z128)
    z1 = mm_n(nsum1, nsum1, cn, cn, W1_n, b1_n2)
    esum2 = seg(z1, gs_ne, z128)
    efeat2 = mm_e(esum2, esum2, ce, ce, W2_e, b2_e2)
    nsum2 = seg(efeat2, gs_en, z128)
    z2 = mm_n(nsum2, nsum2, cn, cn, W2_n, b2_n2)
    return z2[:_N]

# --- scband reference (transcript-rebuilt; emitter-appended) ---
"""Pipeline reference for scband-hyper-gnn-10376640987276 (READ-ONLY COPY).

The authoritative reference and input builder live on the scoring server;
editing this copy changes nothing except your own understanding.
"""

import jax, jax.numpy as jnp
import numpy as np

N = 10000   # nodes
NE = 10000  # hyperedges
E = 320000  # incidence entries
D = 128


def setup_inputs(seed: int = 0) -> dict:
    key = jax.random.key(seed)
    ks = jax.random.split(key, 12)
    x = jax.random.normal(ks[0], (N, D), dtype=jnp.float32)
    ei = jax.random.randint(ks[1], (2, E), 0, N)  # row0: node ids, row1: hyperedge ids
    s = 1.0 / np.sqrt(D)
    W1_e = jax.random.normal(ks[2], (D, D), dtype=jnp.float32) * s
    b1_e = jnp.zeros((D,), dtype=jnp.float32)
    W1_n = jax.random.normal(ks[3], (D, D), dtype=jnp.float32) * s
    b1_n = jnp.zeros((D,), dtype=jnp.float32)
    W2_e = jax.random.normal(ks[4], (D, D), dtype=jnp.float32) * s
    b2_e = jnp.zeros((D,), dtype=jnp.float32)
    W2_n = jax.random.normal(ks[5], (D, D), dtype=jnp.float32) * s
    b2_n = jnp.zeros((D,), dtype=jnp.float32)
    return {"x": x, "ei": ei, "W1_e": W1_e, "b1_e": b1_e, "W1_n": W1_n, "b1_n": b1_n,
            "W2_e": W2_e, "b2_e": b2_e, "W2_n": W2_n, "b2_n": b2_n}


def _hyper_conv(h, nid, eid, We, be, Wn, bn):
    # node -> hyperedge aggregation (mean)
    msg = h[nid]                                            # gather [E, D]
    esum = jax.ops.segment_sum(msg, eid, num_segments=NE)
    ecnt = jax.ops.segment_sum(jnp.ones((E, 1), dtype=h.dtype), eid, num_segments=NE)
    emean = esum / jnp.maximum(ecnt, 1.0)
    efeat = emean @ We + be                                 # hyperedge transform
    # hyperedge -> node aggregation (mean)
    back = efeat[eid]                                       # gather [E, D]
    nsum = jax.ops.segment_sum(back, nid, num_segments=N)
    ncnt = jax.ops.segment_sum(jnp.ones((E, 1), dtype=h.dtype), nid, num_segments=N)
    nmean = nsum / jnp.maximum(ncnt, 1.0)
    return nmean @ Wn + bn


def reference(x, ei, W1_e, b1_e, W1_n, b1_n, W2_e, b2_e, W2_n, b2_n):
    nid = ei[0]
    eid = ei[1]
    z = jax.nn.relu(_hyper_conv(x, nid, eid, W1_e, b1_e, W1_n, b1_n))
    z = jax.nn.relu(_hyper_conv(z, nid, eid, W2_e, b2_e, W2_n, b2_n))
    return z

if __name__ == "__main__":
    import jax
    _d = setup_inputs()
    print(jax.jit(kernel)(*tuple(_d.values())))

</pallas_src>

<mosaic_0001>
#map = affine_map<(d0, d1) -> (0, 0)>
#map1 = affine_map<(d0, d1) -> (0, 0, 0, 0)>
module attributes {stable_mosaic.version = 14 : i64} {
  func.func @body(%arg0: i32, %arg1: i32, %arg2: memref<10112x128xf32, #tpu.memory_space<hbm>>, %arg3: memref<32x79x2x128xi32, #tpu.memory_space<hbm>>, %arg4: memref<10112x128xf32, #tpu.memory_space<hbm>>, %arg5: memref<20224x128xf32, #tpu.memory_space<hbm>>, %arg6: memref<2x128xi32, #tpu.memory_space<vmem>>, %arg7: memref<2x128xi32, #tpu.memory_space<vmem>>, %arg8: memref<2x128xi32, #tpu.memory_space<vmem>>, %arg9: memref<2x128xi32, #tpu.memory_space<vmem>>, %arg10: memref<128x128xf32, #tpu.memory_space<vmem>>, %arg11: memref<128x128xf32, #tpu.memory_space<vmem>>, %arg12: memref<10112x128xf32, #tpu.memory_space<vmem_shared>>, %arg13: memref<!tpu.dma_semaphore, #tpu.memory_space<semaphore_mem>>, %arg14: memref<!tpu.dma_semaphore, #tpu.memory_space<semaphore_mem>>, %arg15: memref<!tpu.dma_semaphore, #tpu.memory_space<semaphore_mem>>, %arg16: memref<!tpu.dma_semaphore, #tpu.memory_space<semaphore_mem>>, %arg17: memref<!tpu.dma_semaphore, #tpu.memory_space<semaphore_mem>>, %arg18: memref<!tpu.dma_semaphore, #tpu.memory_space<semaphore_mem>>, %arg19: memref<!tpu.dma_semaphore, #tpu.memory_space<semaphore_mem>>, %arg20: memref<!tpu.dma_semaphore, #tpu.memory_space<semaphore_mem>>) attributes {dimension_semantics = [#tpu.dimension_semantics<core_parallel>, #tpu.dimension_semantics<subcore_parallel>], iteration_bounds = array<i64: 2, 16>, scalar_prefetch = 0 : i64, scratch_operands = 15 : i64, tpu.core_type = #tpu.core_type<sc_vector_subcore>, window_params = [{transform_indices = #map}, {transform_indices = #map1}, {transform_indices = #map}, {transform_indices = #map}]} {
    %mul3A = arith.constant 16 : i32
    %mul3A_0 = arith.muli %arg0, %mul3A : i32
    %add3A = arith.addi %mul3A_0, %arg1 : i32
    %mul3A_1 = arith.constant 632 : i32
    %mul3A_2 = arith.muli %arg1, %mul3A_1 : i32
    "tpu.region"() ({
      %run_scoped3A_33 = tpu.sem_alloc : memref<!tpu.dma_semaphore, #tpu.memory_space<semaphore_mem>>
      %dma_start3A_34 = arith.constant 0 : i32
      %dma_start3A_35 = tpu.memref_slice %arg12[%mul3A_2, %dma_start3A_34] : memref<10112x128xf32, #tpu.memory_space<vmem_shared>> -> memref<632x128xf32, #tpu.memory_space<vmem_shared>>
      %dma_start3A_36 = arith.constant 0 : i32
      %dma_start3A_37 = tpu.memref_slice %arg4[%mul3A_2, %dma_start3A_36] : memref<10112x128xf32, #tpu.memory_space<hbm>> -> memref<632x128xf32, #tpu.memory_space<hbm>>
      tpu.enqueue_dma source(%dma_start3A_37 : memref<632x128xf32, #tpu.memory_space<hbm>>) target(%dma_start3A_35 : memref<632x128xf32, #tpu.memory_space<vmem_shared>>) target_semaphore(%run_scoped3A_33 : memref<!tpu.dma_semaphore, #tpu.memory_space<semaphore_mem>>)
      %dma_wait3A_38 = arith.constant 0 : i32
      %dma_wait3A_39 = tpu.memref_slice %arg12[%mul3A_2, %dma_wait3A_38] : memref<10112x128xf32, #tpu.memory_space<vmem_shared>> -> memref<632x128xf32, #tpu.memory_space<vmem_shared>>
      %dma_wait3A_40 = arith.constant 0 : i32
      %dma_wait3A_41 = tpu.memref_slice %arg4[%mul3A_2, %dma_wait3A_40] : memref<10112x128xf32, #tpu.memory_space<hbm>> -> memref<632x128xf32, #tpu.memory_space<hbm>>
      tpu.wait_dma2 semaphore(%run_scoped3A_33 : memref<!tpu.dma_semaphore, #tpu.memory_space<semaphore_mem>>) src(%dma_wait3A_41 : memref<632x128xf32, #tpu.memory_space<hbm>>) dst(%dma_wait3A_39 : memref<632x128xf32, #tpu.memory_space<vmem_shared>>)
      tpu.yield
    }) : () -> ()
    %run_scoped3A = arith.constant 0 : i32
    "tpu.region"() ({
      %run_scoped3A_33 = tpu.sem_alloc : memref<!tpu.dma_semaphore, #tpu.memory_space<semaphore_mem>>
      %dma_start3A_34 = arith.constant 0 : i32
      %dma_start3A_35 = arith.constant 0 : i32
      %dma_start3A_36 = tpu.memref_slice %arg3[%add3A, %run_scoped3A, %dma_start3A_34, %dma_start3A_35] : memref<32x79x2x128xi32, #tpu.memory_space<hbm>> -> memref<1x1x2x128xi32, #tpu.memory_space<hbm>>
      %dma_start3A_37 = tpu.memref_squeeze %dma_start3A_36 : memref<1x1x2x128xi32, #tpu.memory_space<hbm>> -> memref<2x128xi32, #tpu.memory_space<hbm>>
      %dma_start3A_38 = arith.constant 0 : i32
      %dma_start3A_39 = arith.constant 0 : i32
      %dma_start3A_40 = tpu.memref_slice %arg3[%add3A, %run_scoped3A, %dma_start3A_38, %dma_start3A_39] : memref<32x79x2x128xi32, #tpu.memory_space<hbm>> -> memref<1x1x2x128xi32, #tpu.memory_space<hbm>>
      %dma_start3A_41 = tpu.memref_squeeze %dma_start3A_40 : memref<1x1x2x128xi32, #tpu.memory_space<hbm>> -> memref<2x128xi32, #tpu.memory_space<hbm>>
      tpu.enqueue_dma source(%dma_start3A_41 : memref<2x128xi32, #tpu.memory_space<hbm>>) target(%arg6 : memref<2x128xi32, #tpu.memory_space<vmem>>) target_semaphore(%run_scoped3A_33 : memref<!tpu.dma_semaphore, #tpu.memory_space<semaphore_mem>>)
      %dma_wait3A_42 = arith.constant 0 : i32
      %dma_wait3A_43 = arith.constant 0 : i32
      %dma_wait3A_44 = tpu.memref_slice %arg3[%add3A, %run_scoped3A, %dma_wait3A_42, %dma_wait3A_43] : memref<32x79x2x128xi32, #tpu.memory_space<hbm>> -> memref<1x1x2x128xi32, #tpu.memory_space<hbm>>
      %dma_wait3A_45 = tpu.memref_squeeze %dma_wait3A_44 : memref<1x1x2x128xi32, #tpu.memory_space<hbm>> -> memref<2x128xi32, #tpu.memory_space<hbm>>
      %dma_wait3A_46 = arith.constant 0 : i32
      %dma_wait3A_47 = arith.constant 0 : i32
      %dma_wait3A_48 = tpu.memref_slice %arg3[%add3A, %run_scoped3A, %dma_wait3A_46, %dma_wait3A_47] : memref<32x79x2x128xi32, #tpu.memory_space<hbm>> -> memref<1x1x2x128xi32, #tpu.memory_space<hbm>>
      %dma_wait3A_49 = tpu.memref_squeeze %dma_wait3A_48 : memref<1x1x2x128xi32, #tpu.memory_space<hbm>> -> memref<2x128xi32, #tpu.memory_space<hbm>>
      tpu.wait_dma2 semaphore(%run_scoped3A_33 : memref<!tpu.dma_semaphore, #tpu.memory_space<semaphore_mem>>) src(%dma_wait3A_49 : memref<2x128xi32, #tpu.memory_space<hbm>>) dst(%arg6 : memref<2x128xi32, #tpu.memory_space<vmem>>)
      tpu.yield
    }) : () -> ()
    %run_scoped3A_3 = arith.constant 1 : i32
    "tpu.region"() ({
      %run_scoped3A_33 = tpu.sem_alloc : memref<!tpu.dma_semaphore, #tpu.memory_space<semaphore_mem>>
      %dma_start3A_34 = arith.constant 0 : i32
      %dma_start3A_35 = arith.constant 0 : i32
      %dma_start3A_36 = tpu.memref_slice %arg3[%add3A, %run_scoped3A_3, %dma_start3A_34, %dma_start3A_35] : memref<32x79x2x128xi32, #tpu.memory_space<hbm>> -> memref<1x1x2x128xi32, #tpu.memory_space<hbm>>
      %dma_start3A_37 = tpu.memref_squeeze %dma_start3A_36 : memref<1x1x2x128xi32, #tpu.memory_space<hbm>> -> memref<2x128xi32, #tpu.memory_space<hbm>>
      %dma_start3A_38 = arith.constant 0 : i32
      %dma_start3A_39 = arith.constant 0 : i32
      %dma_start3A_40 = tpu.memref_slice %arg3[%add3A, %run_scoped3A_3, %dma_start3A_38, %dma_start3A_39] : memref<32x79x2x128xi32, #tpu.memory_space<hbm>> -> memref<1x1x2x128xi32, #tpu.memory_space<hbm>>
      %dma_start3A_41 = tpu.memref_squeeze %dma_start3A_40 : memref<1x1x2x128xi32, #tpu.memory_space<hbm>> -> memref<2x128xi32, #tpu.memory_space<hbm>>
      tpu.enqueue_dma source(%dma_start3A_41 : memref<2x128xi32, #tpu.memory_space<hbm>>) target(%arg7 : memref<2x128xi32, #tpu.memory_space<vmem>>) target_semaphore(%run_scoped3A_33 : memref<!tpu.dma_semaphore, #tpu.memory_space<semaphore_mem>>)
      %dma_wait3A_42 = arith.constant 0 : i32
      %dma_wait3A_43 = arith.constant 0 : i32
      %dma_wait3A_44 = tpu.memref_slice %arg3[%add3A, %run_scoped3A_3, %dma_wait3A_42, %dma_wait3A_43] : memref<32x79x2x128xi32, #tpu.memory_space<hbm>> -> memref<1x1x2x128xi32, #tpu.memory_space<hbm>>
      %dma_wait3A_45 = tpu.memref_squeeze %dma_wait3A_44 : memref<1x1x2x128xi32, #tpu.memory_space<hbm>> -> memref<2x128xi32, #tpu.memory_space<hbm>>
      %dma_wait3A_46 = arith.constant 0 : i32
      %dma_wait3A_47 = arith.constant 0 : i32
      %dma_wait3A_48 = tpu.memref_slice %arg3[%add3A, %run_scoped3A_3, %dma_wait3A_46, %dma_wait3A_47] : memref<32x79x2x128xi32, #tpu.memory_space<hbm>> -> memref<1x1x2x128xi32, #tpu.memory_space<hbm>>
      %dma_wait3A_49 = tpu.memref_squeeze %dma_wait3A_48 : memref<1x1x2x128xi32, #tpu.memory_space<hbm>> -> memref<2x128xi32, #tpu.memory_space<hbm>>
      tpu.wait_dma2 semaphore(%run_scoped3A_33 : memref<!tpu.dma_semaphore, #tpu.memory_space<semaphore_mem>>) src(%dma_wait3A_49 : memref<2x128xi32, #tpu.memory_space<hbm>>) dst(%arg7 : memref<2x128xi32, #tpu.memory_space<vmem>>)
      tpu.yield
    }) : () -> ()
    %run_scoped3A_4 = arith.constant 2 : i32
    "tpu.region"() ({
      %run_scoped3A_33 = tpu.sem_alloc : memref<!tpu.dma_semaphore, #tpu.memory_space<semaphore_mem>>
      %dma_start3A_34 = arith.constant 0 : i32
      %dma_start3A_35 = arith.constant 0 : i32
      %dma_start3A_36 = tpu.memref_slice %arg3[%add3A, %run_scoped3A_4, %dma_start3A_34, %dma_start3A_35] : memref<32x79x2x128xi32, #tpu.memory_space<hbm>> -> memref<1x1x2x128xi32, #tpu.memory_space<hbm>>
      %dma_start3A_37 = tpu.memref_squeeze %dma_start3A_36 : memref<1x1x2x128xi32, #tpu.memory_space<hbm>> -> memref<2x128xi32, #tpu.memory_space<hbm>>
      %dma_start3A_38 = arith.constant 0 : i32
      %dma_start3A_39 = arith.constant 0 : i32
      %dma_start3A_40 = tpu.memref_slice %arg3[%add3A, %run_scoped3A_4, %dma_start3A_38, %dma_start3A_39] : memref<32x79x2x128xi32, #tpu.memory_space<hbm>> -> memref<1x1x2x128xi32, #tpu.memory_space<hbm>>
      %dma_start3A_41 = tpu.memref_squeeze %dma_start3A_40 : memref<1x1x2x128xi32, #tpu.memory_space<hbm>> -> memref<2x128xi32, #tpu.memory_space<hbm>>
      tpu.enqueue_dma source(%dma_start3A_41 : memref<2x128xi32, #tpu.memory_space<hbm>>) target(%arg8 : memref<2x128xi32, #tpu.memory_space<vmem>>) target_semaphore(%run_scoped3A_33 : memref<!tpu.dma_semaphore, #tpu.memory_space<semaphore_mem>>)
      %dma_wait3A_42 = arith.constant 0 : i32
      %dma_wait3A_43 = arith.constant 0 : i32
      %dma_wait3A_44 = tpu.memref_slice %arg3[%add3A, %run_scoped3A_4, %dma_wait3A_42, %dma_wait3A_43] : memref<32x79x2x128xi32, #tpu.memory_space<hbm>> -> memref<1x1x2x128xi32, #tpu.memory_space<hbm>>
      %dma_wait3A_45 = tpu.memref_squeeze %dma_wait3A_44 : memref<1x1x2x128xi32, #tpu.memory_space<hbm>> -> memref<2x128xi32, #tpu.memory_space<hbm>>
      %dma_wait3A_46 = arith.constant 0 : i32
      %dma_wait3A_47 = arith.constant 0 : i32
      %dma_wait3A_48 = tpu.memref_slice %arg3[%add3A, %run_scoped3A_4, %dma_wait3A_46, %dma_wait3A_47] : memref<32x79x2x128xi32, #tpu.memory_space<hbm>> -> memref<1x1x2x128xi32, #tpu.memory_space<hbm>>
      %dma_wait3A_49 = tpu.memref_squeeze %dma_wait3A_48 : memref<1x1x2x128xi32, #tpu.memory_space<hbm>> -> memref<2x128xi32, #tpu.memory_space<hbm>>
      tpu.wait_dma2 semaphore(%run_scoped3A_33 : memref<!tpu.dma_semaphore, #tpu.memory_space<semaphore_mem>>) src(%dma_wait3A_49 : memref<2x128xi32, #tpu.memory_space<hbm>>) dst(%arg8 : memref<2x128xi32, #tpu.memory_space<vmem>>)
      tpu.yield
    }) : () -> ()
    %dma_start3A = arith.constant 0 : i32
    %dma_start3A_5 = arith.constant 0 : i32
    %dma_start3A_6 = tpu.memref_slice %arg6[%dma_start3A, %dma_start3A_5] : memref<2x128xi32, #tpu.memory_space<vmem>> -> memref<1x128xi32, #tpu.memory_space<vmem>>
    %dma_start3A_7 = tpu.memref_squeeze %dma_start3A_6 : memref<1x128xi32, #tpu.memory_space<vmem>> -> memref<128xi32, #tpu.memory_space<vmem>>
    %dma_start3A_8 = arith.constant 0 : i32
    %dma_start3A_9 = arith.constant 0 : i32
    %dma_start3A_10 = tpu.memref_slice %arg2[%dma_start3A_8, %dma_start3A_9] : memref<10112x128xf32, #tpu.memory_space<hbm>> -> memref<10112x128xf32, #tpu.memory_space<hbm>>
    tpu.enqueue_indirect_dma source(%dma_start3A_10 : memref<10112x128xf32, #tpu.memory_space<hbm>>) target(%arg10 : memref<128x128xf32, #tpu.memory_space<vmem>>) offsets(%dma_start3A_7 : memref<128xi32, #tpu.memory_space<vmem>>) semaphore(%arg13 : memref<!tpu.dma_semaphore, #tpu.memory_space<semaphore_mem>>)
    %barrier3A = arith.constant 0 : index
    tpu.barrier barrier_id(%barrier3A)
    %scan3A = arith.constant 0 : i32
    %scan3A_11 = arith.constant 0 : i32
    %scan3A_12 = arith.constant 79 : i32
    %scan3A_13 = arith.addi %scan3A_11, %scan3A_12 : i32
    %scan3A_14 = arith.constant 1 : i32
    scf.for %scan3A_33 = %scan3A_11 to %scan3A_13 step %scan3A_14  : i32 {
      %rem3A = arith.constant 4 : i32
      %rem3A_34 = arith.remsi %scan3A_33, %rem3A : i32
      %eq3A = arith.constant 0 : i32
      %eq3A_35 = arith.cmpi eq, %rem3A_34, %eq3A : i32
      %convert_element_type3A = arith.extui %eq3A_35 : i1 to i32
      %cond3A = arith.constant 0 : i32
      %cond3A_36 = arith.cmpi ne, %convert_element_type3A, %cond3A : i32
      scf.if %cond3A_36 {
        %add3A_52 = arith.constant 1 : i32
        %add3A_53 = arith.addi %scan3A_33, %add3A_52 : i32
        %lt3A = arith.constant 79 : i32
        %lt3A_54 = arith.cmpi slt, %add3A_53, %lt3A : i32
        %convert_element_type3A_55 = arith.extui %lt3A_54 : i1 to i32
        %cond3A_56 = arith.constant 0 : i32
        %cond3A_57 = arith.cmpi ne, %convert_element_type3A_55, %cond3A_56 : i32
        scf.if %cond3A_57 {
          %ge3A = arith.constant 1 : i32
          %ge3A_79 = arith.cmpi sge, %scan3A_33, %ge3A : i32
          %convert_element_type3A_80 = arith.extui %ge3A_79 : i1 to i32
          %cond3A_81 = arith.constant 0 : i32
          %cond3A_82 = arith.cmpi ne, %convert_element_type3A_80, %cond3A_81 : i32
          scf.if %cond3A_82 {
            %dma_wait3A_95 = arith.constant 1 : i32
            %dma_wait3A_96 = arith.constant 0 : i32
            %dma_wait3A_97 = tpu.memref_slice %arg7[%dma_wait3A_95, %dma_wait3A_96] : memref<2x128xi32, #tpu.memory_space<vmem>> -> memref<1x128xi32, #tpu.memory_space<vmem>>
            %dma_wait3A_98 = tpu.memref_squeeze %dma_wait3A_97 : memref<1x128xi32, #tpu.memory_space<vmem>> -> memref<128xi32, #tpu.memory_space<vmem>>
            %dma_wait3A_99 = arith.constant 0 : i32
            %dma_wait3A_100 = arith.constant 0 : i32
            %dma_wait3A_101 = tpu.memref_slice %arg12[%dma_wait3A_99, %dma_wait3A_100] : memref<10112x128xf32, #tpu.memory_space<vmem_shared>> -> memref<10112x128xf32, #tpu.memory_space<vmem_shared>>
            tpu.wait_indirect_dma semaphore(%arg16 : memref<!tpu.dma_semaphore, #tpu.memory_space<semaphore_mem>>) src(%arg11 : memref<128x128xf32, #tpu.memory_space<vmem>>) dst(%dma_wait3A_101 : memref<10112x128xf32, #tpu.memory_space<vmem_shared>>)
          } else {
          }
          %ge3A_83 = arith.constant 2 : i32
          %ge3A_84 = arith.cmpi sge, %scan3A_33, %ge3A_83 : i32
          %convert_element_type3A_85 = arith.extui %ge3A_84 : i1 to i32
          %cond3A_86 = arith.constant 0 : i32
          %cond3A_87 = arith.cmpi ne, %convert_element_type3A_85, %cond3A_86 : i32
          scf.if %cond3A_87 {
            %dma_wait3A_95 = arith.constant 0 : i32
            %dma_wait3A_96 = arith.constant 0 : i32
            %dma_wait3A_97 = tpu.memref_slice %arg3[%add3A, %add3A_53, %dma_wait3A_95, %dma_wait3A_96] : memref<32x79x2x128xi32, #tpu.memory_space<hbm>> -> memref<1x1x2x128xi32, #tpu.memory_space<hbm>>
            %dma_wait3A_98 = tpu.memref_squeeze %dma_wait3A_97 : memref<1x1x2x128xi32, #tpu.memory_space<hbm>> -> memref<2x128xi32, #tpu.memory_space<hbm>>
            %dma_wait3A_99 = arith.constant 0 : i32
            %dma_wait3A_100 = arith.constant 0 : i32
            %dma_wait3A_101 = tpu.memref_slice %arg3[%add3A, %add3A_53, %dma_wait3A_99, %dma_wait3A_100] : memref<32x79x2x128xi32, #tpu.memory_space<hbm>> -> memref<1x1x2x128xi32, #tpu.memory_space<hbm>>
            %dma_wait3A_102 = tpu.memref_squeeze %dma_wait3A_101 : memref<1x1x2x128xi32, #tpu.memory_space<hbm>> -> memref<2x128xi32, #tpu.memory_space<hbm>>
            tpu.wait_dma2 semaphore(%arg18 : memref<!tpu.dma_semaphore, #tpu.memory_space<semaphore_mem>>) src(%dma_wait3A_102 : memref<2x128xi32, #tpu.memory_space<hbm>>) dst(%arg7 : memref<2x128xi32, #tpu.memory_space<vmem>>)
          } else {
          }
          %dma_start3A_88 = arith.constant 0 : i32
          %dma_start3A_89 = arith.constant 0 : i32
          %dma_start3A_90 = tpu.memref_slice %arg7[%dma_start3A_88, %dma_start3A_89] : memref<2x128xi32, #tpu.memory_space<vmem>> -> memref<1x128xi32, #tpu.memory_space<vmem>>
          %dma_start3A_91 = tpu.memref_squeeze %dma_start3A_90 : memref<1x128xi32, #tpu.memory_space<vmem>> -> memref<128xi32, #tpu.memory_space<vmem>>
          %dma_start3A_92 = arith.constant 0 : i32
          %dma_start3A_93 = arith.constant 0 : i32
          %dma_start3A_94 = tpu.memref_slice %arg2[%dma_start3A_92, %dma_start3A_93] : memref<10112x128xf32, #tpu.memory_space<hbm>> -> memref<10112x128xf32, #tpu.memory_space<hbm>>
          tpu.enqueue_indirect_dma source(%dma_start3A_94 : memref<10112x128xf32, #tpu.memory_space<hbm>>) target(%arg11 : memref<128x128xf32, #tpu.memory_space<vmem>>) offsets(%dma_start3A_91 : memref<128xi32, #tpu.memory_space<vmem>>) semaphore(%arg14 : memref<!tpu.dma_semaphore, #tpu.memory_space<semaphore_mem>>)
        } else {
        }
        %add3A_58 = arith.constant 3 : i32
        %add3A_59 = arith.addi %scan3A_33, %add3A_58 : i32
        %lt3A_60 = arith.constant 79 : i32
        %lt3A_61 = arith.cmpi slt, %add3A_59, %lt3A_60 : i32
        %convert_element_type3A_62 = arith.extui %lt3A_61 : i1 to i32
        %cond3A_63 = arith.constant 0 : i32
        %cond3A_64 = arith.cmpi ne, %convert_element_type3A_62, %cond3A_63 : i32
        scf.if %cond3A_64 {
          %add3A_79 = arith.constant 3 : i32
          %add3A_80 = arith.addi %scan3A_33, %add3A_79 : i32
          %dma_start3A_81 = arith.constant 0 : i32
          %dma_start3A_82 = arith.constant 0 : i32
          %dma_start3A_83 = tpu.memref_slice %arg3[%add3A, %add3A_80, %dma_start3A_81, %dma_start3A_82] : memref<32x79x2x128xi32, #tpu.memory_space<hbm>> -> memref<1x1x2x128xi32, #tpu.memory_space<hbm>>
          %dma_start3A_84 = tpu.memref_squeeze %dma_start3A_83 : memref<1x1x2x128xi32, #tpu.memory_space<hbm>> -> memref<2x128xi32, #tpu.memory_space<hbm>>
          %dma_start3A_85 = arith.constant 0 : i32
          %dma_start3A_86 = arith.constant 0 : i32
          %dma_start3A_87 = tpu.memref_slice %arg3[%add3A, %add3A_80, %dma_start3A_85, %dma_start3A_86] : memref<32x79x2x128xi32, #tpu.memory_space<hbm>> -> memref<1x1x2x128xi32, #tpu.memory_space<hbm>>
          %dma_start3A_88 = tpu.memref_squeeze %dma_start3A_87 : memref<1x1x2x128xi32, #tpu.memory_space<hbm>> -> memref<2x128xi32, #tpu.memory_space<hbm>>
          tpu.enqueue_dma source(%dma_start3A_88 : memref<2x128xi32, #tpu.memory_space<hbm>>) target(%arg9 : memref<2x128xi32, #tpu.memory_space<vmem>>) target_semaphore(%arg20 : memref<!tpu.dma_semaphore, #tpu.memory_space<semaphore_mem>>)
        } else {
        }
        %dma_wait3A_65 = arith.constant 0 : i32
        %dma_wait3A_66 = arith.constant 0 : i32
        %dma_wait3A_67 = tpu.memref_slice %arg6[%dma_wait3A_65, %dma_wait3A_66] : memref<2x128xi32, #tpu.memory_space<vmem>> -> memref<1x128xi32, #tpu.memory_space<vmem>>
        %dma_wait3A_68 = tpu.memref_squeeze %dma_wait3A_67 : memref<1x128xi32, #tpu.memory_space<vmem>> -> memref<128xi32, #tpu.memory_space<vmem>>
        %dma_wait3A_69 = arith.constant 0 : i32
        %dma_wait3A_70 = arith.constant 0 : i32
        %dma_wait3A_71 = tpu.memref_slice %arg2[%dma_wait3A_69, %dma_wait3A_70] : memref<10112x128xf32, #tpu.memory_space<hbm>> -> memref<10112x128xf32, #tpu.memory_space<hbm>>
        tpu.wait_indirect_dma semaphore(%arg13 : memref<!tpu.dma_semaphore, #tpu.memory_space<semaphore_mem>>) src(%dma_wait3A_71 : memref<10112x128xf32, #tpu.memory_space<hbm>>) dst(%arg10 : memref<128x128xf32, #tpu.memory_space<vmem>>)
        %dma_start3A_72 = arith.constant 1 : i32
        %dma_start3A_73 = arith.constant 0 : i32
        %dma_start3A_74 = tpu.memref_slice %arg6[%dma_start3A_72, %dma_start3A_73] : memref<2x128xi32, #tpu.memory_space<vmem>> -> memref<1x128xi32, #tpu.memory_space<vmem>>
        %dma_start3A_75 = tpu.memref_squeeze %dma_start3A_74 : memref<1x128xi32, #tpu.memory_space<vmem>> -> memref<128xi32, #tpu.memory_space<vmem>>
        %dma_start3A_76 = arith.constant 0 : i32
        %dma_start3A_77 = arith.constant 0 : i32
        %dma_start3A_78 = tpu.memref_slice %arg12[%dma_start3A_76, %dma_start3A_77] : memref<10112x128xf32, #tpu.memory_space<vmem_shared>> -> memref<10112x128xf32, #tpu.memory_space<vmem_shared>>
        tpu.enqueue_indirect_dma source(%arg10 : memref<128x128xf32, #tpu.memory_space<vmem>>) target(%dma_start3A_78 : memref<10112x128xf32, #tpu.memory_space<vmem_shared>>) offsets(%dma_start3A_75 : memref<128xi32, #tpu.memory_space<vmem>>) semaphore(%arg15 : memref<!tpu.dma_semaphore, #tpu.memory_space<semaphore_mem>>) {add = true}
      } else {
      }
      %eq3A_37 = arith.constant 1 : i32
      %eq3A_38 = arith.cmpi eq, %rem3A_34, %eq3A_37 : i32
      %convert_element_type3A_39 = arith.extui %eq3A_38 : i1 to i32
      %cond3A_40 = arith.constant 0 : i32
      %cond3A_41 = arith.cmpi ne, %convert_element_type3A_39, %cond3A_40 : i32
      scf.if %cond3A_41 {
        %add3A_52 = arith.constant 1 : i32
        %add3A_53 = arith.addi %scan3A_33, %add3A_52 : i32
        %lt3A = arith.constant 79 : i32
        %lt3A_54 = arith.cmpi slt, %add3A_53, %lt3A : i32
        %convert_element_type3A_55 = arith.extui %lt3A_54 : i1 to i32
        %cond3A_56 = arith.constant 0 : i32
        %cond3A_57 = arith.cmpi ne, %convert_element_type3A_55, %cond3A_56 : i32
        scf.if %cond3A_57 {
          %ge3A = arith.constant 1 : i32
          %ge3A_79 = arith.cmpi sge, %scan3A_33, %ge3A : i32
          %convert_element_type3A_80 = arith.extui %ge3A_79 : i1 to i32
          %cond3A_81 = arith.constant 0 : i32
          %cond3A_82 = arith.cmpi ne, %convert_element_type3A_80, %cond3A_81 : i32
          scf.if %cond3A_82 {
            %dma_wait3A_95 = arith.constant 1 : i32
            %dma_wait3A_96 = arith.constant 0 : i32
            %dma_wait3A_97 = tpu.memref_slice %arg8[%dma_wait3A_95, %dma_wait3A_96] : memref<2x128xi32, #tpu.memory_space<vmem>> -> memref<1x128xi32, #tpu.memory_space<vmem>>
            %dma_wait3A_98 = tpu.memref_squeeze %dma_wait3A_97 : memref<1x128xi32, #tpu.memory_space<vmem>> -> memref<128xi32, #tpu.memory_space<vmem>>
            %dma_wait3A_99 = arith.constant 0 : i32
            %dma_wait3A_100 = arith.constant 0 : i32
            %dma_wait3A_101 = tpu.memref_slice %arg12[%dma_wait3A_99, %dma_wait3A_100] : memref<10112x128xf32, #tpu.memory_space<vmem_shared>> -> memref<10112x128xf32, #tpu.memory_space<vmem_shared>>
            tpu.wait_indirect_dma semaphore(%arg15 : memref<!tpu.dma_semaphore, #tpu.memory_space<semaphore_mem>>) src(%arg10 : memref<128x128xf32, #tpu.memory_space<vmem>>) dst(%dma_wait3A_101 : memref<10112x128xf32, #tpu.memory_space<vmem_shared>>)
          } else {
          }
          %ge3A_83 = arith.constant 2 : i32
          %ge3A_84 = arith.cmpi sge, %scan3A_33, %ge3A_83 : i32
          %convert_element_type3A_85 = arith.extui %ge3A_84 : i1 to i32
          %cond3A_86 = arith.constant 0 : i32
          %cond3A_87 = arith.cmpi ne, %convert_element_type3A_85, %cond3A_86 : i32
          scf.if %cond3A_87 {
            %dma_wait3A_95 = arith.constant 0 : i32
            %dma_wait3A_96 = arith.constant 0 : i32
            %dma_wait3A_97 = tpu.memref_slice %arg3[%add3A, %add3A_53, %dma_wait3A_95, %dma_wait3A_96] : memref<32x79x2x128xi32, #tpu.memory_space<hbm>> -> memref<1x1x2x128xi32, #tpu.memory_space<hbm>>
            %dma_wait3A_98 = tpu.memref_squeeze %dma_wait3A_97 : memref<1x1x2x128xi32, #tpu.memory_space<hbm>> -> memref<2x128xi32, #tpu.memory_space<hbm>>
            %dma_wait3A_99 = arith.constant 0 : i32
            %dma_wait3A_100 = arith.constant 0 : i32
            %dma_wait3A_101 = tpu.memref_slice %arg3[%add3A, %add3A_53, %dma_wait3A_99, %dma_wait3A_100] : memref<32x79x2x128xi32, #tpu.memory_space<hbm>> -> memref<1x1x2x128xi32, #tpu.memory_space<hbm>>
            %dma_wait3A_102 = tpu.memref_squeeze %dma_wait3A_101 : memref<1x1x2x128xi32, #tpu.memory_space<hbm>> -> memref<2x128xi32, #tpu.memory_space<hbm>>
            tpu.wait_dma2 semaphore(%arg19 : memref<!tpu.dma_semaphore, #tpu.memory_space<semaphore_mem>>) src(%dma_wait3A_102 : memref<2x128xi32, #tpu.memory_space<hbm>>) dst(%arg8 : memref<2x128xi32, #tpu.memory_space<vmem>>)
          } else {
          }
          %dma_start3A_88 = arith.constant 0 : i32
          %dma_start3A_89 = arith.constant 0 : i32
          %dma_start3A_90 = tpu.memref_slice %arg8[%dma_start3A_88, %dma_start3A_89] : memref<2x128xi32, #tpu.memory_space<vmem>> -> memref<1x128xi32, #tpu.memory_space<vmem>>
          %dma_start3A_91 = tpu.memref_squeeze %dma_start3A_90 : memref<1x128xi32, #tpu.memory_space<vmem>> -> memref<128xi32, #tpu.memory_space<vmem>>
          %dma_start3A_92 = arith.constant 0 : i32
          %dma_start3A_93 = arith.constant 0 : i32
          %dma_start3A_94 = tpu.memref_slice %arg2[%dma_start3A_92, %dma_start3A_93] : memref<10112x128xf32, #tpu.memory_space<hbm>> -> memref<10112x128xf32, #tpu.memory_space<hbm>>
          tpu.enqueue_indirect_dma source(%dma_start3A_94 : memref<10112x128xf32, #tpu.memory_space<hbm>>) target(%arg10 : memref<128x128xf32, #tpu.memory_space<vmem>>) offsets(%dma_start3A_91 : memref<128xi32, #tpu.memory_space<vmem>>) semaphore(%arg13 : memref<!tpu.dma_semaphore, #tpu.memory_space<semaphore_mem>>)
        } else {
        }
        %add3A_58 = arith.constant 3 : i32
        %add3A_59 = arith.addi %scan3A_33, %add3A_58 : i32
        %lt3A_60 = arith.constant 79 : i32
        %lt3A_61 = arith.cmpi slt, %add3A_59, %lt3A_60 : i32
        %convert_element_type3A_62 = arith.extui %lt3A_61 : i1 to i32
        %cond3A_63 = arith.constant 0 : i32
        %cond3A_64 = arith.cmpi ne, %convert_element_type3A_62, %cond3A_63 : i32
        scf.if %cond3A_64 {
          %add3A_79 = arith.constant 3 : i32
          %add3A_80 = arith.addi %scan3A_33, %add3A_79 : i32
          %dma_start3A_81 = arith.constant 0 : i32
          %dma_start3A_82 = arith.constant 0 : i32
          %dma_start3A_83 = tpu.memref_slice %arg3[%add3A, %add3A_80, %dma_start3A_81, %dma_start3A_82] : memref<32x79x2x128xi32, #tpu.memory_space<hbm>> -> memref<1x1x2x128xi32, #tpu.memory_space<hbm>>
          %dma_start3A_84 = tpu.memref_squeeze %dma_start3A_83 : memref<1x1x2x128xi32, #tpu.memory_space<hbm>> -> memref<2x128xi32, #tpu.memory_space<hbm>>
          %dma_start3A_85 = arith.constant 0 : i32
          %dma_start3A_86 = arith.constant 0 : i32
          %dma_start3A_87 = tpu.memref_slice %arg3[%add3A, %add3A_80, %dma_start3A_85, %dma_start3A_86] : memref<32x79x2x128xi32, #tpu.memory_space<hbm>> -> memref<1x1x2x128xi32, #tpu.memory_space<hbm>>
          %dma_start3A_88 = tpu.memref_squeeze %dma_start3A_87 : memref<1x1x2x128xi32, #tpu.memory_space<hbm>> -> memref<2x128xi32, #tpu.memory_space<hbm>>
          tpu.enqueue_dma source(%dma_start3A_88 : memref<2x128xi32, #tpu.memory_space<hbm>>) target(%arg6 : memref<2x128xi32, #tpu.memory_space<vmem>>) target_semaphore(%arg17 : memref<!tpu.dma_semaphore, #tpu.memory_space<semaphore_mem>>)
        } else {
        }
        %dma_wait3A_65 = arith.constant 0 : i32
        %dma_wait3A_66 = arith.constant 0 : i32
        %dma_wait3A_67 = tpu.memref_slice %arg7[%dma_wait3A_65, %dma_wait3A_66] : memref<2x128xi32, #tpu.memory_space<vmem>> -> memref<1x128xi32, #tpu.memory_space<vmem>>
        %dma_wait3A_68 = tpu.memref_squeeze %dma_wait3A_67 : memref<1x128xi32, #tpu.memory_space<vmem>> -> memref<128xi32, #tpu.memory_space<vmem>>
        %dma_wait3A_69 = arith.constant 0 : i32
        %dma_wait3A_70 = arith.constant 0 : i32
        %dma_wait3A_71 = tpu.memref_slice %arg2[%dma_wait3A_69, %dma_wait3A_70] : memref<10112x128xf32, #tpu.memory_space<hbm>> -> memref<10112x128xf32, #tpu.memory_space<hbm>>
        tpu.wait_indirect_dma semaphore(%arg14 : memref<!tpu.dma_semaphore, #tpu.memory_space<semaphore_mem>>) src(%dma_wait3A_71 : memref<10112x128xf32, #tpu.memory_space<hbm>>) dst(%arg11 : memref<128x128xf32, #tpu.memory_space<vmem>>)
        %dma_start3A_72 = arith.constant 1 : i32
        %dma_start3A_73 = arith.constant 0 : i32
        %dma_start3A_74 = tpu.memref_slice %arg7[%dma_start3A_72, %dma_start3A_73] : memref<2x128xi32, #tpu.memory_space<vmem>> -> memref<1x128xi32, #tpu.memory_space<vmem>>
        %dma_start3A_75 = tpu.memref_squeeze %dma_start3A_74 : memref<1x128xi32, #tpu.memory_space<vmem>> -> memref<128xi32, #tpu.memory_space<vmem>>
        %dma_start3A_76 = arith.constant 0 : i32
        %dma_start3A_77 = arith.constant 0 : i32
        %dma_start3A_78 = tpu.memref_slice %arg12[%dma_start3A_76, %dma_start3A_77] : memref<10112x128xf32, #tpu.memory_space<vmem_shared>> -> memref<10112x128xf32, #tpu.memory_space<vmem_shared>>
        tpu.enqueue_indirect_dma source(%arg11 : memref<128x128xf32, #tpu.memory_space<vmem>>) target(%dma_start3A_78 : memref<10112x128xf32, #tpu.memory_space<vmem_shared>>) offsets(%dma_start3A_75 : memref<128xi32, #tpu.memory_space<vmem>>) semaphore(%arg16 : memref<!tpu.dma_semaphore, #tpu.memory_space<semaphore_mem>>) {add = true}
      } else {
      }
      %eq3A_42 = arith.constant 2 : i32
      %eq3A_43 = arith.cmpi eq, %rem3A_34, %eq3A_42 : i32
      %convert_element_type3A_44 = arith.extui %eq3A_43 : i1 to i32
      %cond3A_45 = arith.constant 0 : i32
      %cond3A_46 = arith.cmpi ne, %convert_element_type3A_44, %cond3A_45 : i32
      scf.if %cond3A_46 {
        %add3A_52 = arith.constant 1 : i32
        %add3A_53 = arith.addi %scan3A_33, %add3A_52 : i32
        %lt3A = arith.constant 79 : i32
        %lt3A_54 = arith.cmpi slt, %add3A_53, %lt3A : i32
        %convert_element_type3A_55 = arith.extui %lt3A_54 : i1 to i32
        %cond3A_56 = arith.constant 0 : i32
        %cond3A_57 = arith.cmpi ne, %convert_element_type3A_55, %cond3A_56 : i32
        scf.if %cond3A_57 {
          %ge3A = arith.constant 1 : i32
          %ge3A_79 = arith.cmpi sge, %scan3A_33, %ge3A : i32
          %convert_element_type3A_80 = arith.extui %ge3A_79 : i1 to i32
          %cond3A_81 = arith.constant 0 : i32
          %cond3A_82 = arith.cmpi ne, %convert_element_type3A_80, %cond3A_81 : i32
          scf.if %cond3A_82 {
            %dma_wait3A_95 = arith.constant 1 : i32
            %dma_wait3A_96 = arith.constant 0 : i32
            %dma_wait3A_97 = tpu.memref_slice %arg9[%dma_wait3A_95, %dma_wait3A_96] : memref<2x128xi32, #tpu.memory_space<vmem>> -> memref<1x128xi32, #tpu.memory_space<vmem>>
            %dma_wait3A_98 = tpu.memref_squeeze %dma_wait3A_97 : memref<1x128xi32, #tpu.memory_space<vmem>> -> memref<128xi32, #tpu.memory_space<vmem>>
            %dma_wait3A_99 = arith.constant 0 : i32
            %dma_wait3A_100 = arith.constant 0 : i32
            %dma_wait3A_101 = tpu.memref_slice %arg12[%dma_wait3A_99, %dma_wait3A_100] : memref<10112x128xf32, #tpu.memory_space<vmem_shared>> -> memref<10112x128xf32, #tpu.memory_space<vmem_shared>>
            tpu.wait_indirect_dma semaphore(%arg16 : memref<!tpu.dma_semaphore, #tpu.memory_space<semaphore_mem>>) src(%arg11 : memref<128x128xf32, #tpu.memory_space<vmem>>) dst(%dma_wait3A_101 : memref<10112x128xf32, #tpu.memory_space<vmem_shared>>)
          } else {
          }
          %ge3A_83 = arith.constant 2 : i32
          %ge3A_84 = arith.cmpi sge, %scan3A_33, %ge3A_83 : i32
          %convert_element_type3A_85 = arith.extui %ge3A_84 : i1 to i32
          %cond3A_86 = arith.constant 0 : i32
          %cond3A_87 = arith.cmpi ne, %convert_element_type3A_85, %cond3A_86 : i32
          scf.if %cond3A_87 {
            %dma_wait3A_95 = arith.constant 0 : i32
            %dma_wait3A_96 = arith.constant 0 : i32
            %dma_wait3A_97 = tpu.memref_slice %arg3[%add3A, %add3A_53, %dma_wait3A_95, %dma_wait3A_96] : memref<32x79x2x128xi32, #tpu.memory_space<hbm>> -> memref<1x1x2x128xi32, #tpu.memory_space<hbm>>
            %dma_wait3A_98 = tpu.memref_squeeze %dma_wait3A_97 : memref<1x1x2x128xi32, #tpu.memory_space<hbm>> -> memref<2x128xi32, #tpu.memory_space<hbm>>
            %dma_wait3A_99 = arith.constant 0 : i32
            %dma_wait3A_100 = arith.constant 0 : i32
            %dma_wait3A_101 = tpu.memref_slice %arg3[%add3A, %add3A_53, %dma_wait3A_99, %dma_wait3A_100] : memref<32x79x2x128xi32, #tpu.memory_space<hbm>> -> memref<1x1x2x128xi32, #tpu.memory_space<hbm>>
            %dma_wait3A_102 = tpu.memref_squeeze %dma_wait3A_101 : memref<1x1x2x128xi32, #tpu.memory_space<hbm>> -> memref<2x128xi32, #tpu.memory_space<hbm>>
            tpu.wait_dma2 semaphore(%arg20 : memref<!tpu.dma_semaphore, #tpu.memory_space<semaphore_mem>>) src(%dma_wait3A_102 : memref<2x128xi32, #tpu.memory_space<hbm>>) dst(%arg9 : memref<2x128xi32, #tpu.memory_space<vmem>>)
          } else {
          }
          %dma_start3A_88 = arith.constant 0 : i32
          %dma_start3A_89 = arith.constant 0 : i32
          %dma_start3A_90 = tpu.memref_slice %arg9[%dma_start3A_88, %dma_start3A_89] : memref<2x128xi32, #tpu.memory_space<vmem>> -> memref<1x128xi32, #tpu.memory_space<vmem>>
          %dma_start3A_91 = tpu.memref_squeeze %dma_start3A_90 : memref<1x128xi32, #tpu.memory_space<vmem>> -> memref<128xi32, #tpu.memory_space<vmem>>
          %dma_start3A_92 = arith.constant 0 : i32
          %dma_start3A_93 = arith.constant 0 : i32
          %dma_start3A_94 = tpu.memref_slice %arg2[%dma_start3A_92, %dma_start3A_93] : memref<10112x128xf32, #tpu.memory_space<hbm>> -> memref<10112x128xf32, #tpu.memory_space<hbm>>
          tpu.enqueue_indirect_dma source(%dma_start3A_94 : memref<10112x128xf32, #tpu.memory_space<hbm>>) target(%arg11 : memref<128x128xf32, #tpu.memory_space<vmem>>) offsets(%dma_start3A_91 : memref<128xi32, #tpu.memory_space<vmem>>) semaphore(%arg14 : memref<!tpu.dma_semaphore, #tpu.memory_space<semaphore_mem>>)
        } else {
        }
        %add3A_58 = arith.constant 3 : i32
        %add3A_59 = arith.addi %scan3A_33, %add3A_58 : i32
        %lt3A_60 = arith.constant 79 : i32
        %lt3A_61 = arith.cmpi slt, %add3A_59, %lt3A_60 : i32
        %convert_element_type3A_62 = arith.extui %lt3A_61 : i1 to i32
        %cond3A_63 = arith.constant 0 : i32
        %cond3A_64 = arith.cmpi ne, %convert_element_type3A_62, %cond3A_63 : i32
        scf.if %cond3A_64 {
          %add3A_79 = arith.constant 3 : i32
          %add3A_80 = arith.addi %scan3A_33, %add3A_79 : i32
          %dma_start3A_81 = arith.constant 0 : i32
          %dma_start3A_82 = arith.constant 0 : i32
          %dma_start3A_83 = tpu.memref_slice %arg3[%add3A, %add3A_80, %dma_start3A_81, %dma_start3A_82] : memref<32x79x2x128xi32, #tpu.memory_space<hbm>> -> memref<1x1x2x128xi32, #tpu.memory_space<hbm>>
          %dma_start3A_84 = tpu.memref_squeeze %dma_start3A_83 : memref<1x1x2x128xi32, #tpu.memory_space<hbm>> -> memref<2x128xi32, #tpu.memory_space<hbm>>
          %dma_start3A_85 = arith.constant 0 : i32
          %dma_start3A_86 = arith.constant 0 : i32
          %dma_start3A_87 = tpu.memref_slice %arg3[%add3A, %add3A_80, %dma_start3A_85, %dma_start3A_86] : memref<32x79x2x128xi32, #tpu.memory_space<hbm>> -> memref<1x1x2x128xi32, #tpu.memory_space<hbm>>
          %dma_start3A_88 = tpu.memref_squeeze %dma_start3A_87 : memref<1x1x2x128xi32, #tpu.memory_space<hbm>> -> memref<2x128xi32, #tpu.memory_space<hbm>>
          tpu.enqueue_dma source(%dma_start3A_88 : memref<2x128xi32, #tpu.memory_space<hbm>>) target(%arg7 : memref<2x128xi32, #tpu.memory_space<vmem>>) target_semaphore(%arg18 : memref<!tpu.dma_semaphore, #tpu.memory_space<semaphore_mem>>)
        } else {
        }
        %dma_wait3A_65 = arith.constant 0 : i32
        %dma_wait3A_66 = arith.constant 0 : i32
        %dma_wait3A_67 = tpu.memref_slice %arg8[%dma_wait3A_65, %dma_wait3A_66] : memref<2x128xi32, #tpu.memory_space<vmem>> -> memref<1x128xi32, #tpu.memory_space<vmem>>
        %dma_wait3A_68 = tpu.memref_squeeze %dma_wait3A_67 : memref<1x128xi32, #tpu.memory_space<vmem>> -> memref<128xi32, #tpu.memory_space<vmem>>
        %dma_wait3A_69 = arith.constant 0 : i32
        %dma_wait3A_70 = arith.constant 0 : i32
        %dma_wait3A_71 = tpu.memref_slice %arg2[%dma_wait3A_69, %dma_wait3A_70] : memref<10112x128xf32, #tpu.memory_space<hbm>> -> memref<10112x128xf32, #tpu.memory_space<hbm>>
        tpu.wait_indirect_dma semaphore(%arg13 : memref<!tpu.dma_semaphore, #tpu.memory_space<semaphore_mem>>) src(%dma_wait3A_71 : memref<10112x128xf32, #tpu.memory_space<hbm>>) dst(%arg10 : memref<128x128xf32, #tpu.memory_space<vmem>>)
        %dma_start3A_72 = arith.constant 1 : i32
        %dma_start3A_73 = arith.constant 0 : i32
        %dma_start3A_74 = tpu.memref_slice %arg8[%dma_start3A_72, %dma_start3A_73] : memref<2x128xi32, #tpu.memory_space<vmem>> -> memref<1x128xi32, #tpu.memory_space<vmem>>
        %dma_start3A_75 = tpu.memref_squeeze %dma_start3A_74 : memref<1x128xi32, #tpu.memory_space<vmem>> -> memref<128xi32, #tpu.memory_space<vmem>>
        %dma_start3A_76 = arith.constant 0 : i32
        %dma_start3A_77 = arith.constant 0 : i32
        %dma_start3A_78 = tpu.memref_slice %arg12[%dma_start3A_76, %dma_start3A_77] : memref<10112x128xf32, #tpu.memory_space<vmem_shared>> -> memref<10112x128xf32, #tpu.memory_space<vmem_shared>>
        tpu.enqueue_indirect_dma source(%arg10 : memref<128x128xf32, #tpu.memory_space<vmem>>) target(%dma_start3A_78 : memref<10112x128xf32, #tpu.memory_space<vmem_shared>>) offsets(%dma_start3A_75 : memref<128xi32, #tpu.memory_space<vmem>>) semaphore(%arg15 : memref<!tpu.dma_semaphore, #tpu.memory_space<semaphore_mem>>) {add = true}
      } else {
      }
      %eq3A_47 = arith.constant 3 : i32
      %eq3A_48 = arith.cmpi eq, %rem3A_34, %eq3A_47 : i32
      %convert_element_type3A_49 = arith.extui %eq3A_48 : i1 to i32
      %cond3A_50 = arith.constant 0 : i32
      %cond3A_51 = arith.cmpi ne, %convert_element_type3A_49, %cond3A_50 : i32
      scf.if %cond3A_51 {
        %add3A_52 = arith.constant 1 : i32
        %add3A_53 = arith.addi %scan3A_33, %add3A_52 : i32
        %lt3A = arith.constant 79 : i32
        %lt3A_54 = arith.cmpi slt, %add3A_53, %lt3A : i32
        %convert_element_type3A_55 = arith.extui %lt3A_54 : i1 to i32
        %cond3A_56 = arith.constant 0 : i32
        %cond3A_57 = arith.cmpi ne, %convert_element_type3A_55, %cond3A_56 : i32
        scf.if %cond3A_57 {
          %ge3A = arith.constant 1 : i32
          %ge3A_79 = arith.cmpi sge, %scan3A_33, %ge3A : i32
          %convert_element_type3A_80 = arith.extui %ge3A_79 : i1 to i32
          %cond3A_81 = arith.constant 0 : i32
          %cond3A_82 = arith.cmpi ne, %convert_element_type3A_80, %cond3A_81 : i32
          scf.if %cond3A_82 {
            %dma_wait3A_95 = arith.constant 1 : i32
            %dma_wait3A_96 = arith.constant 0 : i32
            %dma_wait3A_97 = tpu.memref_slice %arg6[%dma_wait3A_95, %dma_wait3A_96] : memref<2x128xi32, #tpu.memory_space<vmem>> -> memref<1x128xi32, #tpu.memory_space<vmem>>
            %dma_wait3A_98 = tpu.memref_squeeze %dma_wait3A_97 : memref<1x128xi32, #tpu.memory_space<vmem>> -> memref<128xi32, #tpu.memory_space<vmem>>
            %dma_wait3A_99 = arith.constant 0 : i32
            %dma_wait3A_100 = arith.constant 0 : i32
            %dma_wait3A_101 = tpu.memref_slice %arg12[%dma_wait3A_99, %dma_wait3A_100] : memref<10112x128xf32, #tpu.memory_space<vmem_shared>> -> memref<10112x128xf32, #tpu.memory_space<vmem_shared>>
            tpu.wait_indirect_dma semaphore(%arg15 : memref<!tpu.dma_semaphore, #tpu.memory_space<semaphore_mem>>) src(%arg10 : memref<128x128xf32, #tpu.memory_space<vmem>>) dst(%dma_wait3A_101 : memref<10112x128xf32, #tpu.memory_space<vmem_shared>>)
          } else {
          }
          %ge3A_83 = arith.constant 2 : i32
          %ge3A_84 = arith.cmpi sge, %scan3A_33, %ge3A_83 : i32
          %convert_element_type3A_85 = arith.extui %ge3A_84 : i1 to i32
          %cond3A_86 = arith.constant 0 : i32
          %cond3A_87 = arith.cmpi ne, %convert_element_type3A_85, %cond3A_86 : i32
          scf.if %cond3A_87 {
            %dma_wait3A_95 = arith.constant 0 : i32
            %dma_wait3A_96 = arith.constant 0 : i32
            %dma_wait3A_97 = tpu.memref_slice %arg3[%add3A, %add3A_53, %dma_wait3A_95, %dma_wait3A_96] : memref<32x79x2x128xi32, #tpu.memory_space<hbm>> -> memref<1x1x2x128xi32, #tpu.memory_space<hbm>>
            %dma_wait3A_98 = tpu.memref_squeeze %dma_wait3A_97 : memref<1x1x2x128xi32, #tpu.memory_space<hbm>> -> memref<2x128xi32, #tpu.memory_space<hbm>>
            %dma_wait3A_99 = arith.constant 0 : i32
            %dma_wait3A_100 = arith.constant 0 : i32
            %dma_wait3A_101 = tpu.memref_slice %arg3[%add3A, %add3A_53, %dma_wait3A_99, %dma_wait3A_100] : memref<32x79x2x128xi32, #tpu.memory_space<hbm>> -> memref<1x1x2x128xi32, #tpu.memory_space<hbm>>
            %dma_wait3A_102 = tpu.memref_squeeze %dma_wait3A_101 : memref<1x1x2x128xi32, #tpu.memory_space<hbm>> -> memref<2x128xi32, #tpu.memory_space<hbm>>
            tpu.wait_dma2 semaphore(%arg17 : memref<!tpu.dma_semaphore, #tpu.memory_space<semaphore_mem>>) src(%dma_wait3A_102 : memref<2x128xi32, #tpu.memory_space<hbm>>) dst(%arg6 : memref<2x128xi32, #tpu.memory_space<vmem>>)
          } else {
          }
          %dma_start3A_88 = arith.constant 0 : i32
          %dma_start3A_89 = arith.constant 0 : i32
          %dma_start3A_90 = tpu.memref_slice %arg6[%dma_start3A_88, %dma_start3A_89] : memref<2x128xi32, #tpu.memory_space<vmem>> -> memref<1x128xi32, #tpu.memory_space<vmem>>
          %dma_start3A_91 = tpu.memref_squeeze %dma_start3A_90 : memref<1x128xi32, #tpu.memory_space<vmem>> -> memref<128xi32, #tpu.memory_space<vmem>>
          %dma_start3A_92 = arith.constant 0 : i32
          %dma_start3A_93 = arith.constant 0 : i32
          %dma_start3A_94 = tpu.memref_slice %arg2[%dma_start3A_92, %dma_start3A_93] : memref<10112x128xf32, #tpu.memory_space<hbm>> -> memref<10112x128xf32, #tpu.memory_space<hbm>>
          tpu.enqueue_indirect_dma source(%dma_start3A_94 : memref<10112x128xf32, #tpu.memory_space<hbm>>) target(%arg10 : memref<128x128xf32, #tpu.memory_space<vmem>>) offsets(%dma_start3A_91 : memref<128xi32, #tpu.memory_space<vmem>>) semaphore(%arg13 : memref<!tpu.dma_semaphore, #tpu.memory_space<semaphore_mem>>)
        } else {
        }
        %add3A_58 = arith.constant 3 : i32
        %add3A_59 = arith.addi %scan3A_33, %add3A_58 : i32
        %lt3A_60 = arith.constant 79 : i32
        %lt3A_61 = arith.cmpi slt, %add3A_59, %lt3A_60 : i32
        %convert_element_type3A_62 = arith.extui %lt3A_61 : i1 to i32
        %cond3A_63 = arith.constant 0 : i32
        %cond3A_64 = arith.cmpi ne, %convert_element_type3A_62, %cond3A_63 : i32
        scf.if %cond3A_64 {
          %add3A_79 = arith.constant 3 : i32
          %add3A_80 = arith.addi %scan3A_33, %add3A_79 : i32
          %dma_start3A_81 = arith.constant 0 : i32
          %dma_start3A_82 = arith.constant 0 : i32
          %dma_start3A_83 = tpu.memref_slice %arg3[%add3A, %add3A_80, %dma_start3A_81, %dma_start3A_82] : memref<32x79x2x128xi32, #tpu.memory_space<hbm>> -> memref<1x1x2x128xi32, #tpu.memory_space<hbm>>
          %dma_start3A_84 = tpu.memref_squeeze %dma_start3A_83 : memref<1x1x2x128xi32, #tpu.memory_space<hbm>> -> memref<2x128xi32, #tpu.memory_space<hbm>>
          %dma_start3A_85 = arith.constant 0 : i32
          %dma_start3A_86 = arith.constant 0 : i32
          %dma_start3A_87 = tpu.memref_slice %arg3[%add3A, %add3A_80, %dma_start3A_85, %dma_start3A_86] : memref<32x79x2x128xi32, #tpu.memory_space<hbm>> -> memref<1x1x2x128xi32, #tpu.memory_space<hbm>>
          %dma_start3A_88 = tpu.memref_squeeze %dma_start3A_87 : memref<1x1x2x128xi32, #tpu.memory_space<hbm>> -> memref<2x128xi32, #tpu.memory_space<hbm>>
          tpu.enqueue_dma source(%dma_start3A_88 : memref<2x128xi32, #tpu.memory_space<hbm>>) target(%arg8 : memref<2x128xi32, #tpu.memory_space<vmem>>) target_semaphore(%arg19 : memref<!tpu.dma_semaphore, #tpu.memory_space<semaphore_mem>>)
        } else {
        }
        %dma_wait3A_65 = arith.constant 0 : i32
        %dma_wait3A_66 = arith.constant 0 : i32
        %dma_wait3A_67 = tpu.memref_slice %arg9[%dma_wait3A_65, %dma_wait3A_66] : memref<2x128xi32, #tpu.memory_space<vmem>> -> memref<1x128xi32, #tpu.memory_space<vmem>>
        %dma_wait3A_68 = tpu.memref_squeeze %dma_wait3A_67 : memref<1x128xi32, #tpu.memory_space<vmem>> -> memref<128xi32, #tpu.memory_space<vmem>>
        %dma_wait3A_69 = arith.constant 0 : i32
        %dma_wait3A_70 = arith.constant 0 : i32
        %dma_wait3A_71 = tpu.memref_slice %arg2[%dma_wait3A_69, %dma_wait3A_70] : memref<10112x128xf32, #tpu.memory_space<hbm>> -> memref<10112x128xf32, #tpu.memory_space<hbm>>
        tpu.wait_indirect_dma semaphore(%arg14 : memref<!tpu.dma_semaphore, #tpu.memory_space<semaphore_mem>>) src(%dma_wait3A_71 : memref<10112x128xf32, #tpu.memory_space<hbm>>) dst(%arg11 : memref<128x128xf32, #tpu.memory_space<vmem>>)
        %dma_start3A_72 = arith.constant 1 : i32
        %dma_start3A_73 = arith.constant 0 : i32
        %dma_start3A_74 = tpu.memref_slice %arg9[%dma_start3A_72, %dma_start3A_73] : memref<2x128xi32, #tpu.memory_space<vmem>> -> memref<1x128xi32, #tpu.memory_space<vmem>>
        %dma_start3A_75 = tpu.memref_squeeze %dma_start3A_74 : memref<1x128xi32, #tpu.memory_space<vmem>> -> memref<128xi32, #tpu.memory_space<vmem>>
        %dma_start3A_76 = arith.constant 0 : i32
        %dma_start3A_77 = arith.constant 0 : i32
        %dma_start3A_78 = tpu.memref_slice %arg12[%dma_start3A_76, %dma_start3A_77] : memref<10112x128xf32, #tpu.memory_space<vmem_shared>> -> memref<10112x128xf32, #tpu.memory_space<vmem_shared>>
        tpu.enqueue_indirect_dma source(%arg11 : memref<128x128xf32, #tpu.memory_space<vmem>>) target(%dma_start3A_78 : memref<10112x128xf32, #tpu.memory_space<vmem_shared>>) offsets(%dma_start3A_75 : memref<128xi32, #tpu.memory_space<vmem>>) semaphore(%arg16 : memref<!tpu.dma_semaphore, #tpu.memory_space<semaphore_mem>>) {add = true}
      } else {
      }
    }
    %scan3A_15 = arith.constant 79 : i32
    %dma_wait3A = arith.constant 1 : i32
    %dma_wait3A_16 = arith.constant 0 : i32
    %dma_wait3A_17 = tpu.memref_slice %arg7[%dma_wait3A, %dma_wait3A_16] : memref<2x128xi32, #tpu.memory_space<vmem>> -> memref<1x128xi32, #tpu.memory_space<vmem>>
    %dma_wait3A_18 = tpu.memref_squeeze %dma_wait3A_17 : memref<1x128xi32, #tpu.memory_space<vmem>> -> memref<128xi32, #tpu.memory_space<vmem>>
    %dma_wait3A_19 = arith.constant 0 : i32
    %dma_wait3A_20 = arith.constant 0 : i32
    %dma_wait3A_21 = tpu.memref_slice %arg12[%dma_wait3A_19, %dma_wait3A_20] : memref<10112x128xf32, #tpu.memory_space<vmem_shared>> -> memref<10112x128xf32, #tpu.memory_space<vmem_shared>>
    tpu.wait_indirect_dma semaphore(%arg16 : memref<!tpu.dma_semaphore, #tpu.memory_space<semaphore_mem>>) src(%arg11 : memref<128x128xf32, #tpu.memory_space<vmem>>) dst(%dma_wait3A_21 : memref<10112x128xf32, #tpu.memory_space<vmem_shared>>)
    %dma_wait3A_22 = arith.constant 1 : i32
    %dma_wait3A_23 = arith.constant 0 : i32
    %dma_wait3A_24 = tpu.memref_slice %arg6[%dma_wait3A_22, %dma_wait3A_23] : memref<2x128xi32, #tpu.memory_space<vmem>> -> memref<1x128xi32, #tpu.memory_space<vmem>>
    %dma_wait3A_25 = tpu.memref_squeeze %dma_wait3A_24 : memref<1x128xi32, #tpu.memory_space<vmem>> -> memref<128xi32, #tpu.memory_space<vmem>>
    %dma_wait3A_26 = arith.constant 0 : i32
    %dma_wait3A_27 = arith.constant 0 : i32
    %dma_wait3A_28 = tpu.memref_slice %arg12[%dma_wait3A_26, %dma_wait3A_27] : memref<10112x128xf32, #tpu.memory_space<vmem_shared>> -> memref<10112x128xf32, #tpu.memory_space<vmem_shared>>
    tpu.wait_indirect_dma semaphore(%arg15 : memref<!tpu.dma_semaphore, #tpu.memory_space<semaphore_mem>>) src(%arg10 : memref<128x128xf32, #tpu.memory_space<vmem>>) dst(%dma_wait3A_28 : memref<10112x128xf32, #tpu.memory_space<vmem_shared>>)
    %barrier3A_29 = arith.constant 0 : index
    tpu.barrier barrier_id(%barrier3A_29)
    %mul3A_30 = arith.constant 10112 : i32
    %mul3A_31 = arith.muli %arg0, %mul3A_30 : i32
    %add3A_32 = arith.addi %mul3A_31, %mul3A_2 : i32
    "tpu.region"() ({
      %run_scoped3A_33 = tpu.sem_alloc : memref<!tpu.dma_semaphore, #tpu.memory_space<semaphore_mem>>
      %dma_start3A_34 = arith.constant 0 : i32
      %dma_start3A_35 = tpu.memref_slice %arg5[%add3A_32, %dma_start3A_34] : memref<20224x128xf32, #tpu.memory_space<hbm>> -> memref<632x128xf32, #tpu.memory_space<hbm>>
      %dma_start3A_36 = arith.constant 0 : i32
      %dma_start3A_37 = tpu.memref_slice %arg12[%mul3A_2, %dma_start3A_36] : memref<10112x128xf32, #tpu.memory_space<vmem_shared>> -> memref<632x128xf32, #tpu.memory_space<vmem_shared>>
      tpu.enqueue_dma source(%dma_start3A_37 : memref<632x128xf32, #tpu.memory_space<vmem_shared>>) target(%dma_start3A_35 : memref<632x128xf32, #tpu.memory_space<hbm>>) target_semaphore(%run_scoped3A_33 : memref<!tpu.dma_semaphore, #tpu.memory_space<semaphore_mem>>)
      %dma_wait3A_38 = arith.constant 0 : i32
      %dma_wait3A_39 = tpu.memref_slice %arg5[%add3A_32, %dma_wait3A_38] : memref<20224x128xf32, #tpu.memory_space<hbm>> -> memref<632x128xf32, #tpu.memory_space<hbm>>
      %dma_wait3A_40 = arith.constant 0 : i32
      %dma_wait3A_41 = tpu.memref_slice %arg12[%mul3A_2, %dma_wait3A_40] : memref<10112x128xf32, #tpu.memory_space<vmem_shared>> -> memref<632x128xf32, #tpu.memory_space<vmem_shared>>
      tpu.wait_dma2 semaphore(%run_scoped3A_33 : memref<!tpu.dma_semaphore, #tpu.memory_space<semaphore_mem>>) src(%dma_wait3A_41 : memref<632x128xf32, #tpu.memory_space<vmem_shared>>) dst(%dma_wait3A_39 : memref<632x128xf32, #tpu.memory_space<hbm>>)
      tpu.yield
    }) : () -> ()
    return
  }
}

#map = affine_map<(d0, d1) -> (0, 0, 0, 0)>
#map1 = affine_map<(d0, d1) -> (0, 0)>
module attributes {stable_mosaic.version = 14 : i64} {
  func.func @body(%arg0: i32, %arg1: i32, %arg2: memref<32x79x2x128xi32, #tpu.memory_space<hbm>>, %arg3: memref<10112x128xf32, #tpu.memory_space<hbm>>, %arg4: memref<128x128xf32, #tpu.memory_space<hbm>>, %arg5: memref<20224x128xf32, #tpu.memory_space<hbm>>, %arg6: memref<20224x128xf32, #tpu.memory_space<hbm>>, %arg7: memref<2x128xi32, #tpu.memory_space<vmem>>, %arg8: memref<2x128xi32, #tpu.memory_space<vmem>>, %arg9: memref<2x128xi32, #tpu.memory_space<vmem>>, %arg10: memref<2x128xi32, #tpu.memory_space<vmem>>, %arg11: memref<128x128xf32, #tpu.memory_space<vmem>>, %arg12: memref<10112x128xf32, #tpu.memory_space<vmem_shared>>, %arg13: memref<!tpu.dma_semaphore, #tpu.memory_space<semaphore_mem>>, %arg14: memref<!tpu.dma_semaphore, #tpu.memory_space<semaphore_mem>>, %arg15: memref<!tpu.dma_semaphore, #tpu.memory_space<semaphore_mem>>, %arg16: memref<!tpu.dma_semaphore, #tpu.memory_space<semaphore_mem>>, %arg17: memref<!tpu.dma_semaphore, #tpu.memory_space<semaphore_mem>>, %arg18: memref<!tpu.dma_semaphore, #tpu.memory_space<semaphore_mem>>) attributes {dimension_semantics = [#tpu.dimension_semantics<core_parallel>, #tpu.dimension_semantics<subcore_parallel>], iteration_bounds = array<i64: 2, 16>, scalar_prefetch = 0 : i64, scratch_operands = 12 : i64, tpu.core_type = #tpu.core_type<sc_vector_subcore>, window_params = [{transform_indices = #map}, {transform_indices = #map1}, {transform_indices = #map1}, {transform_indices = #map1}, {transform_indices = #map1}]} {
    %mul3A = arith.constant 16 : i32
    %mul3A_0 = arith.muli %arg0, %mul3A : i32
    %add3A = arith.addi %mul3A_0, %arg1 : i32
    %mul3A_1 = arith.constant 632 : i32
    %mul3A_2 = arith.muli %arg1, %mul3A_1 : i32
    %mul3A_3 = arith.constant 10112 : i32
    %mul3A_4 = arith.muli %arg0, %mul3A_3 : i32
    %add3A_5 = arith.addi %mul3A_4, %mul3A_2 : i32
    "tpu.region"() ({
      %run_scoped3A_50 = tpu.sem_alloc : memref<!tpu.dma_semaphore, #tpu.memory_space<semaphore_mem>>
      tpu.enqueue_dma source(%arg4 : memref<128x128xf32, #tpu.memory_space<hbm>>) target(%arg11 : memref<128x128xf32, #tpu.memory_space<vmem>>) target_semaphore(%run_scoped3A_50 : memref<!tpu.dma_semaphore, #tpu.memory_space<semaphore_mem>>)
      tpu.wait_dma2 semaphore(%run_scoped3A_50 : memref<!tpu.dma_semaphore, #tpu.memory_space<semaphore_mem>>) src(%arg4 : memref<128x128xf32, #tpu.memory_space<hbm>>) dst(%arg11 : memref<128x128xf32, #tpu.memory_space<vmem>>)
      tpu.yield
    }) : () -> ()
    "tpu.region"() ({
      %run_scoped3A_50 = tpu.sem_alloc : memref<!tpu.dma_semaphore, #tpu.memory_space<semaphore_mem>>
      %dma_start3A = arith.constant 0 : i32
      %dma_start3A_51 = tpu.memref_slice %arg12[%mul3A_2, %dma_start3A] : memref<10112x128xf32, #tpu.memory_space<vmem_shared>> -> memref<632x128xf32, #tpu.memory_space<vmem_shared>>
      %dma_start3A_52 = arith.constant 0 : i32
      %dma_start3A_53 = tpu.memref_slice %arg3[%mul3A_2, %dma_start3A_52] : memref<10112x128xf32, #tpu.memory_space<hbm>> -> memref<632x128xf32, #tpu.memory_space<hbm>>
      tpu.enqueue_dma source(%dma_start3A_53 : memref<632x128xf32, #tpu.memory_space<hbm>>) target(%dma_start3A_51 : memref<632x128xf32, #tpu.memory_space<vmem_shared>>) target_semaphore(%run_scoped3A_50 : memref<!tpu.dma_semaphore, #tpu.memory_space<semaphore_mem>>)
      %dma_wait3A_54 = arith.constant 0 : i32
      %dma_wait3A_55 = tpu.memref_slice %arg12[%mul3A_2, %dma_wait3A_54] : memref<10112x128xf32, #tpu.memory_space<vmem_shared>> -> memref<632x128xf32, #tpu.memory_space<vmem_shared>>
      %dma_wait3A_56 = arith.constant 0 : i32
      %dma_wait3A_57 = tpu.memref_slice %arg3[%mul3A_2, %dma_wait3A_56] : memref<10112x128xf32, #tpu.memory_space<hbm>> -> memref<632x128xf32, #tpu.memory_space<hbm>>
      tpu.wait_dma2 semaphore(%run_scoped3A_50 : memref<!tpu.dma_semaphore, #tpu.memory_space<semaphore_mem>>) src(%dma_wait3A_57 : memref<632x128xf32, #tpu.memory_space<hbm>>) dst(%dma_wait3A_55 : memref<632x128xf32, #tpu.memory_space<vmem_shared>>)
      tpu.yield
    }) : () -> ()
    %run_scoped3A = arith.constant 0 : i32
    "tpu.region"() ({
      %run_scoped3A_50 = tpu.sem_alloc : memref<!tpu.dma_semaphore, #tpu.memory_space<semaphore_mem>>
      %dma_start3A = arith.constant 0 : i32
      %dma_start3A_51 = arith.constant 0 : i32
      %dma_start3A_52 = tpu.memref_slice %arg2[%add3A, %run_scoped3A, %dma_start3A, %dma_start3A_51] : memref<32x79x2x128xi32, #tpu.memory_space<hbm>> -> memref<1x1x2x128xi32, #tpu.memory_space<hbm>>
      %dma_start3A_53 = tpu.memref_squeeze %dma_start3A_52 : memref<1x1x2x128xi32, #tpu.memory_space<hbm>> -> memref<2x128xi32, #tpu.memory_space<hbm>>
      %dma_start3A_54 = arith.constant 0 : i32
      %dma_start3A_55 = arith.constant 0 : i32
      %dma_start3A_56 = tpu.memref_slice %arg2[%add3A, %run_scoped3A, %dma_start3A_54, %dma_start3A_55] : memref<32x79x2x128xi32, #tpu.memory_space<hbm>> -> memref<1x1x2x128xi32, #tpu.memory_space<hbm>>
      %dma_start3A_57 = tpu.memref_squeeze %dma_start3A_56 : memref<1x1x2x128xi32, #tpu.memory_space<hbm>> -> memref<2x128xi32, #tpu.memory_space<hbm>>
      tpu.enqueue_dma source(%dma_start3A_57 : memref<2x128xi32, #tpu.memory_space<hbm>>) target(%arg7 : memref<2x128xi32, #tpu.memory_space<vmem>>) target_semaphore(%run_scoped3A_50 : memref<!tpu.dma_semaphore, #tpu.memory_space<semaphore_mem>>)
      %dma_wait3A_58 = arith.constant 0 : i32
      %dma_wait3A_59 = arith.constant 0 : i32
      %dma_wait3A_60 = tpu.memref_slice %arg2[%add3A, %run_scoped3A, %dma_wait3A_58, %dma_wait3A_59] : memref<32x79x2x128xi32, #tpu.memory_space<hbm>> -> memref<1x1x2x128xi32, #tpu.memory_space<hbm>>
      %dma_wait3A_61 = tpu.memref_squeeze %dma_wait3A_60 : memref<1x1x2x128xi32, #tpu.memory_space<hbm>> -> memref<2x128xi32, #tpu.memory_space<hbm>>
      %dma_wait3A_62 = arith.constant 0 : i32
      %dma_wait3A_63 = arith.constant 0 : i32
      %dma_wait3A_64 = tpu.memref_slice %arg2[%add3A, %run_scoped3A, %dma_wait3A_62, %dma_wait3A_63] : memref<32x79x2x128xi32, #tpu.memory_space<hbm>> -> memref<1x1x2x128xi32, #tpu.memory_space<hbm>>
      %dma_wait3A_65 = tpu.memref_squeeze %dma_wait3A_64 : memref<1x1x2x128xi32, #tpu.memory_space<hbm>> -> memref<2x128xi32, #tpu.memory_space<hbm>>
      tpu.wait_dma2 semaphore(%run_scoped3A_50 : memref<!tpu.dma_semaphore, #tpu.memory_space<semaphore_mem>>) src(%dma_wait3A_65 : memref<2x128xi32, #tpu.memory_space<hbm>>) dst(%arg7 : memref<2x128xi32, #tpu.memory_space<vmem>>)
      tpu.yield
    }) : () -> ()
    %run_scoped3A_6 = arith.constant 1 : i32
    "tpu.region"() ({
      %run_scoped3A_50 = tpu.sem_alloc : memref<!tpu.dma_semaphore, #tpu.memory_space<semaphore_mem>>
      %dma_start3A = arith.constant 0 : i32
      %dma_start3A_51 = arith.constant 0 : i32
      %dma_start3A_52 = tpu.memref_slice %arg2[%add3A, %run_scoped3A_6, %dma_start3A, %dma_start3A_51] : memref<32x79x2x128xi32, #tpu.memory_space<hbm>> -> memref<1x1x2x128xi32, #tpu.memory_space<hbm>>
      %dma_start3A_53 = tpu.memref_squeeze %dma_start3A_52 : memref<1x1x2x128xi32, #tpu.memory_space<hbm>> -> memref<2x128xi32, #tpu.memory_space<hbm>>
      %dma_start3A_54 = arith.constant 0 : i32
      %dma_start3A_55 = arith.constant 0 : i32
      %dma_start3A_56 = tpu.memref_slice %arg2[%add3A, %run_scoped3A_6, %dma_start3A_54, %dma_start3A_55] : memref<32x79x2x128xi32, #tpu.memory_space<hbm>> -> memref<1x1x2x128xi32, #tpu.memory_space<hbm>>
      %dma_start3A_57 = tpu.memref_squeeze %dma_start3A_56 : memref<1x1x2x128xi32, #tpu.memory_space<hbm>> -> memref<2x128xi32, #tpu.memory_space<hbm>>
      tpu.enqueue_dma source(%dma_start3A_57 : memref<2x128xi32, #tpu.memory_space<hbm>>) target(%arg8 : memref<2x128xi32, #tpu.memory_space<vmem>>) target_semaphore(%run_scoped3A_50 : memref<!tpu.dma_semaphore, #tpu.memory_space<semaphore_mem>>)
      %dma_wait3A_58 = arith.constant 0 : i32
      %dma_wait3A_59 = arith.constant 0 : i32
      %dma_wait3A_60 = tpu.memref_slice %arg2[%add3A, %run_scoped3A_6, %dma_wait3A_58, %dma_wait3A_59] : memref<32x79x2x128xi32, #tpu.memory_space<hbm>> -> memref<1x1x2x128xi32, #tpu.memory_space<hbm>>
      %dma_wait3A_61 = tpu.memref_squeeze %dma_wait3A_60 : memref<1x1x2x128xi32, #tpu.memory_space<hbm>> -> memref<2x128xi32, #tpu.memory_space<hbm>>
      %dma_wait3A_62 = arith.constant 0 : i32
      %dma_wait3A_63 = arith.constant 0 : i32
      %dma_wait3A_64 = tpu.memref_slice %arg2[%add3A, %run_scoped3A_6, %dma_wait3A_62, %dma_wait3A_63] : memref<32x79x2x128xi32, #tpu.memory_space<hbm>> -> memref<1x1x2x128xi32, #tpu.memory_space<hbm>>
      %dma_wait3A_65 = tpu.memref_squeeze %dma_wait3A_64 : memref<1x1x2x128xi32, #tpu.memory_space<hbm>> -> memref<2x128xi32, #tpu.memory_space<hbm>>
      tpu.wait_dma2 semaphore(%run_scoped3A_50 : memref<!tpu.dma_semaphore, #tpu.memory_space<semaphore_mem>>) src(%dma_wait3A_65 : memref<2x128xi32, #tpu.memory_space<hbm>>) dst(%arg8 : memref<2x128xi32, #tpu.memory_space<vmem>>)
      tpu.yield
    }) : () -> ()
    %barrier3A = arith.constant 0 : index
    tpu.barrier barrier_id(%barrier3A)
    %scan3A = arith.constant 0 : i32
    %scan3A_7 = arith.constant 0 : i32
    %scan3A_8 = arith.constant 79 : i32
    %scan3A_9 = arith.addi %scan3A_7, %scan3A_8 : i32
    %scan3A_10 = arith.constant 1 : i32
    scf.for %scan3A_50 = %scan3A_7 to %scan3A_9 step %scan3A_10  : i32 {
      %rem3A = arith.constant 4 : i32
      %rem3A_51 = arith.remsi %scan3A_50, %rem3A : i32
      %eq3A = arith.constant 0 : i32
      %eq3A_52 = arith.cmpi eq, %rem3A_51, %eq3A : i32
      %convert_element_type3A = arith.extui %eq3A_52 : i1 to i32
      %cond3A = arith.constant 0 : i32
      %cond3A_53 = arith.cmpi ne, %convert_element_type3A, %cond3A : i32
      scf.if %cond3A_53 {
        %ge3A = arith.constant 2 : i32
        %ge3A_69 = arith.cmpi sge, %scan3A_50, %ge3A : i32
        %convert_element_type3A_70 = arith.extui %ge3A_69 : i1 to i32
        %cond3A_71 = arith.constant 0 : i32
        %cond3A_72 = arith.cmpi ne, %convert_element_type3A_70, %cond3A_71 : i32
        scf.if %cond3A_72 {
          %dma_wait3A_90 = arith.constant 0 : i32
          %dma_wait3A_91 = arith.constant 0 : i32
          %dma_wait3A_92 = tpu.memref_slice %arg9[%dma_wait3A_90, %dma_wait3A_91] : memref<2x128xi32, #tpu.memory_space<vmem>> -> memref<1x128xi32, #tpu.memory_space<vmem>>
          %dma_wait3A_93 = tpu.memref_squeeze %dma_wait3A_92 : memref<1x128xi32, #tpu.memory_space<vmem>> -> memref<128xi32, #tpu.memory_space<vmem>>
          %dma_wait3A_94 = arith.constant 0 : i32
          %dma_wait3A_95 = arith.constant 0 : i32
          %dma_wait3A_96 = tpu.memref_slice %arg12[%dma_wait3A_94, %dma_wait3A_95] : memref<10112x128xf32, #tpu.memory_space<vmem_shared>> -> memref<10112x128xf32, #tpu.memory_space<vmem_shared>>
          tpu.wait_indirect_dma semaphore(%arg13 : memref<!tpu.dma_semaphore, #tpu.memory_space<semaphore_mem>>) src(%arg11 : memref<128x128xf32, #tpu.memory_space<vmem>>) dst(%dma_wait3A_96 : memref<10112x128xf32, #tpu.memory_space<vmem_shared>>)
        } else {
        }
        %add3A_73 = arith.constant 2 : i32
        %add3A_74 = arith.addi %scan3A_50, %add3A_73 : i32
        %lt3A = arith.constant 79 : i32
        %lt3A_75 = arith.cmpi slt, %add3A_74, %lt3A : i32
        %convert_element_type3A_76 = arith.extui %lt3A_75 : i1 to i32
        %cond3A_77 = arith.constant 0 : i32
        %cond3A_78 = arith.cmpi ne, %convert_element_type3A_76, %cond3A_77 : i32
        scf.if %cond3A_78 {
          %add3A_90 = arith.constant 2 : i32
          %add3A_91 = arith.addi %scan3A_50, %add3A_90 : i32
          %dma_start3A_92 = arith.constant 0 : i32
          %dma_start3A_93 = arith.constant 0 : i32
          %dma_start3A_94 = tpu.memref_slice %arg2[%add3A, %add3A_91, %dma_start3A_92, %dma_start3A_93] : memref<32x79x2x128xi32, #tpu.memory_space<hbm>> -> memref<1x1x2x128xi32, #tpu.memory_space<hbm>>
          %dma_start3A_95 = tpu.memref_squeeze %dma_start3A_94 : memref<1x1x2x128xi32, #tpu.memory_space<hbm>> -> memref<2x128xi32, #tpu.memory_space<hbm>>
          %dma_start3A_96 = arith.constant 0 : i32
          %dma_start3A_97 = arith.constant 0 : i32
          %dma_start3A_98 = tpu.memref_slice %arg2[%add3A, %add3A_91, %dma_start3A_96, %dma_start3A_97] : memref<32x79x2x128xi32, #tpu.memory_space<hbm>> -> memref<1x1x2x128xi32, #tpu.memory_space<hbm>>
          %dma_start3A_99 = tpu.memref_squeeze %dma_start3A_98 : memref<1x1x2x128xi32, #tpu.memory_space<hbm>> -> memref<2x128xi32, #tpu.memory_space<hbm>>
          tpu.enqueue_dma source(%dma_start3A_99 : memref<2x128xi32, #tpu.memory_space<hbm>>) target(%arg9 : memref<2x128xi32, #tpu.memory_space<vmem>>) target_semaphore(%arg17 : memref<!tpu.dma_semaphore, #tpu.memory_space<semaphore_mem>>)
        } else {
        }
        %ge3A_79 = arith.constant 2 : i32
        %ge3A_80 = arith.cmpi sge, %scan3A_50, %ge3A_79 : i32
        %convert_element_type3A_81 = arith.extui %ge3A_80 : i1 to i32
        %cond3A_82 = arith.constant 0 : i32
        %cond3A_83 = arith.cmpi ne, %convert_element_type3A_81, %cond3A_82 : i32
        scf.if %cond3A_83 {
          %dma_wait3A_90 = arith.constant 0 : i32
          %dma_wait3A_91 = arith.constant 0 : i32
          %dma_wait3A_92 = tpu.memref_slice %arg2[%add3A, %scan3A_50, %dma_wait3A_90, %dma_wait3A_91] : memref<32x79x2x128xi32, #tpu.memory_space<hbm>> -> memref<1x1x2x128xi32, #tpu.memory_space<hbm>>
          %dma_wait3A_93 = tpu.memref_squeeze %dma_wait3A_92 : memref<1x1x2x128xi32, #tpu.memory_space<hbm>> -> memref<2x128xi32, #tpu.memory_space<hbm>>
          %dma_wait3A_94 = arith.constant 0 : i32
          %dma_wait3A_95 = arith.constant 0 : i32
          %dma_wait3A_96 = tpu.memref_slice %arg2[%add3A, %scan3A_50, %dma_wait3A_94, %dma_wait3A_95] : memref<32x79x2x128xi32, #tpu.memory_space<hbm>> -> memref<1x1x2x128xi32, #tpu.memory_space<hbm>>
          %dma_wait3A_97 = tpu.memref_squeeze %dma_wait3A_96 : memref<1x1x2x128xi32, #tpu.memory_space<hbm>> -> memref<2x128xi32, #tpu.memory_space<hbm>>
          tpu.wait_dma2 semaphore(%arg15 : memref<!tpu.dma_semaphore, #tpu.memory_space<semaphore_mem>>) src(%dma_wait3A_97 : memref<2x128xi32, #tpu.memory_space<hbm>>) dst(%arg7 : memref<2x128xi32, #tpu.memory_space<vmem>>)
        } else {
        }
        %dma_start3A = arith.constant 0 : i32
        %dma_start3A_84 = arith.constant 0 : i32
        %dma_start3A_85 = tpu.memref_slice %arg7[%dma_start3A, %dma_start3A_84] : memref<2x128xi32, #tpu.memory_space<vmem>> -> memref<1x128xi32, #tpu.memory_space<vmem>>
        %dma_start3A_86 = tpu.memref_squeeze %dma_start3A_85 : memref<1x128xi32, #tpu.memory_space<vmem>> -> memref<128xi32, #tpu.memory_space<vmem>>
        %dma_start3A_87 = arith.constant 0 : i32
        %dma_start3A_88 = arith.constant 0 : i32
        %dma_start3A_89 = tpu.memref_slice %arg12[%dma_start3A_87, %dma_start3A_88] : memref<10112x128xf32, #tpu.memory_space<vmem_shared>> -> memref<10112x128xf32, #tpu.memory_space<vmem_shared>>
        tpu.enqueue_indirect_dma source(%arg11 : memref<128x128xf32, #tpu.memory_space<vmem>>) target(%dma_start3A_89 : memref<10112x128xf32, #tpu.memory_space<vmem_shared>>) offsets(%dma_start3A_86 : memref<128xi32, #tpu.memory_space<vmem>>) semaphore(%arg13 : memref<!tpu.dma_semaphore, #tpu.memory_space<semaphore_mem>>) {add = true}
      } else {
      }
      %eq3A_54 = arith.constant 1 : i32
      %eq3A_55 = arith.cmpi eq, %rem3A_51, %eq3A_54 : i32
      %convert_element_type3A_56 = arith.extui %eq3A_55 : i1 to i32
      %cond3A_57 = arith.constant 0 : i32
      %cond3A_58 = arith.cmpi ne, %convert_element_type3A_56, %cond3A_57 : i32
      scf.if %cond3A_58 {
        %ge3A = arith.constant 2 : i32
        %ge3A_69 = arith.cmpi sge, %scan3A_50, %ge3A : i32
        %convert_element_type3A_70 = arith.extui %ge3A_69 : i1 to i32
        %cond3A_71 = arith.constant 0 : i32
        %cond3A_72 = arith.cmpi ne, %convert_element_type3A_70, %cond3A_71 : i32
        scf.if %cond3A_72 {
          %dma_wait3A_90 = arith.constant 0 : i32
          %dma_wait3A_91 = arith.constant 0 : i32
          %dma_wait3A_92 = tpu.memref_slice %arg10[%dma_wait3A_90, %dma_wait3A_91] : memref<2x128xi32, #tpu.memory_space<vmem>> -> memref<1x128xi32, #tpu.memory_space<vmem>>
          %dma_wait3A_93 = tpu.memref_squeeze %dma_wait3A_92 : memref<1x128xi32, #tpu.memory_space<vmem>> -> memref<128xi32, #tpu.memory_space<vmem>>
          %dma_wait3A_94 = arith.constant 0 : i32
          %dma_wait3A_95 = arith.constant 0 : i32
          %dma_wait3A_96 = tpu.memref_slice %arg12[%dma_wait3A_94, %dma_wait3A_95] : memref<10112x128xf32, #tpu.memory_space<vmem_shared>> -> memref<10112x128xf32, #tpu.memory_space<vmem_shared>>
          tpu.wait_indirect_dma semaphore(%arg14 : memref<!tpu.dma_semaphore, #tpu.memory_space<semaphore_mem>>) src(%arg11 : memref<128x128xf32, #tpu.memory_space<vmem>>) dst(%dma_wait3A_96 : memref<10112x128xf32, #tpu.memory_space<vmem_shared>>)
        } else {
        }
        %add3A_73 = arith.constant 2 : i32
        %add3A_74 = arith.addi %scan3A_50, %add3A_73 : i32
        %lt3A = arith.constant 79 : i32
        %lt3A_75 = arith.cmpi slt, %add3A_74, %lt3A : i32
        %convert_element_type3A_76 = arith.extui %lt3A_75 : i1 to i32
        %cond3A_77 = arith.constant 0 : i32
        %cond3A_78 = arith.cmpi ne, %convert_element_type3A_76, %cond3A_77 : i32
        scf.if %cond3A_78 {
          %add3A_90 = arith.constant 2 : i32
          %add3A_91 = arith.addi %scan3A_50, %add3A_90 : i32
          %dma_start3A_92 = arith.constant 0 : i32
          %dma_start3A_93 = arith.constant 0 : i32
          %dma_start3A_94 = tpu.memref_slice %arg2[%add3A, %add3A_91, %dma_start3A_92, %dma_start3A_93] : memref<32x79x2x128xi32, #tpu.memory_space<hbm>> -> memref<1x1x2x128xi32, #tpu.memory_space<hbm>>
          %dma_start3A_95 = tpu.memref_squeeze %dma_start3A_94 : memref<1x1x2x128xi32, #tpu.memory_space<hbm>> -> memref<2x128xi32, #tpu.memory_space<hbm>>
          %dma_start3A_96 = arith.constant 0 : i32
          %dma_start3A_97 = arith.constant 0 : i32
          %dma_start3A_98 = tpu.memref_slice %arg2[%add3A, %add3A_91, %dma_start3A_96, %dma_start3A_97] : memref<32x79x2x128xi32, #tpu.memory_space<hbm>> -> memref<1x1x2x128xi32, #tpu.memory_space<hbm>>
          %dma_start3A_99 = tpu.memref_squeeze %dma_start3A_98 : memref<1x1x2x128xi32, #tpu.memory_space<hbm>> -> memref<2x128xi32, #tpu.memory_space<hbm>>
          tpu.enqueue_dma source(%dma_start3A_99 : memref<2x128xi32, #tpu.memory_space<hbm>>) target(%arg10 : memref<2x128xi32, #tpu.memory_space<vmem>>) target_semaphore(%arg18 : memref<!tpu.dma_semaphore, #tpu.memory_space<semaphore_mem>>)
        } else {
        }
        %ge3A_79 = arith.constant 2 : i32
        %ge3A_80 = arith.cmpi sge, %scan3A_50, %ge3A_79 : i32
        %convert_element_type3A_81 = arith.extui %ge3A_80 : i1 to i32
        %cond3A_82 = arith.constant 0 : i32
        %cond3A_83 = arith.cmpi ne, %convert_element_type3A_81, %cond3A_82 : i32
        scf.if %cond3A_83 {
          %dma_wait3A_90 = arith.constant 0 : i32
          %dma_wait3A_91 = arith.constant 0 : i32
          %dma_wait3A_92 = tpu.memref_slice %arg2[%add3A, %scan3A_50, %dma_wait3A_90, %dma_wait3A_91] : memref<32x79x2x128xi32, #tpu.memory_space<hbm>> -> memref<1x1x2x128xi32, #tpu.memory_space<hbm>>
          %dma_wait3A_93 = tpu.memref_squeeze %dma_wait3A_92 : memref<1x1x2x128xi32, #tpu.memory_space<hbm>> -> memref<2x128xi32, #tpu.memory_space<hbm>>
          %dma_wait3A_94 = arith.constant 0 : i32
          %dma_wait3A_95 = arith.constant 0 : i32
          %dma_wait3A_96 = tpu.memref_slice %arg2[%add3A, %scan3A_50, %dma_wait3A_94, %dma_wait3A_95] : memref<32x79x2x128xi32, #tpu.memory_space<hbm>> -> memref<1x1x2x128xi32, #tpu.memory_space<hbm>>
          %dma_wait3A_97 = tpu.memref_squeeze %dma_wait3A_96 : memref<1x1x2x128xi32, #tpu.memory_space<hbm>> -> memref<2x128xi32, #tpu.memory_space<hbm>>
          tpu.wait_dma2 semaphore(%arg16 : memref<!tpu.dma_semaphore, #tpu.memory_space<semaphore_mem>>) src(%dma_wait3A_97 : memref<2x128xi32, #tpu.memory_space<hbm>>) dst(%arg8 : memref<2x128xi32, #tpu.memory_space<vmem>>)
        } else {
        }
        %dma_start3A = arith.constant 0 : i32
        %dma_start3A_84 = arith.constant 0 : i32
        %dma_start3A_85 = tpu.memref_slice %arg8[%dma_start3A, %dma_start3A_84] : memref<2x128xi32, #tpu.memory_space<vmem>> -> memref<1x128xi32, #tpu.memory_space<vmem>>
        %dma_start3A_86 = tpu.memref_squeeze %dma_start3A_85 : memref<1x128xi32, #tpu.memory_space<vmem>> -> memref<128xi32, #tpu.memory_space<vmem>>
        %dma_start3A_87 = arith.constant 0 : i32
        %dma_start3A_88 = arith.constant 0 : i32
        %dma_start3A_89 = tpu.memref_slice %arg12[%dma_start3A_87, %dma_start3A_88] : memref<10112x128xf32, #tpu.memory_space<vmem_shared>> -> memref<10112x128xf32, #tpu.memory_space<vmem_shared>>
        tpu.enqueue_indirect_dma source(%arg11 : memref<128x128xf32, #tpu.memory_space<vmem>>) target(%dma_start3A_89 : memref<10112x128xf32, #tpu.memory_space<vmem_shared>>) offsets(%dma_start3A_86 : memref<128xi32, #tpu.memory_space<vmem>>) semaphore(%arg14 : memref<!tpu.dma_semaphore, #tpu.memory_space<semaphore_mem>>) {add = true}
      } else {
      }
      %eq3A_59 = arith.constant 2 : i32
      %eq3A_60 = arith.cmpi eq, %rem3A_51, %eq3A_59 : i32
      %convert_element_type3A_61 = arith.extui %eq3A_60 : i1 to i32
      %cond3A_62 = arith.constant 0 : i32
      %cond3A_63 = arith.cmpi ne, %convert_element_type3A_61, %cond3A_62 : i32
      scf.if %cond3A_63 {
        %ge3A = arith.constant 2 : i32
        %ge3A_69 = arith.cmpi sge, %scan3A_50, %ge3A : i32
        %convert_element_type3A_70 = arith.extui %ge3A_69 : i1 to i32
        %cond3A_71 = arith.constant 0 : i32
        %cond3A_72 = arith.cmpi ne, %convert_element_type3A_70, %cond3A_71 : i32
        scf.if %cond3A_72 {
          %dma_wait3A_90 = arith.constant 0 : i32
          %dma_wait3A_91 = arith.constant 0 : i32
          %dma_wait3A_92 = tpu.memref_slice %arg7[%dma_wait3A_90, %dma_wait3A_91] : memref<2x128xi32, #tpu.memory_space<vmem>> -> memref<1x128xi32, #tpu.memory_space<vmem>>
          %dma_wait3A_93 = tpu.memref_squeeze %dma_wait3A_92 : memref<1x128xi32, #tpu.memory_space<vmem>> -> memref<128xi32, #tpu.memory_space<vmem>>
          %dma_wait3A_94 = arith.constant 0 : i32
          %dma_wait3A_95 = arith.constant 0 : i32
          %dma_wait3A_96 = tpu.memref_slice %arg12[%dma_wait3A_94, %dma_wait3A_95] : memref<10112x128xf32, #tpu.memory_space<vmem_shared>> -> memref<10112x128xf32, #tpu.memory_space<vmem_shared>>
          tpu.wait_indirect_dma semaphore(%arg13 : memref<!tpu.dma_semaphore, #tpu.memory_space<semaphore_mem>>) src(%arg11 : memref<128x128xf32, #tpu.memory_space<vmem>>) dst(%dma_wait3A_96 : memref<10112x128xf32, #tpu.memory_space<vmem_shared>>)
        } else {
        }
        %add3A_73 = arith.constant 2 : i32
        %add3A_74 = arith.addi %scan3A_50, %add3A_73 : i32
        %lt3A = arith.constant 79 : i32
        %lt3A_75 = arith.cmpi slt, %add3A_74, %lt3A : i32
        %convert_element_type3A_76 = arith.extui %lt3A_75 : i1 to i32
        %cond3A_77 = arith.constant 0 : i32
        %cond3A_78 = arith.cmpi ne, %convert_element_type3A_76, %cond3A_77 : i32
        scf.if %cond3A_78 {
          %add3A_90 = arith.constant 2 : i32
          %add3A_91 = arith.addi %scan3A_50, %add3A_90 : i32
          %dma_start3A_92 = arith.constant 0 : i32
          %dma_start3A_93 = arith.constant 0 : i32
          %dma_start3A_94 = tpu.memref_slice %arg2[%add3A, %add3A_91, %dma_start3A_92, %dma_start3A_93] : memref<32x79x2x128xi32, #tpu.memory_space<hbm>> -> memref<1x1x2x128xi32, #tpu.memory_space<hbm>>
          %dma_start3A_95 = tpu.memref_squeeze %dma_start3A_94 : memref<1x1x2x128xi32, #tpu.memory_space<hbm>> -> memref<2x128xi32, #tpu.memory_space<hbm>>
          %dma_start3A_96 = arith.constant 0 : i32
          %dma_start3A_97 = arith.constant 0 : i32
          %dma_start3A_98 = tpu.memref_slice %arg2[%add3A, %add3A_91, %dma_start3A_96, %dma_start3A_97] : memref<32x79x2x128xi32, #tpu.memory_space<hbm>> -> memref<1x1x2x128xi32, #tpu.memory_space<hbm>>
          %dma_start3A_99 = tpu.memref_squeeze %dma_start3A_98 : memref<1x1x2x128xi32, #tpu.memory_space<hbm>> -> memref<2x128xi32, #tpu.memory_space<hbm>>
          tpu.enqueue_dma source(%dma_start3A_99 : memref<2x128xi32, #tpu.memory_space<hbm>>) target(%arg7 : memref<2x128xi32, #tpu.memory_space<vmem>>) target_semaphore(%arg15 : memref<!tpu.dma_semaphore, #tpu.memory_space<semaphore_mem>>)
        } else {
        }
        %ge3A_79 = arith.constant 2 : i32
        %ge3A_80 = arith.cmpi sge, %scan3A_50, %ge3A_79 : i32
        %convert_element_type3A_81 = arith.extui %ge3A_80 : i1 to i32
        %cond3A_82 = arith.constant 0 : i32
        %cond3A_83 = arith.cmpi ne, %convert_element_type3A_81, %cond3A_82 : i32
        scf.if %cond3A_83 {
          %dma_wait3A_90 = arith.constant 0 : i32
          %dma_wait3A_91 = arith.constant 0 : i32
          %dma_wait3A_92 = tpu.memref_slice %arg2[%add3A, %scan3A_50, %dma_wait3A_90, %dma_wait3A_91] : memref<32x79x2x128xi32, #tpu.memory_space<hbm>> -> memref<1x1x2x128xi32, #tpu.memory_space<hbm>>
          %dma_wait3A_93 = tpu.memref_squeeze %dma_wait3A_92 : memref<1x1x2x128xi32, #tpu.memory_space<hbm>> -> memref<2x128xi32, #tpu.memory_space<hbm>>
          %dma_wait3A_94 = arith.constant 0 : i32
          %dma_wait3A_95 = arith.constant 0 : i32
          %dma_wait3A_96 = tpu.memref_slice %arg2[%add3A, %scan3A_50, %dma_wait3A_94, %dma_wait3A_95] : memref<32x79x2x128xi32, #tpu.memory_space<hbm>> -> memref<1x1x2x128xi32, #tpu.memory_space<hbm>>
          %dma_wait3A_97 = tpu.memref_squeeze %dma_wait3A_96 : memref<1x1x2x128xi32, #tpu.memory_space<hbm>> -> memref<2x128xi32, #tpu.memory_space<hbm>>
          tpu.wait_dma2 semaphore(%arg17 : memref<!tpu.dma_semaphore, #tpu.memory_space<semaphore_mem>>) src(%dma_wait3A_97 : memref<2x128xi32, #tpu.memory_space<hbm>>) dst(%arg9 : memref<2x128xi32, #tpu.memory_space<vmem>>)
        } else {
        }
        %dma_start3A = arith.constant 0 : i32
        %dma_start3A_84 = arith.constant 0 : i32
        %dma_start3A_85 = tpu.memref_slice %arg9[%dma_start3A, %dma_start3A_84] : memref<2x128xi32, #tpu.memory_space<vmem>> -> memref<1x128xi32, #tpu.memory_space<vmem>>
        %dma_start3A_86 = tpu.memref_squeeze %dma_start3A_85 : memref<1x128xi32, #tpu.memory_space<vmem>> -> memref<128xi32, #tpu.memory_space<vmem>>
        %dma_start3A_87 = arith.constant 0 : i32
        %dma_start3A_88 = arith.constant 0 : i32
        %dma_start3A_89 = tpu.memref_slice %arg12[%dma_start3A_87, %dma_start3A_88] : memref<10112x128xf32, #tpu.memory_space<vmem_shared>> -> memref<10112x128xf32, #tpu.memory_space<vmem_shared>>
        tpu.enqueue_indirect_dma source(%arg11 : memref<128x128xf32, #tpu.memory_space<vmem>>) target(%dma_start3A_89 : memref<10112x128xf32, #tpu.memory_space<vmem_shared>>) offsets(%dma_start3A_86 : memref<128xi32, #tpu.memory_space<vmem>>) semaphore(%arg13 : memref<!tpu.dma_semaphore, #tpu.memory_space<semaphore_mem>>) {add = true}
      } else {
      }
      %eq3A_64 = arith.constant 3 : i32
      %eq3A_65 = arith.cmpi eq, %rem3A_51, %eq3A_64 : i32
      %convert_element_type3A_66 = arith.extui %eq3A_65 : i1 to i32
      %cond3A_67 = arith.constant 0 : i32
      %cond3A_68 = arith.cmpi ne, %convert_element_type3A_66, %cond3A_67 : i32
      scf.if %cond3A_68 {
        %ge3A = arith.constant 2 : i32
        %ge3A_69 = arith.cmpi sge, %scan3A_50, %ge3A : i32
        %convert_element_type3A_70 = arith.extui %ge3A_69 : i1 to i32
        %cond3A_71 = arith.constant 0 : i32
        %cond3A_72 = arith.cmpi ne, %convert_element_type3A_70, %cond3A_71 : i32
        scf.if %cond3A_72 {
          %dma_wait3A_90 = arith.constant 0 : i32
          %dma_wait3A_91 = arith.constant 0 : i32
          %dma_wait3A_92 = tpu.memref_slice %arg8[%dma_wait3A_90, %dma_wait3A_91] : memref<2x128xi32, #tpu.memory_space<vmem>> -> memref<1x128xi32, #tpu.memory_space<vmem>>
          %dma_wait3A_93 = tpu.memref_squeeze %dma_wait3A_92 : memref<1x128xi32, #tpu.memory_space<vmem>> -> memref<128xi32, #tpu.memory_space<vmem>>
          %dma_wait3A_94 = arith.constant 0 : i32
          %dma_wait3A_95 = arith.constant 0 : i32
          %dma_wait3A_96 = tpu.memref_slice %arg12[%dma_wait3A_94, %dma_wait3A_95] : memref<10112x128xf32, #tpu.memory_space<vmem_shared>> -> memref<10112x128xf32, #tpu.memory_space<vmem_shared>>
          tpu.wait_indirect_dma semaphore(%arg14 : memref<!tpu.dma_semaphore, #tpu.memory_space<semaphore_mem>>) src(%arg11 : memref<128x128xf32, #tpu.memory_space<vmem>>) dst(%dma_wait3A_96 : memref<10112x128xf32, #tpu.memory_space<vmem_shared>>)
        } else {
        }
        %add3A_73 = arith.constant 2 : i32
        %add3A_74 = arith.addi %scan3A_50, %add3A_73 : i32
        %lt3A = arith.constant 79 : i32
        %lt3A_75 = arith.cmpi slt, %add3A_74, %lt3A : i32
        %convert_element_type3A_76 = arith.extui %lt3A_75 : i1 to i32
        %cond3A_77 = arith.constant 0 : i32
        %cond3A_78 = arith.cmpi ne, %convert_element_type3A_76, %cond3A_77 : i32
        scf.if %cond3A_78 {
          %add3A_90 = arith.constant 2 : i32
          %add3A_91 = arith.addi %scan3A_50, %add3A_90 : i32
          %dma_start3A_92 = arith.constant 0 : i32
          %dma_start3A_93 = arith.constant 0 : i32
          %dma_start3A_94 = tpu.memref_slice %arg2[%add3A, %add3A_91, %dma_start3A_92, %dma_start3A_93] : memref<32x79x2x128xi32, #tpu.memory_space<hbm>> -> memref<1x1x2x128xi32, #tpu.memory_space<hbm>>
          %dma_start3A_95 = tpu.memref_squeeze %dma_start3A_94 : memref<1x1x2x128xi32, #tpu.memory_space<hbm>> -> memref<2x128xi32, #tpu.memory_space<hbm>>
          %dma_start3A_96 = arith.constant 0 : i32
          %dma_start3A_97 = arith.constant 0 : i32
          %dma_start3A_98 = tpu.memref_slice %arg2[%add3A, %add3A_91, %dma_start3A_96, %dma_start3A_97] : memref<32x79x2x128xi32, #tpu.memory_space<hbm>> -> memref<1x1x2x128xi32, #tpu.memory_space<hbm>>
          %dma_start3A_99 = tpu.memref_squeeze %dma_start3A_98 : memref<1x1x2x128xi32, #tpu.memory_space<hbm>> -> memref<2x128xi32, #tpu.memory_space<hbm>>
          tpu.enqueue_dma source(%dma_start3A_99 : memref<2x128xi32, #tpu.memory_space<hbm>>) target(%arg8 : memref<2x128xi32, #tpu.memory_space<vmem>>) target_semaphore(%arg16 : memref<!tpu.dma_semaphore, #tpu.memory_space<semaphore_mem>>)
        } else {
        }
        %ge3A_79 = arith.constant 2 : i32
        %ge3A_80 = arith.cmpi sge, %scan3A_50, %ge3A_79 : i32
        %convert_element_type3A_81 = arith.extui %ge3A_80 : i1 to i32
        %cond3A_82 = arith.constant 0 : i32
        %cond3A_83 = arith.cmpi ne, %convert_element_type3A_81, %cond3A_82 : i32
        scf.if %cond3A_83 {
          %dma_wait3A_90 = arith.constant 0 : i32
          %dma_wait3A_91 = arith.constant 0 : i32
          %dma_wait3A_92 = tpu.memref_slice %arg2[%add3A, %scan3A_50, %dma_wait3A_90, %dma_wait3A_91] : memref<32x79x2x128xi32, #tpu.memory_space<hbm>> -> memref<1x1x2x128xi32, #tpu.memory_space<hbm>>
          %dma_wait3A_93 = tpu.memref_squeeze %dma_wait3A_92 : memref<1x1x2x128xi32, #tpu.memory_space<hbm>> -> memref<2x128xi32, #tpu.memory_space<hbm>>
          %dma_wait3A_94 = arith.constant 0 : i32
          %dma_wait3A_95 = arith.constant 0 : i32
          %dma_wait3A_96 = tpu.memref_slice %arg2[%add3A, %scan3A_50, %dma_wait3A_94, %dma_wait3A_95] : memref<32x79x2x128xi32, #tpu.memory_space<hbm>> -> memref<1x1x2x128xi32, #tpu.memory_space<hbm>>
          %dma_wait3A_97 = tpu.memref_squeeze %dma_wait3A_96 : memref<1x1x2x128xi32, #tpu.memory_space<hbm>> -> memref<2x128xi32, #tpu.memory_space<hbm>>
          tpu.wait_dma2 semaphore(%arg18 : memref<!tpu.dma_semaphore, #tpu.memory_space<semaphore_mem>>) src(%dma_wait3A_97 : memref<2x128xi32, #tpu.memory_space<hbm>>) dst(%arg10 : memref<2x128xi32, #tpu.memory_space<vmem>>)
        } else {
        }
        %dma_start3A = arith.constant 0 : i32
        %dma_start3A_84 = arith.constant 0 : i32
        %dma_start3A_85 = tpu.memref_slice %arg10[%dma_start3A, %dma_start3A_84] : memref<2x128xi32, #tpu.memory_space<vmem>> -> memref<1x128xi32, #tpu.memory_space<vmem>>
        %dma_start3A_86 = tpu.memref_squeeze %dma_start3A_85 : memref<1x128xi32, #tpu.memory_space<vmem>> -> memref<128xi32, #tpu.memory_space<vmem>>
        %dma_start3A_87 = arith.constant 0 : i32
        %dma_start3A_88 = arith.constant 0 : i32
        %dma_start3A_89 = tpu.memref_slice %arg12[%dma_start3A_87, %dma_start3A_88] : memref<10112x128xf32, #tpu.memory_space<vmem_shared>> -> memref<10112x128xf32, #tpu.memory_space<vmem_shared>>
        tpu.enqueue_indirect_dma source(%arg11 : memref<128x128xf32, #tpu.memory_space<vmem>>) target(%dma_start3A_89 : memref<10112x128xf32, #tpu.memory_space<vmem_shared>>) offsets(%dma_start3A_86 : memref<128xi32, #tpu.memory_space<vmem>>) semaphore(%arg14 : memref<!tpu.dma_semaphore, #tpu.memory_space<semaphore_mem>>) {add = true}
      } else {
      }
    }
    %scan3A_11 = arith.constant 79 : i32
    %dma_wait3A = arith.constant 0 : i32
    %dma_wait3A_12 = arith.constant 0 : i32
    %dma_wait3A_13 = tpu.memref_slice %arg7[%dma_wait3A, %dma_wait3A_12] : memref<2x128xi32, #tpu.memory_space<vmem>> -> memref<1x128xi32, #tpu.memory_space<vmem>>
    %dma_wait3A_14 = tpu.memref_squeeze %dma_wait3A_13 : memref<1x128xi32, #tpu.memory_space<vmem>> -> memref<128xi32, #tpu.memory_space<vmem>>
    %dma_wait3A_15 = arith.constant 0 : i32
    %dma_wait3A_16 = arith.constant 0 : i32
    %dma_wait3A_17 = tpu.memref_slice %arg12[%dma_wait3A_15, %dma_wait3A_16] : memref<10112x128xf32, #tpu.memory_space<vmem_shared>> -> memref<10112x128xf32, #tpu.memory_space<vmem_shared>>
    tpu.wait_indirect_dma semaphore(%arg13 : memref<!tpu.dma_semaphore, #tpu.memory_space<semaphore_mem>>) src(%arg11 : memref<128x128xf32, #tpu.memory_space<vmem>>) dst(%dma_wait3A_17 : memref<10112x128xf32, #tpu.memory_space<vmem_shared>>)
    %dma_wait3A_18 = arith.constant 0 : i32
    %dma_wait3A_19 = arith.constant 0 : i32
    %dma_wait3A_20 = tpu.memref_slice %arg8[%dma_wait3A_18, %dma_wait3A_19] : memref<2x128xi32, #tpu.memory_space<vmem>> -> memref<1x128xi32, #tpu.memory_space<vmem>>
    %dma_wait3A_21 = tpu.memref_squeeze %dma_wait3A_20 : memref<1x128xi32, #tpu.memory_space<vmem>> -> memref<128xi32, #tpu.memory_space<vmem>>
    %dma_wait3A_22 = arith.constant 0 : i32
    %dma_wait3A_23 = arith.constant 0 : i32
    %dma_wait3A_24 = tpu.memref_slice %arg12[%dma_wait3A_22, %dma_wait3A_23] : memref<10112x128xf32, #tpu.memory_space<vmem_shared>> -> memref<10112x128xf32, #tpu.memory_space<vmem_shared>>
    tpu.wait_indirect_dma semaphore(%arg14 : memref<!tpu.dma_semaphore, #tpu.memory_space<semaphore_mem>>) src(%arg11 : memref<128x128xf32, #tpu.memory_space<vmem>>) dst(%dma_wait3A_24 : memref<10112x128xf32, #tpu.memory_space<vmem_shared>>)
    %barrier3A_25 = arith.constant 0 : index
    tpu.barrier barrier_id(%barrier3A_25)
    "tpu.region"() ({
      %run_scoped3A_50 = tpu.sem_alloc : memref<!tpu.dma_semaphore, #tpu.memory_space<semaphore_mem>>
      %dma_start3A = arith.constant 0 : i32
      %dma_start3A_51 = tpu.memref_slice %arg5[%add3A_5, %dma_start3A] : memref<20224x128xf32, #tpu.memory_space<hbm>> -> memref<632x128xf32, #tpu.memory_space<hbm>>
      %dma_start3A_52 = arith.constant 0 : i32
      %dma_start3A_53 = tpu.memref_slice %arg12[%mul3A_2, %dma_start3A_52] : memref<10112x128xf32, #tpu.memory_space<vmem_shared>> -> memref<632x128xf32, #tpu.memory_space<vmem_shared>>
      tpu.enqueue_dma source(%dma_start3A_53 : memref<632x128xf32, #tpu.memory_space<vmem_shared>>) target(%dma_start3A_51 : memref<632x128xf32, #tpu.memory_space<hbm>>) target_semaphore(%run_scoped3A_50 : memref<!tpu.dma_semaphore, #tpu.memory_space<semaphore_mem>>)
      %dma_wait3A_54 = arith.constant 0 : i32
      %dma_wait3A_55 = tpu.memref_slice %arg5[%add3A_5, %dma_wait3A_54] : memref<20224x128xf32, #tpu.memory_space<hbm>> -> memref<632x128xf32, #tpu.memory_space<hbm>>
      %dma_wait3A_56 = arith.constant 0 : i32
      %dma_wait3A_57 = tpu.memref_slice %arg12[%mul3A_2, %dma_wait3A_56] : memref<10112x128xf32, #tpu.memory_space<vmem_shared>> -> memref<632x128xf32, #tpu.memory_space<vmem_shared>>
      tpu.wait_dma2 semaphore(%run_scoped3A_50 : memref<!tpu.dma_semaphore, #tpu.memory_space<semaphore_mem>>) src(%dma_wait3A_57 : memref<632x128xf32, #tpu.memory_space<vmem_shared>>) dst(%dma_wait3A_55 : memref<632x128xf32, #tpu.memory_space<hbm>>)
      tpu.yield
    }) : () -> ()
    "tpu.region"() ({
      %run_scoped3A_50 = tpu.sem_alloc : memref<!tpu.dma_semaphore, #tpu.memory_space<semaphore_mem>>
      %dma_start3A = arith.constant 0 : i32
      %dma_start3A_51 = tpu.memref_slice %arg12[%mul3A_2, %dma_start3A] : memref<10112x128xf32, #tpu.memory_space<vmem_shared>> -> memref<632x128xf32, #tpu.memory_space<vmem_shared>>
      %dma_start3A_52 = arith.constant 0 : i32
      %dma_start3A_53 = tpu.memref_slice %arg3[%mul3A_2, %dma_start3A_52] : memref<10112x128xf32, #tpu.memory_space<hbm>> -> memref<632x128xf32, #tpu.memory_space<hbm>>
      tpu.enqueue_dma source(%dma_start3A_53 : memref<632x128xf32, #tpu.memory_space<hbm>>) target(%dma_start3A_51 : memref<632x128xf32, #tpu.memory_space<vmem_shared>>) target_semaphore(%run_scoped3A_50 : memref<!tpu.dma_semaphore, #tpu.memory_space<semaphore_mem>>)
      %dma_wait3A_54 = arith.constant 0 : i32
      %dma_wait3A_55 = tpu.memref_slice %arg12[%mul3A_2, %dma_wait3A_54] : memref<10112x128xf32, #tpu.memory_space<vmem_shared>> -> memref<632x128xf32, #tpu.memory_space<vmem_shared>>
      %dma_wait3A_56 = arith.constant 0 : i32
      %dma_wait3A_57 = tpu.memref_slice %arg3[%mul3A_2, %dma_wait3A_56] : memref<10112x128xf32, #tpu.memory_space<hbm>> -> memref<632x128xf32, #tpu.memory_space<hbm>>
      tpu.wait_dma2 semaphore(%run_scoped3A_50 : memref<!tpu.dma_semaphore, #tpu.memory_space<semaphore_mem>>) src(%dma_wait3A_57 : memref<632x128xf32, #tpu.memory_space<hbm>>) dst(%dma_wait3A_55 : memref<632x128xf32, #tpu.memory_space<vmem_shared>>)
      tpu.yield
    }) : () -> ()
    %run_scoped3A_26 = arith.constant 0 : i32
    "tpu.region"() ({
      %run_scoped3A_50 = tpu.sem_alloc : memref<!tpu.dma_semaphore, #tpu.memory_space<semaphore_mem>>
      %dma_start3A = arith.constant 0 : i32
      %dma_start3A_51 = arith.constant 0 : i32
      %dma_start3A_52 = tpu.memref_slice %arg2[%add3A, %run_scoped3A_26, %dma_start3A, %dma_start3A_51] : memref<32x79x2x128xi32, #tpu.memory_space<hbm>> -> memref<1x1x2x128xi32, #tpu.memory_space<hbm>>
      %dma_start3A_53 = tpu.memref_squeeze %dma_start3A_52 : memref<1x1x2x128xi32, #tpu.memory_space<hbm>> -> memref<2x128xi32, #tpu.memory_space<hbm>>
      %dma_start3A_54 = arith.constant 0 : i32
      %dma_start3A_55 = arith.constant 0 : i32
      %dma_start3A_56 = tpu.memref_slice %arg2[%add3A, %run_scoped3A_26, %dma_start3A_54, %dma_start3A_55] : memref<32x79x2x128xi32, #tpu.memory_space<hbm>> -> memref<1x1x2x128xi32, #tpu.memory_space<hbm>>
      %dma_start3A_57 = tpu.memref_squeeze %dma_start3A_56 : memref<1x1x2x128xi32, #tpu.memory_space<hbm>> -> memref<2x128xi32, #tpu.memory_space<hbm>>
      tpu.enqueue_dma source(%dma_start3A_57 : memref<2x128xi32, #tpu.memory_space<hbm>>) target(%arg7 : memref<2x128xi32, #tpu.memory_space<vmem>>) target_semaphore(%run_scoped3A_50 : memref<!tpu.dma_semaphore, #tpu.memory_space<semaphore_mem>>)
      %dma_wait3A_58 = arith.constant 0 : i32
      %dma_wait3A_59 = arith.constant 0 : i32
      %dma_wait3A_60 = tpu.memref_slice %arg2[%add3A, %run_scoped3A_26, %dma_wait3A_58, %dma_wait3A_59] : memref<32x79x2x128xi32, #tpu.memory_space<hbm>> -> memref<1x1x2x128xi32, #tpu.memory_space<hbm>>
      %dma_wait3A_61 = tpu.memref_squeeze %dma_wait3A_60 : memref<1x1x2x128xi32, #tpu.memory_space<hbm>> -> memref<2x128xi32, #tpu.memory_space<hbm>>
      %dma_wait3A_62 = arith.constant 0 : i32
      %dma_wait3A_63 = arith.constant 0 : i32
      %dma_wait3A_64 = tpu.memref_slice %arg2[%add3A, %run_scoped3A_26, %dma_wait3A_62, %dma_wait3A_63] : memref<32x79x2x128xi32, #tpu.memory_space<hbm>> -> memref<1x1x2x128xi32, #tpu.memory_space<hbm>>
      %dma_wait3A_65 = tpu.memref_squeeze %dma_wait3A_64 : memref<1x1x2x128xi32, #tpu.memory_space<hbm>> -> memref<2x128xi32, #tpu.memory_space<hbm>>
      tpu.wait_dma2 semaphore(%run_scoped3A_50 : memref<!tpu.dma_semaphore, #tpu.memory_space<semaphore_mem>>) src(%dma_wait3A_65 : memref<2x128xi32, #tpu.memory_space<hbm>>) dst(%arg7 : memref<2x128xi32, #tpu.memory_space<vmem>>)
      tpu.yield
    }) : () -> ()
    %run_scoped3A_27 = arith.constant 1 : i32
    "tpu.region"() ({
      %run_scoped3A_50 = tpu.sem_alloc : memref<!tpu.dma_semaphore, #tpu.memory_space<semaphore_mem>>
      %dma_start3A = arith.constant 0 : i32
      %dma_start3A_51 = arith.constant 0 : i32
      %dma_start3A_52 = tpu.memref_slice %arg2[%add3A, %run_scoped3A_27, %dma_start3A, %dma_start3A_51] : memref<32x79x2x128xi32, #tpu.memory_space<hbm>> -> memref<1x1x2x128xi32, #tpu.memory_space<hbm>>
      %dma_start3A_53 = tpu.memref_squeeze %dma_start3A_52 : memref<1x1x2x128xi32, #tpu.memory_space<hbm>> -> memref<2x128xi32, #tpu.memory_space<hbm>>
      %dma_start3A_54 = arith.constant 0 : i32
      %dma_start3A_55 = arith.constant 0 : i32
      %dma_start3A_56 = tpu.memref_slice %arg2[%add3A, %run_scoped3A_27, %dma_start3A_54, %dma_start3A_55] : memref<32x79x2x128xi32, #tpu.memory_space<hbm>> -> memref<1x1x2x128xi32, #tpu.memory_space<hbm>>
      %dma_start3A_57 = tpu.memref_squeeze %dma_start3A_56 : memref<1x1x2x128xi32, #tpu.memory_space<hbm>> -> memref<2x128xi32, #tpu.memory_space<hbm>>
      tpu.enqueue_dma source(%dma_start3A_57 : memref<2x128xi32, #tpu.memory_space<hbm>>) target(%arg8 : memref<2x128xi32, #tpu.memory_space<vmem>>) target_semaphore(%run_scoped3A_50 : memref<!tpu.dma_semaphore, #tpu.memory_space<semaphore_mem>>)
      %dma_wait3A_58 = arith.constant 0 : i32
      %dma_wait3A_59 = arith.constant 0 : i32
      %dma_wait3A_60 = tpu.memref_slice %arg2[%add3A, %run_scoped3A_27, %dma_wait3A_58, %dma_wait3A_59] : memref<32x79x2x128xi32, #tpu.memory_space<hbm>> -> memref<1x1x2x128xi32, #tpu.memory_space<hbm>>
      %dma_wait3A_61 = tpu.memref_squeeze %dma_wait3A_60 : memref<1x1x2x128xi32, #tpu.memory_space<hbm>> -> memref<2x128xi32, #tpu.memory_space<hbm>>
      %dma_wait3A_62 = arith.constant 0 : i32
      %dma_wait3A_63 = arith.constant 0 : i32
      %dma_wait3A_64 = tpu.memref_slice %arg2[%add3A, %run_scoped3A_27, %dma_wait3A_62, %dma_wait3A_63] : memref<32x79x2x128xi32, #tpu.memory_space<hbm>> -> memref<1x1x2x128xi32, #tpu.memory_space<hbm>>
      %dma_wait3A_65 = tpu.memref_squeeze %dma_wait3A_64 : memref<1x1x2x128xi32, #tpu.memory_space<hbm>> -> memref<2x128xi32, #tpu.memory_space<hbm>>
      tpu.wait_dma2 semaphore(%run_scoped3A_50 : memref<!tpu.dma_semaphore, #tpu.memory_space<semaphore_mem>>) src(%dma_wait3A_65 : memref<2x128xi32, #tpu.memory_space<hbm>>) dst(%arg8 : memref<2x128xi32, #tpu.memory_space<vmem>>)
      tpu.yield
    }) : () -> ()
    %barrier3A_28 = arith.constant 0 : index
    tpu.barrier barrier_id(%barrier3A_28)
    %scan3A_29 = arith.constant 0 : i32
    %scan3A_30 = arith.constant 0 : i32
    %scan3A_31 = arith.constant 79 : i32
    %scan3A_32 = arith.addi %scan3A_30, %scan3A_31 : i32
    %scan3A_33 = arith.constant 1 : i32
    scf.for %scan3A_50 = %scan3A_30 to %scan3A_32 step %scan3A_33  : i32 {
      %rem3A = arith.constant 4 : i32
      %rem3A_51 = arith.remsi %scan3A_50, %rem3A : i32
      %eq3A = arith.constant 0 : i32
      %eq3A_52 = arith.cmpi eq, %rem3A_51, %eq3A : i32
      %convert_element_type3A = arith.extui %eq3A_52 : i1 to i32
      %cond3A = arith.constant 0 : i32
      %cond3A_53 = arith.cmpi ne, %convert_element_type3A, %cond3A : i32
      scf.if %cond3A_53 {
        %ge3A = arith.constant 2 : i32
        %ge3A_69 = arith.cmpi sge, %scan3A_50, %ge3A : i32
        %convert_element_type3A_70 = arith.extui %ge3A_69 : i1 to i32
        %cond3A_71 = arith.constant 0 : i32
        %cond3A_72 = arith.cmpi ne, %convert_element_type3A_70, %cond3A_71 : i32
        scf.if %cond3A_72 {
          %dma_wait3A_90 = arith.constant 1 : i32
          %dma_wait3A_91 = arith.constant 0 : i32
          %dma_wait3A_92 = tpu.memref_slice %arg9[%dma_wait3A_90, %dma_wait3A_91] : memref<2x128xi32, #tpu.memory_space<vmem>> -> memref<1x128xi32, #tpu.memory_space<vmem>>
          %dma_wait3A_93 = tpu.memref_squeeze %dma_wait3A_92 : memref<1x128xi32, #tpu.memory_space<vmem>> -> memref<128xi32, #tpu.memory_space<vmem>>
          %dma_wait3A_94 = arith.constant 0 : i32
          %dma_wait3A_95 = arith.constant 0 : i32
          %dma_wait3A_96 = tpu.memref_slice %arg12[%dma_wait3A_94, %dma_wait3A_95] : memref<10112x128xf32, #tpu.memory_space<vmem_shared>> -> memref<10112x128xf32, #tpu.memory_space<vmem_shared>>
          tpu.wait_indirect_dma semaphore(%arg13 : memref<!tpu.dma_semaphore, #tpu.memory_space<semaphore_mem>>) src(%arg11 : memref<128x128xf32, #tpu.memory_space<vmem>>) dst(%dma_wait3A_96 : memref<10112x128xf32, #tpu.memory_space<vmem_shared>>)
        } else {
        }
        %add3A_73 = arith.constant 2 : i32
        %add3A_74 = arith.addi %scan3A_50, %add3A_73 : i32
        %lt3A = arith.constant 79 : i32
        %lt3A_75 = arith.cmpi slt, %add3A_74, %lt3A : i32
        %convert_element_type3A_76 = arith.extui %lt3A_75 : i1 to i32
        %cond3A_77 = arith.constant 0 : i32
        %cond3A_78 = arith.cmpi ne, %convert_element_type3A_76, %cond3A_77 : i32
        scf.if %cond3A_78 {
          %add3A_90 = arith.constant 2 : i32
          %add3A_91 = arith.addi %scan3A_50, %add3A_90 : i32
          %dma_start3A_92 = arith.constant 0 : i32
          %dma_start3A_93 = arith.constant 0 : i32
          %dma_start3A_94 = tpu.memref_slice %arg2[%add3A, %add3A_91, %dma_start3A_92, %dma_start3A_93] : memref<32x79x2x128xi32, #tpu.memory_space<hbm>> -> memref<1x1x2x128xi32, #tpu.memory_space<hbm>>
          %dma_start3A_95 = tpu.memref_squeeze %dma_start3A_94 : memref<1x1x2x128xi32, #tpu.memory_space<hbm>> -> memref<2x128xi32, #tpu.memory_space<hbm>>
          %dma_start3A_96 = arith.constant 0 : i32
          %dma_start3A_97 = arith.constant 0 : i32
          %dma_start3A_98 = tpu.memref_slice %arg2[%add3A, %add3A_91, %dma_start3A_96, %dma_start3A_97] : memref<32x79x2x128xi32, #tpu.memory_space<hbm>> -> memref<1x1x2x128xi32, #tpu.memory_space<hbm>>
          %dma_start3A_99 = tpu.memref_squeeze %dma_start3A_98 : memref<1x1x2x128xi32, #tpu.memory_space<hbm>> -> memref<2x128xi32, #tpu.memory_space<hbm>>
          tpu.enqueue_dma source(%dma_start3A_99 : memref<2x128xi32, #tpu.memory_space<hbm>>) target(%arg9 : memref<2x128xi32, #tpu.memory_space<vmem>>) target_semaphore(%arg17 : memref<!tpu.dma_semaphore, #tpu.memory_space<semaphore_mem>>)
        } else {
        }
        %ge3A_79 = arith.constant 2 : i32
        %ge3A_80 = arith.cmpi sge, %scan3A_50, %ge3A_79 : i32
        %convert_element_type3A_81 = arith.extui %ge3A_80 : i1 to i32
        %cond3A_82 = arith.constant 0 : i32
        %cond3A_83 = arith.cmpi ne, %convert_element_type3A_81, %cond3A_82 : i32
        scf.if %cond3A_83 {
          %dma_wait3A_90 = arith.constant 0 : i32
          %dma_wait3A_91 = arith.constant 0 : i32
          %dma_wait3A_92 = tpu.memref_slice %arg2[%add3A, %scan3A_50, %dma_wait3A_90, %dma_wait3A_91] : memref<32x79x2x128xi32, #tpu.memory_space<hbm>> -> memref<1x1x2x128xi32, #tpu.memory_space<hbm>>
          %dma_wait3A_93 = tpu.memref_squeeze %dma_wait3A_92 : memref<1x1x2x128xi32, #tpu.memory_space<hbm>> -> memref<2x128xi32, #tpu.memory_space<hbm>>
          %dma_wait3A_94 = arith.constant 0 : i32
          %dma_wait3A_95 = arith.constant 0 : i32
          %dma_wait3A_96 = tpu.memref_slice %arg2[%add3A, %scan3A_50, %dma_wait3A_94, %dma_wait3A_95] : memref<32x79x2x128xi32, #tpu.memory_space<hbm>> -> memref<1x1x2x128xi32, #tpu.memory_space<hbm>>
          %dma_wait3A_97 = tpu.memref_squeeze %dma_wait3A_96 : memref<1x1x2x128xi32, #tpu.memory_space<hbm>> -> memref<2x128xi32, #tpu.memory_space<hbm>>
          tpu.wait_dma2 semaphore(%arg15 : memref<!tpu.dma_semaphore, #tpu.memory_space<semaphore_mem>>) src(%dma_wait3A_97 : memref<2x128xi32, #tpu.memory_space<hbm>>) dst(%arg7 : memref<2x128xi32, #tpu.memory_space<vmem>>)
        } else {
        }
        %dma_start3A = arith.constant 1 : i32
        %dma_start3A_84 = arith.constant 0 : i32
        %dma_start3A_85 = tpu.memref_slice %arg7[%dma_start3A, %dma_start3A_84] : memref<2x128xi32, #tpu.memory_space<vmem>> -> memref<1x128xi32, #tpu.memory_space<vmem>>
        %dma_start3A_86 = tpu.memref_squeeze %dma_start3A_85 : memref<1x128xi32, #tpu.memory_space<vmem>> -> memref<128xi32, #tpu.memory_space<vmem>>
        %dma_start3A_87 = arith.constant 0 : i32
        %dma_start3A_88 = arith.constant 0 : i32
        %dma_start3A_89 = tpu.memref_slice %arg12[%dma_start3A_87, %dma_start3A_88] : memref<10112x128xf32, #tpu.memory_space<vmem_shared>> -> memref<10112x128xf32, #tpu.memory_space<vmem_shared>>
        tpu.enqueue_indirect_dma source(%arg11 : memref<128x128xf32, #tpu.memory_space<vmem>>) target(%dma_start3A_89 : memref<10112x128xf32, #tpu.memory_space<vmem_shared>>) offsets(%dma_start3A_86 : memref<128xi32, #tpu.memory_space<vmem>>) semaphore(%arg13 : memref<!tpu.dma_semaphore, #tpu.memory_space<semaphore_mem>>) {add = true}
      } else {
      }
      %eq3A_54 = arith.constant 1 : i32
      %eq3A_55 = arith.cmpi eq, %rem3A_51, %eq3A_54 : i32
      %convert_element_type3A_56 = arith.extui %eq3A_55 : i1 to i32
      %cond3A_57 = arith.constant 0 : i32
      %cond3A_58 = arith.cmpi ne, %convert_element_type3A_56, %cond3A_57 : i32
      scf.if %cond3A_58 {
        %ge3A = arith.constant 2 : i32
        %ge3A_69 = arith.cmpi sge, %scan3A_50, %ge3A : i32
        %convert_element_type3A_70 = arith.extui %ge3A_69 : i1 to i32
        %cond3A_71 = arith.constant 0 : i32
        %cond3A_72 = arith.cmpi ne, %convert_element_type3A_70, %cond3A_71 : i32
        scf.if %cond3A_72 {
          %dma_wait3A_90 = arith.constant 1 : i32
          %dma_wait3A_91 = arith.constant 0 : i32
          %dma_wait3A_92 = tpu.memref_slice %arg10[%dma_wait3A_90, %dma_wait3A_91] : memref<2x128xi32, #tpu.memory_space<vmem>> -> memref<1x128xi32, #tpu.memory_space<vmem>>
          %dma_wait3A_93 = tpu.memref_squeeze %dma_wait3A_92 : memref<1x128xi32, #tpu.memory_space<vmem>> -> memref<128xi32, #tpu.memory_space<vmem>>
          %dma_wait3A_94 = arith.constant 0 : i32
          %dma_wait3A_95 = arith.constant 0 : i32
          %dma_wait3A_96 = tpu.memref_slice %arg12[%dma_wait3A_94, %dma_wait3A_95] : memref<10112x128xf32, #tpu.memory_space<vmem_shared>> -> memref<10112x128xf32, #tpu.memory_space<vmem_shared>>
          tpu.wait_indirect_dma semaphore(%arg14 : memref<!tpu.dma_semaphore, #tpu.memory_space<semaphore_mem>>) src(%arg11 : memref<128x128xf32, #tpu.memory_space<vmem>>) dst(%dma_wait3A_96 : memref<10112x128xf32, #tpu.memory_space<vmem_shared>>)
        } else {
        }
        %add3A_73 = arith.constant 2 : i32
        %add3A_74 = arith.addi %scan3A_50, %add3A_73 : i32
        %lt3A = arith.constant 79 : i32
        %lt3A_75 = arith.cmpi slt, %add3A_74, %lt3A : i32
        %convert_element_type3A_76 = arith.extui %lt3A_75 : i1 to i32
        %cond3A_77 = arith.constant 0 : i32
        %cond3A_78 = arith.cmpi ne, %convert_element_type3A_76, %cond3A_77 : i32
        scf.if %cond3A_78 {
          %add3A_90 = arith.constant 2 : i32
          %add3A_91 = arith.addi %scan3A_50, %add3A_90 : i32
          %dma_start3A_92 = arith.constant 0 : i32
          %dma_start3A_93 = arith.constant 0 : i32
          %dma_start3A_94 = tpu.memref_slice %arg2[%add3A, %add3A_91, %dma_start3A_92, %dma_start3A_93] : memref<32x79x2x128xi32, #tpu.memory_space<hbm>> -> memref<1x1x2x128xi32, #tpu.memory_space<hbm>>
          %dma_start3A_95 = tpu.memref_squeeze %dma_start3A_94 : memref<1x1x2x128xi32, #tpu.memory_space<hbm>> -> memref<2x128xi32, #tpu.memory_space<hbm>>
          %dma_start3A_96 = arith.constant 0 : i32
          %dma_start3A_97 = arith.constant 0 : i32
          %dma_start3A_98 = tpu.memref_slice %arg2[%add3A, %add3A_91, %dma_start3A_96, %dma_start3A_97] : memref<32x79x2x128xi32, #tpu.memory_space<hbm>> -> memref<1x1x2x128xi32, #tpu.memory_space<hbm>>
          %dma_start3A_99 = tpu.memref_squeeze %dma_start3A_98 : memref<1x1x2x128xi32, #tpu.memory_space<hbm>> -> memref<2x128xi32, #tpu.memory_space<hbm>>
          tpu.enqueue_dma source(%dma_start3A_99 : memref<2x128xi32, #tpu.memory_space<hbm>>) target(%arg10 : memref<2x128xi32, #tpu.memory_space<vmem>>) target_semaphore(%arg18 : memref<!tpu.dma_semaphore, #tpu.memory_space<semaphore_mem>>)
        } else {
        }
        %ge3A_79 = arith.constant 2 : i32
        %ge3A_80 = arith.cmpi sge, %scan3A_50, %ge3A_79 : i32
        %convert_element_type3A_81 = arith.extui %ge3A_80 : i1 to i32
        %cond3A_82 = arith.constant 0 : i32
        %cond3A_83 = arith.cmpi ne, %convert_element_type3A_81, %cond3A_82 : i32
        scf.if %cond3A_83 {
          %dma_wait3A_90 = arith.constant 0 : i32
          %dma_wait3A_91 = arith.constant 0 : i32
          %dma_wait3A_92 = tpu.memref_slice %arg2[%add3A, %scan3A_50, %dma_wait3A_90, %dma_wait3A_91] : memref<32x79x2x128xi32, #tpu.memory_space<hbm>> -> memref<1x1x2x128xi32, #tpu.memory_space<hbm>>
          %dma_wait3A_93 = tpu.memref_squeeze %dma_wait3A_92 : memref<1x1x2x128xi32, #tpu.memory_space<hbm>> -> memref<2x128xi32, #tpu.memory_space<hbm>>
          %dma_wait3A_94 = arith.constant 0 : i32
          %dma_wait3A_95 = arith.constant 0 : i32
          %dma_wait3A_96 = tpu.memref_slice %arg2[%add3A, %scan3A_50, %dma_wait3A_94, %dma_wait3A_95] : memref<32x79x2x128xi32, #tpu.memory_space<hbm>> -> memref<1x1x2x128xi32, #tpu.memory_space<hbm>>
          %dma_wait3A_97 = tpu.memref_squeeze %dma_wait3A_96 : memref<1x1x2x128xi32, #tpu.memory_space<hbm>> -> memref<2x128xi32, #tpu.memory_space<hbm>>
          tpu.wait_dma2 semaphore(%arg16 : memref<!tpu.dma_semaphore, #tpu.memory_space<semaphore_mem>>) src(%dma_wait3A_97 : memref<2x128xi32, #tpu.memory_space<hbm>>) dst(%arg8 : memref<2x128xi32, #tpu.memory_space<vmem>>)
        } else {
        }
        %dma_start3A = arith.constant 1 : i32
        %dma_start3A_84 = arith.constant 0 : i32
        %dma_start3A_85 = tpu.memref_slice %arg8[%dma_start3A, %dma_start3A_84] : memref<2x128xi32, #tpu.memory_space<vmem>> -> memref<1x128xi32, #tpu.memory_space<vmem>>
        %dma_start3A_86 = tpu.memref_squeeze %dma_start3A_85 : memref<1x128xi32, #tpu.memory_space<vmem>> -> memref<128xi32, #tpu.memory_space<vmem>>
        %dma_start3A_87 = arith.constant 0 : i32
        %dma_start3A_88 = arith.constant 0 : i32
        %dma_start3A_89 = tpu.memref_slice %arg12[%dma_start3A_87, %dma_start3A_88] : memref<10112x128xf32, #tpu.memory_space<vmem_shared>> -> memref<10112x128xf32, #tpu.memory_space<vmem_shared>>
        tpu.enqueue_indirect_dma source(%arg11 : memref<128x128xf32, #tpu.memory_space<vmem>>) target(%dma_start3A_89 : memref<10112x128xf32, #tpu.memory_space<vmem_shared>>) offsets(%dma_start3A_86 : memref<128xi32, #tpu.memory_space<vmem>>) semaphore(%arg14 : memref<!tpu.dma_semaphore, #tpu.memory_space<semaphore_mem>>) {add = true}
      } else {
      }
      %eq3A_59 = arith.constant 2 : i32
      %eq3A_60 = arith.cmpi eq, %rem3A_51, %eq3A_59 : i32
      %convert_element_type3A_61 = arith.extui %eq3A_60 : i1 to i32
      %cond3A_62 = arith.constant 0 : i32
      %cond3A_63 = arith.cmpi ne, %convert_element_type3A_61, %cond3A_62 : i32
      scf.if %cond3A_63 {
        %ge3A = arith.constant 2 : i32
        %ge3A_69 = arith.cmpi sge, %scan3A_50, %ge3A : i32
        %convert_element_type3A_70 = arith.extui %ge3A_69 : i1 to i32
        %cond3A_71 = arith.constant 0 : i32
        %cond3A_72 = arith.cmpi ne, %convert_element_type3A_70, %cond3A_71 : i32
        scf.if %cond3A_72 {
          %dma_wait3A_90 = arith.constant 1 : i32
          %dma_wait3A_91 = arith.constant 0 : i32
          %dma_wait3A_92 = tpu.memref_slice %arg7[%dma_wait3A_90, %dma_wait3A_91] : memref<2x128xi32, #tpu.memory_space<vmem>> -> memref<1x128xi32, #tpu.memory_space<vmem>>
          %dma_wait3A_93 = tpu.memref_squeeze %dma_wait3A_92 : memref<1x128xi32, #tpu.memory_space<vmem>> -> memref<128xi32, #tpu.memory_space<vmem>>
          %dma_wait3A_94 = arith.constant 0 : i32
          %dma_wait3A_95 = arith.constant 0 : i32
          %dma_wait3A_96 = tpu.memref_slice %arg12[%dma_wait3A_94, %dma_wait3A_95] : memref<10112x128xf32, #tpu.memory_space<vmem_shared>> -> memref<10112x128xf32, #tpu.memory_space<vmem_shared>>
          tpu.wait_indirect_dma semaphore(%arg13 : memref<!tpu.dma_semaphore, #tpu.memory_space<semaphore_mem>>) src(%arg11 : memref<128x128xf32, #tpu.memory_space<vmem>>) dst(%dma_wait3A_96 : memref<10112x128xf32, #tpu.memory_space<vmem_shared>>)
        } else {
        }
        %add3A_73 = arith.constant 2 : i32
        %add3A_74 = arith.addi %scan3A_50, %add3A_73 : i32
        %lt3A = arith.constant 79 : i32
        %lt3A_75 = arith.cmpi slt, %add3A_74, %lt3A : i32
        %convert_element_type3A_76 = arith.extui %lt3A_75 : i1 to i32
        %cond3A_77 = arith.constant 0 : i32
        %cond3A_78 = arith.cmpi ne, %convert_element_type3A_76, %cond3A_77 : i32
        scf.if %cond3A_78 {
          %add3A_90 = arith.constant 2 : i32
          %add3A_91 = arith.addi %scan3A_50, %add3A_90 : i32
          %dma_start3A_92 = arith.constant 0 : i32
          %dma_start3A_93 = arith.constant 0 : i32
          %dma_start3A_94 = tpu.memref_slice %arg2[%add3A, %add3A_91, %dma_start3A_92, %dma_start3A_93] : memref<32x79x2x128xi32, #tpu.memory_space<hbm>> -> memref<1x1x2x128xi32, #tpu.memory_space<hbm>>
          %dma_start3A_95 = tpu.memref_squeeze %dma_start3A_94 : memref<1x1x2x128xi32, #tpu.memory_space<hbm>> -> memref<2x128xi32, #tpu.memory_space<hbm>>
          %dma_start3A_96 = arith.constant 0 : i32
          %dma_start3A_97 = arith.constant 0 : i32
          %dma_start3A_98 = tpu.memref_slice %arg2[%add3A, %add3A_91, %dma_start3A_96, %dma_start3A_97] : memref<32x79x2x128xi32, #tpu.memory_space<hbm>> -> memref<1x1x2x128xi32, #tpu.memory_space<hbm>>
          %dma_start3A_99 = tpu.memref_squeeze %dma_start3A_98 : memref<1x1x2x128xi32, #tpu.memory_space<hbm>> -> memref<2x128xi32, #tpu.memory_space<hbm>>
          tpu.enqueue_dma source(%dma_start3A_99 : memref<2x128xi32, #tpu.memory_space<hbm>>) target(%arg7 : memref<2x128xi32, #tpu.memory_space<vmem>>) target_semaphore(%arg15 : memref<!tpu.dma_semaphore, #tpu.memory_space<semaphore_mem>>)
        } else {
        }
        %ge3A_79 = arith.constant 2 : i32
        %ge3A_80 = arith.cmpi sge, %scan3A_50, %ge3A_79 : i32
        %convert_element_type3A_81 = arith.extui %ge3A_80 : i1 to i32
        %cond3A_82 = arith.constant 0 : i32
        %cond3A_83 = arith.cmpi ne, %convert_element_type3A_81, %cond3A_82 : i32
        scf.if %cond3A_83 {
          %dma_wait3A_90 = arith.constant 0 : i32
          %dma_wait3A_91 = arith.constant 0 : i32
          %dma_wait3A_92 = tpu.memref_slice %arg2[%add3A, %scan3A_50, %dma_wait3A_90, %dma_wait3A_91] : memref<32x79x2x128xi32, #tpu.memory_space<hbm>> -> memref<1x1x2x128xi32, #tpu.memory_space<hbm>>
          %dma_wait3A_93 = tpu.memref_squeeze %dma_wait3A_92 : memref<1x1x2x128xi32, #tpu.memory_space<hbm>> -> memref<2x128xi32, #tpu.memory_space<hbm>>
          %dma_wait3A_94 = arith.constant 0 : i32
          %dma_wait3A_95 = arith.constant 0 : i32
          %dma_wait3A_96 = tpu.memref_slice %arg2[%add3A, %scan3A_50, %dma_wait3A_94, %dma_wait3A_95] : memref<32x79x2x128xi32, #tpu.memory_space<hbm>> -> memref<1x1x2x128xi32, #tpu.memory_space<hbm>>
          %dma_wait3A_97 = tpu.memref_squeeze %dma_wait3A_96 : memref<1x1x2x128xi32, #tpu.memory_space<hbm>> -> memref<2x128xi32, #tpu.memory_space<hbm>>
          tpu.wait_dma2 semaphore(%arg17 : memref<!tpu.dma_semaphore, #tpu.memory_space<semaphore_mem>>) src(%dma_wait3A_97 : memref<2x128xi32, #tpu.memory_space<hbm>>) dst(%arg9 : memref<2x128xi32, #tpu.memory_space<vmem>>)
        } else {
        }
        %dma_start3A = arith.constant 1 : i32
        %dma_start3A_84 = arith.constant 0 : i32
        %dma_start3A_85 = tpu.memref_slice %arg9[%dma_start3A, %dma_start3A_84] : memref<2x128xi32, #tpu.memory_space<vmem>> -> memref<1x128xi32, #tpu.memory_space<vmem>>
        %dma_start3A_86 = tpu.memref_squeeze %dma_start3A_85 : memref<1x128xi32, #tpu.memory_space<vmem>> -> memref<128xi32, #tpu.memory_space<vmem>>
        %dma_start3A_87 = arith.constant 0 : i32
        %dma_start3A_88 = arith.constant 0 : i32
        %dma_start3A_89 = tpu.memref_slice %arg12[%dma_start3A_87, %dma_start3A_88] : memref<10112x128xf32, #tpu.memory_space<vmem_shared>> -> memref<10112x128xf32, #tpu.memory_space<vmem_shared>>
        tpu.enqueue_indirect_dma source(%arg11 : memref<128x128xf32, #tpu.memory_space<vmem>>) target(%dma_start3A_89 : memref<10112x128xf32, #tpu.memory_space<vmem_shared>>) offsets(%dma_start3A_86 : memref<128xi32, #tpu.memory_space<vmem>>) semaphore(%arg13 : memref<!tpu.dma_semaphore, #tpu.memory_space<semaphore_mem>>) {add = true}
      } else {
      }
      %eq3A_64 = arith.constant 3 : i32
      %eq3A_65 = arith.cmpi eq, %rem3A_51, %eq3A_64 : i32
      %convert_element_type3A_66 = arith.extui %eq3A_65 : i1 to i32
      %cond3A_67 = arith.constant 0 : i32
      %cond3A_68 = arith.cmpi ne, %convert_element_type3A_66, %cond3A_67 : i32
      scf.if %cond3A_68 {
        %ge3A = arith.constant 2 : i32
        %ge3A_69 = arith.cmpi sge, %scan3A_50, %ge3A : i32
        %convert_element_type3A_70 = arith.extui %ge3A_69 : i1 to i32
        %cond3A_71 = arith.constant 0 : i32
        %cond3A_72 = arith.cmpi ne, %convert_element_type3A_70, %cond3A_71 : i32
        scf.if %cond3A_72 {
          %dma_wait3A_90 = arith.constant 1 : i32
          %dma_wait3A_91 = arith.constant 0 : i32
          %dma_wait3A_92 = tpu.memref_slice %arg8[%dma_wait3A_90, %dma_wait3A_91] : memref<2x128xi32, #tpu.memory_space<vmem>> -> memref<1x128xi32, #tpu.memory_space<vmem>>
          %dma_wait3A_93 = tpu.memref_squeeze %dma_wait3A_92 : memref<1x128xi32, #tpu.memory_space<vmem>> -> memref<128xi32, #tpu.memory_space<vmem>>
          %dma_wait3A_94 = arith.constant 0 : i32
          %dma_wait3A_95 = arith.constant 0 : i32
          %dma_wait3A_96 = tpu.memref_slice %arg12[%dma_wait3A_94, %dma_wait3A_95] : memref<10112x128xf32, #tpu.memory_space<vmem_shared>> -> memref<10112x128xf32, #tpu.memory_space<vmem_shared>>
          tpu.wait_indirect_dma semaphore(%arg14 : memref<!tpu.dma_semaphore, #tpu.memory_space<semaphore_mem>>) src(%arg11 : memref<128x128xf32, #tpu.memory_space<vmem>>) dst(%dma_wait3A_96 : memref<10112x128xf32, #tpu.memory_space<vmem_shared>>)
        } else {
        }
        %add3A_73 = arith.constant 2 : i32
        %add3A_74 = arith.addi %scan3A_50, %add3A_73 : i32
        %lt3A = arith.constant 79 : i32
        %lt3A_75 = arith.cmpi slt, %add3A_74, %lt3A : i32
        %convert_element_type3A_76 = arith.extui %lt3A_75 : i1 to i32
        %cond3A_77 = arith.constant 0 : i32
        %cond3A_78 = arith.cmpi ne, %convert_element_type3A_76, %cond3A_77 : i32
        scf.if %cond3A_78 {
          %add3A_90 = arith.constant 2 : i32
          %add3A_91 = arith.addi %scan3A_50, %add3A_90 : i32
          %dma_start3A_92 = arith.constant 0 : i32
          %dma_start3A_93 = arith.constant 0 : i32
          %dma_start3A_94 = tpu.memref_slice %arg2[%add3A, %add3A_91, %dma_start3A_92, %dma_start3A_93] : memref<32x79x2x128xi32, #tpu.memory_space<hbm>> -> memref<1x1x2x128xi32, #tpu.memory_space<hbm>>
          %dma_start3A_95 = tpu.memref_squeeze %dma_start3A_94 : memref<1x1x2x128xi32, #tpu.memory_space<hbm>> -> memref<2x128xi32, #tpu.memory_space<hbm>>
          %dma_start3A_96 = arith.constant 0 : i32
          %dma_start3A_97 = arith.constant 0 : i32
          %dma_start3A_98 = tpu.memref_slice %arg2[%add3A, %add3A_91, %dma_start3A_96, %dma_start3A_97] : memref<32x79x2x128xi32, #tpu.memory_space<hbm>> -> memref<1x1x2x128xi32, #tpu.memory_space<hbm>>
          %dma_start3A_99 = tpu.memref_squeeze %dma_start3A_98 : memref<1x1x2x128xi32, #tpu.memory_space<hbm>> -> memref<2x128xi32, #tpu.memory_space<hbm>>
          tpu.enqueue_dma source(%dma_start3A_99 : memref<2x128xi32, #tpu.memory_space<hbm>>) target(%arg8 : memref<2x128xi32, #tpu.memory_space<vmem>>) target_semaphore(%arg16 : memref<!tpu.dma_semaphore, #tpu.memory_space<semaphore_mem>>)
        } else {
        }
        %ge3A_79 = arith.constant 2 : i32
        %ge3A_80 = arith.cmpi sge, %scan3A_50, %ge3A_79 : i32
        %convert_element_type3A_81 = arith.extui %ge3A_80 : i1 to i32
        %cond3A_82 = arith.constant 0 : i32
        %cond3A_83 = arith.cmpi ne, %convert_element_type3A_81, %cond3A_82 : i32
        scf.if %cond3A_83 {
          %dma_wait3A_90 = arith.constant 0 : i32
          %dma_wait3A_91 = arith.constant 0 : i32
          %dma_wait3A_92 = tpu.memref_slice %arg2[%add3A, %scan3A_50, %dma_wait3A_90, %dma_wait3A_91] : memref<32x79x2x128xi32, #tpu.memory_space<hbm>> -> memref<1x1x2x128xi32, #tpu.memory_space<hbm>>
          %dma_wait3A_93 = tpu.memref_squeeze %dma_wait3A_92 : memref<1x1x2x128xi32, #tpu.memory_space<hbm>> -> memref<2x128xi32, #tpu.memory_space<hbm>>
          %dma_wait3A_94 = arith.constant 0 : i32
          %dma_wait3A_95 = arith.constant 0 : i32
          %dma_wait3A_96 = tpu.memref_slice %arg2[%add3A, %scan3A_50, %dma_wait3A_94, %dma_wait3A_95] : memref<32x79x2x128xi32, #tpu.memory_space<hbm>> -> memref<1x1x2x128xi32, #tpu.memory_space<hbm>>
          %dma_wait3A_97 = tpu.memref_squeeze %dma_wait3A_96 : memref<1x1x2x128xi32, #tpu.memory_space<hbm>> -> memref<2x128xi32, #tpu.memory_space<hbm>>
          tpu.wait_dma2 semaphore(%arg18 : memref<!tpu.dma_semaphore, #tpu.memory_space<semaphore_mem>>) src(%dma_wait3A_97 : memref<2x128xi32, #tpu.memory_space<hbm>>) dst(%arg10 : memref<2x128xi32, #tpu.memory_space<vmem>>)
        } else {
        }
        %dma_start3A = arith.constant 1 : i32
        %dma_start3A_84 = arith.constant 0 : i32
        %dma_start3A_85 = tpu.memref_slice %arg10[%dma_start3A, %dma_start3A_84] : memref<2x128xi32, #tpu.memory_space<vmem>> -> memref<1x128xi32, #tpu.memory_space<vmem>>
        %dma_start3A_86 = tpu.memref_squeeze %dma_start3A_85 : memref<1x128xi32, #tpu.memory_space<vmem>> -> memref<128xi32, #tpu.memory_space<vmem>>
        %dma_start3A_87 = arith.constant 0 : i32
        %dma_start3A_88 = arith.constant 0 : i32
        %dma_start3A_89 = tpu.memref_slice %arg12[%dma_start3A_87, %dma_start3A_88] : memref<10112x128xf32, #tpu.memory_space<vmem_shared>> -> memref<10112x128xf32, #tpu.memory_space<vmem_shared>>
        tpu.enqueue_indirect_dma source(%arg11 : memref<128x128xf32, #tpu.memory_space<vmem>>) target(%dma_start3A_89 : memref<10112x128xf32, #tpu.memory_space<vmem_shared>>) offsets(%dma_start3A_86 : memref<128xi32, #tpu.memory_space<vmem>>) semaphore(%arg14 : memref<!tpu.dma_semaphore, #tpu.memory_space<semaphore_mem>>) {add = true}
      } else {
      }
    }
    %scan3A_34 = arith.constant 79 : i32
    %dma_wait3A_35 = arith.constant 1 : i32
    %dma_wait3A_36 = arith.constant 0 : i32
    %dma_wait3A_37 = tpu.memref_slice %arg7[%dma_wait3A_35, %dma_wait3A_36] : memref<2x128xi32, #tpu.memory_space<vmem>> -> memref<1x128xi32, #tpu.memory_space<vmem>>
    %dma_wait3A_38 = tpu.memref_squeeze %dma_wait3A_37 : memref<1x128xi32, #tpu.memory_space<vmem>> -> memref<128xi32, #tpu.memory_space<vmem>>
    %dma_wait3A_39 = arith.constant 0 : i32
    %dma_wait3A_40 = arith.constant 0 : i32
    %dma_wait3A_41 = tpu.memref_slice %arg12[%dma_wait3A_39, %dma_wait3A_40] : memref<10112x128xf32, #tpu.memory_space<vmem_shared>> -> memref<10112x128xf32, #tpu.memory_space<vmem_shared>>
    tpu.wait_indirect_dma semaphore(%arg13 : memref<!tpu.dma_semaphore, #tpu.memory_space<semaphore_mem>>) src(%arg11 : memref<128x128xf32, #tpu.memory_space<vmem>>) dst(%dma_wait3A_41 : memref<10112x128xf32, #tpu.memory_space<vmem_shared>>)
    %dma_wait3A_42 = arith.constant 1 : i32
    %dma_wait3A_43 = arith.constant 0 : i32
    %dma_wait3A_44 = tpu.memref_slice %arg8[%dma_wait3A_42, %dma_wait3A_43] : memref<2x128xi32, #tpu.memory_space<vmem>> -> memref<1x128xi32, #tpu.memory_space<vmem>>
    %dma_wait3A_45 = tpu.memref_squeeze %dma_wait3A_44 : memref<1x128xi32, #tpu.memory_space<vmem>> -> memref<128xi32, #tpu.memory_space<vmem>>
    %dma_wait3A_46 = arith.constant 0 : i32
    %dma_wait3A_47 = arith.constant 0 : i32
    %dma_wait3A_48 = tpu.memref_slice %arg12[%dma_wait3A_46, %dma_wait3A_47] : memref<10112x128xf32, #tpu.memory_space<vmem_shared>> -> memref<10112x128xf32, #tpu.memory_space<vmem_shared>>
    tpu.wait_indirect_dma semaphore(%arg14 : memref<!tpu.dma_semaphore, #tpu.memory_space<semaphore_mem>>) src(%arg11 : memref<128x128xf32, #tpu.memory_space<vmem>>) dst(%dma_wait3A_48 : memref<10112x128xf32, #tpu.memory_space<vmem_shared>>)
    %barrier3A_49 = arith.constant 0 : index
    tpu.barrier barrier_id(%barrier3A_49)
    "tpu.region"() ({
      %run_scoped3A_50 = tpu.sem_alloc : memref<!tpu.dma_semaphore, #tpu.memory_space<semaphore_mem>>
      %dma_start3A = arith.constant 0 : i32
      %dma_start3A_51 = tpu.memref_slice %arg6[%add3A_5, %dma_start3A] : memref<20224x128xf32, #tpu.memory_space<hbm>> -> memref<632x128xf32, #tpu.memory_space<hbm>>
      %dma_start3A_52 = arith.constant 0 : i32
      %dma_start3A_53 = tpu.memref_slice %arg12[%mul3A_2, %dma_start3A_52] : memref<10112x128xf32, #tpu.memory_space<vmem_shared>> -> memref<632x128xf32, #tpu.memory_space<vmem_shared>>
      tpu.enqueue_dma source(%dma_start3A_53 : memref<632x128xf32, #tpu.memory_space<vmem_shared>>) target(%dma_start3A_51 : memref<632x128xf32, #tpu.memory_space<hbm>>) target_semaphore(%run_scoped3A_50 : memref<!tpu.dma_semaphore, #tpu.memory_space<semaphore_mem>>)
      %dma_wait3A_54 = arith.constant 0 : i32
      %dma_wait3A_55 = tpu.memref_slice %arg6[%add3A_5, %dma_wait3A_54] : memref<20224x128xf32, #tpu.memory_space<hbm>> -> memref<632x128xf32, #tpu.memory_space<hbm>>
      %dma_wait3A_56 = arith.constant 0 : i32
      %dma_wait3A_57 = tpu.memref_slice %arg12[%mul3A_2, %dma_wait3A_56] : memref<10112x128xf32, #tpu.memory_space<vmem_shared>> -> memref<632x128xf32, #tpu.memory_space<vmem_shared>>
      tpu.wait_dma2 semaphore(%run_scoped3A_50 : memref<!tpu.dma_semaphore, #tpu.memory_space<semaphore_mem>>) src(%dma_wait3A_57 : memref<632x128xf32, #tpu.memory_space<vmem_shared>>) dst(%dma_wait3A_55 : memref<632x128xf32, #tpu.memory_space<hbm>>)
      tpu.yield
    }) : () -> ()
    return
  }
}

#map = affine_map<(d0, d1) -> (0, 0)>
#map1 = affine_map<(d0, d1) -> (0, 0, 0, 0)>
module attributes {stable_mosaic.version = 14 : i64} {
  func.func @body(%arg0: i32, %arg1: i32, %arg2: memref<10112x128xf32, #tpu.memory_space<hbm>>, %arg3: memref<32x79x2x128xi32, #tpu.memory_space<hbm>>, %arg4: memref<10112x128xf32, #tpu.memory_space<hbm>>, %arg5: memref<20224x128xf32, #tpu.memory_space<hbm>>, %arg6: memref<2x128xi32, #tpu.memory_space<vmem>>, %arg7: memref<2x128xi32, #tpu.memory_space<vmem>>, %arg8: memref<2x128xi32, #tpu.memory_space<vmem>>, %arg9: memref<2x128xi32, #tpu.memory_space<vmem>>, %arg10: memref<128x128xf32, #tpu.memory_space<vmem>>, %arg11: memref<128x128xf32, #tpu.memory_space<vmem>>, %arg12: memref<10112x128xf32, #tpu.memory_space<vmem_shared>>, %arg13: memref<!tpu.dma_semaphore, #tpu.memory_space<semaphore_mem>>, %arg14: memref<!tpu.dma_semaphore, #tpu.memory_space<semaphore_mem>>, %arg15: memref<!tpu.dma_semaphore, #tpu.memory_space<semaphore_mem>>, %arg16: memref<!tpu.dma_semaphore, #tpu.memory_space<semaphore_mem>>, %arg17: memref<!tpu.dma_semaphore, #tpu.memory_space<semaphore_mem>>, %arg18: memref<!tpu.dma_semaphore, #tpu.memory_space<semaphore_mem>>, %arg19: memref<!tpu.dma_semaphore, #tpu.memory_space<semaphore_mem>>, %arg20: memref<!tpu.dma_semaphore, #tpu.memory_space<semaphore_mem>>) attributes {dimension_semantics = [#tpu.dimension_semantics<core_parallel>, #tpu.dimension_semantics<subcore_parallel>], iteration_bounds = array<i64: 2, 16>, scalar_prefetch = 0 : i64, scratch_operands = 15 : i64, tpu.core_type = #tpu.core_type<sc_vector_subcore>, window_params = [{transform_indices = #map}, {transform_indices = #map1}, {transform_indices = #map}, {transform_indices = #map}]} {
    %mul3A = arith.constant 16 : i32
    %mul3A_0 = arith.muli %arg0, %mul3A : i32
    %add3A = arith.addi %mul3A_0, %arg1 : i32
    %mul3A_1 = arith.constant 632 : i32
    %mul3A_2 = arith.muli %arg1, %mul3A_1 : i32
    "tpu.region"() ({
      %run_scoped3A_33 = tpu.sem_alloc : memref<!tpu.dma_semaphore, #tpu.memory_space<semaphore_mem>>
      %dma_start3A_34 = arith.constant 0 : i32
      %dma_start3A_35 = tpu.memref_slice %arg12[%mul3A_2, %dma_start3A_34] : memref<10112x128xf32, #tpu.memory_space<vmem_shared>> -> memref<632x128xf32, #tpu.memory_space<vmem_shared>>
      %dma_start3A_36 = arith.constant 0 : i32
      %dma_start3A_37 = tpu.memref_slice %arg4[%mul3A_2, %dma_start3A_36] : memref<10112x128xf32, #tpu.memory_space<hbm>> -> memref<632x128xf32, #tpu.memory_space<hbm>>
      tpu.enqueue_dma source(%dma_start3A_37 : memref<632x128xf32, #tpu.memory_space<hbm>>) target(%dma_start3A_35 : memref<632x128xf32, #tpu.memory_space<vmem_shared>>) target_semaphore(%run_scoped3A_33 : memref<!tpu.dma_semaphore, #tpu.memory_space<semaphore_mem>>)
      %dma_wait3A_38 = arith.constant 0 : i32
      %dma_wait3A_39 = tpu.memref_slice %arg12[%mul3A_2, %dma_wait3A_38] : memref<10112x128xf32, #tpu.memory_space<vmem_shared>> -> memref<632x128xf32, #tpu.memory_space<vmem_shared>>
      %dma_wait3A_40 = arith.constant 0 : i32
      %dma_wait3A_41 = tpu.memref_slice %arg4[%mul3A_2, %dma_wait3A_40] : memref<10112x128xf32, #tpu.memory_space<hbm>> -> memref<632x128xf32, #tpu.memory_space<hbm>>
      tpu.wait_dma2 semaphore(%run_scoped3A_33 : memref<!tpu.dma_semaphore, #tpu.memory_space<semaphore_mem>>) src(%dma_wait3A_41 : memref<632x128xf32, #tpu.memory_space<hbm>>) dst(%dma_wait3A_39 : memref<632x128xf32, #tpu.memory_space<vmem_shared>>)
      tpu.yield
    }) : () -> ()
    %run_scoped3A = arith.constant 0 : i32
    "tpu.region"() ({
      %run_scoped3A_33 = tpu.sem_alloc : memref<!tpu.dma_semaphore, #tpu.memory_space<semaphore_mem>>
      %dma_start3A_34 = arith.constant 0 : i32
      %dma_start3A_35 = arith.constant 0 : i32
      %dma_start3A_36 = tpu.memref_slice %arg3[%add3A, %run_scoped3A, %dma_start3A_34, %dma_start3A_35] : memref<32x79x2x128xi32, #tpu.memory_space<hbm>> -> memref<1x1x2x128xi32, #tpu.memory_space<hbm>>
      %dma_start3A_37 = tpu.memref_squeeze %dma_start3A_36 : memref<1x1x2x128xi32, #tpu.memory_space<hbm>> -> memref<2x128xi32, #tpu.memory_space<hbm>>
      %dma_start3A_38 = arith.constant 0 : i32
      %dma_start3A_39 = arith.constant 0 : i32
      %dma_start3A_40 = tpu.memref_slice %arg3[%add3A, %run_scoped3A, %dma_start3A_38, %dma_start3A_39] : memref<32x79x2x128xi32, #tpu.memory_space<hbm>> -> memref<1x1x2x128xi32, #tpu.memory_space<hbm>>
      %dma_start3A_41 = tpu.memref_squeeze %dma_start3A_40 : memref<1x1x2x128xi32, #tpu.memory_space<hbm>> -> memref<2x128xi32, #tpu.memory_space<hbm>>
      tpu.enqueue_dma source(%dma_start3A_41 : memref<2x128xi32, #tpu.memory_space<hbm>>) target(%arg6 : memref<2x128xi32, #tpu.memory_space<vmem>>) target_semaphore(%run_scoped3A_33 : memref<!tpu.dma_semaphore, #tpu.memory_space<semaphore_mem>>)
      %dma_wait3A_42 = arith.constant 0 : i32
      %dma_wait3A_43 = arith.constant 0 : i32
      %dma_wait3A_44 = tpu.memref_slice %arg3[%add3A, %run_scoped3A, %dma_wait3A_42, %dma_wait3A_43] : memref<32x79x2x128xi32, #tpu.memory_space<hbm>> -> memref<1x1x2x128xi32, #tpu.memory_space<hbm>>
      %dma_wait3A_45 = tpu.memref_squeeze %dma_wait3A_44 : memref<1x1x2x128xi32, #tpu.memory_space<hbm>> -> memref<2x128xi32, #tpu.memory_space<hbm>>
      %dma_wait3A_46 = arith.constant 0 : i32
      %dma_wait3A_47 = arith.constant 0 : i32
      %dma_wait3A_48 = tpu.memref_slice %arg3[%add3A, %run_scoped3A, %dma_wait3A_46, %dma_wait3A_47] : memref<32x79x2x128xi32, #tpu.memory_space<hbm>> -> memref<1x1x2x128xi32, #tpu.memory_space<hbm>>
      %dma_wait3A_49 = tpu.memref_squeeze %dma_wait3A_48 : memref<1x1x2x128xi32, #tpu.memory_space<hbm>> -> memref<2x128xi32, #tpu.memory_space<hbm>>
      tpu.wait_dma2 semaphore(%run_scoped3A_33 : memref<!tpu.dma_semaphore, #tpu.memory_space<semaphore_mem>>) src(%dma_wait3A_49 : memref<2x128xi32, #tpu.memory_space<hbm>>) dst(%arg6 : memref<2x128xi32, #tpu.memory_space<vmem>>)
      tpu.yield
    }) : () -> ()
    %run_scoped3A_3 = arith.constant 1 : i32
    "tpu.region"() ({
      %run_scoped3A_33 = tpu.sem_alloc : memref<!tpu.dma_semaphore, #tpu.memory_space<semaphore_mem>>
      %dma_start3A_34 = arith.constant 0 : i32
      %dma_start3A_35 = arith.constant 0 : i32
      %dma_start3A_36 = tpu.memref_slice %arg3[%add3A, %run_scoped3A_3, %dma_start3A_34, %dma_start3A_35] : memref<32x79x2x128xi32, #tpu.memory_space<hbm>> -> memref<1x1x2x128xi32, #tpu.memory_space<hbm>>
      %dma_start3A_37 = tpu.memref_squeeze %dma_start3A_36 : memref<1x1x2x128xi32, #tpu.memory_space<hbm>> -> memref<2x128xi32, #tpu.memory_space<hbm>>
      %dma_start3A_38 = arith.constant 0 : i32
      %dma_start3A_39 = arith.constant 0 : i32
      %dma_start3A_40 = tpu.memref_slice %arg3[%add3A, %run_scoped3A_3, %dma_start3A_38, %dma_start3A_39] : memref<32x79x2x128xi32, #tpu.memory_space<hbm>> -> memref<1x1x2x128xi32, #tpu.memory_space<hbm>>
      %dma_start3A_41 = tpu.memref_squeeze %dma_start3A_40 : memref<1x1x2x128xi32, #tpu.memory_space<hbm>> -> memref<2x128xi32, #tpu.memory_space<hbm>>
      tpu.enqueue_dma source(%dma_start3A_41 : memref<2x128xi32, #tpu.memory_space<hbm>>) target(%arg7 : memref<2x128xi32, #tpu.memory_space<vmem>>) target_semaphore(%run_scoped3A_33 : memref<!tpu.dma_semaphore, #tpu.memory_space<semaphore_mem>>)
      %dma_wait3A_42 = arith.constant 0 : i32
      %dma_wait3A_43 = arith.constant 0 : i32
      %dma_wait3A_44 = tpu.memref_slice %arg3[%add3A, %run_scoped3A_3, %dma_wait3A_42, %dma_wait3A_43] : memref<32x79x2x128xi32, #tpu.memory_space<hbm>> -> memref<1x1x2x128xi32, #tpu.memory_space<hbm>>
      %dma_wait3A_45 = tpu.memref_squeeze %dma_wait3A_44 : memref<1x1x2x128xi32, #tpu.memory_space<hbm>> -> memref<2x128xi32, #tpu.memory_space<hbm>>
      %dma_wait3A_46 = arith.constant 0 : i32
      %dma_wait3A_47 = arith.constant 0 : i32
      %dma_wait3A_48 = tpu.memref_slice %arg3[%add3A, %run_scoped3A_3, %dma_wait3A_46, %dma_wait3A_47] : memref<32x79x2x128xi32, #tpu.memory_space<hbm>> -> memref<1x1x2x128xi32, #tpu.memory_space<hbm>>
      %dma_wait3A_49 = tpu.memref_squeeze %dma_wait3A_48 : memref<1x1x2x128xi32, #tpu.memory_space<hbm>> -> memref<2x128xi32, #tpu.memory_space<hbm>>
      tpu.wait_dma2 semaphore(%run_scoped3A_33 : memref<!tpu.dma_semaphore, #tpu.memory_space<semaphore_mem>>) src(%dma_wait3A_49 : memref<2x128xi32, #tpu.memory_space<hbm>>) dst(%arg7 : memref<2x128xi32, #tpu.memory_space<vmem>>)
      tpu.yield
    }) : () -> ()
    %run_scoped3A_4 = arith.constant 2 : i32
    "tpu.region"() ({
      %run_scoped3A_33 = tpu.sem_alloc : memref<!tpu.dma_semaphore, #tpu.memory_space<semaphore_mem>>
      %dma_start3A_34 = arith.constant 0 : i32
      %dma_start3A_35 = arith.constant 0 : i32
      %dma_start3A_36 = tpu.memref_slice %arg3[%add3A, %run_scoped3A_4, %dma_start3A_34, %dma_start3A_35] : memref<32x79x2x128xi32, #tpu.memory_space<hbm>> -> memref<1x1x2x128xi32, #tpu.memory_space<hbm>>
      %dma_start3A_37 = tpu.memref_squeeze %dma_start3A_36 : memref<1x1x2x128xi32, #tpu.memory_space<hbm>> -> memref<2x128xi32, #tpu.memory_space<hbm>>
      %dma_start3A_38 = arith.constant 0 : i32
      %dma_start3A_39 = arith.constant 0 : i32
      %dma_start3A_40 = tpu.memref_slice %arg3[%add3A, %run_scoped3A_4, %dma_start3A_38, %dma_start3A_39] : memref<32x79x2x128xi32, #tpu.memory_space<hbm>> -> memref<1x1x2x128xi32, #tpu.memory_space<hbm>>
      %dma_start3A_41 = tpu.memref_squeeze %dma_start3A_40 : memref<1x1x2x128xi32, #tpu.memory_space<hbm>> -> memref<2x128xi32, #tpu.memory_space<hbm>>
      tpu.enqueue_dma source(%dma_start3A_41 : memref<2x128xi32, #tpu.memory_space<hbm>>) target(%arg8 : memref<2x128xi32, #tpu.memory_space<vmem>>) target_semaphore(%run_scoped3A_33 : memref<!tpu.dma_semaphore, #tpu.memory_space<semaphore_mem>>)
      %dma_wait3A_42 = arith.constant 0 : i32
      %dma_wait3A_43 = arith.constant 0 : i32
      %dma_wait3A_44 = tpu.memref_slice %arg3[%add3A, %run_scoped3A_4, %dma_wait3A_42, %dma_wait3A_43] : memref<32x79x2x128xi32, #tpu.memory_space<hbm>> -> memref<1x1x2x128xi32, #tpu.memory_space<hbm>>
      %dma_wait3A_45 = tpu.memref_squeeze %dma_wait3A_44 : memref<1x1x2x128xi32, #tpu.memory_space<hbm>> -> memref<2x128xi32, #tpu.memory_space<hbm>>
      %dma_wait3A_46 = arith.constant 0 : i32
      %dma_wait3A_47 = arith.constant 0 : i32
      %dma_wait3A_48 = tpu.memref_slice %arg3[%add3A, %run_scoped3A_4, %dma_wait3A_46, %dma_wait3A_47] : memref<32x79x2x128xi32, #tpu.memory_space<hbm>> -> memref<1x1x2x128xi32, #tpu.memory_space<hbm>>
      %dma_wait3A_49 = tpu.memref_squeeze %dma_wait3A_48 : memref<1x1x2x128xi32, #tpu.memory_space<hbm>> -> memref<2x128xi32, #tpu.memory_space<hbm>>
      tpu.wait_dma2 semaphore(%run_scoped3A_33 : memref<!tpu.dma_semaphore, #tpu.memory_space<semaphore_mem>>) src(%dma_wait3A_49 : memref<2x128xi32, #tpu.memory_space<hbm>>) dst(%arg8 : memref<2x128xi32, #tpu.memory_space<vmem>>)
      tpu.yield
    }) : () -> ()
    %dma_start3A = arith.constant 0 : i32
    %dma_start3A_5 = arith.constant 0 : i32
    %dma_start3A_6 = tpu.memref_slice %arg6[%dma_start3A, %dma_start3A_5] : memref<2x128xi32, #tpu.memory_space<vmem>> -> memref<1x128xi32, #tpu.memory_space<vmem>>
    %dma_start3A_7 = tpu.memref_squeeze %dma_start3A_6 : memref<1x128xi32, #tpu.memory_space<vmem>> -> memref<128xi32, #tpu.memory_space<vmem>>
    %dma_start3A_8 = arith.constant 0 : i32
    %dma_start3A_9 = arith.constant 0 : i32
    %dma_start3A_10 = tpu.memref_slice %arg2[%dma_start3A_8, %dma_start3A_9] : memref<10112x128xf32, #tpu.memory_space<hbm>> -> memref<10112x128xf32, #tpu.memory_space<hbm>>
    tpu.enqueue_indirect_dma source(%dma_start3A_10 : memref<10112x128xf32, #tpu.memory_space<hbm>>) target(%arg10 : memref<128x128xf32, #tpu.memory_space<vmem>>) offsets(%dma_start3A_7 : memref<128xi32, #tpu.memory_space<vmem>>) semaphore(%arg13 : memref<!tpu.dma_semaphore, #tpu.memory_space<semaphore_mem>>)
    %barrier3A = arith.constant 0 : index
    tpu.barrier barrier_id(%barrier3A)
    %scan3A = arith.constant 0 : i32
    %scan3A_11 = arith.constant 0 : i32
    %scan3A_12 = arith.constant 79 : i32
    %scan3A_13 = arith.addi %scan3A_11, %scan3A_12 : i32
    %scan3A_14 = arith.constant 1 : i32
    scf.for %scan3A_33 = %scan3A_11 to %scan3A_13 step %scan3A_14  : i32 {
      %rem3A = arith.constant 4 : i32
      %rem3A_34 = arith.remsi %scan3A_33, %rem3A : i32
      %eq3A = arith.constant 0 : i32
      %eq3A_35 = arith.cmpi eq, %rem3A_34, %eq3A : i32
      %convert_element_type3A = arith.extui %eq3A_35 : i1 to i32
      %cond3A = arith.constant 0 : i32
      %cond3A_36 = arith.cmpi ne, %convert_element_type3A, %cond3A : i32
      scf.if %cond3A_36 {
        %add3A_52 = arith.constant 1 : i32
        %add3A_53 = arith.addi %scan3A_33, %add3A_52 : i32
        %lt3A = arith.constant 79 : i32
        %lt3A_54 = arith.cmpi slt, %add3A_53, %lt3A : i32
        %convert_element_type3A_55 = arith.extui %lt3A_54 : i1 to i32
        %cond3A_56 = arith.constant 0 : i32
        %cond3A_57 = arith.cmpi ne, %convert_element_type3A_55, %cond3A_56 : i32
        scf.if %cond3A_57 {
          %ge3A = arith.constant 1 : i32
          %ge3A_79 = arith.cmpi sge, %scan3A_33, %ge3A : i32
          %convert_element_type3A_80 = arith.extui %ge3A_79 : i1 to i32
          %cond3A_81 = arith.constant 0 : i32
          %cond3A_82 = arith.cmpi ne, %convert_element_type3A_80, %cond3A_81 : i32
          scf.if %cond3A_82 {
            %dma_wait3A_95 = arith.constant 1 : i32
            %dma_wait3A_96 = arith.constant 0 : i32
            %dma_wait3A_97 = tpu.memref_slice %arg7[%dma_wait3A_95, %dma_wait3A_96] : memref<2x128xi32, #tpu.memory_space<vmem>> -> memref<1x128xi32, #tpu.memory_space<vmem>>
            %dma_wait3A_98 = tpu.memref_squeeze %dma_wait3A_97 : memref<1x128xi32, #tpu.memory_space<vmem>> -> memref<128xi32, #tpu.memory_space<vmem>>
            %dma_wait3A_99 = arith.constant 0 : i32
            %dma_wait3A_100 = arith.constant 0 : i32
            %dma_wait3A_101 = tpu.memref_slice %arg12[%dma_wait3A_99, %dma_wait3A_100] : memref<10112x128xf32, #tpu.memory_space<vmem_shared>> -> memref<10112x128xf32, #tpu.memory_space<vmem_shared>>
            tpu.wait_indirect_dma semaphore(%arg16 : memref<!tpu.dma_semaphore, #tpu.memory_space<semaphore_mem>>) src(%arg11 : memref<128x128xf32, #tpu.memory_space<vmem>>) dst(%dma_wait3A_101 : memref<10112x128xf32, #tpu.memory_space<vmem_shared>>)
          } else {
          }
          %ge3A_83 = arith.constant 2 : i32
          %ge3A_84 = arith.cmpi sge, %scan3A_33, %ge3A_83 : i32
          %convert_element_type3A_85 = arith.extui %ge3A_84 : i1 to i32
          %cond3A_86 = arith.constant 0 : i32
          %cond3A_87 = arith.cmpi ne, %convert_element_type3A_85, %cond3A_86 : i32
          scf.if %cond3A_87 {
            %dma_wait3A_95 = arith.constant 0 : i32
            %dma_wait3A_96 = arith.constant 0 : i32
            %dma_wait3A_97 = tpu.memref_slice %arg3[%add3A, %add3A_53, %dma_wait3A_95, %dma_wait3A_96] : memref<32x79x2x128xi32, #tpu.memory_space<hbm>> -> memref<1x1x2x128xi32, #tpu.memory_space<hbm>>
            %dma_wait3A_98 = tpu.memref_squeeze %dma_wait3A_97 : memref<1x1x2x128xi32, #tpu.memory_space<hbm>> -> memref<2x128xi32, #tpu.memory_space<hbm>>
            %dma_wait3A_99 = arith.constant 0 : i32
            %dma_wait3A_100 = arith.constant 0 : i32
            %dma_wait3A_101 = tpu.memref_slice %arg3[%add3A, %add3A_53, %dma_wait3A_99, %dma_wait3A_100] : memref<32x79x2x128xi32, #tpu.memory_space<hbm>> -> memref<1x1x2x128xi32, #tpu.memory_space<hbm>>
            %dma_wait3A_102 = tpu.memref_squeeze %dma_wait3A_101 : memref<1x1x2x128xi32, #tpu.memory_space<hbm>> -> memref<2x128xi32, #tpu.memory_space<hbm>>
            tpu.wait_dma2 semaphore(%arg18 : memref<!tpu.dma_semaphore, #tpu.memory_space<semaphore_mem>>) src(%dma_wait3A_102 : memref<2x128xi32, #tpu.memory_space<hbm>>) dst(%arg7 : memref<2x128xi32, #tpu.memory_space<vmem>>)
          } else {
          }
          %dma_start3A_88 = arith.constant 0 : i32
          %dma_start3A_89 = arith.constant 0 : i32
          %dma_start3A_90 = tpu.memref_slice %arg7[%dma_start3A_88, %dma_start3A_89] : memref<2x128xi32, #tpu.memory_space<vmem>> -> memref<1x128xi32, #tpu.memory_space<vmem>>
          %dma_start3A_91 = tpu.memref_squeeze %dma_start3A_90 : memref<1x128xi32, #tpu.memory_space<vmem>> -> memref<128xi32, #tpu.memory_space<vmem>>
          %dma_start3A_92 = arith.constant 0 : i32
          %dma_start3A_93 = arith.constant 0 : i32
          %dma_start3A_94 = tpu.memref_slice %arg2[%dma_start3A_92, %dma_start3A_93] : memref<10112x128xf32, #tpu.memory_space<hbm>> -> memref<10112x128xf32, #tpu.memory_space<hbm>>
          tpu.enqueue_indirect_dma source(%dma_start3A_94 : memref<10112x128xf32, #tpu.memory_space<hbm>>) target(%arg11 : memref<128x128xf32, #tpu.memory_space<vmem>>) offsets(%dma_start3A_91 : memref<128xi32, #tpu.memory_space<vmem>>) semaphore(%arg14 : memref<!tpu.dma_semaphore, #tpu.memory_space<semaphore_mem>>)
        } else {
        }
        %add3A_58 = arith.constant 3 : i32
        %add3A_59 = arith.addi %scan3A_33, %add3A_58 : i32
        %lt3A_60 = arith.constant 79 : i32
        %lt3A_61 = arith.cmpi slt, %add3A_59, %lt3A_60 : i32
        %convert_element_type3A_62 = arith.extui %lt3A_61 : i1 to i32
        %cond3A_63 = arith.constant 0 : i32
        %cond3A_64 = arith.cmpi ne, %convert_element_type3A_62, %cond3A_63 : i32
        scf.if %cond3A_64 {
          %add3A_79 = arith.constant 3 : i32
          %add3A_80 = arith.addi %scan3A_33, %add3A_79 : i32
          %dma_start3A_81 = arith.constant 0 : i32
          %dma_start3A_82 = arith.constant 0 : i32
          %dma_start3A_83 = tpu.memref_slice %arg3[%add3A, %add3A_80, %dma_start3A_81, %dma_start3A_82] : memref<32x79x2x128xi32, #tpu.memory_space<hbm>> -> memref<1x1x2x128xi32, #tpu.memory_space<hbm>>
          %dma_start3A_84 = tpu.memref_squeeze %dma_start3A_83 : memref<1x1x2x128xi32, #tpu.memory_space<hbm>> -> memref<2x128xi32, #tpu.memory_space<hbm>>
          %dma_start3A_85 = arith.constant 0 : i32
          %dma_start3A_86 = arith.constant 0 : i32
          %dma_start3A_87 = tpu.memref_slice %arg3[%add3A, %add3A_80, %dma_start3A_85, %dma_start3A_86] : memref<32x79x2x128xi32, #tpu.memory_space<hbm>> -> memref<1x1x2x128xi32, #tpu.memory_space<hbm>>
          %dma_start3A_88 = tpu.memref_squeeze %dma_start3A_87 : memref<1x1x2x128xi32, #tpu.memory_space<hbm>> -> memref<2x128xi32, #tpu.memory_space<hbm>>
          tpu.enqueue_dma source(%dma_start3A_88 : memref<2x128xi32, #tpu.memory_space<hbm>>) target(%arg9 : memref<2x128xi32, #tpu.memory_space<vmem>>) target_semaphore(%arg20 : memref<!tpu.dma_semaphore, #tpu.memory_space<semaphore_mem>>)
        } else {
        }
        %dma_wait3A_65 = arith.constant 0 : i32
        %dma_wait3A_66 = arith.constant 0 : i32
        %dma_wait3A_67 = tpu.memref_slice %arg6[%dma_wait3A_65, %dma_wait3A_66] : memref<2x128xi32, #tpu.memory_space<vmem>> -> memref<1x128xi32, #tpu.memory_space<vmem>>
        %dma_wait3A_68 = tpu.memref_squeeze %dma_wait3A_67 : memref<1x128xi32, #tpu.memory_space<vmem>> -> memref<128xi32, #tpu.memory_space<vmem>>
        %dma_wait3A_69 = arith.constant 0 : i32
        %dma_wait3A_70 = arith.constant 0 : i32
        %dma_wait3A_71 = tpu.memref_slice %arg2[%dma_wait3A_69, %dma_wait3A_70] : memref<10112x128xf32, #tpu.memory_space<hbm>> -> memref<10112x128xf32, #tpu.memory_space<hbm>>
        tpu.wait_indirect_dma semaphore(%arg13 : memref<!tpu.dma_semaphore, #tpu.memory_space<semaphore_mem>>) src(%dma_wait3A_71 : memref<10112x128xf32, #tpu.memory_space<hbm>>) dst(%arg10 : memref<128x128xf32, #tpu.memory_space<vmem>>)
        %dma_start3A_72 = arith.constant 1 : i32
        %dma_start3A_73 = arith.constant 0 : i32
        %dma_start3A_74 = tpu.memref_slice %arg6[%dma_start3A_72, %dma_start3A_73] : memref<2x128xi32, #tpu.memory_space<vmem>> -> memref<1x128xi32, #tpu.memory_space<vmem>>
        %dma_start3A_75 = tpu.memref_squeeze %dma_start3A_74 : memref<1x128xi32, #tpu.memory_space<vmem>> -> memref<128xi32, #tpu.memory_space<vmem>>
        %dma_start3A_76 = arith.constant 0 : i32
        %dma_start3A_77 = arith.constant 0 : i32
        %dma_start3A_78 = tpu.memref_slice %arg12[%dma_start3A_76, %dma_start3A_77] : memref<10112x128xf32, #tpu.memory_space<vmem_shared>> -> memref<10112x128xf32, #tpu.memory_space<vmem_shared>>
        tpu.enqueue_indirect_dma source(%arg10 : memref<128x128xf32, #tpu.memory_space<vmem>>) target(%dma_start3A_78 : memref<10112x128xf32, #tpu.memory_space<vmem_shared>>) offsets(%dma_start3A_75 : memref<128xi32, #tpu.memory_space<vmem>>) semaphore(%arg15 : memref<!tpu.dma_semaphore, #tpu.memory_space<semaphore_mem>>) {add = true}
      } else {
      }
      %eq3A_37 = arith.constant 1 : i32
      %eq3A_38 = arith.cmpi eq, %rem3A_34, %eq3A_37 : i32
      %convert_element_type3A_39 = arith.extui %eq3A_38 : i1 to i32
      %cond3A_40 = arith.constant 0 : i32
      %cond3A_41 = arith.cmpi ne, %convert_element_type3A_39, %cond3A_40 : i32
      scf.if %cond3A_41 {
        %add3A_52 = arith.constant 1 : i32
        %add3A_53 = arith.addi %scan3A_33, %add3A_52 : i32
        %lt3A = arith.constant 79 : i32
        %lt3A_54 = arith.cmpi slt, %add3A_53, %lt3A : i32
        %convert_element_type3A_55 = arith.extui %lt3A_54 : i1 to i32
        %cond3A_56 = arith.constant 0 : i32
        %cond3A_57 = arith.cmpi ne, %convert_element_type3A_55, %cond3A_56 : i32
        scf.if %cond3A_57 {
          %ge3A = arith.constant 1 : i32
          %ge3A_79 = arith.cmpi sge, %scan3A_33, %ge3A : i32
          %convert_element_type3A_80 = arith.extui %ge3A_79 : i1 to i32
          %cond3A_81 = arith.constant 0 : i32
          %cond3A_82 = arith.cmpi ne, %convert_element_type3A_80, %cond3A_81 : i32
          scf.if %cond3A_82 {
            %dma_wait3A_95 = arith.constant 1 : i32
            %dma_wait3A_96 = arith.constant 0 : i32
            %dma_wait3A_97 = tpu.memref_slice %arg8[%dma_wait3A_95, %dma_wait3A_96] : memref<2x128xi32, #tpu.memory_space<vmem>> -> memref<1x128xi32, #tpu.memory_space<vmem>>
            %dma_wait3A_98 = tpu.memref_squeeze %dma_wait3A_97 : memref<1x128xi32, #tpu.memory_space<vmem>> -> memref<128xi32, #tpu.memory_space<vmem>>
            %dma_wait3A_99 = arith.constant 0 : i32
            %dma_wait3A_100 = arith.constant 0 : i32
            %dma_wait3A_101 = tpu.memref_slice %arg12[%dma_wait3A_99, %dma_wait3A_100] : memref<10112x128xf32, #tpu.memory_space<vmem_shared>> -> memref<10112x128xf32, #tpu.memory_space<vmem_shared>>
            tpu.wait_indirect_dma semaphore(%arg15 : memref<!tpu.dma_semaphore, #tpu.memory_space<semaphore_mem>>) src(%arg10 : memref<128x128xf32, #tpu.memory_space<vmem>>) dst(%dma_wait3A_101 : memref<10112x128xf32, #tpu.memory_space<vmem_shared>>)
          } else {
          }
          %ge3A_83 = arith.constant 2 : i32
          %ge3A_84 = arith.cmpi sge, %scan3A_33, %ge3A_83 : i32
          %convert_element_type3A_85 = arith.extui %ge3A_84 : i1 to i32
          %cond3A_86 = arith.constant 0 : i32
          %cond3A_87 = arith.cmpi ne, %convert_element_type3A_85, %cond3A_86 : i32
          scf.if %cond3A_87 {
            %dma_wait3A_95 = arith.constant 0 : i32
            %dma_wait3A_96 = arith.constant 0 : i32
            %dma_wait3A_97 = tpu.memref_slice %arg3[%add3A, %add3A_53, %dma_wait3A_95, %dma_wait3A_96] : memref<32x79x2x128xi32, #tpu.memory_space<hbm>> -> memref<1x1x2x128xi32, #tpu.memory_space<hbm>>
            %dma_wait3A_98 = tpu.memref_squeeze %dma_wait3A_97 : memref<1x1x2x128xi32, #tpu.memory_space<hbm>> -> memref<2x128xi32, #tpu.memory_space<hbm>>
            %dma_wait3A_99 = arith.constant 0 : i32
            %dma_wait3A_100 = arith.constant 0 : i32
            %dma_wait3A_101 = tpu.memref_slice %arg3[%add3A, %add3A_53, %dma_wait3A_99, %dma_wait3A_100] : memref<32x79x2x128xi32, #tpu.memory_space<hbm>> -> memref<1x1x2x128xi32, #tpu.memory_space<hbm>>
            %dma_wait3A_102 = tpu.memref_squeeze %dma_wait3A_101 : memref<1x1x2x128xi32, #tpu.memory_space<hbm>> -> memref<2x128xi32, #tpu.memory_space<hbm>>
            tpu.wait_dma2 semaphore(%arg19 : memref<!tpu.dma_semaphore, #tpu.memory_space<semaphore_mem>>) src(%dma_wait3A_102 : memref<2x128xi32, #tpu.memory_space<hbm>>) dst(%arg8 : memref<2x128xi32, #tpu.memory_space<vmem>>)
          } else {
          }
          %dma_start3A_88 = arith.constant 0 : i32
          %dma_start3A_89 = arith.constant 0 : i32
          %dma_start3A_90 = tpu.memref_slice %arg8[%dma_start3A_88, %dma_start3A_89] : memref<2x128xi32, #tpu.memory_space<vmem>> -> memref<1x128xi32, #tpu.memory_space<vmem>>
          %dma_start3A_91 = tpu.memref_squeeze %dma_start3A_90 : memref<1x128xi32, #tpu.memory_space<vmem>> -> memref<128xi32, #tpu.memory_space<vmem>>
          %dma_start3A_92 = arith.constant 0 : i32
          %dma_start3A_93 = arith.constant 0 : i32
          %dma_start3A_94 = tpu.memref_slice %arg2[%dma_start3A_92, %dma_start3A_93] : memref<10112x128xf32, #tpu.memory_space<hbm>> -> memref<10112x128xf32, #tpu.memory_space<hbm>>
          tpu.enqueue_indirect_dma source(%dma_start3A_94 : memref<10112x128xf32, #tpu.memory_space<hbm>>) target(%arg10 : memref<128x128xf32, #tpu.memory_space<vmem>>) offsets(%dma_start3A_91 : memref<128xi32, #tpu.memory_space<vmem>>) semaphore(%arg13 : memref<!tpu.dma_semaphore, #tpu.memory_space<semaphore_mem>>)
        } else {
        }
        %add3A_58 = arith.constant 3 : i32
        %add3A_59 = arith.addi %scan3A_33, %add3A_58 : i32
        %lt3A_60 = arith.constant 79 : i32
        %lt3A_61 = arith.cmpi slt, %add3A_59, %lt3A_60 : i32
        %convert_element_type3A_62 = arith.extui %lt3A_61 : i1 to i32
        %cond3A_63 = arith.constant 0 : i32
        %cond3A_64 = arith.cmpi ne, %convert_element_type3A_62, %cond3A_63 : i32
        scf.if %cond3A_64 {
          %add3A_79 = arith.constant 3 : i32
          %add3A_80 = arith.addi %scan3A_33, %add3A_79 : i32
          %dma_start3A_81 = arith.constant 0 : i32
          %dma_start3A_82 = arith.constant 0 : i32
          %dma_start3A_83 = tpu.memref_slice %arg3[%add3A, %add3A_80, %dma_start3A_81, %dma_start3A_82] : memref<32x79x2x128xi32, #tpu.memory_space<hbm>> -> memref<1x1x2x128xi32, #tpu.memory_space<hbm>>
          %dma_start3A_84 = tpu.memref_squeeze %dma_start3A_83 : memref<1x1x2x128xi32, #tpu.memory_space<hbm>> -> memref<2x128xi32, #tpu.memory_space<hbm>>
          %dma_start3A_85 = arith.constant 0 : i32
          %dma_start3A_86 = arith.constant 0 : i32
          %dma_start3A_87 = tpu.memref_slice %arg3[%add3A, %add3A_80, %dma_start3A_85, %dma_start3A_86] : memref<32x79x2x128xi32, #tpu.memory_space<hbm>> -> memref<1x1x2x128xi32, #tpu.memory_space<hbm>>
          %dma_start3A_88 = tpu.memref_squeeze %dma_start3A_87 : memref<1x1x2x128xi32, #tpu.memory_space<hbm>> -> memref<2x128xi32, #tpu.memory_space<hbm>>
          tpu.enqueue_dma source(%dma_start3A_88 : memref<2x128xi32, #tpu.memory_space<hbm>>) target(%arg6 : memref<2x128xi32, #tpu.memory_space<vmem>>) target_semaphore(%arg17 : memref<!tpu.dma_semaphore, #tpu.memory_space<semaphore_mem>>)
        } else {
        }
        %dma_wait3A_65 = arith.constant 0 : i32
        %dma_wait3A_66 = arith.constant 0 : i32
        %dma_wait3A_67 = tpu.memref_slice %arg7[%dma_wait3A_65, %dma_wait3A_66] : memref<2x128xi32, #tpu.memory_space<vmem>> -> memref<1x128xi32, #tpu.memory_space<vmem>>
        %dma_wait3A_68 = tpu.memref_squeeze %dma_wait3A_67 : memref<1x128xi32, #tpu.memory_space<vmem>> -> memref<128xi32, #tpu.memory_space<vmem>>
        %dma_wait3A_69 = arith.constant 0 : i32
        %dma_wait3A_70 = arith.constant 0 : i32
        %dma_wait3A_71 = tpu.memref_slice %arg2[%dma_wait3A_69, %dma_wait3A_70] : memref<10112x128xf32, #tpu.memory_space<hbm>> -> memref<10112x128xf32, #tpu.memory_space<hbm>>
        tpu.wait_indirect_dma semaphore(%arg14 : memref<!tpu.dma_semaphore, #tpu.memory_space<semaphore_mem>>) src(%dma_wait3A_71 : memref<10112x128xf32, #tpu.memory_space<hbm>>) dst(%arg11 : memref<128x128xf32, #tpu.memory_space<vmem>>)
        %dma_start3A_72 = arith.constant 1 : i32
        %dma_start3A_73 = arith.constant 0 : i32
        %dma_start3A_74 = tpu.memref_slice %arg7[%dma_start3A_72, %dma_start3A_73] : memref<2x128xi32, #tpu.memory_space<vmem>> -> memref<1x128xi32, #tpu.memory_space<vmem>>
        %dma_start3A_75 = tpu.memref_squeeze %dma_start3A_74 : memref<1x128xi32, #tpu.memory_space<vmem>> -> memref<128xi32, #tpu.memory_space<vmem>>
        %dma_start3A_76 = arith.constant 0 : i32
        %dma_start3A_77 = arith.constant 0 : i32
        %dma_start3A_78 = tpu.memref_slice %arg12[%dma_start3A_76, %dma_start3A_77] : memref<10112x128xf32, #tpu.memory_space<vmem_shared>> -> memref<10112x128xf32, #tpu.memory_space<vmem_shared>>
        tpu.enqueue_indirect_dma source(%arg11 : memref<128x128xf32, #tpu.memory_space<vmem>>) target(%dma_start3A_78 : memref<10112x128xf32, #tpu.memory_space<vmem_shared>>) offsets(%dma_start3A_75 : memref<128xi32, #tpu.memory_space<vmem>>) semaphore(%arg16 : memref<!tpu.dma_semaphore, #tpu.memory_space<semaphore_mem>>) {add = true}
      } else {
      }
      %eq3A_42 = arith.constant 2 : i32
      %eq3A_43 = arith.cmpi eq, %rem3A_34, %eq3A_42 : i32
      %convert_element_type3A_44 = arith.extui %eq3A_43 : i1 to i32
      %cond3A_45 = arith.constant 0 : i32
      %cond3A_46 = arith.cmpi ne, %convert_element_type3A_44, %cond3A_45 : i32
      scf.if %cond3A_46 {
        %add3A_52 = arith.constant 1 : i32
        %add3A_53 = arith.addi %scan3A_33, %add3A_52 : i32
        %lt3A = arith.constant 79 : i32
        %lt3A_54 = arith.cmpi slt, %add3A_53, %lt3A : i32
        %convert_element_type3A_55 = arith.extui %lt3A_54 : i1 to i32
        %cond3A_56 = arith.constant 0 : i32
        %cond3A_57 = arith.cmpi ne, %convert_element_type3A_55, %cond3A_56 : i32
        scf.if %cond3A_57 {
          %ge3A = arith.constant 1 : i32
          %ge3A_79 = arith.cmpi sge, %scan3A_33, %ge3A : i32
          %convert_element_type3A_80 = arith.extui %ge3A_79 : i1 to i32
          %cond3A_81 = arith.constant 0 : i32
          %cond3A_82 = arith.cmpi ne, %convert_element_type3A_80, %cond3A_81 : i32
          scf.if %cond3A_82 {
            %dma_wait3A_95 = arith.constant 1 : i32
            %dma_wait3A_96 = arith.constant 0 : i32
            %dma_wait3A_97 = tpu.memref_slice %arg9[%dma_wait3A_95, %dma_wait3A_96] : memref<2x128xi32, #tpu.memory_space<vmem>> -> memref<1x128xi32, #tpu.memory_space<vmem>>
            %dma_wait3A_98 = tpu.memref_squeeze %dma_wait3A_97 : memref<1x128xi32, #tpu.memory_space<vmem>> -> memref<128xi32, #tpu.memory_space<vmem>>
            %dma_wait3A_99 = arith.constant 0 : i32
            %dma_wait3A_100 = arith.constant 0 : i32
            %dma_wait3A_101 = tpu.memref_slice %arg12[%dma_wait3A_99, %dma_wait3A_100] : memref<10112x128xf32, #tpu.memory_space<vmem_shared>> -> memref<10112x128xf32, #tpu.memory_space<vmem_shared>>
            tpu.wait_indirect_dma semaphore(%arg16 : memref<!tpu.dma_semaphore, #tpu.memory_space<semaphore_mem>>) src(%arg11 : memref<128x128xf32, #tpu.memory_space<vmem>>) dst(%dma_wait3A_101 : memref<10112x128xf32, #tpu.memory_space<vmem_shared>>)
          } else {
          }
          %ge3A_83 = arith.constant 2 : i32
          %ge3A_84 = arith.cmpi sge, %scan3A_33, %ge3A_83 : i32
          %convert_element_type3A_85 = arith.extui %ge3A_84 : i1 to i32
          %cond3A_86 = arith.constant 0 : i32
          %cond3A_87 = arith.cmpi ne, %convert_element_type3A_85, %cond3A_86 : i32
          scf.if %cond3A_87 {
            %dma_wait3A_95 = arith.constant 0 : i32
            %dma_wait3A_96 = arith.constant 0 : i32
            %dma_wait3A_97 = tpu.memref_slice %arg3[%add3A, %add3A_53, %dma_wait3A_95, %dma_wait3A_96] : memref<32x79x2x128xi32, #tpu.memory_space<hbm>> -> memref<1x1x2x128xi32, #tpu.memory_space<hbm>>
            %dma_wait3A_98 = tpu.memref_squeeze %dma_wait3A_97 : memref<1x1x2x128xi32, #tpu.memory_space<hbm>> -> memref<2x128xi32, #tpu.memory_space<hbm>>
            %dma_wait3A_99 = arith.constant 0 : i32
            %dma_wait3A_100 = arith.constant 0 : i32
            %dma_wait3A_101 = tpu.memref_slice %arg3[%add3A, %add3A_53, %dma_wait3A_99, %dma_wait3A_100] : memref<32x79x2x128xi32, #tpu.memory_space<hbm>> -> memref<1x1x2x128xi32, #tpu.memory_space<hbm>>
            %dma_wait3A_102 = tpu.memref_squeeze %dma_wait3A_101 : memref<1x1x2x128xi32, #tpu.memory_space<hbm>> -> memref<2x128xi32, #tpu.memory_space<hbm>>
            tpu.wait_dma2 semaphore(%arg20 : memref<!tpu.dma_semaphore, #tpu.memory_space<semaphore_mem>>) src(%dma_wait3A_102 : memref<2x128xi32, #tpu.memory_space<hbm>>) dst(%arg9 : memref<2x128xi32, #tpu.memory_space<vmem>>)
          } else {
          }
          %dma_start3A_88 = arith.constant 0 : i32
          %dma_start3A_89 = arith.constant 0 : i32
          %dma_start3A_90 = tpu.memref_slice %arg9[%dma_start3A_88, %dma_start3A_89] : memref<2x128xi32, #tpu.memory_space<vmem>> -> memref<1x128xi32, #tpu.memory_space<vmem>>
          %dma_start3A_91 = tpu.memref_squeeze %dma_start3A_90 : memref<1x128xi32, #tpu.memory_space<vmem>> -> memref<128xi32, #tpu.memory_space<vmem>>
          %dma_start3A_92 = arith.constant 0 : i32
          %dma_start3A_93 = arith.constant 0 : i32
          %dma_start3A_94 = tpu.memref_slice %arg2[%dma_start3A_92, %dma_start3A_93] : memref<10112x128xf32, #tpu.memory_space<hbm>> -> memref<10112x128xf32, #tpu.memory_space<hbm>>
          tpu.enqueue_indirect_dma source(%dma_start3A_94 : memref<10112x128xf32, #tpu.memory_space<hbm>>) target(%arg11 : memref<128x128xf32, #tpu.memory_space<vmem>>) offsets(%dma_start3A_91 : memref<128xi32, #tpu.memory_space<vmem>>) semaphore(%arg14 : memref<!tpu.dma_semaphore, #tpu.memory_space<semaphore_mem>>)
        } else {
        }
        %add3A_58 = arith.constant 3 : i32
        %add3A_59 = arith.addi %scan3A_33, %add3A_58 : i32
        %lt3A_60 = arith.constant 79 : i32
        %lt3A_61 = arith.cmpi slt, %add3A_59, %lt3A_60 : i32
        %convert_element_type3A_62 = arith.extui %lt3A_61 : i1 to i32
        %cond3A_63 = arith.constant 0 : i32
        %cond3A_64 = arith.cmpi ne, %convert_element_type3A_62, %cond3A_63 : i32
        scf.if %cond3A_64 {
          %add3A_79 = arith.constant 3 : i32
          %add3A_80 = arith.addi %scan3A_33, %add3A_79 : i32
          %dma_start3A_81 = arith.constant 0 : i32
          %dma_start3A_82 = arith.constant 0 : i32
          %dma_start3A_83 = tpu.memref_slice %arg3[%add3A, %add3A_80, %dma_start3A_81, %dma_start3A_82] : memref<32x79x2x128xi32, #tpu.memory_space<hbm>> -> memref<1x1x2x128xi32, #tpu.memory_space<hbm>>
          %dma_start3A_84 = tpu.memref_squeeze %dma_start3A_83 : memref<1x1x2x128xi32, #tpu.memory_space<hbm>> -> memref<2x128xi32, #tpu.memory_space<hbm>>
          %dma_start3A_85 = arith.constant 0 : i32
          %dma_start3A_86 = arith.constant 0 : i32
          %dma_start3A_87 = tpu.memref_slice %arg3[%add3A, %add3A_80, %dma_start3A_85, %dma_start3A_86] : memref<32x79x2x128xi32, #tpu.memory_space<hbm>> -> memref<1x1x2x128xi32, #tpu.memory_space<hbm>>
          %dma_start3A_88 = tpu.memref_squeeze %dma_start3A_87 : memref<1x1x2x128xi32, #tpu.memory_space<hbm>> -> memref<2x128xi32, #tpu.memory_space<hbm>>
          tpu.enqueue_dma source(%dma_start3A_88 : memref<2x128xi32, #tpu.memory_space<hbm>>) target(%arg7 : memref<2x128xi32, #tpu.memory_space<vmem>>) target_semaphore(%arg18 : memref<!tpu.dma_semaphore, #tpu.memory_space<semaphore_mem>>)
        } else {
        }
        %dma_wait3A_65 = arith.constant 0 : i32
        %dma_wait3A_66 = arith.constant 0 : i32
        %dma_wait3A_67 = tpu.memref_slice %arg8[%dma_wait3A_65, %dma_wait3A_66] : memref<2x128xi32, #tpu.memory_space<vmem>> -> memref<1x128xi32, #tpu.memory_space<vmem>>
        %dma_wait3A_68 = tpu.memref_squeeze %dma_wait3A_67 : memref<1x128xi32, #tpu.memory_space<vmem>> -> memref<128xi32, #tpu.memory_space<vmem>>
        %dma_wait3A_69 = arith.constant 0 : i32
        %dma_wait3A_70 = arith.constant 0 : i32
        %dma_wait3A_71 = tpu.memref_slice %arg2[%dma_wait3A_69, %dma_wait3A_70] : memref<10112x128xf32, #tpu.memory_space<hbm>> -> memref<10112x128xf32, #tpu.memory_space<hbm>>
        tpu.wait_indirect_dma semaphore(%arg13 : memref<!tpu.dma_semaphore, #tpu.memory_space<semaphore_mem>>) src(%dma_wait3A_71 : memref<10112x128xf32, #tpu.memory_space<hbm>>) dst(%arg10 : memref<128x128xf32, #tpu.memory_space<vmem>>)
        %dma_start3A_72 = arith.constant 1 : i32
        %dma_start3A_73 = arith.constant 0 : i32
        %dma_start3A_74 = tpu.memref_slice %arg8[%dma_start3A_72, %dma_start3A_73] : memref<2x128xi32, #tpu.memory_space<vmem>> -> memref<1x128xi32, #tpu.memory_space<vmem>>
        %dma_start3A_75 = tpu.memref_squeeze %dma_start3A_74 : memref<1x128xi32, #tpu.memory_space<vmem>> -> memref<128xi32, #tpu.memory_space<vmem>>
        %dma_start3A_76 = arith.constant 0 : i32
        %dma_start3A_77 = arith.constant 0 : i32
        %dma_start3A_78 = tpu.memref_slice %arg12[%dma_start3A_76, %dma_start3A_77] : memref<10112x128xf32, #tpu.memory_space<vmem_shared>> -> memref<10112x128xf32, #tpu.memory_space<vmem_shared>>
        tpu.enqueue_indirect_dma source(%arg10 : memref<128x128xf32, #tpu.memory_space<vmem>>) target(%dma_start3A_78 : memref<10112x128xf32, #tpu.memory_space<vmem_shared>>) offsets(%dma_start3A_75 : memref<128xi32, #tpu.memory_space<vmem>>) semaphore(%arg15 : memref<!tpu.dma_semaphore, #tpu.memory_space<semaphore_mem>>) {add = true}
      } else {
      }
      %eq3A_47 = arith.constant 3 : i32
      %eq3A_48 = arith.cmpi eq, %rem3A_34, %eq3A_47 : i32
      %convert_element_type3A_49 = arith.extui %eq3A_48 : i1 to i32
      %cond3A_50 = arith.constant 0 : i32
      %cond3A_51 = arith.cmpi ne, %convert_element_type3A_49, %cond3A_50 : i32
      scf.if %cond3A_51 {
        %add3A_52 = arith.constant 1 : i32
        %add3A_53 = arith.addi %scan3A_33, %add3A_52 : i32
        %lt3A = arith.constant 79 : i32
        %lt3A_54 = arith.cmpi slt, %add3A_53, %lt3A : i32
        %convert_element_type3A_55 = arith.extui %lt3A_54 : i1 to i32
        %cond3A_56 = arith.constant 0 : i32
        %cond3A_57 = arith.cmpi ne, %convert_element_type3A_55, %cond3A_56 : i32
        scf.if %cond3A_57 {
          %ge3A = arith.constant 1 : i32
          %ge3A_79 = arith.cmpi sge, %scan3A_33, %ge3A : i32
          %convert_element_type3A_80 = arith.extui %ge3A_79 : i1 to i32
          %cond3A_81 = arith.constant 0 : i32
          %cond3A_82 = arith.cmpi ne, %convert_element_type3A_80, %cond3A_81 : i32
          scf.if %cond3A_82 {
            %dma_wait3A_95 = arith.constant 1 : i32
            %dma_wait3A_96 = arith.constant 0 : i32
            %dma_wait3A_97 = tpu.memref_slice %arg6[%dma_wait3A_95, %dma_wait3A_96] : memref<2x128xi32, #tpu.memory_space<vmem>> -> memref<1x128xi32, #tpu.memory_space<vmem>>
            %dma_wait3A_98 = tpu.memref_squeeze %dma_wait3A_97 : memref<1x128xi32, #tpu.memory_space<vmem>> -> memref<128xi32, #tpu.memory_space<vmem>>
            %dma_wait3A_99 = arith.constant 0 : i32
            %dma_wait3A_100 = arith.constant 0 : i32
            %dma_wait3A_101 = tpu.memref_slice %arg12[%dma_wait3A_99, %dma_wait3A_100] : memref<10112x128xf32, #tpu.memory_space<vmem_shared>> -> memref<10112x128xf32, #tpu.memory_space<vmem_shared>>
            tpu.wait_indirect_dma semaphore(%arg15 : memref<!tpu.dma_semaphore, #tpu.memory_space<semaphore_mem>>) src(%arg10 : memref<128x128xf32, #tpu.memory_space<vmem>>) dst(%dma_wait3A_101 : memref<10112x128xf32, #tpu.memory_space<vmem_shared>>)
          } else {
          }
          %ge3A_83 = arith.constant 2 : i32
          %ge3A_84 = arith.cmpi sge, %scan3A_33, %ge3A_83 : i32
          %convert_element_type3A_85 = arith.extui %ge3A_84 : i1 to i32
          %cond3A_86 = arith.constant 0 : i32
          %cond3A_87 = arith.cmpi ne, %convert_element_type3A_85, %cond3A_86 : i32
          scf.if %cond3A_87 {
            %dma_wait3A_95 = arith.constant 0 : i32
            %dma_wait3A_96 = arith.constant 0 : i32
            %dma_wait3A_97 = tpu.memref_slice %arg3[%add3A, %add3A_53, %dma_wait3A_95, %dma_wait3A_96] : memref<32x79x2x128xi32, #tpu.memory_space<hbm>> -> memref<1x1x2x128xi32, #tpu.memory_space<hbm>>
            %dma_wait3A_98 = tpu.memref_squeeze %dma_wait3A_97 : memref<1x1x2x128xi32, #tpu.memory_space<hbm>> -> memref<2x128xi32, #tpu.memory_space<hbm>>
            %dma_wait3A_99 = arith.constant 0 : i32
            %dma_wait3A_100 = arith.constant 0 : i32
            %dma_wait3A_101 = tpu.memref_slice %arg3[%add3A, %add3A_53, %dma_wait3A_99, %dma_wait3A_100] : memref<32x79x2x128xi32, #tpu.memory_space<hbm>> -> memref<1x1x2x128xi32, #tpu.memory_space<hbm>>
            %dma_wait3A_102 = tpu.memref_squeeze %dma_wait3A_101 : memref<1x1x2x128xi32, #tpu.memory_space<hbm>> -> memref<2x128xi32, #tpu.memory_space<hbm>>
            tpu.wait_dma2 semaphore(%arg17 : memref<!tpu.dma_semaphore, #tpu.memory_space<semaphore_mem>>) src(%dma_wait3A_102 : memref<2x128xi32, #tpu.memory_space<hbm>>) dst(%arg6 : memref<2x128xi32, #tpu.memory_space<vmem>>)
          } else {
          }
          %dma_start3A_88 = arith.constant 0 : i32
          %dma_start3A_89 = arith.constant 0 : i32
          %dma_start3A_90 = tpu.memref_slice %arg6[%dma_start3A_88, %dma_start3A_89] : memref<2x128xi32, #tpu.memory_space<vmem>> -> memref<1x128xi32, #tpu.memory_space<vmem>>
          %dma_start3A_91 = tpu.memref_squeeze %dma_start3A_90 : memref<1x128xi32, #tpu.memory_space<vmem>> -> memref<128xi32, #tpu.memory_space<vmem>>
          %dma_start3A_92 = arith.constant 0 : i32
          %dma_start3A_93 = arith.constant 0 : i32
          %dma_start3A_94 = tpu.memref_slice %arg2[%dma_start3A_92, %dma_start3A_93] : memref<10112x128xf32, #tpu.memory_space<hbm>> -> memref<10112x128xf32, #tpu.memory_space<hbm>>
          tpu.enqueue_indirect_dma source(%dma_start3A_94 : memref<10112x128xf32, #tpu.memory_space<hbm>>) target(%arg10 : memref<128x128xf32, #tpu.memory_space<vmem>>) offsets(%dma_start3A_91 : memref<128xi32, #tpu.memory_space<vmem>>) semaphore(%arg13 : memref<!tpu.dma_semaphore, #tpu.memory_space<semaphore_mem>>)
        } else {
        }
        %add3A_58 = arith.constant 3 : i32
        %add3A_59 = arith.addi %scan3A_33, %add3A_58 : i32
        %lt3A_60 = arith.constant 79 : i32
        %lt3A_61 = arith.cmpi slt, %add3A_59, %lt3A_60 : i32
        %convert_element_type3A_62 = arith.extui %lt3A_61 : i1 to i32
        %cond3A_63 = arith.constant 0 : i32
        %cond3A_64 = arith.cmpi ne, %convert_element_type3A_62, %cond3A_63 : i32
        scf.if %cond3A_64 {
          %add3A_79 = arith.constant 3 : i32
          %add3A_80 = arith.addi %scan3A_33, %add3A_79 : i32
          %dma_start3A_81 = arith.constant 0 : i32
          %dma_start3A_82 = arith.constant 0 : i32
          %dma_start3A_83 = tpu.memref_slice %arg3[%add3A, %add3A_80, %dma_start3A_81, %dma_start3A_82] : memref<32x79x2x128xi32, #tpu.memory_space<hbm>> -> memref<1x1x2x128xi32, #tpu.memory_space<hbm>>
          %dma_start3A_84 = tpu.memref_squeeze %dma_start3A_83 : memref<1x1x2x128xi32, #tpu.memory_space<hbm>> -> memref<2x128xi32, #tpu.memory_space<hbm>>
          %dma_start3A_85 = arith.constant 0 : i32
          %dma_start3A_86 = arith.constant 0 : i32
          %dma_start3A_87 = tpu.memref_slice %arg3[%add3A, %add3A_80, %dma_start3A_85, %dma_start3A_86] : memref<32x79x2x128xi32, #tpu.memory_space<hbm>> -> memref<1x1x2x128xi32, #tpu.memory_space<hbm>>
          %dma_start3A_88 = tpu.memref_squeeze %dma_start3A_87 : memref<1x1x2x128xi32, #tpu.memory_space<hbm>> -> memref<2x128xi32, #tpu.memory_space<hbm>>
          tpu.enqueue_dma source(%dma_start3A_88 : memref<2x128xi32, #tpu.memory_space<hbm>>) target(%arg8 : memref<2x128xi32, #tpu.memory_space<vmem>>) target_semaphore(%arg19 : memref<!tpu.dma_semaphore, #tpu.memory_space<semaphore_mem>>)
        } else {
        }
        %dma_wait3A_65 = arith.constant 0 : i32
        %dma_wait3A_66 = arith.constant 0 : i32
        %dma_wait3A_67 = tpu.memref_slice %arg9[%dma_wait3A_65, %dma_wait3A_66] : memref<2x128xi32, #tpu.memory_space<vmem>> -> memref<1x128xi32, #tpu.memory_space<vmem>>
        %dma_wait3A_68 = tpu.memref_squeeze %dma_wait3A_67 : memref<1x128xi32, #tpu.memory_space<vmem>> -> memref<128xi32, #tpu.memory_space<vmem>>
        %dma_wait3A_69 = arith.constant 0 : i32
        %dma_wait3A_70 = arith.constant 0 : i32
        %dma_wait3A_71 = tpu.memref_slice %arg2[%dma_wait3A_69, %dma_wait3A_70] : memref<10112x128xf32, #tpu.memory_space<hbm>> -> memref<10112x128xf32, #tpu.memory_space<hbm>>
        tpu.wait_indirect_dma semaphore(%arg14 : memref<!tpu.dma_semaphore, #tpu.memory_space<semaphore_mem>>) src(%dma_wait3A_71 : memref<10112x128xf32, #tpu.memory_space<hbm>>) dst(%arg11 : memref<128x128xf32, #tpu.memory_space<vmem>>)
        %dma_start3A_72 = arith.constant 1 : i32
        %dma_start3A_73 = arith.constant 0 : i32
        %dma_start3A_74 = tpu.memref_slice %arg9[%dma_start3A_72, %dma_start3A_73] : memref<2x128xi32, #tpu.memory_space<vmem>> -> memref<1x128xi32, #tpu.memory_space<vmem>>
        %dma_start3A_75 = tpu.memref_squeeze %dma_start3A_74 : memref<1x128xi32, #tpu.memory_space<vmem>> -> memref<128xi32, #tpu.memory_space<vmem>>
        %dma_start3A_76 = arith.constant 0 : i32
        %dma_start3A_77 = arith.constant 0 : i32
        %dma_start3A_78 = tpu.memref_slice %arg12[%dma_start3A_76, %dma_start3A_77] : memref<10112x128xf32, #tpu.memory_space<vmem_shared>> -> memref<10112x128xf32, #tpu.memory_space<vmem_shared>>
        tpu.enqueue_indirect_dma source(%arg11 : memref<128x128xf32, #tpu.memory_space<vmem>>) target(%dma_start3A_78 : memref<10112x128xf32, #tpu.memory_space<vmem_shared>>) offsets(%dma_start3A_75 : memref<128xi32, #tpu.memory_space<vmem>>) semaphore(%arg16 : memref<!tpu.dma_semaphore, #tpu.memory_space<semaphore_mem>>) {add = true}
      } else {
      }
    }
    %scan3A_15 = arith.constant 79 : i32
    %dma_wait3A = arith.constant 1 : i32
    %dma_wait3A_16 = arith.constant 0 : i32
    %dma_wait3A_17 = tpu.memref_slice %arg7[%dma_wait3A, %dma_wait3A_16] : memref<2x128xi32, #tpu.memory_space<vmem>> -> memref<1x128xi32, #tpu.memory_space<vmem>>
    %dma_wait3A_18 = tpu.memref_squeeze %dma_wait3A_17 : memref<1x128xi32, #tpu.memory_space<vmem>> -> memref<128xi32, #tpu.memory_space<vmem>>
    %dma_wait3A_19 = arith.constant 0 : i32
    %dma_wait3A_20 = arith.constant 0 : i32
    %dma_wait3A_21 = tpu.memref_slice %arg12[%dma_wait3A_19, %dma_wait3A_20] : memref<10112x128xf32, #tpu.memory_space<vmem_shared>> -> memref<10112x128xf32, #tpu.memory_space<vmem_shared>>
    tpu.wait_indirect_dma semaphore(%arg16 : memref<!tpu.dma_semaphore, #tpu.memory_space<semaphore_mem>>) src(%arg11 : memref<128x128xf32, #tpu.memory_space<vmem>>) dst(%dma_wait3A_21 : memref<10112x128xf32, #tpu.memory_space<vmem_shared>>)
    %dma_wait3A_22 = arith.constant 1 : i32
    %dma_wait3A_23 = arith.constant 0 : i32
    %dma_wait3A_24 = tpu.memref_slice %arg6[%dma_wait3A_22, %dma_wait3A_23] : memref<2x128xi32, #tpu.memory_space<vmem>> -> memref<1x128xi32, #tpu.memory_space<vmem>>
    %dma_wait3A_25 = tpu.memref_squeeze %dma_wait3A_24 : memref<1x128xi32, #tpu.memory_space<vmem>> -> memref<128xi32, #tpu.memory_space<vmem>>
    %dma_wait3A_26 = arith.constant 0 : i32
    %dma_wait3A_27 = arith.constant 0 : i32
    %dma_wait3A_28 = tpu.memref_slice %arg12[%dma_wait3A_26, %dma_wait3A_27] : memref<10112x128xf32, #tpu.memory_space<vmem_shared>> -> memref<10112x128xf32, #tpu.memory_space<vmem_shared>>
    tpu.wait_indirect_dma semaphore(%arg15 : memref<!tpu.dma_semaphore, #tpu.memory_space<semaphore_mem>>) src(%arg10 : memref<128x128xf32, #tpu.memory_space<vmem>>) dst(%dma_wait3A_28 : memref<10112x128xf32, #tpu.memory_space<vmem_shared>>)
    %barrier3A_29 = arith.constant 0 : index
    tpu.barrier barrier_id(%barrier3A_29)
    %mul3A_30 = arith.constant 10112 : i32
    %mul3A_31 = arith.muli %arg0, %mul3A_30 : i32
    %add3A_32 = arith.addi %mul3A_31, %mul3A_2 : i32
    "tpu.region"() ({
      %run_scoped3A_33 = tpu.sem_alloc : memref<!tpu.dma_semaphore, #tpu.memory_space<semaphore_mem>>
      %dma_start3A_34 = arith.constant 0 : i32
      %dma_start3A_35 = tpu.memref_slice %arg5[%add3A_32, %dma_start3A_34] : memref<20224x128xf32, #tpu.memory_space<hbm>> -> memref<632x128xf32, #tpu.memory_space<hbm>>
      %dma_start3A_36 = arith.constant 0 : i32
      %dma_start3A_37 = tpu.memref_slice %arg12[%mul3A_2, %dma_start3A_36] : memref<10112x128xf32, #tpu.memory_space<vmem_shared>> -> memref<632x128xf32, #tpu.memory_space<vmem_shared>>
      tpu.enqueue_dma source(%dma_start3A_37 : memref<632x128xf32, #tpu.memory_space<vmem_shared>>) target(%dma_start3A_35 : memref<632x128xf32, #tpu.memory_space<hbm>>) target_semaphore(%run_scoped3A_33 : memref<!tpu.dma_semaphore, #tpu.memory_space<semaphore_mem>>)
      %dma_wait3A_38 = arith.constant 0 : i32
      %dma_wait3A_39 = tpu.memref_slice %arg5[%add3A_32, %dma_wait3A_38] : memref<20224x128xf32, #tpu.memory_space<hbm>> -> memref<632x128xf32, #tpu.memory_space<hbm>>
      %dma_wait3A_40 = arith.constant 0 : i32
      %dma_wait3A_41 = tpu.memref_slice %arg12[%mul3A_2, %dma_wait3A_40] : memref<10112x128xf32, #tpu.memory_space<vmem_shared>> -> memref<632x128xf32, #tpu.memory_space<vmem_shared>>
      tpu.wait_dma2 semaphore(%run_scoped3A_33 : memref<!tpu.dma_semaphore, #tpu.memory_space<semaphore_mem>>) src(%dma_wait3A_41 : memref<632x128xf32, #tpu.memory_space<vmem_shared>>) dst(%dma_wait3A_39 : memref<632x128xf32, #tpu.memory_space<hbm>>)
      tpu.yield
    }) : () -> ()
    return
  }
}

#map = affine_map<(d0, d1) -> (0, 0)>
#map1 = affine_map<(d0, d1) -> (0, 0, 0, 0)>
module attributes {stable_mosaic.version = 14 : i64} {
  func.func @body(%arg0: i32, %arg1: i32, %arg2: memref<10112x128xf32, #tpu.memory_space<hbm>>, %arg3: memref<32x79x2x128xi32, #tpu.memory_space<hbm>>, %arg4: memref<10112x128xf32, #tpu.memory_space<hbm>>, %arg5: memref<20224x128xf32, #tpu.memory_space<hbm>>, %arg6: memref<2x128xi32, #tpu.memory_space<vmem>>, %arg7: memref<2x128xi32, #tpu.memory_space<vmem>>, %arg8: memref<2x128xi32, #tpu.memory_space<vmem>>, %arg9: memref<2x128xi32, #tpu.memory_space<vmem>>, %arg10: memref<128x128xf32, #tpu.memory_space<vmem>>, %arg11: memref<128x128xf32, #tpu.memory_space<vmem>>, %arg12: memref<10112x128xf32, #tpu.memory_space<vmem_shared>>, %arg13: memref<!tpu.dma_semaphore, #tpu.memory_space<semaphore_mem>>, %arg14: memref<!tpu.dma_semaphore, #tpu.memory_space<semaphore_mem>>, %arg15: memref<!tpu.dma_semaphore, #tpu.memory_space<semaphore_mem>>, %arg16: memref<!tpu.dma_semaphore, #tpu.memory_space<semaphore_mem>>, %arg17: memref<!tpu.dma_semaphore, #tpu.memory_space<semaphore_mem>>, %arg18: memref<!tpu.dma_semaphore, #tpu.memory_space<semaphore_mem>>, %arg19: memref<!tpu.dma_semaphore, #tpu.memory_space<semaphore_mem>>, %arg20: memref<!tpu.dma_semaphore, #tpu.memory_space<semaphore_mem>>) attributes {dimension_semantics = [#tpu.dimension_semantics<core_parallel>, #tpu.dimension_semantics<subcore_parallel>], iteration_bounds = array<i64: 2, 16>, scalar_prefetch = 0 : i64, scratch_operands = 15 : i64, tpu.core_type = #tpu.core_type<sc_vector_subcore>, window_params = [{transform_indices = #map}, {transform_indices = #map1}, {transform_indices = #map}, {transform_indices = #map}]} {
    %mul3A = arith.constant 16 : i32
    %mul3A_0 = arith.muli %arg0, %mul3A : i32
    %add3A = arith.addi %mul3A_0, %arg1 : i32
    %mul3A_1 = arith.constant 632 : i32
    %mul3A_2 = arith.muli %arg1, %mul3A_1 : i32
    "tpu.region"() ({
      %run_scoped3A_33 = tpu.sem_alloc : memref<!tpu.dma_semaphore, #tpu.memory_space<semaphore_mem>>
      %dma_start3A_34 = arith.constant 0 : i32
      %dma_start3A_35 = tpu.memref_slice %arg12[%mul3A_2, %dma_start3A_34] : memref<10112x128xf32, #tpu.memory_space<vmem_shared>> -> memref<632x128xf32, #tpu.memory_space<vmem_shared>>
      %dma_start3A_36 = arith.constant 0 : i32
      %dma_start3A_37 = tpu.memref_slice %arg4[%mul3A_2, %dma_start3A_36] : memref<10112x128xf32, #tpu.memory_space<hbm>> -> memref<632x128xf32, #tpu.memory_space<hbm>>
      tpu.enqueue_dma source(%dma_start3A_37 : memref<632x128xf32, #tpu.memory_space<hbm>>) target(%dma_start3A_35 : memref<632x128xf32, #tpu.memory_space<vmem_shared>>) target_semaphore(%run_scoped3A_33 : memref<!tpu.dma_semaphore, #tpu.memory_space<semaphore_mem>>)
      %dma_wait3A_38 = arith.constant 0 : i32
      %dma_wait3A_39 = tpu.memref_slice %arg12[%mul3A_2, %dma_wait3A_38] : memref<10112x128xf32, #tpu.memory_space<vmem_shared>> -> memref<632x128xf32, #tpu.memory_space<vmem_shared>>
      %dma_wait3A_40 = arith.constant 0 : i32
      %dma_wait3A_41 = tpu.memref_slice %arg4[%mul3A_2, %dma_wait3A_40] : memref<10112x128xf32, #tpu.memory_space<hbm>> -> memref<632x128xf32, #tpu.memory_space<hbm>>
      tpu.wait_dma2 semaphore(%run_scoped3A_33 : memref<!tpu.dma_semaphore, #tpu.memory_space<semaphore_mem>>) src(%dma_wait3A_41 : memref<632x128xf32, #tpu.memory_space<hbm>>) dst(%dma_wait3A_39 : memref<632x128xf32, #tpu.memory_space<vmem_shared>>)
      tpu.yield
    }) : () -> ()
    %run_scoped3A = arith.constant 0 : i32
    "tpu.region"() ({
      %run_scoped3A_33 = tpu.sem_alloc : memref<!tpu.dma_semaphore, #tpu.memory_space<semaphore_mem>>
      %dma_start3A_34 = arith.constant 0 : i32
      %dma_start3A_35 = arith.constant 0 : i32
      %dma_start3A_36 = tpu.memref_slice %arg3[%add3A, %run_scoped3A, %dma_start3A_34, %dma_start3A_35] : memref<32x79x2x128xi32, #tpu.memory_space<hbm>> -> memref<1x1x2x128xi32, #tpu.memory_space<hbm>>
      %dma_start3A_37 = tpu.memref_squeeze %dma_start3A_36 : memref<1x1x2x128xi32, #tpu.memory_space<hbm>> -> memref<2x128xi32, #tpu.memory_space<hbm>>
      %dma_start3A_38 = arith.constant 0 : i32
      %dma_start3A_39 = arith.constant 0 : i32
      %dma_start3A_40 = tpu.memref_slice %arg3[%add3A, %run_scoped3A, %dma_start3A_38, %dma_start3A_39] : memref<32x79x2x128xi32, #tpu.memory_space<hbm>> -> memref<1x1x2x128xi32, #tpu.memory_space<hbm>>
      %dma_start3A_41 = tpu.memref_squeeze %dma_start3A_40 : memref<1x1x2x128xi32, #tpu.memory_space<hbm>> -> memref<2x128xi32, #tpu.memory_space<hbm>>
      tpu.enqueue_dma source(%dma_start3A_41 : memref<2x128xi32, #tpu.memory_space<hbm>>) target(%arg6 : memref<2x128xi32, #tpu.memory_space<vmem>>) target_semaphore(%run_scoped3A_33 : memref<!tpu.dma_semaphore, #tpu.memory_space<semaphore_mem>>)
      %dma_wait3A_42 = arith.constant 0 : i32
      %dma_wait3A_43 = arith.constant 0 : i32
      %dma_wait3A_44 = tpu.memref_slice %arg3[%add3A, %run_scoped3A, %dma_wait3A_42, %dma_wait3A_43] : memref<32x79x2x128xi32, #tpu.memory_space<hbm>> -> memref<1x1x2x128xi32, #tpu.memory_space<hbm>>
      %dma_wait3A_45 = tpu.memref_squeeze %dma_wait3A_44 : memref<1x1x2x128xi32, #tpu.memory_space<hbm>> -> memref<2x128xi32, #tpu.memory_space<hbm>>
      %dma_wait3A_46 = arith.constant 0 : i32
      %dma_wait3A_47 = arith.constant 0 : i32
      %dma_wait3A_48 = tpu.memref_slice %arg3[%add3A, %run_scoped3A, %dma_wait3A_46, %dma_wait3A_47] : memref<32x79x2x128xi32, #tpu.memory_space<hbm>> -> memref<1x1x2x128xi32, #tpu.memory_space<hbm>>
      %dma_wait3A_49 = tpu.memref_squeeze %dma_wait3A_48 : memref<1x1x2x128xi32, #tpu.memory_space<hbm>> -> memref<2x128xi32, #tpu.memory_space<hbm>>
      tpu.wait_dma2 semaphore(%run_scoped3A_33 : memref<!tpu.dma_semaphore, #tpu.memory_space<semaphore_mem>>) src(%dma_wait3A_49 : memref<2x128xi32, #tpu.memory_space<hbm>>) dst(%arg6 : memref<2x128xi32, #tpu.memory_space<vmem>>)
      tpu.yield
    }) : () -> ()
    %run_scoped3A_3 = arith.constant 1 : i32
    "tpu.region"() ({
      %run_scoped3A_33 = tpu.sem_alloc : memref<!tpu.dma_semaphore, #tpu.memory_space<semaphore_mem>>
      %dma_start3A_34 = arith.constant 0 : i32
      %dma_start3A_35 = arith.constant 0 : i32
      %dma_start3A_36 = tpu.memref_slice %arg3[%add3A, %run_scoped3A_3, %dma_start3A_34, %dma_start3A_35] : memref<32x79x2x128xi32, #tpu.memory_space<hbm>> -> memref<1x1x2x128xi32, #tpu.memory_space<hbm>>
      %dma_start3A_37 = tpu.memref_squeeze %dma_start3A_36 : memref<1x1x2x128xi32, #tpu.memory_space<hbm>> -> memref<2x128xi32, #tpu.memory_space<hbm>>
      %dma_start3A_38 = arith.constant 0 : i32
      %dma_start3A_39 = arith.constant 0 : i32
      %dma_start3A_40 = tpu.memref_slice %arg3[%add3A, %run_scoped3A_3, %dma_start3A_38, %dma_start3A_39] : memref<32x79x2x128xi32, #tpu.memory_space<hbm>> -> memref<1x1x2x128xi32, #tpu.memory_space<hbm>>
      %dma_start3A_41 = tpu.memref_squeeze %dma_start3A_40 : memref<1x1x2x128xi32, #tpu.memory_space<hbm>> -> memref<2x128xi32, #tpu.memory_space<hbm>>
      tpu.enqueue_dma source(%dma_start3A_41 : memref<2x128xi32, #tpu.memory_space<hbm>>) target(%arg7 : memref<2x128xi32, #tpu.memory_space<vmem>>) target_semaphore(%run_scoped3A_33 : memref<!tpu.dma_semaphore, #tpu.memory_space<semaphore_mem>>)
      %dma_wait3A_42 = arith.constant 0 : i32
      %dma_wait3A_43 = arith.constant 0 : i32
      %dma_wait3A_44 = tpu.memref_slice %arg3[%add3A, %run_scoped3A_3, %dma_wait3A_42, %dma_wait3A_43] : memref<32x79x2x128xi32, #tpu.memory_space<hbm>> -> memref<1x1x2x128xi32, #tpu.memory_space<hbm>>
      %dma_wait3A_45 = tpu.memref_squeeze %dma_wait3A_44 : memref<1x1x2x128xi32, #tpu.memory_space<hbm>> -> memref<2x128xi32, #tpu.memory_space<hbm>>
      %dma_wait3A_46 = arith.constant 0 : i32
      %dma_wait3A_47 = arith.constant 0 : i32
      %dma_wait3A_48 = tpu.memref_slice %arg3[%add3A, %run_scoped3A_3, %dma_wait3A_46, %dma_wait3A_47] : memref<32x79x2x128xi32, #tpu.memory_space<hbm>> -> memref<1x1x2x128xi32, #tpu.memory_space<hbm>>
      %dma_wait3A_49 = tpu.memref_squeeze %dma_wait3A_48 : memref<1x1x2x128xi32, #tpu.memory_space<hbm>> -> memref<2x128xi32, #tpu.memory_space<hbm>>
      tpu.wait_dma2 semaphore(%run_scoped3A_33 : memref<!tpu.dma_semaphore, #tpu.memory_space<semaphore_mem>>) src(%dma_wait3A_49 : memref<2x128xi32, #tpu.memory_space<hbm>>) dst(%arg7 : memref<2x128xi32, #tpu.memory_space<vmem>>)
      tpu.yield
    }) : () -> ()
    %run_scoped3A_4 = arith.constant 2 : i32
    "tpu.region"() ({
      %run_scoped3A_33 = tpu.sem_alloc : memref<!tpu.dma_semaphore, #tpu.memory_space<semaphore_mem>>
      %dma_start3A_34 = arith.constant 0 : i32
      %dma_start3A_35 = arith.constant 0 : i32
      %dma_start3A_36 = tpu.memref_slice %arg3[%add3A, %run_scoped3A_4, %dma_start3A_34, %dma_start3A_35] : memref<32x79x2x128xi32, #tpu.memory_space<hbm>> -> memref<1x1x2x128xi32, #tpu.memory_space<hbm>>
      %dma_start3A_37 = tpu.memref_squeeze %dma_start3A_36 : memref<1x1x2x128xi32, #tpu.memory_space<hbm>> -> memref<2x128xi32, #tpu.memory_space<hbm>>
      %dma_start3A_38 = arith.constant 0 : i32
      %dma_start3A_39 = arith.constant 0 : i32
      %dma_start3A_40 = tpu.memref_slice %arg3[%add3A, %run_scoped3A_4, %dma_start3A_38, %dma_start3A_39] : memref<32x79x2x128xi32, #tpu.memory_space<hbm>> -> memref<1x1x2x128xi32, #tpu.memory_space<hbm>>
      %dma_start3A_41 = tpu.memref_squeeze %dma_start3A_40 : memref<1x1x2x128xi32, #tpu.memory_space<hbm>> -> memref<2x128xi32, #tpu.memory_space<hbm>>
      tpu.enqueue_dma source(%dma_start3A_41 : memref<2x128xi32, #tpu.memory_space<hbm>>) target(%arg8 : memref<2x128xi32, #tpu.memory_space<vmem>>) target_semaphore(%run_scoped3A_33 : memref<!tpu.dma_semaphore, #tpu.memory_space<semaphore_mem>>)
      %dma_wait3A_42 = arith.constant 0 : i32
      %dma_wait3A_43 = arith.constant 0 : i32
      %dma_wait3A_44 = tpu.memref_slice %arg3[%add3A, %run_scoped3A_4, %dma_wait3A_42, %dma_wait3A_43] : memref<32x79x2x128xi32, #tpu.memory_space<hbm>> -> memref<1x1x2x128xi32, #tpu.memory_space<hbm>>
      %dma_wait3A_45 = tpu.memref_squeeze %dma_wait3A_44 : memref<1x1x2x128xi32, #tpu.memory_space<hbm>> -> memref<2x128xi32, #tpu.memory_space<hbm>>
      %dma_wait3A_46 = arith.constant 0 : i32
      %dma_wait3A_47 = arith.constant 0 : i32
      %dma_wait3A_48 = tpu.memref_slice %arg3[%add3A, %run_scoped3A_4, %dma_wait3A_46, %dma_wait3A_47] : memref<32x79x2x128xi32, #tpu.memory_space<hbm>> -> memref<1x1x2x128xi32, #tpu.memory_space<hbm>>
      %dma_wait3A_49 = tpu.memref_squeeze %dma_wait3A_48 : memref<1x1x2x128xi32, #tpu.memory_space<hbm>> -> memref<2x128xi32, #tpu.memory_space<hbm>>
      tpu.wait_dma2 semaphore(%run_scoped3A_33 : memref<!tpu.dma_semaphore, #tpu.memory_space<semaphore_mem>>) src(%dma_wait3A_49 : memref<2x128xi32, #tpu.memory_space<hbm>>) dst(%arg8 : memref<2x128xi32, #tpu.memory_space<vmem>>)
      tpu.yield
    }) : () -> ()
    %dma_start3A = arith.constant 0 : i32
    %dma_start3A_5 = arith.constant 0 : i32
    %dma_start3A_6 = tpu.memref_slice %arg6[%dma_start3A, %dma_start3A_5] : memref<2x128xi32, #tpu.memory_space<vmem>> -> memref<1x128xi32, #tpu.memory_space<vmem>>
    %dma_start3A_7 = tpu.memref_squeeze %dma_start3A_6 : memref<1x128xi32, #tpu.memory_space<vmem>> -> memref<128xi32, #tpu.memory_space<vmem>>
    %dma_start3A_8 = arith.constant 0 : i32
    %dma_start3A_9 = arith.constant 0 : i32
    %dma_start3A_10 = tpu.memref_slice %arg2[%dma_start3A_8, %dma_start3A_9] : memref<10112x128xf32, #tpu.memory_space<hbm>> -> memref<10112x128xf32, #tpu.memory_space<hbm>>
    tpu.enqueue_indirect_dma source(%dma_start3A_10 : memref<10112x128xf32, #tpu.memory_space<hbm>>) target(%arg10 : memref<128x128xf32, #tpu.memory_space<vmem>>) offsets(%dma_start3A_7 : memref<128xi32, #tpu.memory_space<vmem>>) semaphore(%arg13 : memref<!tpu.dma_semaphore, #tpu.memory_space<semaphore_mem>>)
    %barrier3A = arith.constant 0 : index
    tpu.barrier barrier_id(%barrier3A)
    %scan3A = arith.constant 0 : i32
    %scan3A_11 = arith.constant 0 : i32
    %scan3A_12 = arith.constant 79 : i32
    %scan3A_13 = arith.addi %scan3A_11, %scan3A_12 : i32
    %scan3A_14 = arith.constant 1 : i32
    scf.for %scan3A_33 = %scan3A_11 to %scan3A_13 step %scan3A_14  : i32 {
      %rem3A = arith.constant 4 : i32
      %rem3A_34 = arith.remsi %scan3A_33, %rem3A : i32
      %eq3A = arith.constant 0 : i32
      %eq3A_35 = arith.cmpi eq, %rem3A_34, %eq3A : i32
      %convert_element_type3A = arith.extui %eq3A_35 : i1 to i32
      %cond3A = arith.constant 0 : i32
      %cond3A_36 = arith.cmpi ne, %convert_element_type3A, %cond3A : i32
      scf.if %cond3A_36 {
        %add3A_52 = arith.constant 1 : i32
        %add3A_53 = arith.addi %scan3A_33, %add3A_52 : i32
        %lt3A = arith.constant 79 : i32
        %lt3A_54 = arith.cmpi slt, %add3A_53, %lt3A : i32
        %convert_element_type3A_55 = arith.extui %lt3A_54 : i1 to i32
        %cond3A_56 = arith.constant 0 : i32
        %cond3A_57 = arith.cmpi ne, %convert_element_type3A_55, %cond3A_56 : i32
        scf.if %cond3A_57 {
          %ge3A = arith.constant 1 : i32
          %ge3A_79 = arith.cmpi sge, %scan3A_33, %ge3A : i32
          %convert_element_type3A_80 = arith.extui %ge3A_79 : i1 to i32
          %cond3A_81 = arith.constant 0 : i32
          %cond3A_82 = arith.cmpi ne, %convert_element_type3A_80, %cond3A_81 : i32
          scf.if %cond3A_82 {
            %dma_wait3A_95 = arith.constant 1 : i32
            %dma_wait3A_96 = arith.constant 0 : i32
            %dma_wait3A_97 = tpu.memref_slice %arg7[%dma_wait3A_95, %dma_wait3A_96] : memref<2x128xi32, #tpu.memory_space<vmem>> -> memref<1x128xi32, #tpu.memory_space<vmem>>
            %dma_wait3A_98 = tpu.memref_squeeze %dma_wait3A_97 : memref<1x128xi32, #tpu.memory_space<vmem>> -> memref<128xi32, #tpu.memory_space<vmem>>
            %dma_wait3A_99 = arith.constant 0 : i32
            %dma_wait3A_100 = arith.constant 0 : i32
            %dma_wait3A_101 = tpu.memref_slice %arg12[%dma_wait3A_99, %dma_wait3A_100] : memref<10112x128xf32, #tpu.memory_space<vmem_shared>> -> memref<10112x128xf32, #tpu.memory_space<vmem_shared>>
            tpu.wait_indirect_dma semaphore(%arg16 : memref<!tpu.dma_semaphore, #tpu.memory_space<semaphore_mem>>) src(%arg11 : memref<128x128xf32, #tpu.memory_space<vmem>>) dst(%dma_wait3A_101 : memref<10112x128xf32, #tpu.memory_space<vmem_shared>>)
          } else {
          }
          %ge3A_83 = arith.constant 2 : i32
          %ge3A_84 = arith.cmpi sge, %scan3A_33, %ge3A_83 : i32
          %convert_element_type3A_85 = arith.extui %ge3A_84 : i1 to i32
          %cond3A_86 = arith.constant 0 : i32
          %cond3A_87 = arith.cmpi ne, %convert_element_type3A_85, %cond3A_86 : i32
          scf.if %cond3A_87 {
            %dma_wait3A_95 = arith.constant 0 : i32
            %dma_wait3A_96 = arith.constant 0 : i32
            %dma_wait3A_97 = tpu.memref_slice %arg3[%add3A, %add3A_53, %dma_wait3A_95, %dma_wait3A_96] : memref<32x79x2x128xi32, #tpu.memory_space<hbm>> -> memref<1x1x2x128xi32, #tpu.memory_space<hbm>>
            %dma_wait3A_98 = tpu.memref_squeeze %dma_wait3A_97 : memref<1x1x2x128xi32, #tpu.memory_space<hbm>> -> memref<2x128xi32, #tpu.memory_space<hbm>>
            %dma_wait3A_99 = arith.constant 0 : i32
            %dma_wait3A_100 = arith.constant 0 : i32
            %dma_wait3A_101 = tpu.memref_slice %arg3[%add3A, %add3A_53, %dma_wait3A_99, %dma_wait3A_100] : memref<32x79x2x128xi32, #tpu.memory_space<hbm>> -> memref<1x1x2x128xi32, #tpu.memory_space<hbm>>
            %dma_wait3A_102 = tpu.memref_squeeze %dma_wait3A_101 : memref<1x1x2x128xi32, #tpu.memory_space<hbm>> -> memref<2x128xi32, #tpu.memory_space<hbm>>
            tpu.wait_dma2 semaphore(%arg18 : memref<!tpu.dma_semaphore, #tpu.memory_space<semaphore_mem>>) src(%dma_wait3A_102 : memref<2x128xi32, #tpu.memory_space<hbm>>) dst(%arg7 : memref<2x128xi32, #tpu.memory_space<vmem>>)
          } else {
          }
          %dma_start3A_88 = arith.constant 0 : i32
          %dma_start3A_89 = arith.constant 0 : i32
          %dma_start3A_90 = tpu.memref_slice %arg7[%dma_start3A_88, %dma_start3A_89] : memref<2x128xi32, #tpu.memory_space<vmem>> -> memref<1x128xi32, #tpu.memory_space<vmem>>
          %dma_start3A_91 = tpu.memref_squeeze %dma_start3A_90 : memref<1x128xi32, #tpu.memory_space<vmem>> -> memref<128xi32, #tpu.memory_space<vmem>>
          %dma_start3A_92 = arith.constant 0 : i32
          %dma_start3A_93 = arith.constant 0 : i32
          %dma_start3A_94 = tpu.memref_slice %arg2[%dma_start3A_92, %dma_start3A_93] : memref<10112x128xf32, #tpu.memory_space<hbm>> -> memref<10112x128xf32, #tpu.memory_space<hbm>>
          tpu.enqueue_indirect_dma source(%dma_start3A_94 : memref<10112x128xf32, #tpu.memory_space<hbm>>) target(%arg11 : memref<128x128xf32, #tpu.memory_space<vmem>>) offsets(%dma_start3A_91 : memref<128xi32, #tpu.memory_space<vmem>>) semaphore(%arg14 : memref<!tpu.dma_semaphore, #tpu.memory_space<semaphore_mem>>)
        } else {
        }
        %add3A_58 = arith.constant 3 : i32
        %add3A_59 = arith.addi %scan3A_33, %add3A_58 : i32
        %lt3A_60 = arith.constant 79 : i32
        %lt3A_61 = arith.cmpi slt, %add3A_59, %lt3A_60 : i32
        %convert_element_type3A_62 = arith.extui %lt3A_61 : i1 to i32
        %cond3A_63 = arith.constant 0 : i32
        %cond3A_64 = arith.cmpi ne, %convert_element_type3A_62, %cond3A_63 : i32
        scf.if %cond3A_64 {
          %add3A_79 = arith.constant 3 : i32
          %add3A_80 = arith.addi %scan3A_33, %add3A_79 : i32
          %dma_start3A_81 = arith.constant 0 : i32
          %dma_start3A_82 = arith.constant 0 : i32
          %dma_start3A_83 = tpu.memref_slice %arg3[%add3A, %add3A_80, %dma_start3A_81, %dma_start3A_82] : memref<32x79x2x128xi32, #tpu.memory_space<hbm>> -> memref<1x1x2x128xi32, #tpu.memory_space<hbm>>
          %dma_start3A_84 = tpu.memref_squeeze %dma_start3A_83 : memref<1x1x2x128xi32, #tpu.memory_space<hbm>> -> memref<2x128xi32, #tpu.memory_space<hbm>>
          %dma_start3A_85 = arith.constant 0 : i32
          %dma_start3A_86 = arith.constant 0 : i32
          %dma_start3A_87 = tpu.memref_slice %arg3[%add3A, %add3A_80, %dma_start3A_85, %dma_start3A_86] : memref<32x79x2x128xi32, #tpu.memory_space<hbm>> -> memref<1x1x2x128xi32, #tpu.memory_space<hbm>>
          %dma_start3A_88 = tpu.memref_squeeze %dma_start3A_87 : memref<1x1x2x128xi32, #tpu.memory_space<hbm>> -> memref<2x128xi32, #tpu.memory_space<hbm>>
          tpu.enqueue_dma source(%dma_start3A_88 : memref<2x128xi32, #tpu.memory_space<hbm>>) target(%arg9 : memref<2x128xi32, #tpu.memory_space<vmem>>) target_semaphore(%arg20 : memref<!tpu.dma_semaphore, #tpu.memory_space<semaphore_mem>>)
        } else {
        }
        %dma_wait3A_65 = arith.constant 0 : i32
        %dma_wait3A_66 = arith.constant 0 : i32
        %dma_wait3A_67 = tpu.memref_slice %arg6[%dma_wait3A_65, %dma_wait3A_66] : memref<2x128xi32, #tpu.memory_space<vmem>> -> memref<1x128xi32, #tpu.memory_space<vmem>>
        %dma_wait3A_68 = tpu.memref_squeeze %dma_wait3A_67 : memref<1x128xi32, #tpu.memory_space<vmem>> -> memref<128xi32, #tpu.memory_space<vmem>>
        %dma_wait3A_69 = arith.constant 0 : i32
        %dma_wait3A_70 = arith.constant 0 : i32
        %dma_wait3A_71 = tpu.memref_slice %arg2[%dma_wait3A_69, %dma_wait3A_70] : memref<10112x128xf32, #tpu.memory_space<hbm>> -> memref<10112x128xf32, #tpu.memory_space<hbm>>
        tpu.wait_indirect_dma semaphore(%arg13 : memref<!tpu.dma_semaphore, #tpu.memory_space<semaphore_mem>>) src(%dma_wait3A_71 : memref<10112x128xf32, #tpu.memory_space<hbm>>) dst(%arg10 : memref<128x128xf32, #tpu.memory_space<vmem>>)
        %dma_start3A_72 = arith.constant 1 : i32
        %dma_start3A_73 = arith.constant 0 : i32
        %dma_start3A_74 = tpu.memref_slice %arg6[%dma_start3A_72, %dma_start3A_73] : memref<2x128xi32, #tpu.memory_space<vmem>> -> memref<1x128xi32, #tpu.memory_space<vmem>>
        %dma_start3A_75 = tpu.memref_squeeze %dma_start3A_74 : memref<1x128xi32, #tpu.memory_space<vmem>> -> memref<128xi32, #tpu.memory_space<vmem>>
        %dma_start3A_76 = arith.constant 0 : i32
        %dma_start3A_77 = arith.constant 0 : i32
        %dma_start3A_78 = tpu.memref_slice %arg12[%dma_start3A_76, %dma_start3A_77] : memref<10112x128xf32, #tpu.memory_space<vmem_shared>> -> memref<10112x128xf32, #tpu.memory_space<vmem_shared>>
        tpu.enqueue_indirect_dma source(%arg10 : memref<128x128xf32, #tpu.memory_space<vmem>>) target(%dma_start3A_78 : memref<10112x128xf32, #tpu.memory_space<vmem_shared>>) offsets(%dma_start3A_75 : memref<128xi32, #tpu.memory_space<vmem>>) semaphore(%arg15 : memref<!tpu.dma_semaphore, #tpu.memory_space<semaphore_mem>>) {add = true}
      } else {
      }
      %eq3A_37 = arith.constant 1 : i32
      %eq3A_38 = arith.cmpi eq, %rem3A_34, %eq3A_37 : i32
      %convert_element_type3A_39 = arith.extui %eq3A_38 : i1 to i32
      %cond3A_40 = arith.constant 0 : i32
      %cond3A_41 = arith.cmpi ne, %convert_element_type3A_39, %cond3A_40 : i32
      scf.if %cond3A_41 {
        %add3A_52 = arith.constant 1 : i32
        %add3A_53 = arith.addi %scan3A_33, %add3A_52 : i32
        %lt3A = arith.constant 79 : i32
        %lt3A_54 = arith.cmpi slt, %add3A_53, %lt3A : i32
        %convert_element_type3A_55 = arith.extui %lt3A_54 : i1 to i32
        %cond3A_56 = arith.constant 0 : i32
        %cond3A_57 = arith.cmpi ne, %convert_element_type3A_55, %cond3A_56 : i32
        scf.if %cond3A_57 {
          %ge3A = arith.constant 1 : i32
          %ge3A_79 = arith.cmpi sge, %scan3A_33, %ge3A : i32
          %convert_element_type3A_80 = arith.extui %ge3A_79 : i1 to i32
          %cond3A_81 = arith.constant 0 : i32
          %cond3A_82 = arith.cmpi ne, %convert_element_type3A_80, %cond3A_81 : i32
          scf.if %cond3A_82 {
            %dma_wait3A_95 = arith.constant 1 : i32
            %dma_wait3A_96 = arith.constant 0 : i32
            %dma_wait3A_97 = tpu.memref_slice %arg8[%dma_wait3A_95, %dma_wait3A_96] : memref<2x128xi32, #tpu.memory_space<vmem>> -> memref<1x128xi32, #tpu.memory_space<vmem>>
            %dma_wait3A_98 = tpu.memref_squeeze %dma_wait3A_97 : memref<1x128xi32, #tpu.memory_space<vmem>> -> memref<128xi32, #tpu.memory_space<vmem>>
            %dma_wait3A_99 = arith.constant 0 : i32
            %dma_wait3A_100 = arith.constant 0 : i32
            %dma_wait3A_101 = tpu.memref_slice %arg12[%dma_wait3A_99, %dma_wait3A_100] : memref<10112x128xf32, #tpu.memory_space<vmem_shared>> -> memref<10112x128xf32, #tpu.memory_space<vmem_shared>>
            tpu.wait_indirect_dma semaphore(%arg15 : memref<!tpu.dma_semaphore, #tpu.memory_space<semaphore_mem>>) src(%arg10 : memref<128x128xf32, #tpu.memory_space<vmem>>) dst(%dma_wait3A_101 : memref<10112x128xf32, #tpu.memory_space<vmem_shared>>)
          } else {
          }
          %ge3A_83 = arith.constant 2 : i32
          %ge3A_84 = arith.cmpi sge, %scan3A_33, %ge3A_83 : i32
          %convert_element_type3A_85 = arith.extui %ge3A_84 : i1 to i32
          %cond3A_86 = arith.constant 0 : i32
          %cond3A_87 = arith.cmpi ne, %convert_element_type3A_85, %cond3A_86 : i32
          scf.if %cond3A_87 {
            %dma_wait3A_95 = arith.constant 0 : i32
            %dma_wait3A_96 = arith.constant 0 : i32
            %dma_wait3A_97 = tpu.memref_slice %arg3[%add3A, %add3A_53, %dma_wait3A_95, %dma_wait3A_96] : memref<32x79x2x128xi32, #tpu.memory_space<hbm>> -> memref<1x1x2x128xi32, #tpu.memory_space<hbm>>
            %dma_wait3A_98 = tpu.memref_squeeze %dma_wait3A_97 : memref<1x1x2x128xi32, #tpu.memory_space<hbm>> -> memref<2x128xi32, #tpu.memory_space<hbm>>
            %dma_wait3A_99 = arith.constant 0 : i32
            %dma_wait3A_100 = arith.constant 0 : i32
            %dma_wait3A_101 = tpu.memref_slice %arg3[%add3A, %add3A_53, %dma_wait3A_99, %dma_wait3A_100] : memref<32x79x2x128xi32, #tpu.memory_space<hbm>> -> memref<1x1x2x128xi32, #tpu.memory_space<hbm>>
            %dma_wait3A_102 = tpu.memref_squeeze %dma_wait3A_101 : memref<1x1x2x128xi32, #tpu.memory_space<hbm>> -> memref<2x128xi32, #tpu.memory_space<hbm>>
            tpu.wait_dma2 semaphore(%arg19 : memref<!tpu.dma_semaphore, #tpu.memory_space<semaphore_mem>>) src(%dma_wait3A_102 : memref<2x128xi32, #tpu.memory_space<hbm>>) dst(%arg8 : memref<2x128xi32, #tpu.memory_space<vmem>>)
          } else {
          }
          %dma_start3A_88 = arith.constant 0 : i32
          %dma_start3A_89 = arith.constant 0 : i32
          %dma_start3A_90 = tpu.memref_slice %arg8[%dma_start3A_88, %dma_start3A_89] : memref<2x128xi32, #tpu.memory_space<vmem>> -> memref<1x128xi32, #tpu.memory_space<vmem>>
          %dma_start3A_91 = tpu.memref_squeeze %dma_start3A_90 : memref<1x128xi32, #tpu.memory_space<vmem>> -> memref<128xi32, #tpu.memory_space<vmem>>
          %dma_start3A_92 = arith.constant 0 : i32
          %dma_start3A_93 = arith.constant 0 : i32
          %dma_start3A_94 = tpu.memref_slice %arg2[%dma_start3A_92, %dma_start3A_93] : memref<10112x128xf32, #tpu.memory_space<hbm>> -> memref<10112x128xf32, #tpu.memory_space<hbm>>
          tpu.enqueue_indirect_dma source(%dma_start3A_94 : memref<10112x128xf32, #tpu.memory_space<hbm>>) target(%arg10 : memref<128x128xf32, #tpu.memory_space<vmem>>) offsets(%dma_start3A_91 : memref<128xi32, #tpu.memory_space<vmem>>) semaphore(%arg13 : memref<!tpu.dma_semaphore, #tpu.memory_space<semaphore_mem>>)
        } else {
        }
        %add3A_58 = arith.constant 3 : i32
        %add3A_59 = arith.addi %scan3A_33, %add3A_58 : i32
        %lt3A_60 = arith.constant 79 : i32
        %lt3A_61 = arith.cmpi slt, %add3A_59, %lt3A_60 : i32
        %convert_element_type3A_62 = arith.extui %lt3A_61 : i1 to i32
        %cond3A_63 = arith.constant 0 : i32
        %cond3A_64 = arith.cmpi ne, %convert_element_type3A_62, %cond3A_63 : i32
        scf.if %cond3A_64 {
          %add3A_79 = arith.constant 3 : i32
          %add3A_80 = arith.addi %scan3A_33, %add3A_79 : i32
          %dma_start3A_81 = arith.constant 0 : i32
          %dma_start3A_82 = arith.constant 0 : i32
          %dma_start3A_83 = tpu.memref_slice %arg3[%add3A, %add3A_80, %dma_start3A_81, %dma_start3A_82] : memref<32x79x2x128xi32, #tpu.memory_space<hbm>> -> memref<1x1x2x128xi32, #tpu.memory_space<hbm>>
          %dma_start3A_84 = tpu.memref_squeeze %dma_start3A_83 : memref<1x1x2x128xi32, #tpu.memory_space<hbm>> -> memref<2x128xi32, #tpu.memory_space<hbm>>
          %dma_start3A_85 = arith.constant 0 : i32
          %dma_start3A_86 = arith.constant 0 : i32
          %dma_start3A_87 = tpu.memref_slice %arg3[%add3A, %add3A_80, %dma_start3A_85, %dma_start3A_86] : memref<32x79x2x128xi32, #tpu.memory_space<hbm>> -> memref<1x1x2x128xi32, #tpu.memory_space<hbm>>
          %dma_start3A_88 = tpu.memref_squeeze %dma_start3A_87 : memref<1x1x2x128xi32, #tpu.memory_space<hbm>> -> memref<2x128xi32, #tpu.memory_space<hbm>>
          tpu.enqueue_dma source(%dma_start3A_88 : memref<2x128xi32, #tpu.memory_space<hbm>>) target(%arg6 : memref<2x128xi32, #tpu.memory_space<vmem>>) target_semaphore(%arg17 : memref<!tpu.dma_semaphore, #tpu.memory_space<semaphore_mem>>)
        } else {
        }
        %dma_wait3A_65 = arith.constant 0 : i32
        %dma_wait3A_66 = arith.constant 0 : i32
        %dma_wait3A_67 = tpu.memref_slice %arg7[%dma_wait3A_65, %dma_wait3A_66] : memref<2x128xi32, #tpu.memory_space<vmem>> -> memref<1x128xi32, #tpu.memory_space<vmem>>
        %dma_wait3A_68 = tpu.memref_squeeze %dma_wait3A_67 : memref<1x128xi32, #tpu.memory_space<vmem>> -> memref<128xi32, #tpu.memory_space<vmem>>
        %dma_wait3A_69 = arith.constant 0 : i32
        %dma_wait3A_70 = arith.constant 0 : i32
        %dma_wait3A_71 = tpu.memref_slice %arg2[%dma_wait3A_69, %dma_wait3A_70] : memref<10112x128xf32, #tpu.memory_space<hbm>> -> memref<10112x128xf32, #tpu.memory_space<hbm>>
        tpu.wait_indirect_dma semaphore(%arg14 : memref<!tpu.dma_semaphore, #tpu.memory_space<semaphore_mem>>) src(%dma_wait3A_71 : memref<10112x128xf32, #tpu.memory_space<hbm>>) dst(%arg11 : memref<128x128xf32, #tpu.memory_space<vmem>>)
        %dma_start3A_72 = arith.constant 1 : i32
        %dma_start3A_73 = arith.constant 0 : i32
        %dma_start3A_74 = tpu.memref_slice %arg7[%dma_start3A_72, %dma_start3A_73] : memref<2x128xi32, #tpu.memory_space<vmem>> -> memref<1x128xi32, #tpu.memory_space<vmem>>
        %dma_start3A_75 = tpu.memref_squeeze %dma_start3A_74 : memref<1x128xi32, #tpu.memory_space<vmem>> -> memref<128xi32, #tpu.memory_space<vmem>>
        %dma_start3A_76 = arith.constant 0 : i32
        %dma_start3A_77 = arith.constant 0 : i32
        %dma_start3A_78 = tpu.memref_slice %arg12[%dma_start3A_76, %dma_start3A_77] : memref<10112x128xf32, #tpu.memory_space<vmem_shared>> -> memref<10112x128xf32, #tpu.memory_space<vmem_shared>>
        tpu.enqueue_indirect_dma source(%arg11 : memref<128x128xf32, #tpu.memory_space<vmem>>) target(%dma_start3A_78 : memref<10112x128xf32, #tpu.memory_space<vmem_shared>>) offsets(%dma_start3A_75 : memref<128xi32, #tpu.memory_space<vmem>>) semaphore(%arg16 : memref<!tpu.dma_semaphore, #tpu.memory_space<semaphore_mem>>) {add = true}
      } else {
      }
      %eq3A_42 = arith.constant 2 : i32
      %eq3A_43 = arith.cmpi eq, %rem3A_34, %eq3A_42 : i32
      %convert_element_type3A_44 = arith.extui %eq3A_43 : i1 to i32
      %cond3A_45 = arith.constant 0 : i32
      %cond3A_46 = arith.cmpi ne, %convert_element_type3A_44, %cond3A_45 : i32
      scf.if %cond3A_46 {
        %add3A_52 = arith.constant 1 : i32
        %add3A_53 = arith.addi %scan3A_33, %add3A_52 : i32
        %lt3A = arith.constant 79 : i32
        %lt3A_54 = arith.cmpi slt, %add3A_53, %lt3A : i32
        %convert_element_type3A_55 = arith.extui %lt3A_54 : i1 to i32
        %cond3A_56 = arith.constant 0 : i32
        %cond3A_57 = arith.cmpi ne, %convert_element_type3A_55, %cond3A_56 : i32
        scf.if %cond3A_57 {
          %ge3A = arith.constant 1 : i32
          %ge3A_79 = arith.cmpi sge, %scan3A_33, %ge3A : i32
          %convert_element_type3A_80 = arith.extui %ge3A_79 : i1 to i32
          %cond3A_81 = arith.constant 0 : i32
          %cond3A_82 = arith.cmpi ne, %convert_element_type3A_80, %cond3A_81 : i32
          scf.if %cond3A_82 {
            %dma_wait3A_95 = arith.constant 1 : i32
            %dma_wait3A_96 = arith.constant 0 : i32
            %dma_wait3A_97 = tpu.memref_slice %arg9[%dma_wait3A_95, %dma_wait3A_96] : memref<2x128xi32, #tpu.memory_space<vmem>> -> memref<1x128xi32, #tpu.memory_space<vmem>>
            %dma_wait3A_98 = tpu.memref_squeeze %dma_wait3A_97 : memref<1x128xi32, #tpu.memory_space<vmem>> -> memref<128xi32, #tpu.memory_space<vmem>>
            %dma_wait3A_99 = arith.constant 0 : i32
            %dma_wait3A_100 = arith.constant 0 : i32
            %dma_wait3A_101 = tpu.memref_slice %arg12[%dma_wait3A_99, %dma_wait3A_100] : memref<10112x128xf32, #tpu.memory_space<vmem_shared>> -> memref<10112x128xf32, #tpu.memory_space<vmem_shared>>
            tpu.wait_indirect_dma semaphore(%arg16 : memref<!tpu.dma_semaphore, #tpu.memory_space<semaphore_mem>>) src(%arg11 : memref<128x128xf32, #tpu.memory_space<vmem>>) dst(%dma_wait3A_101 : memref<10112x128xf32, #tpu.memory_space<vmem_shared>>)
          } else {
          }
          %ge3A_83 = arith.constant 2 : i32
          %ge3A_84 = arith.cmpi sge, %scan3A_33, %ge3A_83 : i32
          %convert_element_type3A_85 = arith.extui %ge3A_84 : i1 to i32
          %cond3A_86 = arith.constant 0 : i32
          %cond3A_87 = arith.cmpi ne, %convert_element_type3A_85, %cond3A_86 : i32
          scf.if %cond3A_87 {
            %dma_wait3A_95 = arith.constant 0 : i32
            %dma_wait3A_96 = arith.constant 0 : i32
            %dma_wait3A_97 = tpu.memref_slice %arg3[%add3A, %add3A_53, %dma_wait3A_95, %dma_wait3A_96] : memref<32x79x2x128xi32, #tpu.memory_space<hbm>> -> memref<1x1x2x128xi32, #tpu.memory_space<hbm>>
            %dma_wait3A_98 = tpu.memref_squeeze %dma_wait3A_97 : memref<1x1x2x128xi32, #tpu.memory_space<hbm>> -> memref<2x128xi32, #tpu.memory_space<hbm>>
            %dma_wait3A_99 = arith.constant 0 : i32
            %dma_wait3A_100 = arith.constant 0 : i32
            %dma_wait3A_101 = tpu.memref_slice %arg3[%add3A, %add3A_53, %dma_wait3A_99, %dma_wait3A_100] : memref<32x79x2x128xi32, #tpu.memory_space<hbm>> -> memref<1x1x2x128xi32, #tpu.memory_space<hbm>>
            %dma_wait3A_102 = tpu.memref_squeeze %dma_wait3A_101 : memref<1x1x2x128xi32, #tpu.memory_space<hbm>> -> memref<2x128xi32, #tpu.memory_space<hbm>>
            tpu.wait_dma2 semaphore(%arg20 : memref<!tpu.dma_semaphore, #tpu.memory_space<semaphore_mem>>) src(%dma_wait3A_102 : memref<2x128xi32, #tpu.memory_space<hbm>>) dst(%arg9 : memref<2x128xi32, #tpu.memory_space<vmem>>)
          } else {
          }
          %dma_start3A_88 = arith.constant 0 : i32
          %dma_start3A_89 = arith.constant 0 : i32
          %dma_start3A_90 = tpu.memref_slice %arg9[%dma_start3A_88, %dma_start3A_89] : memref<2x128xi32, #tpu.memory_space<vmem>> -> memref<1x128xi32, #tpu.memory_space<vmem>>
          %dma_start3A_91 = tpu.memref_squeeze %dma_start3A_90 : memref<1x128xi32, #tpu.memory_space<vmem>> -> memref<128xi32, #tpu.memory_space<vmem>>
          %dma_start3A_92 = arith.constant 0 : i32
          %dma_start3A_93 = arith.constant 0 : i32
          %dma_start3A_94 = tpu.memref_slice %arg2[%dma_start3A_92, %dma_start3A_93] : memref<10112x128xf32, #tpu.memory_space<hbm>> -> memref<10112x128xf32, #tpu.memory_space<hbm>>
          tpu.enqueue_indirect_dma source(%dma_start3A_94 : memref<10112x128xf32, #tpu.memory_space<hbm>>) target(%arg11 : memref<128x128xf32, #tpu.memory_space<vmem>>) offsets(%dma_start3A_91 : memref<128xi32, #tpu.memory_space<vmem>>) semaphore(%arg14 : memref<!tpu.dma_semaphore, #tpu.memory_space<semaphore_mem>>)
        } else {
        }
        %add3A_58 = arith.constant 3 : i32
        %add3A_59 = arith.addi %scan3A_33, %add3A_58 : i32
        %lt3A_60 = arith.constant 79 : i32
        %lt3A_61 = arith.cmpi slt, %add3A_59, %lt3A_60 : i32
        %convert_element_type3A_62 = arith.extui %lt3A_61 : i1 to i32
        %cond3A_63 = arith.constant 0 : i32
        %cond3A_64 = arith.cmpi ne, %convert_element_type3A_62, %cond3A_63 : i32
        scf.if %cond3A_64 {
          %add3A_79 = arith.constant 3 : i32
          %add3A_80 = arith.addi %scan3A_33, %add3A_79 : i32
          %dma_start3A_81 = arith.constant 0 : i32
          %dma_start3A_82 = arith.constant 0 : i32
          %dma_start3A_83 = tpu.memref_slice %arg3[%add3A, %add3A_80, %dma_start3A_81, %dma_start3A_82] : memref<32x79x2x128xi32, #tpu.memory_space<hbm>> -> memref<1x1x2x128xi32, #tpu.memory_space<hbm>>
          %dma_start3A_84 = tpu.memref_squeeze %dma_start3A_83 : memref<1x1x2x128xi32, #tpu.memory_space<hbm>> -> memref<2x128xi32, #tpu.memory_space<hbm>>
          %dma_start3A_85 = arith.constant 0 : i32
          %dma_start3A_86 = arith.constant 0 : i32
          %dma_start3A_87 = tpu.memref_slice %arg3[%add3A, %add3A_80, %dma_start3A_85, %dma_start3A_86] : memref<32x79x2x128xi32, #tpu.memory_space<hbm>> -> memref<1x1x2x128xi32, #tpu.memory_space<hbm>>
          %dma_start3A_88 = tpu.memref_squeeze %dma_start3A_87 : memref<1x1x2x128xi32, #tpu.memory_space<hbm>> -> memref<2x128xi32, #tpu.memory_space<hbm>>
          tpu.enqueue_dma source(%dma_start3A_88 : memref<2x128xi32, #tpu.memory_space<hbm>>) target(%arg7 : memref<2x128xi32, #tpu.memory_space<vmem>>) target_semaphore(%arg18 : memref<!tpu.dma_semaphore, #tpu.memory_space<semaphore_mem>>)
        } else {
        }
        %dma_wait3A_65 = arith.constant 0 : i32
        %dma_wait3A_66 = arith.constant 0 : i32
        %dma_wait3A_67 = tpu.memref_slice %arg8[%dma_wait3A_65, %dma_wait3A_66] : memref<2x128xi32, #tpu.memory_space<vmem>> -> memref<1x128xi32, #tpu.memory_space<vmem>>
        %dma_wait3A_68 = tpu.memref_squeeze %dma_wait3A_67 : memref<1x128xi32, #tpu.memory_space<vmem>> -> memref<128xi32, #tpu.memory_space<vmem>>
        %dma_wait3A_69 = arith.constant 0 : i32
        %dma_wait3A_70 = arith.constant 0 : i32
        %dma_wait3A_71 = tpu.memref_slice %arg2[%dma_wait3A_69, %dma_wait3A_70] : memref<10112x128xf32, #tpu.memory_space<hbm>> -> memref<10112x128xf32, #tpu.memory_space<hbm>>
        tpu.wait_indirect_dma semaphore(%arg13 : memref<!tpu.dma_semaphore, #tpu.memory_space<semaphore_mem>>) src(%dma_wait3A_71 : memref<10112x128xf32, #tpu.memory_space<hbm>>) dst(%arg10 : memref<128x128xf32, #tpu.memory_space<vmem>>)
        %dma_start3A_72 = arith.constant 1 : i32
        %dma_start3A_73 = arith.constant 0 : i32
        %dma_start3A_74 = tpu.memref_slice %arg8[%dma_start3A_72, %dma_start3A_73] : memref<2x128xi32, #tpu.memory_space<vmem>> -> memref<1x128xi32, #tpu.memory_space<vmem>>
        %dma_start3A_75 = tpu.memref_squeeze %dma_start3A_74 : memref<1x128xi32, #tpu.memory_space<vmem>> -> memref<128xi32, #tpu.memory_space<vmem>>
        %dma_start3A_76 = arith.constant 0 : i32
        %dma_start3A_77 = arith.constant 0 : i32
        %dma_start3A_78 = tpu.memref_slice %arg12[%dma_start3A_76, %dma_start3A_77] : memref<10112x128xf32, #tpu.memory_space<vmem_shared>> -> memref<10112x128xf32, #tpu.memory_space<vmem_shared>>
        tpu.enqueue_indirect_dma source(%arg10 : memref<128x128xf32, #tpu.memory_space<vmem>>) target(%dma_start3A_78 : memref<10112x128xf32, #tpu.memory_space<vmem_shared>>) offsets(%dma_start3A_75 : memref<128xi32, #tpu.memory_space<vmem>>) semaphore(%arg15 : memref<!tpu.dma_semaphore, #tpu.memory_space<semaphore_mem>>) {add = true}
      } else {
      }
      %eq3A_47 = arith.constant 3 : i32
      %eq3A_48 = arith.cmpi eq, %rem3A_34, %eq3A_47 : i32
      %convert_element_type3A_49 = arith.extui %eq3A_48 : i1 to i32
      %cond3A_50 = arith.constant 0 : i32
      %cond3A_51 = arith.cmpi ne, %convert_element_type3A_49, %cond3A_50 : i32
      scf.if %cond3A_51 {
        %add3A_52 = arith.constant 1 : i32
        %add3A_53 = arith.addi %scan3A_33, %add3A_52 : i32
        %lt3A = arith.constant 79 : i32
        %lt3A_54 = arith.cmpi slt, %add3A_53, %lt3A : i32
        %convert_element_type3A_55 = arith.extui %lt3A_54 : i1 to i32
        %cond3A_56 = arith.constant 0 : i32
        %cond3A_57 = arith.cmpi ne, %convert_element_type3A_55, %cond3A_56 : i32
        scf.if %cond3A_57 {
          %ge3A = arith.constant 1 : i32
          %ge3A_79 = arith.cmpi sge, %scan3A_33, %ge3A : i32
          %convert_element_type3A_80 = arith.extui %ge3A_79 : i1 to i32
          %cond3A_81 = arith.constant 0 : i32
          %cond3A_82 = arith.cmpi ne, %convert_element_type3A_80, %cond3A_81 : i32
          scf.if %cond3A_82 {
            %dma_wait3A_95 = arith.constant 1 : i32
            %dma_wait3A_96 = arith.constant 0 : i32
            %dma_wait3A_97 = tpu.memref_slice %arg6[%dma_wait3A_95, %dma_wait3A_96] : memref<2x128xi32, #tpu.memory_space<vmem>> -> memref<1x128xi32, #tpu.memory_space<vmem>>
            %dma_wait3A_98 = tpu.memref_squeeze %dma_wait3A_97 : memref<1x128xi32, #tpu.memory_space<vmem>> -> memref<128xi32, #tpu.memory_space<vmem>>
            %dma_wait3A_99 = arith.constant 0 : i32
            %dma_wait3A_100 = arith.constant 0 : i32
            %dma_wait3A_101 = tpu.memref_slice %arg12[%dma_wait3A_99, %dma_wait3A_100] : memref<10112x128xf32, #tpu.memory_space<vmem_shared>> -> memref<10112x128xf32, #tpu.memory_space<vmem_shared>>
            tpu.wait_indirect_dma semaphore(%arg15 : memref<!tpu.dma_semaphore, #tpu.memory_space<semaphore_mem>>) src(%arg10 : memref<128x128xf32, #tpu.memory_space<vmem>>) dst(%dma_wait3A_101 : memref<10112x128xf32, #tpu.memory_space<vmem_shared>>)
          } else {
          }
          %ge3A_83 = arith.constant 2 : i32
          %ge3A_84 = arith.cmpi sge, %scan3A_33, %ge3A_83 : i32
          %convert_element_type3A_85 = arith.extui %ge3A_84 : i1 to i32
          %cond3A_86 = arith.constant 0 : i32
          %cond3A_87 = arith.cmpi ne, %convert_element_type3A_85, %cond3A_86 : i32
          scf.if %cond3A_87 {
            %dma_wait3A_95 = arith.constant 0 : i32
            %dma_wait3A_96 = arith.constant 0 : i32
            %dma_wait3A_97 = tpu.memref_slice %arg3[%add3A, %add3A_53, %dma_wait3A_95, %dma_wait3A_96] : memref<32x79x2x128xi32, #tpu.memory_space<hbm>> -> memref<1x1x2x128xi32, #tpu.memory_space<hbm>>
            %dma_wait3A_98 = tpu.memref_squeeze %dma_wait3A_97 : memref<1x1x2x128xi32, #tpu.memory_space<hbm>> -> memref<2x128xi32, #tpu.memory_space<hbm>>
            %dma_wait3A_99 = arith.constant 0 : i32
            %dma_wait3A_100 = arith.constant 0 : i32
            %dma_wait3A_101 = tpu.memref_slice %arg3[%add3A, %add3A_53, %dma_wait3A_99, %dma_wait3A_100] : memref<32x79x2x128xi32, #tpu.memory_space<hbm>> -> memref<1x1x2x128xi32, #tpu.memory_space<hbm>>
            %dma_wait3A_102 = tpu.memref_squeeze %dma_wait3A_101 : memref<1x1x2x128xi32, #tpu.memory_space<hbm>> -> memref<2x128xi32, #tpu.memory_space<hbm>>
            tpu.wait_dma2 semaphore(%arg17 : memref<!tpu.dma_semaphore, #tpu.memory_space<semaphore_mem>>) src(%dma_wait3A_102 : memref<2x128xi32, #tpu.memory_space<hbm>>) dst(%arg6 : memref<2x128xi32, #tpu.memory_space<vmem>>)
          } else {
          }
          %dma_start3A_88 = arith.constant 0 : i32
          %dma_start3A_89 = arith.constant 0 : i32
          %dma_start3A_90 = tpu.memref_slice %arg6[%dma_start3A_88, %dma_start3A_89] : memref<2x128xi32, #tpu.memory_space<vmem>> -> memref<1x128xi32, #tpu.memory_space<vmem>>
          %dma_start3A_91 = tpu.memref_squeeze %dma_start3A_90 : memref<1x128xi32, #tpu.memory_space<vmem>> -> memref<128xi32, #tpu.memory_space<vmem>>
          %dma_start3A_92 = arith.constant 0 : i32
          %dma_start3A_93 = arith.constant 0 : i32
          %dma_start3A_94 = tpu.memref_slice %arg2[%dma_start3A_92, %dma_start3A_93] : memref<10112x128xf32, #tpu.memory_space<hbm>> -> memref<10112x128xf32, #tpu.memory_space<hbm>>
          tpu.enqueue_indirect_dma source(%dma_start3A_94 : memref<10112x128xf32, #tpu.memory_space<hbm>>) target(%arg10 : memref<128x128xf32, #tpu.memory_space<vmem>>) offsets(%dma_start3A_91 : memref<128xi32, #tpu.memory_space<vmem>>) semaphore(%arg13 : memref<!tpu.dma_semaphore, #tpu.memory_space<semaphore_mem>>)
        } else {
        }
        %add3A_58 = arith.constant 3 : i32
        %add3A_59 = arith.addi %scan3A_33, %add3A_58 : i32
        %lt3A_60 = arith.constant 79 : i32
        %lt3A_61 = arith.cmpi slt, %add3A_59, %lt3A_60 : i32
        %convert_element_type3A_62 = arith.extui %lt3A_61 : i1 to i32
        %cond3A_63 = arith.constant 0 : i32
        %cond3A_64 = arith.cmpi ne, %convert_element_type3A_62, %cond3A_63 : i32
        scf.if %cond3A_64 {
          %add3A_79 = arith.constant 3 : i32
          %add3A_80 = arith.addi %scan3A_33, %add3A_79 : i32
          %dma_start3A_81 = arith.constant 0 : i32
          %dma_start3A_82 = arith.constant 0 : i32
          %dma_start3A_83 = tpu.memref_slice %arg3[%add3A, %add3A_80, %dma_start3A_81, %dma_start3A_82] : memref<32x79x2x128xi32, #tpu.memory_space<hbm>> -> memref<1x1x2x128xi32, #tpu.memory_space<hbm>>
          %dma_start3A_84 = tpu.memref_squeeze %dma_start3A_83 : memref<1x1x2x128xi32, #tpu.memory_space<hbm>> -> memref<2x128xi32, #tpu.memory_space<hbm>>
          %dma_start3A_85 = arith.constant 0 : i32
          %dma_start3A_86 = arith.constant 0 : i32
          %dma_start3A_87 = tpu.memref_slice %arg3[%add3A, %add3A_80, %dma_start3A_85, %dma_start3A_86] : memref<32x79x2x128xi32, #tpu.memory_space<hbm>> -> memref<1x1x2x128xi32, #tpu.memory_space<hbm>>
          %dma_start3A_88 = tpu.memref_squeeze %dma_start3A_87 : memref<1x1x2x128xi32, #tpu.memory_space<hbm>> -> memref<2x128xi32, #tpu.memory_space<hbm>>
          tpu.enqueue_dma source(%dma_start3A_88 : memref<2x128xi32, #tpu.memory_space<hbm>>) target(%arg8 : memref<2x128xi32, #tpu.memory_space<vmem>>) target_semaphore(%arg19 : memref<!tpu.dma_semaphore, #tpu.memory_space<semaphore_mem>>)
        } else {
        }
        %dma_wait3A_65 = arith.constant 0 : i32
        %dma_wait3A_66 = arith.constant 0 : i32
        %dma_wait3A_67 = tpu.memref_slice %arg9[%dma_wait3A_65, %dma_wait3A_66] : memref<2x128xi32, #tpu.memory_space<vmem>> -> memref<1x128xi32, #tpu.memory_space<vmem>>
        %dma_wait3A_68 = tpu.memref_squeeze %dma_wait3A_67 : memref<1x128xi32, #tpu.memory_space<vmem>> -> memref<128xi32, #tpu.memory_space<vmem>>
        %dma_wait3A_69 = arith.constant 0 : i32
        %dma_wait3A_70 = arith.constant 0 : i32
        %dma_wait3A_71 = tpu.memref_slice %arg2[%dma_wait3A_69, %dma_wait3A_70] : memref<10112x128xf32, #tpu.memory_space<hbm>> -> memref<10112x128xf32, #tpu.memory_space<hbm>>
        tpu.wait_indirect_dma semaphore(%arg14 : memref<!tpu.dma_semaphore, #tpu.memory_space<semaphore_mem>>) src(%dma_wait3A_71 : memref<10112x128xf32, #tpu.memory_space<hbm>>) dst(%arg11 : memref<128x128xf32, #tpu.memory_space<vmem>>)
        %dma_start3A_72 = arith.constant 1 : i32
        %dma_start3A_73 = arith.constant 0 : i32
        %dma_start3A_74 = tpu.memref_slice %arg9[%dma_start3A_72, %dma_start3A_73] : memref<2x128xi32, #tpu.memory_space<vmem>> -> memref<1x128xi32, #tpu.memory_space<vmem>>
        %dma_start3A_75 = tpu.memref_squeeze %dma_start3A_74 : memref<1x128xi32, #tpu.memory_space<vmem>> -> memref<128xi32, #tpu.memory_space<vmem>>
        %dma_start3A_76 = arith.constant 0 : i32
        %dma_start3A_77 = arith.constant 0 : i32
        %dma_start3A_78 = tpu.memref_slice %arg12[%dma_start3A_76, %dma_start3A_77] : memref<10112x128xf32, #tpu.memory_space<vmem_shared>> -> memref<10112x128xf32, #tpu.memory_space<vmem_shared>>
        tpu.enqueue_indirect_dma source(%arg11 : memref<128x128xf32, #tpu.memory_space<vmem>>) target(%dma_start3A_78 : memref<10112x128xf32, #tpu.memory_space<vmem_shared>>) offsets(%dma_start3A_75 : memref<128xi32, #tpu.memory_space<vmem>>) semaphore(%arg16 : memref<!tpu.dma_semaphore, #tpu.memory_space<semaphore_mem>>) {add = true}
      } else {
      }
    }
    %scan3A_15 = arith.constant 79 : i32
    %dma_wait3A = arith.constant 1 : i32
    %dma_wait3A_16 = arith.constant 0 : i32
    %dma_wait3A_17 = tpu.memref_slice %arg7[%dma_wait3A, %dma_wait3A_16] : memref<2x128xi32, #tpu.memory_space<vmem>> -> memref<1x128xi32, #tpu.memory_space<vmem>>
    %dma_wait3A_18 = tpu.memref_squeeze %dma_wait3A_17 : memref<1x128xi32, #tpu.memory_space<vmem>> -> memref<128xi32, #tpu.memory_space<vmem>>
    %dma_wait3A_19 = arith.constant 0 : i32
    %dma_wait3A_20 = arith.constant 0 : i32
    %dma_wait3A_21 = tpu.memref_slice %arg12[%dma_wait3A_19, %dma_wait3A_20] : memref<10112x128xf32, #tpu.memory_space<vmem_shared>> -> memref<10112x128xf32, #tpu.memory_space<vmem_shared>>
    tpu.wait_indirect_dma semaphore(%arg16 : memref<!tpu.dma_semaphore, #tpu.memory_space<semaphore_mem>>) src(%arg11 : memref<128x128xf32, #tpu.memory_space<vmem>>) dst(%dma_wait3A_21 : memref<10112x128xf32, #tpu.memory_space<vmem_shared>>)
    %dma_wait3A_22 = arith.constant 1 : i32
    %dma_wait3A_23 = arith.constant 0 : i32
    %dma_wait3A_24 = tpu.memref_slice %arg6[%dma_wait3A_22, %dma_wait3A_23] : memref<2x128xi32, #tpu.memory_space<vmem>> -> memref<1x128xi32, #tpu.memory_space<vmem>>
    %dma_wait3A_25 = tpu.memref_squeeze %dma_wait3A_24 : memref<1x128xi32, #tpu.memory_space<vmem>> -> memref<128xi32, #tpu.memory_space<vmem>>
    %dma_wait3A_26 = arith.constant 0 : i32
    %dma_wait3A_27 = arith.constant 0 : i32
    %dma_wait3A_28 = tpu.memref_slice %arg12[%dma_wait3A_26, %dma_wait3A_27] : memref<10112x128xf32, #tpu.memory_space<vmem_shared>> -> memref<10112x128xf32, #tpu.memory_space<vmem_shared>>
    tpu.wait_indirect_dma semaphore(%arg15 : memref<!tpu.dma_semaphore, #tpu.memory_space<semaphore_mem>>) src(%arg10 : memref<128x128xf32, #tpu.memory_space<vmem>>) dst(%dma_wait3A_28 : memref<10112x128xf32, #tpu.memory_space<vmem_shared>>)
    %barrier3A_29 = arith.constant 0 : index
    tpu.barrier barrier_id(%barrier3A_29)
    %mul3A_30 = arith.constant 10112 : i32
    %mul3A_31 = arith.muli %arg0, %mul3A_30 : i32
    %add3A_32 = arith.addi %mul3A_31, %mul3A_2 : i32
    "tpu.region"() ({
      %run_scoped3A_33 = tpu.sem_alloc : memref<!tpu.dma_semaphore, #tpu.memory_space<semaphore_mem>>
      %dma_start3A_34 = arith.constant 0 : i32
      %dma_start3A_35 = tpu.memref_slice %arg5[%add3A_32, %dma_start3A_34] : memref<20224x128xf32, #tpu.memory_space<hbm>> -> memref<632x128xf32, #tpu.memory_space<hbm>>
      %dma_start3A_36 = arith.constant 0 : i32
      %dma_start3A_37 = tpu.memref_slice %arg12[%mul3A_2, %dma_start3A_36] : memref<10112x128xf32, #tpu.memory_space<vmem_shared>> -> memref<632x128xf32, #tpu.memory_space<vmem_shared>>
      tpu.enqueue_dma source(%dma_start3A_37 : memref<632x128xf32, #tpu.memory_space<vmem_shared>>) target(%dma_start3A_35 : memref<632x128xf32, #tpu.memory_space<hbm>>) target_semaphore(%run_scoped3A_33 : memref<!tpu.dma_semaphore, #tpu.memory_space<semaphore_mem>>)
      %dma_wait3A_38 = arith.constant 0 : i32
      %dma_wait3A_39 = tpu.memref_slice %arg5[%add3A_32, %dma_wait3A_38] : memref<20224x128xf32, #tpu.memory_space<hbm>> -> memref<632x128xf32, #tpu.memory_space<hbm>>
      %dma_wait3A_40 = arith.constant 0 : i32
      %dma_wait3A_41 = tpu.memref_slice %arg12[%mul3A_2, %dma_wait3A_40] : memref<10112x128xf32, #tpu.memory_space<vmem_shared>> -> memref<632x128xf32, #tpu.memory_space<vmem_shared>>
      tpu.wait_dma2 semaphore(%run_scoped3A_33 : memref<!tpu.dma_semaphore, #tpu.memory_space<semaphore_mem>>) src(%dma_wait3A_41 : memref<632x128xf32, #tpu.memory_space<vmem_shared>>) dst(%dma_wait3A_39 : memref<632x128xf32, #tpu.memory_space<hbm>>)
      tpu.yield
    }) : () -> ()
    return
  }
}

#map = affine_map<(d0, d1) -> (0, 0)>
#map1 = affine_map<(d0, d1) -> (0, 0, 0, 0)>
module attributes {stable_mosaic.version = 14 : i64} {
  func.func @body(%arg0: i32, %arg1: i32, %arg2: memref<10112x128xf32, #tpu.memory_space<hbm>>, %arg3: memref<32x79x2x128xi32, #tpu.memory_space<hbm>>, %arg4: memref<10112x128xf32, #tpu.memory_space<hbm>>, %arg5: memref<20224x128xf32, #tpu.memory_space<hbm>>, %arg6: memref<2x128xi32, #tpu.memory_space<vmem>>, %arg7: memref<2x128xi32, #tpu.memory_space<vmem>>, %arg8: memref<2x128xi32, #tpu.memory_space<vmem>>, %arg9: memref<2x128xi32, #tpu.memory_space<vmem>>, %arg10: memref<128x128xf32, #tpu.memory_space<vmem>>, %arg11: memref<128x128xf32, #tpu.memory_space<vmem>>, %arg12: memref<10112x128xf32, #tpu.memory_space<vmem_shared>>, %arg13: memref<!tpu.dma_semaphore, #tpu.memory_space<semaphore_mem>>, %arg14: memref<!tpu.dma_semaphore, #tpu.memory_space<semaphore_mem>>, %arg15: memref<!tpu.dma_semaphore, #tpu.memory_space<semaphore_mem>>, %arg16: memref<!tpu.dma_semaphore, #tpu.memory_space<semaphore_mem>>, %arg17: memref<!tpu.dma_semaphore, #tpu.memory_space<semaphore_mem>>, %arg18: memref<!tpu.dma_semaphore, #tpu.memory_space<semaphore_mem>>, %arg19: memref<!tpu.dma_semaphore, #tpu.memory_space<semaphore_mem>>, %arg20: memref<!tpu.dma_semaphore, #tpu.memory_space<semaphore_mem>>) attributes {dimension_semantics = [#tpu.dimension_semantics<core_parallel>, #tpu.dimension_semantics<subcore_parallel>], iteration_bounds = array<i64: 2, 16>, scalar_prefetch = 0 : i64, scratch_operands = 15 : i64, tpu.core_type = #tpu.core_type<sc_vector_subcore>, window_params = [{transform_indices = #map}, {transform_indices = #map1}, {transform_indices = #map}, {transform_indices = #map}]} {
    %mul3A = arith.constant 16 : i32
    %mul3A_0 = arith.muli %arg0, %mul3A : i32
    %add3A = arith.addi %mul3A_0, %arg1 : i32
    %mul3A_1 = arith.constant 632 : i32
    %mul3A_2 = arith.muli %arg1, %mul3A_1 : i32
    "tpu.region"() ({
      %run_scoped3A_33 = tpu.sem_alloc : memref<!tpu.dma_semaphore, #tpu.memory_space<semaphore_mem>>
      %dma_start3A_34 = arith.constant 0 : i32
      %dma_start3A_35 = tpu.memref_slice %arg12[%mul3A_2, %dma_start3A_34] : memref<10112x128xf32, #tpu.memory_space<vmem_shared>> -> memref<632x128xf32, #tpu.memory_space<vmem_shared>>
      %dma_start3A_36 = arith.constant 0 : i32
      %dma_start3A_37 = tpu.memref_slice %arg4[%mul3A_2, %dma_start3A_36] : memref<10112x128xf32, #tpu.memory_space<hbm>> -> memref<632x128xf32, #tpu.memory_space<hbm>>
      tpu.enqueue_dma source(%dma_start3A_37 : memref<632x128xf32, #tpu.memory_space<hbm>>) target(%dma_start3A_35 : memref<632x128xf32, #tpu.memory_space<vmem_shared>>) target_semaphore(%run_scoped3A_33 : memref<!tpu.dma_semaphore, #tpu.memory_space<semaphore_mem>>)
      %dma_wait3A_38 = arith.constant 0 : i32
      %dma_wait3A_39 = tpu.memref_slice %arg12[%mul3A_2, %dma_wait3A_38] : memref<10112x128xf32, #tpu.memory_space<vmem_shared>> -> memref<632x128xf32, #tpu.memory_space<vmem_shared>>
      %dma_wait3A_40 = arith.constant 0 : i32
      %dma_wait3A_41 = tpu.memref_slice %arg4[%mul3A_2, %dma_wait3A_40] : memref<10112x128xf32, #tpu.memory_space<hbm>> -> memref<632x128xf32, #tpu.memory_space<hbm>>
      tpu.wait_dma2 semaphore(%run_scoped3A_33 : memref<!tpu.dma_semaphore, #tpu.memory_space<semaphore_mem>>) src(%dma_wait3A_41 : memref<632x128xf32, #tpu.memory_space<hbm>>) dst(%dma_wait3A_39 : memref<632x128xf32, #tpu.memory_space<vmem_shared>>)
      tpu.yield
    }) : () -> ()
    %run_scoped3A = arith.constant 0 : i32
    "tpu.region"() ({
      %run_scoped3A_33 = tpu.sem_alloc : memref<!tpu.dma_semaphore, #tpu.memory_space<semaphore_mem>>
      %dma_start3A_34 = arith.constant 0 : i32
      %dma_start3A_35 = arith.constant 0 : i32
      %dma_start3A_36 = tpu.memref_slice %arg3[%add3A, %run_scoped3A, %dma_start3A_34, %dma_start3A_35] : memref<32x79x2x128xi32, #tpu.memory_space<hbm>> -> memref<1x1x2x128xi32, #tpu.memory_space<hbm>>
      %dma_start3A_37 = tpu.memref_squeeze %dma_start3A_36 : memref<1x1x2x128xi32, #tpu.memory_space<hbm>> -> memref<2x128xi32, #tpu.memory_space<hbm>>
      %dma_start3A_38 = arith.constant 0 : i32
      %dma_start3A_39 = arith.constant 0 : i32
      %dma_start3A_40 = tpu.memref_slice %arg3[%add3A, %run_scoped3A, %dma_start3A_38, %dma_start3A_39] : memref<32x79x2x128xi32, #tpu.memory_space<hbm>> -> memref<1x1x2x128xi32, #tpu.memory_space<hbm>>
      %dma_start3A_41 = tpu.memref_squeeze %dma_start3A_40 : memref<1x1x2x128xi32, #tpu.memory_space<hbm>> -> memref<2x128xi32, #tpu.memory_space<hbm>>
      tpu.enqueue_dma source(%dma_start3A_41 : memref<2x128xi32, #tpu.memory_space<hbm>>) target(%arg6 : memref<2x128xi32, #tpu.memory_space<vmem>>) target_semaphore(%run_scoped3A_33 : memref<!tpu.dma_semaphore, #tpu.memory_space<semaphore_mem>>)
      %dma_wait3A_42 = arith.constant 0 : i32
      %dma_wait3A_43 = arith.constant 0 : i32
      %dma_wait3A_44 = tpu.memref_slice %arg3[%add3A, %run_scoped3A, %dma_wait3A_42, %dma_wait3A_43] : memref<32x79x2x128xi32, #tpu.memory_space<hbm>> -> memref<1x1x2x128xi32, #tpu.memory_space<hbm>>
      %dma_wait3A_45 = tpu.memref_squeeze %dma_wait3A_44 : memref<1x1x2x128xi32, #tpu.memory_space<hbm>> -> memref<2x128xi32, #tpu.memory_space<hbm>>
      %dma_wait3A_46 = arith.constant 0 : i32
      %dma_wait3A_47 = arith.constant 0 : i32
      %dma_wait3A_48 = tpu.memref_slice %arg3[%add3A, %run_scoped3A, %dma_wait3A_46, %dma_wait3A_47] : memref<32x79x2x128xi32, #tpu.memory_space<hbm>> -> memref<1x1x2x128xi32, #tpu.memory_space<hbm>>
      %dma_wait3A_49 = tpu.memref_squeeze %dma_wait3A_48 : memref<1x1x2x128xi32, #tpu.memory_space<hbm>> -> memref<2x128xi32, #tpu.memory_space<hbm>>
      tpu.wait_dma2 semaphore(%run_scoped3A_33 : memref<!tpu.dma_semaphore, #tpu.memory_space<semaphore_mem>>) src(%dma_wait3A_49 : memref<2x128xi32, #tpu.memory_space<hbm>>) dst(%arg6 : memref<2x128xi32, #tpu.memory_space<vmem>>)
      tpu.yield
    }) : () -> ()
    %run_scoped3A_3 = arith.constant 1 : i32
    "tpu.region"() ({
      %run_scoped3A_33 = tpu.sem_alloc : memref<!tpu.dma_semaphore, #tpu.memory_space<semaphore_mem>>
      %dma_start3A_34 = arith.constant 0 : i32
      %dma_start3A_35 = arith.constant 0 : i32
      %dma_start3A_36 = tpu.memref_slice %arg3[%add3A, %run_scoped3A_3, %dma_start3A_34, %dma_start3A_35] : memref<32x79x2x128xi32, #tpu.memory_space<hbm>> -> memref<1x1x2x128xi32, #tpu.memory_space<hbm>>
      %dma_start3A_37 = tpu.memref_squeeze %dma_start3A_36 : memref<1x1x2x128xi32, #tpu.memory_space<hbm>> -> memref<2x128xi32, #tpu.memory_space<hbm>>
      %dma_start3A_38 = arith.constant 0 : i32
      %dma_start3A_39 = arith.constant 0 : i32
      %dma_start3A_40 = tpu.memref_slice %arg3[%add3A, %run_scoped3A_3, %dma_start3A_38, %dma_start3A_39] : memref<32x79x2x128xi32, #tpu.memory_space<hbm>> -> memref<1x1x2x128xi32, #tpu.memory_space<hbm>>
      %dma_start3A_41 = tpu.memref_squeeze %dma_start3A_40 : memref<1x1x2x128xi32, #tpu.memory_space<hbm>> -> memref<2x128xi32, #tpu.memory_space<hbm>>
      tpu.enqueue_dma source(%dma_start3A_41 : memref<2x128xi32, #tpu.memory_space<hbm>>) target(%arg7 : memref<2x128xi32, #tpu.memory_space<vmem>>) target_semaphore(%run_scoped3A_33 : memref<!tpu.dma_semaphore, #tpu.memory_space<semaphore_mem>>)
      %dma_wait3A_42 = arith.constant 0 : i32
      %dma_wait3A_43 = arith.constant 0 : i32
      %dma_wait3A_44 = tpu.memref_slice %arg3[%add3A, %run_scoped3A_3, %dma_wait3A_42, %dma_wait3A_43] : memref<32x79x2x128xi32, #tpu.memory_space<hbm>> -> memref<1x1x2x128xi32, #tpu.memory_space<hbm>>
      %dma_wait3A_45 = tpu.memref_squeeze %dma_wait3A_44 : memref<1x1x2x128xi32, #tpu.memory_space<hbm>> -> memref<2x128xi32, #tpu.memory_space<hbm>>
      %dma_wait3A_46 = arith.constant 0 : i32
      %dma_wait3A_47 = arith.constant 0 : i32
      %dma_wait3A_48 = tpu.memref_slice %arg3[%add3A, %run_scoped3A_3, %dma_wait3A_46, %dma_wait3A_47] : memref<32x79x2x128xi32, #tpu.memory_space<hbm>> -> memref<1x1x2x128xi32, #tpu.memory_space<hbm>>
      %dma_wait3A_49 = tpu.memref_squeeze %dma_wait3A_48 : memref<1x1x2x128xi32, #tpu.memory_space<hbm>> -> memref<2x128xi32, #tpu.memory_space<hbm>>
      tpu.wait_dma2 semaphore(%run_scoped3A_33 : memref<!tpu.dma_semaphore, #tpu.memory_space<semaphore_mem>>) src(%dma_wait3A_49 : memref<2x128xi32, #tpu.memory_space<hbm>>) dst(%arg7 : memref<2x128xi32, #tpu.memory_space<vmem>>)
      tpu.yield
    }) : () -> ()
    %run_scoped3A_4 = arith.constant 2 : i32
    "tpu.region"() ({
      %run_scoped3A_33 = tpu.sem_alloc : memref<!tpu.dma_semaphore, #tpu.memory_space<semaphore_mem>>
      %dma_start3A_34 = arith.constant 0 : i32
      %dma_start3A_35 = arith.constant 0 : i32
      %dma_start3A_36 = tpu.memref_slice %arg3[%add3A, %run_scoped3A_4, %dma_start3A_34, %dma_start3A_35] : memref<32x79x2x128xi32, #tpu.memory_space<hbm>> -> memref<1x1x2x128xi32, #tpu.memory_space<hbm>>
      %dma_start3A_37 = tpu.memref_squeeze %dma_start3A_36 : memref<1x1x2x128xi32, #tpu.memory_space<hbm>> -> memref<2x128xi32, #tpu.memory_space<hbm>>
      %dma_start3A_38 = arith.constant 0 : i32
      %dma_start3A_39 = arith.constant 0 : i32
      %dma_start3A_40 = tpu.memref_slice %arg3[%add3A, %run_scoped3A_4, %dma_start3A_38, %dma_start3A_39] : memref<32x79x2x128xi32, #tpu.memory_space<hbm>> -> memref<1x1x2x128xi32, #tpu.memory_space<hbm>>
      %dma_start3A_41 = tpu.memref_squeeze %dma_start3A_40 : memref<1x1x2x128xi32, #tpu.memory_space<hbm>> -> memref<2x128xi32, #tpu.memory_space<hbm>>
      tpu.enqueue_dma source(%dma_start3A_41 : memref<2x128xi32, #tpu.memory_space<hbm>>) target(%arg8 : memref<2x128xi32, #tpu.memory_space<vmem>>) target_semaphore(%run_scoped3A_33 : memref<!tpu.dma_semaphore, #tpu.memory_space<semaphore_mem>>)
      %dma_wait3A_42 = arith.constant 0 : i32
      %dma_wait3A_43 = arith.constant 0 : i32
      %dma_wait3A_44 = tpu.memref_slice %arg3[%add3A, %run_scoped3A_4, %dma_wait3A_42, %dma_wait3A_43] : memref<32x79x2x128xi32, #tpu.memory_space<hbm>> -> memref<1x1x2x128xi32, #tpu.memory_space<hbm>>
      %dma_wait3A_45 = tpu.memref_squeeze %dma_wait3A_44 : memref<1x1x2x128xi32, #tpu.memory_space<hbm>> -> memref<2x128xi32, #tpu.memory_space<hbm>>
      %dma_wait3A_46 = arith.constant 0 : i32
      %dma_wait3A_47 = arith.constant 0 : i32
      %dma_wait3A_48 = tpu.memref_slice %arg3[%add3A, %run_scoped3A_4, %dma_wait3A_46, %dma_wait3A_47] : memref<32x79x2x128xi32, #tpu.memory_space<hbm>> -> memref<1x1x2x128xi32, #tpu.memory_space<hbm>>
      %dma_wait3A_49 = tpu.memref_squeeze %dma_wait3A_48 : memref<1x1x2x128xi32, #tpu.memory_space<hbm>> -> memref<2x128xi32, #tpu.memory_space<hbm>>
      tpu.wait_dma2 semaphore(%run_scoped3A_33 : memref<!tpu.dma_semaphore, #tpu.memory_space<semaphore_mem>>) src(%dma_wait3A_49 : memref<2x128xi32, #tpu.memory_space<hbm>>) dst(%arg8 : memref<2x128xi32, #tpu.memory_space<vmem>>)
      tpu.yield
    }) : () -> ()
    %dma_start3A = arith.constant 0 : i32
    %dma_start3A_5 = arith.constant 0 : i32
    %dma_start3A_6 = tpu.memref_slice %arg6[%dma_start3A, %dma_start3A_5] : memref<2x128xi32, #tpu.memory_space<vmem>> -> memref<1x128xi32, #tpu.memory_space<vmem>>
    %dma_start3A_7 = tpu.memref_squeeze %dma_start3A_6 : memref<1x128xi32, #tpu.memory_space<vmem>> -> memref<128xi32, #tpu.memory_space<vmem>>
    %dma_start3A_8 = arith.constant 0 : i32
    %dma_start3A_9 = arith.constant 0 : i32
    %dma_start3A_10 = tpu.memref_slice %arg2[%dma_start3A_8, %dma_start3A_9] : memref<10112x128xf32, #tpu.memory_space<hbm>> -> memref<10112x128xf32, #tpu.memory_space<hbm>>
    tpu.enqueue_indirect_dma source(%dma_start3A_10 : memref<10112x128xf32, #tpu.memory_space<hbm>>) target(%arg10 : memref<128x128xf32, #tpu.memory_space<vmem>>) offsets(%dma_start3A_7 : memref<128xi32, #tpu.memory_space<vmem>>) semaphore(%arg13 : memref<!tpu.dma_semaphore, #tpu.memory_space<semaphore_mem>>)
    %barrier3A = arith.constant 0 : index
    tpu.barrier barrier_id(%barrier3A)
    %scan3A = arith.constant 0 : i32
    %scan3A_11 = arith.constant 0 : i32
    %scan3A_12 = arith.constant 79 : i32
    %scan3A_13 = arith.addi %scan3A_11, %scan3A_12 : i32
    %scan3A_14 = arith.constant 1 : i32
    scf.for %scan3A_33 = %scan3A_11 to %scan3A_13 step %scan3A_14  : i32 {
      %rem3A = arith.constant 4 : i32
      %rem3A_34 = arith.remsi %scan3A_33, %rem3A : i32
      %eq3A = arith.constant 0 : i32
      %eq3A_35 = arith.cmpi eq, %rem3A_34, %eq3A : i32
      %convert_element_type3A = arith.extui %eq3A_35 : i1 to i32
      %cond3A = arith.constant 0 : i32
      %cond3A_36 = arith.cmpi ne, %convert_element_type3A, %cond3A : i32
      scf.if %cond3A_36 {
        %add3A_52 = arith.constant 1 : i32
        %add3A_53 = arith.addi %scan3A_33, %add3A_52 : i32
        %lt3A = arith.constant 79 : i32
        %lt3A_54 = arith.cmpi slt, %add3A_53, %lt3A : i32
        %convert_element_type3A_55 = arith.extui %lt3A_54 : i1 to i32
        %cond3A_56 = arith.constant 0 : i32
        %cond3A_57 = arith.cmpi ne, %convert_element_type3A_55, %cond3A_56 : i32
        scf.if %cond3A_57 {
          %ge3A = arith.constant 1 : i32
          %ge3A_79 = arith.cmpi sge, %scan3A_33, %ge3A : i32
          %convert_element_type3A_80 = arith.extui %ge3A_79 : i1 to i32
          %cond3A_81 = arith.constant 0 : i32
          %cond3A_82 = arith.cmpi ne, %convert_element_type3A_80, %cond3A_81 : i32
          scf.if %cond3A_82 {
            %dma_wait3A_95 = arith.constant 1 : i32
            %dma_wait3A_96 = arith.constant 0 : i32
            %dma_wait3A_97 = tpu.memref_slice %arg7[%dma_wait3A_95, %dma_wait3A_96] : memref<2x128xi32, #tpu.memory_space<vmem>> -> memref<1x128xi32, #tpu.memory_space<vmem>>
            %dma_wait3A_98 = tpu.memref_squeeze %dma_wait3A_97 : memref<1x128xi32, #tpu.memory_space<vmem>> -> memref<128xi32, #tpu.memory_space<vmem>>
            %dma_wait3A_99 = arith.constant 0 : i32
            %dma_wait3A_100 = arith.constant 0 : i32
            %dma_wait3A_101 = tpu.memref_slice %arg12[%dma_wait3A_99, %dma_wait3A_100] : memref<10112x128xf32, #tpu.memory_space<vmem_shared>> -> memref<10112x128xf32, #tpu.memory_space<vmem_shared>>
            tpu.wait_indirect_dma semaphore(%arg16 : memref<!tpu.dma_semaphore, #tpu.memory_space<semaphore_mem>>) src(%arg11 : memref<128x128xf32, #tpu.memory_space<vmem>>) dst(%dma_wait3A_101 : memref<10112x128xf32, #tpu.memory_space<vmem_shared>>)
          } else {
          }
          %ge3A_83 = arith.constant 2 : i32
          %ge3A_84 = arith.cmpi sge, %scan3A_33, %ge3A_83 : i32
          %convert_element_type3A_85 = arith.extui %ge3A_84 : i1 to i32
          %cond3A_86 = arith.constant 0 : i32
          %cond3A_87 = arith.cmpi ne, %convert_element_type3A_85, %cond3A_86 : i32
          scf.if %cond3A_87 {
            %dma_wait3A_95 = arith.constant 0 : i32
            %dma_wait3A_96 = arith.constant 0 : i32
            %dma_wait3A_97 = tpu.memref_slice %arg3[%add3A, %add3A_53, %dma_wait3A_95, %dma_wait3A_96] : memref<32x79x2x128xi32, #tpu.memory_space<hbm>> -> memref<1x1x2x128xi32, #tpu.memory_space<hbm>>
            %dma_wait3A_98 = tpu.memref_squeeze %dma_wait3A_97 : memref<1x1x2x128xi32, #tpu.memory_space<hbm>> -> memref<2x128xi32, #tpu.memory_space<hbm>>
            %dma_wait3A_99 = arith.constant 0 : i32
            %dma_wait3A_100 = arith.constant 0 : i32
            %dma_wait3A_101 = tpu.memref_slice %arg3[%add3A, %add3A_53, %dma_wait3A_99, %dma_wait3A_100] : memref<32x79x2x128xi32, #tpu.memory_space<hbm>> -> memref<1x1x2x128xi32, #tpu.memory_space<hbm>>
            %dma_wait3A_102 = tpu.memref_squeeze %dma_wait3A_101 : memref<1x1x2x128xi32, #tpu.memory_space<hbm>> -> memref<2x128xi32, #tpu.memory_space<hbm>>
            tpu.wait_dma2 semaphore(%arg18 : memref<!tpu.dma_semaphore, #tpu.memory_space<semaphore_mem>>) src(%dma_wait3A_102 : memref<2x128xi32, #tpu.memory_space<hbm>>) dst(%arg7 : memref<2x128xi32, #tpu.memory_space<vmem>>)
          } else {
          }
          %dma_start3A_88 = arith.constant 0 : i32
          %dma_start3A_89 = arith.constant 0 : i32
          %dma_start3A_90 = tpu.memref_slice %arg7[%dma_start3A_88, %dma_start3A_89] : memref<2x128xi32, #tpu.memory_space<vmem>> -> memref<1x128xi32, #tpu.memory_space<vmem>>
          %dma_start3A_91 = tpu.memref_squeeze %dma_start3A_90 : memref<1x128xi32, #tpu.memory_space<vmem>> -> memref<128xi32, #tpu.memory_space<vmem>>
          %dma_start3A_92 = arith.constant 0 : i32
          %dma_start3A_93 = arith.constant 0 : i32
          %dma_start3A_94 = tpu.memref_slice %arg2[%dma_start3A_92, %dma_start3A_93] : memref<10112x128xf32, #tpu.memory_space<hbm>> -> memref<10112x128xf32, #tpu.memory_space<hbm>>
          tpu.enqueue_indirect_dma source(%dma_start3A_94 : memref<10112x128xf32, #tpu.memory_space<hbm>>) target(%arg11 : memref<128x128xf32, #tpu.memory_space<vmem>>) offsets(%dma_start3A_91 : memref<128xi32, #tpu.memory_space<vmem>>) semaphore(%arg14 : memref<!tpu.dma_semaphore, #tpu.memory_space<semaphore_mem>>)
        } else {
        }
        %add3A_58 = arith.constant 3 : i32
        %add3A_59 = arith.addi %scan3A_33, %add3A_58 : i32
        %lt3A_60 = arith.constant 79 : i32
        %lt3A_61 = arith.cmpi slt, %add3A_59, %lt3A_60 : i32
        %convert_element_type3A_62 = arith.extui %lt3A_61 : i1 to i32
        %cond3A_63 = arith.constant 0 : i32
        %cond3A_64 = arith.cmpi ne, %convert_element_type3A_62, %cond3A_63 : i32
        scf.if %cond3A_64 {
          %add3A_79 = arith.constant 3 : i32
          %add3A_80 = arith.addi %scan3A_33, %add3A_79 : i32
          %dma_start3A_81 = arith.constant 0 : i32
          %dma_start3A_82 = arith.constant 0 : i32
          %dma_start3A_83 = tpu.memref_slice %arg3[%add3A, %add3A_80, %dma_start3A_81, %dma_start3A_82] : memref<32x79x2x128xi32, #tpu.memory_space<hbm>> -> memref<1x1x2x128xi32, #tpu.memory_space<hbm>>
          %dma_start3A_84 = tpu.memref_squeeze %dma_start3A_83 : memref<1x1x2x128xi32, #tpu.memory_space<hbm>> -> memref<2x128xi32, #tpu.memory_space<hbm>>
          %dma_start3A_85 = arith.constant 0 : i32
          %dma_start3A_86 = arith.constant 0 : i32
          %dma_start3A_87 = tpu.memref_slice %arg3[%add3A, %add3A_80, %dma_start3A_85, %dma_start3A_86] : memref<32x79x2x128xi32, #tpu.memory_space<hbm>> -> memref<1x1x2x128xi32, #tpu.memory_space<hbm>>
          %dma_start3A_88 = tpu.memref_squeeze %dma_start3A_87 : memref<1x1x2x128xi32, #tpu.memory_space<hbm>> -> memref<2x128xi32, #tpu.memory_space<hbm>>
          tpu.enqueue_dma source(%dma_start3A_88 : memref<2x128xi32, #tpu.memory_space<hbm>>) target(%arg9 : memref<2x128xi32, #tpu.memory_space<vmem>>) target_semaphore(%arg20 : memref<!tpu.dma_semaphore, #tpu.memory_space<semaphore_mem>>)
        } else {
        }
        %dma_wait3A_65 = arith.constant 0 : i32
        %dma_wait3A_66 = arith.constant 0 : i32
        %dma_wait3A_67 = tpu.memref_slice %arg6[%dma_wait3A_65, %dma_wait3A_66] : memref<2x128xi32, #tpu.memory_space<vmem>> -> memref<1x128xi32, #tpu.memory_space<vmem>>
        %dma_wait3A_68 = tpu.memref_squeeze %dma_wait3A_67 : memref<1x128xi32, #tpu.memory_space<vmem>> -> memref<128xi32, #tpu.memory_space<vmem>>
        %dma_wait3A_69 = arith.constant 0 : i32
        %dma_wait3A_70 = arith.constant 0 : i32
        %dma_wait3A_71 = tpu.memref_slice %arg2[%dma_wait3A_69, %dma_wait3A_70] : memref<10112x128xf32, #tpu.memory_space<hbm>> -> memref<10112x128xf32, #tpu.memory_space<hbm>>
        tpu.wait_indirect_dma semaphore(%arg13 : memref<!tpu.dma_semaphore, #tpu.memory_space<semaphore_mem>>) src(%dma_wait3A_71 : memref<10112x128xf32, #tpu.memory_space<hbm>>) dst(%arg10 : memref<128x128xf32, #tpu.memory_space<vmem>>)
        %dma_start3A_72 = arith.constant 1 : i32
        %dma_start3A_73 = arith.constant 0 : i32
        %dma_start3A_74 = tpu.memref_slice %arg6[%dma_start3A_72, %dma_start3A_73] : memref<2x128xi32, #tpu.memory_space<vmem>> -> memref<1x128xi32, #tpu.memory_space<vmem>>
        %dma_start3A_75 = tpu.memref_squeeze %dma_start3A_74 : memref<1x128xi32, #tpu.memory_space<vmem>> -> memref<128xi32, #tpu.memory_space<vmem>>
        %dma_start3A_76 = arith.constant 0 : i32
        %dma_start3A_77 = arith.constant 0 : i32
        %dma_start3A_78 = tpu.memref_slice %arg12[%dma_start3A_76, %dma_start3A_77] : memref<10112x128xf32, #tpu.memory_space<vmem_shared>> -> memref<10112x128xf32, #tpu.memory_space<vmem_shared>>
        tpu.enqueue_indirect_dma source(%arg10 : memref<128x128xf32, #tpu.memory_space<vmem>>) target(%dma_start3A_78 : memref<10112x128xf32, #tpu.memory_space<vmem_shared>>) offsets(%dma_start3A_75 : memref<128xi32, #tpu.memory_space<vmem>>) semaphore(%arg15 : memref<!tpu.dma_semaphore, #tpu.memory_space<semaphore_mem>>) {add = true}
      } else {
      }
      %eq3A_37 = arith.constant 1 : i32
      %eq3A_38 = arith.cmpi eq, %rem3A_34, %eq3A_37 : i32
      %convert_element_type3A_39 = arith.extui %eq3A_38 : i1 to i32
      %cond3A_40 = arith.constant 0 : i32
      %cond3A_41 = arith.cmpi ne, %convert_element_type3A_39, %cond3A_40 : i32
      scf.if %cond3A_41 {
        %add3A_52 = arith.constant 1 : i32
        %add3A_53 = arith.addi %scan3A_33, %add3A_52 : i32
        %lt3A = arith.constant 79 : i32
        %lt3A_54 = arith.cmpi slt, %add3A_53, %lt3A : i32
        %convert_element_type3A_55 = arith.extui %lt3A_54 : i1 to i32
        %cond3A_56 = arith.constant 0 : i32
        %cond3A_57 = arith.cmpi ne, %convert_element_type3A_55, %cond3A_56 : i32
        scf.if %cond3A_57 {
          %ge3A = arith.constant 1 : i32
          %ge3A_79 = arith.cmpi sge, %scan3A_33, %ge3A : i32
          %convert_element_type3A_80 = arith.extui %ge3A_79 : i1 to i32
          %cond3A_81 = arith.constant 0 : i32
          %cond3A_82 = arith.cmpi ne, %convert_element_type3A_80, %cond3A_81 : i32
          scf.if %cond3A_82 {
            %dma_wait3A_95 = arith.constant 1 : i32
            %dma_wait3A_96 = arith.constant 0 : i32
            %dma_wait3A_97 = tpu.memref_slice %arg8[%dma_wait3A_95, %dma_wait3A_96] : memref<2x128xi32, #tpu.memory_space<vmem>> -> memref<1x128xi32, #tpu.memory_space<vmem>>
            %dma_wait3A_98 = tpu.memref_squeeze %dma_wait3A_97 : memref<1x128xi32, #tpu.memory_space<vmem>> -> memref<128xi32, #tpu.memory_space<vmem>>
            %dma_wait3A_99 = arith.constant 0 : i32
            %dma_wait3A_100 = arith.constant 0 : i32
            %dma_wait3A_101 = tpu.memref_slice %arg12[%dma_wait3A_99, %dma_wait3A_100] : memref<10112x128xf32, #tpu.memory_space<vmem_shared>> -> memref<10112x128xf32, #tpu.memory_space<vmem_shared>>
            tpu.wait_indirect_dma semaphore(%arg15 : memref<!tpu.dma_semaphore, #tpu.memory_space<semaphore_mem>>) src(%arg10 : memref<128x128xf32, #tpu.memory_space<vmem>>) dst(%dma_wait3A_101 : memref<10112x128xf32, #tpu.memory_space<vmem_shared>>)
          } else {
          }
          %ge3A_83 = arith.constant 2 : i32
          %ge3A_84 = arith.cmpi sge, %scan3A_33, %ge3A_83 : i32
          %convert_element_type3A_85 = arith.extui %ge3A_84 : i1 to i32
          %cond3A_86 = arith.constant 0 : i32
          %cond3A_87 = arith.cmpi ne, %convert_element_type3A_85, %cond3A_86 : i32
          scf.if %cond3A_87 {
            %dma_wait3A_95 = arith.constant 0 : i32
            %dma_wait3A_96 = arith.constant 0 : i32
            %dma_wait3A_97 = tpu.memref_slice %arg3[%add3A, %add3A_53, %dma_wait3A_95, %dma_wait3A_96] : memref<32x79x2x128xi32, #tpu.memory_space<hbm>> -> memref<1x1x2x128xi32, #tpu.memory_space<hbm>>
            %dma_wait3A_98 = tpu.memref_squeeze %dma_wait3A_97 : memref<1x1x2x128xi32, #tpu.memory_space<hbm>> -> memref<2x128xi32, #tpu.memory_space<hbm>>
            %dma_wait3A_99 = arith.constant 0 : i32
            %dma_wait3A_100 = arith.constant 0 : i32
            %dma_wait3A_101 = tpu.memref_slice %arg3[%add3A, %add3A_53, %dma_wait3A_99, %dma_wait3A_100] : memref<32x79x2x128xi32, #tpu.memory_space<hbm>> -> memref<1x1x2x128xi32, #tpu.memory_space<hbm>>
            %dma_wait3A_102 = tpu.memref_squeeze %dma_wait3A_101 : memref<1x1x2x128xi32, #tpu.memory_space<hbm>> -> memref<2x128xi32, #tpu.memory_space<hbm>>
            tpu.wait_dma2 semaphore(%arg19 : memref<!tpu.dma_semaphore, #tpu.memory_space<semaphore_mem>>) src(%dma_wait3A_102 : memref<2x128xi32, #tpu.memory_space<hbm>>) dst(%arg8 : memref<2x128xi32, #tpu.memory_space<vmem>>)
          } else {
          }
          %dma_start3A_88 = arith.constant 0 : i32
          %dma_start3A_89 = arith.constant 0 : i32
          %dma_start3A_90 = tpu.memref_slice %arg8[%dma_start3A_88, %dma_start3A_89] : memref<2x128xi32, #tpu.memory_space<vmem>> -> memref<1x128xi32, #tpu.memory_space<vmem>>
          %dma_start3A_91 = tpu.memref_squeeze %dma_start3A_90 : memref<1x128xi32, #tpu.memory_space<vmem>> -> memref<128xi32, #tpu.memory_space<vmem>>
          %dma_start3A_92 = arith.constant 0 : i32
          %dma_start3A_93 = arith.constant 0 : i32
          %dma_start3A_94 = tpu.memref_slice %arg2[%dma_start3A_92, %dma_start3A_93] : memref<10112x128xf32, #tpu.memory_space<hbm>> -> memref<10112x128xf32, #tpu.memory_space<hbm>>
          tpu.enqueue_indirect_dma source(%dma_start3A_94 : memref<10112x128xf32, #tpu.memory_space<hbm>>) target(%arg10 : memref<128x128xf32, #tpu.memory_space<vmem>>) offsets(%dma_start3A_91 : memref<128xi32, #tpu.memory_space<vmem>>) semaphore(%arg13 : memref<!tpu.dma_semaphore, #tpu.memory_space<semaphore_mem>>)
        } else {
        }
        %add3A_58 = arith.constant 3 : i32
        %add3A_59 = arith.addi %scan3A_33, %add3A_58 : i32
        %lt3A_60 = arith.constant 79 : i32
        %lt3A_61 = arith.cmpi slt, %add3A_59, %lt3A_60 : i32
        %convert_element_type3A_62 = arith.extui %lt3A_61 : i1 to i32
        %cond3A_63 = arith.constant 0 : i32
        %cond3A_64 = arith.cmpi ne, %convert_element_type3A_62, %cond3A_63 : i32
        scf.if %cond3A_64 {
          %add3A_79 = arith.constant 3 : i32
          %add3A_80 = arith.addi %scan3A_33, %add3A_79 : i32
          %dma_start3A_81 = arith.constant 0 : i32
          %dma_start3A_82 = arith.constant 0 : i32
          %dma_start3A_83 = tpu.memref_slice %arg3[%add3A, %add3A_80, %dma_start3A_81, %dma_start3A_82] : memref<32x79x2x128xi32, #tpu.memory_space<hbm>> -> memref<1x1x2x128xi32, #tpu.memory_space<hbm>>
          %dma_start3A_84 = tpu.memref_squeeze %dma_start3A_83 : memref<1x1x2x128xi32, #tpu.memory_space<hbm>> -> memref<2x128xi32, #tpu.memory_space<hbm>>
          %dma_start3A_85 = arith.constant 0 : i32
          %dma_start3A_86 = arith.constant 0 : i32
          %dma_start3A_87 = tpu.memref_slice %arg3[%add3A, %add3A_80, %dma_start3A_85, %dma_start3A_86] : memref<32x79x2x128xi32, #tpu.memory_space<hbm>> -> memref<1x1x2x128xi32, #tpu.memory_space<hbm>>
          %dma_start3A_88 = tpu.memref_squeeze %dma_start3A_87 : memref<1x1x2x128xi32, #tpu.memory_space<hbm>> -> memref<2x128xi32, #tpu.memory_space<hbm>>
          tpu.enqueue_dma source(%dma_start3A_88 : memref<2x128xi32, #tpu.memory_space<hbm>>) target(%arg6 : memref<2x128xi32, #tpu.memory_space<vmem>>) target_semaphore(%arg17 : memref<!tpu.dma_semaphore, #tpu.memory_space<semaphore_mem>>)
        } else {
        }
        %dma_wait3A_65 = arith.constant 0 : i32
        %dma_wait3A_66 = arith.constant 0 : i32
        %dma_wait3A_67 = tpu.memref_slice %arg7[%dma_wait3A_65, %dma_wait3A_66] : memref<2x128xi32, #tpu.memory_space<vmem>> -> memref<1x128xi32, #tpu.memory_space<vmem>>
        %dma_wait3A_68 = tpu.memref_squeeze %dma_wait3A_67 : memref<1x128xi32, #tpu.memory_space<vmem>> -> memref<128xi32, #tpu.memory_space<vmem>>
        %dma_wait3A_69 = arith.constant 0 : i32
        %dma_wait3A_70 = arith.constant 0 : i32
        %dma_wait3A_71 = tpu.memref_slice %arg2[%dma_wait3A_69, %dma_wait3A_70] : memref<10112x128xf32, #tpu.memory_space<hbm>> -> memref<10112x128xf32, #tpu.memory_space<hbm>>
        tpu.wait_indirect_dma semaphore(%arg14 : memref<!tpu.dma_semaphore, #tpu.memory_space<semaphore_mem>>) src(%dma_wait3A_71 : memref<10112x128xf32, #tpu.memory_space<hbm>>) dst(%arg11 : memref<128x128xf32, #tpu.memory_space<vmem>>)
        %dma_start3A_72 = arith.constant 1 : i32
        %dma_start3A_73 = arith.constant 0 : i32
        %dma_start3A_74 = tpu.memref_slice %arg7[%dma_start3A_72, %dma_start3A_73] : memref<2x128xi32, #tpu.memory_space<vmem>> -> memref<1x128xi32, #tpu.memory_space<vmem>>
        %dma_start3A_75 = tpu.memref_squeeze %dma_start3A_74 : memref<1x128xi32, #tpu.memory_space<vmem>> -> memref<128xi32, #tpu.memory_space<vmem>>
        %dma_start3A_76 = arith.constant 0 : i32
        %dma_start3A_77 = arith.constant 0 : i32
        %dma_start3A_78 = tpu.memref_slice %arg12[%dma_start3A_76, %dma_start3A_77] : memref<10112x128xf32, #tpu.memory_space<vmem_shared>> -> memref<10112x128xf32, #tpu.memory_space<vmem_shared>>
        tpu.enqueue_indirect_dma source(%arg11 : memref<128x128xf32, #tpu.memory_space<vmem>>) target(%dma_start3A_78 : memref<10112x128xf32, #tpu.memory_space<vmem_shared>>) offsets(%dma_start3A_75 : memref<128xi32, #tpu.memory_space<vmem>>) semaphore(%arg16 : memref<!tpu.dma_semaphore, #tpu.memory_space<semaphore_mem>>) {add = true}
      } else {
      }
      %eq3A_42 = arith.constant 2 : i32
      %eq3A_43 = arith.cmpi eq, %rem3A_34, %eq3A_42 : i32
      %convert_element_type3A_44 = arith.extui %eq3A_43 : i1 to i32
      %cond3A_45 = arith.constant 0 : i32
      %cond3A_46 = arith.cmpi ne, %convert_element_type3A_44, %cond3A_45 : i32
      scf.if %cond3A_46 {
        %add3A_52 = arith.constant 1 : i32
        %add3A_53 = arith.addi %scan3A_33, %add3A_52 : i32
        %lt3A = arith.constant 79 : i32
        %lt3A_54 = arith.cmpi slt, %add3A_53, %lt3A : i32
        %convert_element_type3A_55 = arith.extui %lt3A_54 : i1 to i32
        %cond3A_56 = arith.constant 0 : i32
        %cond3A_57 = arith.cmpi ne, %convert_element_type3A_55, %cond3A_56 : i32
        scf.if %cond3A_57 {
          %ge3A = arith.constant 1 : i32
          %ge3A_79 = arith.cmpi sge, %scan3A_33, %ge3A : i32
          %convert_element_type3A_80 = arith.extui %ge3A_79 : i1 to i32
          %cond3A_81 = arith.constant 0 : i32
          %cond3A_82 = arith.cmpi ne, %convert_element_type3A_80, %cond3A_81 : i32
          scf.if %cond3A_82 {
            %dma_wait3A_95 = arith.constant 1 : i32
            %dma_wait3A_96 = arith.constant 0 : i32
            %dma_wait3A_97 = tpu.memref_slice %arg9[%dma_wait3A_95, %dma_wait3A_96] : memref<2x128xi32, #tpu.memory_space<vmem>> -> memref<1x128xi32, #tpu.memory_space<vmem>>
            %dma_wait3A_98 = tpu.memref_squeeze %dma_wait3A_97 : memref<1x128xi32, #tpu.memory_space<vmem>> -> memref<128xi32, #tpu.memory_space<vmem>>
            %dma_wait3A_99 = arith.constant 0 : i32
            %dma_wait3A_100 = arith.constant 0 : i32
            %dma_wait3A_101 = tpu.memref_slice %arg12[%dma_wait3A_99, %dma_wait3A_100] : memref<10112x128xf32, #tpu.memory_space<vmem_shared>> -> memref<10112x128xf32, #tpu.memory_space<vmem_shared>>
            tpu.wait_indirect_dma semaphore(%arg16 : memref<!tpu.dma_semaphore, #tpu.memory_space<semaphore_mem>>) src(%arg11 : memref<128x128xf32, #tpu.memory_space<vmem>>) dst(%dma_wait3A_101 : memref<10112x128xf32, #tpu.memory_space<vmem_shared>>)
          } else {
          }
          %ge3A_83 = arith.constant 2 : i32
          %ge3A_84 = arith.cmpi sge, %scan3A_33, %ge3A_83 : i32
          %convert_element_type3A_85 = arith.extui %ge3A_84 : i1 to i32
          %cond3A_86 = arith.constant 0 : i32
          %cond3A_87 = arith.cmpi ne, %convert_element_type3A_85, %cond3A_86 : i32
          scf.if %cond3A_87 {
            %dma_wait3A_95 = arith.constant 0 : i32
            %dma_wait3A_96 = arith.constant 0 : i32
            %dma_wait3A_97 = tpu.memref_slice %arg3[%add3A, %add3A_53, %dma_wait3A_95, %dma_wait3A_96] : memref<32x79x2x128xi32, #tpu.memory_space<hbm>> -> memref<1x1x2x128xi32, #tpu.memory_space<hbm>>
            %dma_wait3A_98 = tpu.memref_squeeze %dma_wait3A_97 : memref<1x1x2x128xi32, #tpu.memory_space<hbm>> -> memref<2x128xi32, #tpu.memory_space<hbm>>
            %dma_wait3A_99 = arith.constant 0 : i32
            %dma_wait3A_100 = arith.constant 0 : i32
            %dma_wait3A_101 = tpu.memref_slice %arg3[%add3A, %add3A_53, %dma_wait3A_99, %dma_wait3A_100] : memref<32x79x2x128xi32, #tpu.memory_space<hbm>> -> memref<1x1x2x128xi32, #tpu.memory_space<hbm>>
            %dma_wait3A_102 = tpu.memref_squeeze %dma_wait3A_101 : memref<1x1x2x128xi32, #tpu.memory_space<hbm>> -> memref<2x128xi32, #tpu.memory_space<hbm>>
            tpu.wait_dma2 semaphore(%arg20 : memref<!tpu.dma_semaphore, #tpu.memory_space<semaphore_mem>>) src(%dma_wait3A_102 : memref<2x128xi32, #tpu.memory_space<hbm>>) dst(%arg9 : memref<2x128xi32, #tpu.memory_space<vmem>>)
          } else {
          }
          %dma_start3A_88 = arith.constant 0 : i32
          %dma_start3A_89 = arith.constant 0 : i32
          %dma_start3A_90 = tpu.memref_slice %arg9[%dma_start3A_88, %dma_start3A_89] : memref<2x128xi32, #tpu.memory_space<vmem>> -> memref<1x128xi32, #tpu.memory_space<vmem>>
          %dma_start3A_91 = tpu.memref_squeeze %dma_start3A_90 : memref<1x128xi32, #tpu.memory_space<vmem>> -> memref<128xi32, #tpu.memory_space<vmem>>
          %dma_start3A_92 = arith.constant 0 : i32
          %dma_start3A_93 = arith.constant 0 : i32
          %dma_start3A_94 = tpu.memref_slice %arg2[%dma_start3A_92, %dma_start3A_93] : memref<10112x128xf32, #tpu.memory_space<hbm>> -> memref<10112x128xf32, #tpu.memory_space<hbm>>
          tpu.enqueue_indirect_dma source(%dma_start3A_94 : memref<10112x128xf32, #tpu.memory_space<hbm>>) target(%arg11 : memref<128x128xf32, #tpu.memory_space<vmem>>) offsets(%dma_start3A_91 : memref<128xi32, #tpu.memory_space<vmem>>) semaphore(%arg14 : memref<!tpu.dma_semaphore, #tpu.memory_space<semaphore_mem>>)
        } else {
        }
        %add3A_58 = arith.constant 3 : i32
        %add3A_59 = arith.addi %scan3A_33, %add3A_58 : i32
        %lt3A_60 = arith.constant 79 : i32
        %lt3A_61 = arith.cmpi slt, %add3A_59, %lt3A_60 : i32
        %convert_element_type3A_62 = arith.extui %lt3A_61 : i1 to i32
        %cond3A_63 = arith.constant 0 : i32
        %cond3A_64 = arith.cmpi ne, %convert_element_type3A_62, %cond3A_63 : i32
        scf.if %cond3A_64 {
          %add3A_79 = arith.constant 3 : i32
          %add3A_80 = arith.addi %scan3A_33, %add3A_79 : i32
          %dma_start3A_81 = arith.constant 0 : i32
          %dma_start3A_82 = arith.constant 0 : i32
          %dma_start3A_83 = tpu.memref_slice %arg3[%add3A, %add3A_80, %dma_start3A_81, %dma_start3A_82] : memref<32x79x2x128xi32, #tpu.memory_space<hbm>> -> memref<1x1x2x128xi32, #tpu.memory_space<hbm>>
          %dma_start3A_84 = tpu.memref_squeeze %dma_start3A_83 : memref<1x1x2x128xi32, #tpu.memory_space<hbm>> -> memref<2x128xi32, #tpu.memory_space<hbm>>
          %dma_start3A_85 = arith.constant 0 : i32
          %dma_start3A_86 = arith.constant 0 : i32
          %dma_start3A_87 = tpu.memref_slice %arg3[%add3A, %add3A_80, %dma_start3A_85, %dma_start3A_86] : memref<32x79x2x128xi32, #tpu.memory_space<hbm>> -> memref<1x1x2x128xi32, #tpu.memory_space<hbm>>
          %dma_start3A_88 = tpu.memref_squeeze %dma_start3A_87 : memref<1x1x2x128xi32, #tpu.memory_space<hbm>> -> memref<2x128xi32, #tpu.memory_space<hbm>>
          tpu.enqueue_dma source(%dma_start3A_88 : memref<2x128xi32, #tpu.memory_space<hbm>>) target(%arg7 : memref<2x128xi32, #tpu.memory_space<vmem>>) target_semaphore(%arg18 : memref<!tpu.dma_semaphore, #tpu.memory_space<semaphore_mem>>)
        } else {
        }
        %dma_wait3A_65 = arith.constant 0 : i32
        %dma_wait3A_66 = arith.constant 0 : i32
        %dma_wait3A_67 = tpu.memref_slice %arg8[%dma_wait3A_65, %dma_wait3A_66] : memref<2x128xi32, #tpu.memory_space<vmem>> -> memref<1x128xi32, #tpu.memory_space<vmem>>
        %dma_wait3A_68 = tpu.memref_squeeze %dma_wait3A_67 : memref<1x128xi32, #tpu.memory_space<vmem>> -> memref<128xi32, #tpu.memory_space<vmem>>
        %dma_wait3A_69 = arith.constant 0 : i32
        %dma_wait3A_70 = arith.constant 0 : i32
        %dma_wait3A_71 = tpu.memref_slice %arg2[%dma_wait3A_69, %dma_wait3A_70] : memref<10112x128xf32, #tpu.memory_space<hbm>> -> memref<10112x128xf32, #tpu.memory_space<hbm>>
        tpu.wait_indirect_dma semaphore(%arg13 : memref<!tpu.dma_semaphore, #tpu.memory_space<semaphore_mem>>) src(%dma_wait3A_71 : memref<10112x128xf32, #tpu.memory_space<hbm>>) dst(%arg10 : memref<128x128xf32, #tpu.memory_space<vmem>>)
        %dma_start3A_72 = arith.constant 1 : i32
        %dma_start3A_73 = arith.constant 0 : i32
        %dma_start3A_74 = tpu.memref_slice %arg8[%dma_start3A_72, %dma_start3A_73] : memref<2x128xi32, #tpu.memory_space<vmem>> -> memref<1x128xi32, #tpu.memory_space<vmem>>
        %dma_start3A_75 = tpu.memref_squeeze %dma_start3A_74 : memref<1x128xi32, #tpu.memory_space<vmem>> -> memref<128xi32, #tpu.memory_space<vmem>>
        %dma_start3A_76 = arith.constant 0 : i32
        %dma_start3A_77 = arith.constant 0 : i32
        %dma_start3A_78 = tpu.memref_slice %arg12[%dma_start3A_76, %dma_start3A_77] : memref<10112x128xf32, #tpu.memory_space<vmem_shared>> -> memref<10112x128xf32, #tpu.memory_space<vmem_shared>>
        tpu.enqueue_indirect_dma source(%arg10 : memref<128x128xf32, #tpu.memory_space<vmem>>) target(%dma_start3A_78 : memref<10112x128xf32, #tpu.memory_space<vmem_shared>>) offsets(%dma_start3A_75 : memref<128xi32, #tpu.memory_space<vmem>>) semaphore(%arg15 : memref<!tpu.dma_semaphore, #tpu.memory_space<semaphore_mem>>) {add = true}
      } else {
      }
      %eq3A_47 = arith.constant 3 : i32
      %eq3A_48 = arith.cmpi eq, %rem3A_34, %eq3A_47 : i32
      %convert_element_type3A_49 = arith.extui %eq3A_48 : i1 to i32
      %cond3A_50 = arith.constant 0 : i32
      %cond3A_51 = arith.cmpi ne, %convert_element_type3A_49, %cond3A_50 : i32
      scf.if %cond3A_51 {
        %add3A_52 = arith.constant 1 : i32
        %add3A_53 = arith.addi %scan3A_33, %add3A_52 : i32
        %lt3A = arith.constant 79 : i32
        %lt3A_54 = arith.cmpi slt, %add3A_53, %lt3A : i32
        %convert_element_type3A_55 = arith.extui %lt3A_54 : i1 to i32
        %cond3A_56 = arith.constant 0 : i32
        %cond3A_57 = arith.cmpi ne, %convert_element_type3A_55, %cond3A_56 : i32
        scf.if %cond3A_57 {
          %ge3A = arith.constant 1 : i32
          %ge3A_79 = arith.cmpi sge, %scan3A_33, %ge3A : i32
          %convert_element_type3A_80 = arith.extui %ge3A_79 : i1 to i32
          %cond3A_81 = arith.constant 0 : i32
          %cond3A_82 = arith.cmpi ne, %convert_element_type3A_80, %cond3A_81 : i32
          scf.if %cond3A_82 {
            %dma_wait3A_95 = arith.constant 1 : i32
            %dma_wait3A_96 = arith.constant 0 : i32
            %dma_wait3A_97 = tpu.memref_slice %arg6[%dma_wait3A_95, %dma_wait3A_96] : memref<2x128xi32, #tpu.memory_space<vmem>> -> memref<1x128xi32, #tpu.memory_space<vmem>>
            %dma_wait3A_98 = tpu.memref_squeeze %dma_wait3A_97 : memref<1x128xi32, #tpu.memory_space<vmem>> -> memref<128xi32, #tpu.memory_space<vmem>>
            %dma_wait3A_99 = arith.constant 0 : i32
            %dma_wait3A_100 = arith.constant 0 : i32
            %dma_wait3A_101 = tpu.memref_slice %arg12[%dma_wait3A_99, %dma_wait3A_100] : memref<10112x128xf32, #tpu.memory_space<vmem_shared>> -> memref<10112x128xf32, #tpu.memory_space<vmem_shared>>
            tpu.wait_indirect_dma semaphore(%arg15 : memref<!tpu.dma_semaphore, #tpu.memory_space<semaphore_mem>>) src(%arg10 : memref<128x128xf32, #tpu.memory_space<vmem>>) dst(%dma_wait3A_101 : memref<10112x128xf32, #tpu.memory_space<vmem_shared>>)
          } else {
          }
          %ge3A_83 = arith.constant 2 : i32
          %ge3A_84 = arith.cmpi sge, %scan3A_33, %ge3A_83 : i32
          %convert_element_type3A_85 = arith.extui %ge3A_84 : i1 to i32
          %cond3A_86 = arith.constant 0 : i32
          %cond3A_87 = arith.cmpi ne, %convert_element_type3A_85, %cond3A_86 : i32
          scf.if %cond3A_87 {
            %dma_wait3A_95 = arith.constant 0 : i32
            %dma_wait3A_96 = arith.constant 0 : i32
            %dma_wait3A_97 = tpu.memref_slice %arg3[%add3A, %add3A_53, %dma_wait3A_95, %dma_wait3A_96] : memref<32x79x2x128xi32, #tpu.memory_space<hbm>> -> memref<1x1x2x128xi32, #tpu.memory_space<hbm>>
            %dma_wait3A_98 = tpu.memref_squeeze %dma_wait3A_97 : memref<1x1x2x128xi32, #tpu.memory_space<hbm>> -> memref<2x128xi32, #tpu.memory_space<hbm>>
            %dma_wait3A_99 = arith.constant 0 : i32
            %dma_wait3A_100 = arith.constant 0 : i32
            %dma_wait3A_101 = tpu.memref_slice %arg3[%add3A, %add3A_53, %dma_wait3A_99, %dma_wait3A_100] : memref<32x79x2x128xi32, #tpu.memory_space<hbm>> -> memref<1x1x2x128xi32, #tpu.memory_space<hbm>>
            %dma_wait3A_102 = tpu.memref_squeeze %dma_wait3A_101 : memref<1x1x2x128xi32, #tpu.memory_space<hbm>> -> memref<2x128xi32, #tpu.memory_space<hbm>>
            tpu.wait_dma2 semaphore(%arg17 : memref<!tpu.dma_semaphore, #tpu.memory_space<semaphore_mem>>) src(%dma_wait3A_102 : memref<2x128xi32, #tpu.memory_space<hbm>>) dst(%arg6 : memref<2x128xi32, #tpu.memory_space<vmem>>)
          } else {
          }
          %dma_start3A_88 = arith.constant 0 : i32
          %dma_start3A_89 = arith.constant 0 : i32
          %dma_start3A_90 = tpu.memref_slice %arg6[%dma_start3A_88, %dma_start3A_89] : memref<2x128xi32, #tpu.memory_space<vmem>> -> memref<1x128xi32, #tpu.memory_space<vmem>>
          %dma_start3A_91 = tpu.memref_squeeze %dma_start3A_90 : memref<1x128xi32, #tpu.memory_space<vmem>> -> memref<128xi32, #tpu.memory_space<vmem>>
          %dma_start3A_92 = arith.constant 0 : i32
          %dma_start3A_93 = arith.constant 0 : i32
          %dma_start3A_94 = tpu.memref_slice %arg2[%dma_start3A_92, %dma_start3A_93] : memref<10112x128xf32, #tpu.memory_space<hbm>> -> memref<10112x128xf32, #tpu.memory_space<hbm>>
          tpu.enqueue_indirect_dma source(%dma_start3A_94 : memref<10112x128xf32, #tpu.memory_space<hbm>>) target(%arg10 : memref<128x128xf32, #tpu.memory_space<vmem>>) offsets(%dma_start3A_91 : memref<128xi32, #tpu.memory_space<vmem>>) semaphore(%arg13 : memref<!tpu.dma_semaphore, #tpu.memory_space<semaphore_mem>>)
        } else {
        }
        %add3A_58 = arith.constant 3 : i32
        %add3A_59 = arith.addi %scan3A_33, %add3A_58 : i32
        %lt3A_60 = arith.constant 79 : i32
        %lt3A_61 = arith.cmpi slt, %add3A_59, %lt3A_60 : i32
        %convert_element_type3A_62 = arith.extui %lt3A_61 : i1 to i32
        %cond3A_63 = arith.constant 0 : i32
        %cond3A_64 = arith.cmpi ne, %convert_element_type3A_62, %cond3A_63 : i32
        scf.if %cond3A_64 {
          %add3A_79 = arith.constant 3 : i32
          %add3A_80 = arith.addi %scan3A_33, %add3A_79 : i32
          %dma_start3A_81 = arith.constant 0 : i32
          %dma_start3A_82 = arith.constant 0 : i32
          %dma_start3A_83 = tpu.memref_slice %arg3[%add3A, %add3A_80, %dma_start3A_81, %dma_start3A_82] : memref<32x79x2x128xi32, #tpu.memory_space<hbm>> -> memref<1x1x2x128xi32, #tpu.memory_space<hbm>>
          %dma_start3A_84 = tpu.memref_squeeze %dma_start3A_83 : memref<1x1x2x128xi32, #tpu.memory_space<hbm>> -> memref<2x128xi32, #tpu.memory_space<hbm>>
          %dma_start3A_85 = arith.constant 0 : i32
          %dma_start3A_86 = arith.constant 0 : i32
          %dma_start3A_87 = tpu.memref_slice %arg3[%add3A, %add3A_80, %dma_start3A_85, %dma_start3A_86] : memref<32x79x2x128xi32, #tpu.memory_space<hbm>> -> memref<1x1x2x128xi32, #tpu.memory_space<hbm>>
          %dma_start3A_88 = tpu.memref_squeeze %dma_start3A_87 : memref<1x1x2x128xi32, #tpu.memory_space<hbm>> -> memref<2x128xi32, #tpu.memory_space<hbm>>
          tpu.enqueue_dma source(%dma_start3A_88 : memref<2x128xi32, #tpu.memory_space<hbm>>) target(%arg8 : memref<2x128xi32, #tpu.memory_space<vmem>>) target_semaphore(%arg19 : memref<!tpu.dma_semaphore, #tpu.memory_space<semaphore_mem>>)
        } else {
        }
        %dma_wait3A_65 = arith.constant 0 : i32
        %dma_wait3A_66 = arith.constant 0 : i32
        %dma_wait3A_67 = tpu.memref_slice %arg9[%dma_wait3A_65, %dma_wait3A_66] : memref<2x128xi32, #tpu.memory_space<vmem>> -> memref<1x128xi32, #tpu.memory_space<vmem>>
        %dma_wait3A_68 = tpu.memref_squeeze %dma_wait3A_67 : memref<1x128xi32, #tpu.memory_space<vmem>> -> memref<128xi32, #tpu.memory_space<vmem>>
        %dma_wait3A_69 = arith.constant 0 : i32
        %dma_wait3A_70 = arith.constant 0 : i32
        %dma_wait3A_71 = tpu.memref_slice %arg2[%dma_wait3A_69, %dma_wait3A_70] : memref<10112x128xf32, #tpu.memory_space<hbm>> -> memref<10112x128xf32, #tpu.memory_space<hbm>>
        tpu.wait_indirect_dma semaphore(%arg14 : memref<!tpu.dma_semaphore, #tpu.memory_space<semaphore_mem>>) src(%dma_wait3A_71 : memref<10112x128xf32, #tpu.memory_space<hbm>>) dst(%arg11 : memref<128x128xf32, #tpu.memory_space<vmem>>)
        %dma_start3A_72 = arith.constant 1 : i32
        %dma_start3A_73 = arith.constant 0 : i32
        %dma_start3A_74 = tpu.memref_slice %arg9[%dma_start3A_72, %dma_start3A_73] : memref<2x128xi32, #tpu.memory_space<vmem>> -> memref<1x128xi32, #tpu.memory_space<vmem>>
        %dma_start3A_75 = tpu.memref_squeeze %dma_start3A_74 : memref<1x128xi32, #tpu.memory_space<vmem>> -> memref<128xi32, #tpu.memory_space<vmem>>
        %dma_start3A_76 = arith.constant 0 : i32
        %dma_start3A_77 = arith.constant 0 : i32
        %dma_start3A_78 = tpu.memref_slice %arg12[%dma_start3A_76, %dma_start3A_77] : memref<10112x128xf32, #tpu.memory_space<vmem_shared>> -> memref<10112x128xf32, #tpu.memory_space<vmem_shared>>
        tpu.enqueue_indirect_dma source(%arg11 : memref<128x128xf32, #tpu.memory_space<vmem>>) target(%dma_start3A_78 : memref<10112x128xf32, #tpu.memory_space<vmem_shared>>) offsets(%dma_start3A_75 : memref<128xi32, #tpu.memory_space<vmem>>) semaphore(%arg16 : memref<!tpu.dma_semaphore, #tpu.memory_space<semaphore_mem>>) {add = true}
      } else {
      }
    }
    %scan3A_15 = arith.constant 79 : i32
    %dma_wait3A = arith.constant 1 : i32
    %dma_wait3A_16 = arith.constant 0 : i32
    %dma_wait3A_17 = tpu.memref_slice %arg7[%dma_wait3A, %dma_wait3A_16] : memref<2x128xi32, #tpu.memory_space<vmem>> -> memref<1x128xi32, #tpu.memory_space<vmem>>
    %dma_wait3A_18 = tpu.memref_squeeze %dma_wait3A_17 : memref<1x128xi32, #tpu.memory_space<vmem>> -> memref<128xi32, #tpu.memory_space<vmem>>
    %dma_wait3A_19 = arith.constant 0 : i32
    %dma_wait3A_20 = arith.constant 0 : i32
    %dma_wait3A_21 = tpu.memref_slice %arg12[%dma_wait3A_19, %dma_wait3A_20] : memref<10112x128xf32, #tpu.memory_space<vmem_shared>> -> memref<10112x128xf32, #tpu.memory_space<vmem_shared>>
    tpu.wait_indirect_dma semaphore(%arg16 : memref<!tpu.dma_semaphore, #tpu.memory_space<semaphore_mem>>) src(%arg11 : memref<128x128xf32, #tpu.memory_space<vmem>>) dst(%dma_wait3A_21 : memref<10112x128xf32, #tpu.memory_space<vmem_shared>>)
    %dma_wait3A_22 = arith.constant 1 : i32
    %dma_wait3A_23 = arith.constant 0 : i32
    %dma_wait3A_24 = tpu.memref_slice %arg6[%dma_wait3A_22, %dma_wait3A_23] : memref<2x128xi32, #tpu.memory_space<vmem>> -> memref<1x128xi32, #tpu.memory_space<vmem>>
    %dma_wait3A_25 = tpu.memref_squeeze %dma_wait3A_24 : memref<1x128xi32, #tpu.memory_space<vmem>> -> memref<128xi32, #tpu.memory_space<vmem>>
    %dma_wait3A_26 = arith.constant 0 : i32
    %dma_wait3A_27 = arith.constant 0 : i32
    %dma_wait3A_28 = tpu.memref_slice %arg12[%dma_wait3A_26, %dma_wait3A_27] : memref<10112x128xf32, #tpu.memory_space<vmem_shared>> -> memref<10112x128xf32, #tpu.memory_space<vmem_shared>>
    tpu.wait_indirect_dma semaphore(%arg15 : memref<!tpu.dma_semaphore, #tpu.memory_space<semaphore_mem>>) src(%arg10 : memref<128x128xf32, #tpu.memory_space<vmem>>) dst(%dma_wait3A_28 : memref<10112x128xf32, #tpu.memory_space<vmem_shared>>)
    %barrier3A_29 = arith.constant 0 : index
    tpu.barrier barrier_id(%barrier3A_29)
    %mul3A_30 = arith.constant 10112 : i32
    %mul3A_31 = arith.muli %arg0, %mul3A_30 : i32
    %add3A_32 = arith.addi %mul3A_31, %mul3A_2 : i32
    "tpu.region"() ({
      %run_scoped3A_33 = tpu.sem_alloc : memref<!tpu.dma_semaphore, #tpu.memory_space<semaphore_mem>>
      %dma_start3A_34 = arith.constant 0 : i32
      %dma_start3A_35 = tpu.memref_slice %arg5[%add3A_32, %dma_start3A_34] : memref<20224x128xf32, #tpu.memory_space<hbm>> -> memref<632x128xf32, #tpu.memory_space<hbm>>
      %dma_start3A_36 = arith.constant 0 : i32
      %dma_start3A_37 = tpu.memref_slice %arg12[%mul3A_2, %dma_start3A_36] : memref<10112x128xf32, #tpu.memory_space<vmem_shared>> -> memref<632x128xf32, #tpu.memory_space<vmem_shared>>
      tpu.enqueue_dma source(%dma_start3A_37 : memref<632x128xf32, #tpu.memory_space<vmem_shared>>) target(%dma_start3A_35 : memref<632x128xf32, #tpu.memory_space<hbm>>) target_semaphore(%run_scoped3A_33 : memref<!tpu.dma_semaphore, #tpu.memory_space<semaphore_mem>>)
      %dma_wait3A_38 = arith.constant 0 : i32
      %dma_wait3A_39 = tpu.memref_slice %arg5[%add3A_32, %dma_wait3A_38] : memref<20224x128xf32, #tpu.memory_space<hbm>> -> memref<632x128xf32, #tpu.memory_space<hbm>>
      %dma_wait3A_40 = arith.constant 0 : i32
      %dma_wait3A_41 = tpu.memref_slice %arg12[%mul3A_2, %dma_wait3A_40] : memref<10112x128xf32, #tpu.memory_space<vmem_shared>> -> memref<632x128xf32, #tpu.memory_space<vmem_shared>>
      tpu.wait_dma2 semaphore(%run_scoped3A_33 : memref<!tpu.dma_semaphore, #tpu.memory_space<semaphore_mem>>) src(%dma_wait3A_41 : memref<632x128xf32, #tpu.memory_space<vmem_shared>>) dst(%dma_wait3A_39 : memref<632x128xf32, #tpu.memory_space<hbm>>)
      tpu.yield
    }) : () -> ()
    return
  }
}

module attributes {stable_mosaic.version = 14 : i64} {
  func.func @body(%arg0: i32, %arg1: memref<2528x128xf32, #tpu.memory_space<vmem>>, %arg2: memref<2528x128xf32, #tpu.memory_space<vmem>>, %arg3: memref<2528x128xf32, #tpu.memory_space<vmem>>, %arg4: memref<2528x128xf32, #tpu.memory_space<vmem>>, %arg5: memref<128x128xf32, #tpu.memory_space<vmem>>, %arg6: memref<1x128xf32, #tpu.memory_space<vmem>>, %arg7: memref<2528x128xf32, #tpu.memory_space<vmem>>) attributes {dimension_semantics = [#tpu.dimension_semantics<arbitrary>], iteration_bounds = array<i64: 4>, scalar_prefetch = 0 : i64, scratch_operands = 0 : i64, tpu.core_type = #tpu.core_type<tc>, window_params = [{transform_indices = @transform_0, window_bounds = array<i64: 2528, 128>}, {transform_indices = @transform_1, window_bounds = array<i64: 2528, 128>}, {transform_indices = @transform_2, window_bounds = array<i64: 2528, 128>}, {transform_indices = @transform_3, window_bounds = array<i64: 2528, 128>}, {pipeline_mode = #tpu.pipeline_mode<synchronous>, transform_indices = @transform_4, window_bounds = array<i64: 128, 128>}, {pipeline_mode = #tpu.pipeline_mode<synchronous>, transform_indices = @transform_5, window_bounds = array<i64: 1, 128>}, {transform_indices = @transform_6, window_bounds = array<i64: 2528, 128>}]} {
    %get3A = arith.constant 0 : index
    %get3A_0 = arith.constant 0 : index
    %get3A_1 = vector.load %arg1[%get3A, %get3A_0] : memref<2528x128xf32, #tpu.memory_space<vmem>>, vector<2528x128xf32>
    %get3A_2 = arith.constant 0 : index
    %get3A_3 = arith.constant 0 : index
    %get3A_4 = vector.load %arg2[%get3A_2, %get3A_3] : memref<2528x128xf32, #tpu.memory_space<vmem>>, vector<2528x128xf32>
    %add3A = arith.addf %get3A_1, %get3A_4 : vector<2528x128xf32>
    %get3A_5 = arith.constant 0 : index
    %get3A_6 = arith.constant 0 : index
    %get3A_7 = vector.load %arg3[%get3A_5, %get3A_6] : memref<2528x128xf32, #tpu.memory_space<vmem>>, vector<2528x1xf32>
    %get3A_8 = arith.constant 0 : index
    %get3A_9 = arith.constant 0 : index
    %get3A_10 = vector.load %arg4[%get3A_8, %get3A_9] : memref<2528x128xf32, #tpu.memory_space<vmem>>, vector<2528x1xf32>
    %add3A_11 = arith.addf %get3A_7, %get3A_10 : vector<2528x1xf32>
    %max3A = arith.constant 1.000000e+00 : f32
    %max3A_12 = vector.broadcast %max3A : f32 to vector<2528x1xf32>
    %max3A_13 = arith.maximumf %add3A_11, %max3A_12 : vector<2528x1xf32>
    %div3A = arith.constant 1.000000e+00 : f32
    %div3A_14 = vector.broadcast %div3A : f32 to vector<2528x1xf32>
    %div3A_15 = arith.divf %div3A_14, %max3A_13 : vector<2528x1xf32>
    %mul3A = vector.broadcast %div3A_15 : vector<2528x1xf32> to vector<2528x128xf32>
    %mul3A_16 = arith.mulf %add3A, %mul3A : vector<2528x128xf32>
    %get3A_17 = arith.constant 0 : index
    %get3A_18 = arith.constant 0 : index
    %get3A_19 = vector.load %arg5[%get3A_17, %get3A_18] : memref<128x128xf32, #tpu.memory_space<vmem>>, vector<128x128xf32>
    %dot_general3A = arith.constant dense<0.000000e+00> : vector<2528x128xf32>
    %dot_general3A_20 = tpu.matmul %mul3A_16, %get3A_19, %dot_general3A {dimension_numbers = #tpu.dot_dimension_numbers<[1], [0], [0], [1], [0, 0, 1, 1], [], []>, transpose_lhs_hint = false} : vector<2528x128xf32>, vector<128x128xf32>, vector<2528x128xf32> -> vector<2528x128xf32>
    %get3A_21 = arith.constant 0 : index
    %get3A_22 = arith.constant 0 : index
    %get3A_23 = vector.load %arg6[%get3A_21, %get3A_22] : memref<1x128xf32, #tpu.memory_space<vmem>>, vector<1x128xf32>
    %add3A_24 = vector.broadcast %get3A_23 : vector<1x128xf32> to vector<2528x128xf32>
    %add3A_25 = arith.addf %dot_general3A_20, %add3A_24 : vector<2528x128xf32>
    %swap3A = arith.constant 0 : index
    %swap3A_26 = arith.constant 0 : index
    %swap3A_27 = vector.load %arg7[%swap3A, %swap3A_26] : memref<2528x128xf32, #tpu.memory_space<vmem>>, vector<2528x128xf32>
    tpu.vector_store %arg7[%swap3A, %swap3A_26], %add3A_25 {strides = array<i32>} : memref<2528x128xf32, #tpu.memory_space<vmem>>, vector<2528x128xf32>,
    return
  }
  func.func @transform_0(%arg0: i32) -> (i32, i32) {
    %c0_i32 = arith.constant 0 : i32
    %c0_i32_0 = arith.constant 0 : i32
    return %arg0, %c0_i32 : i32, i32
  }
  func.func @transform_1(%arg0: i32) -> (i32, i32) {
    %add3A = arith.constant 4 : i32
    %add3A_0 = arith.addi %arg0, %add3A : i32
    %c0_i32 = arith.constant 0 : i32
    %c0_i32_1 = arith.constant 0 : i32
    return %add3A_0, %c0_i32 : i32, i32
  }
  func.func @transform_2(%arg0: i32) -> (i32, i32) {
    %c0_i32 = arith.constant 0 : i32
    %c0_i32_0 = arith.constant 0 : i32
    return %arg0, %c0_i32 : i32, i32
  }
  func.func @transform_3(%arg0: i32) -> (i32, i32) {
    %add3A = arith.constant 4 : i32
    %add3A_0 = arith.addi %arg0, %add3A : i32
    %c0_i32 = arith.constant 0 : i32
    %c0_i32_1 = arith.constant 0 : i32
    return %add3A_0, %c0_i32 : i32, i32
  }
  func.func @transform_4(%arg0: i32) -> (i32, i32) {
    %c0_i32 = arith.constant 0 : i32
    %c0_i32_0 = arith.constant 0 : i32
    %c0_i32_1 = arith.constant 0 : i32
    return %c0_i32, %c0_i32_0 : i32, i32
  }
  func.func @transform_5(%arg0: i32) -> (i32, i32) {
    %c0_i32 = arith.constant 0 : i32
    %c0_i32_0 = arith.constant 0 : i32
    %c0_i32_1 = arith.constant 0 : i32
    return %c0_i32, %c0_i32_0 : i32, i32
  }
  func.func @transform_6(%arg0: i32) -> (i32, i32) {
    %c0_i32 = arith.constant 0 : i32
    %c0_i32_0 = arith.constant 0 : i32
    return %arg0, %c0_i32 : i32, i32
  }
}

module attributes {stable_mosaic.version = 14 : i64} {
  func.func @body(%arg0: i32, %arg1: memref<2528x128xf32, #tpu.memory_space<vmem>>, %arg2: memref<2528x128xf32, #tpu.memory_space<vmem>>, %arg3: memref<2528x128xf32, #tpu.memory_space<vmem>>, %arg4: memref<2528x128xf32, #tpu.memory_space<vmem>>, %arg5: memref<128x128xf32, #tpu.memory_space<vmem>>, %arg6: memref<1x128xf32, #tpu.memory_space<vmem>>, %arg7: memref<2528x128xf32, #tpu.memory_space<vmem>>) attributes {dimension_semantics = [#tpu.dimension_semantics<arbitrary>], iteration_bounds = array<i64: 4>, scalar_prefetch = 0 : i64, scratch_operands = 0 : i64, tpu.core_type = #tpu.core_type<tc>, window_params = [{transform_indices = @transform_0, window_bounds = array<i64: 2528, 128>}, {transform_indices = @transform_1, window_bounds = array<i64: 2528, 128>}, {transform_indices = @transform_2, window_bounds = array<i64: 2528, 128>}, {transform_indices = @transform_3, window_bounds = array<i64: 2528, 128>}, {pipeline_mode = #tpu.pipeline_mode<synchronous>, transform_indices = @transform_4, window_bounds = array<i64: 128, 128>}, {pipeline_mode = #tpu.pipeline_mode<synchronous>, transform_indices = @transform_5, window_bounds = array<i64: 1, 128>}, {transform_indices = @transform_6, window_bounds = array<i64: 2528, 128>}]} {
    %get3A = arith.constant 0 : index
    %get3A_0 = arith.constant 0 : index
    %get3A_1 = vector.load %arg1[%get3A, %get3A_0] : memref<2528x128xf32, #tpu.memory_space<vmem>>, vector<2528x128xf32>
    %get3A_2 = arith.constant 0 : index
    %get3A_3 = arith.constant 0 : index
    %get3A_4 = vector.load %arg2[%get3A_2, %get3A_3] : memref<2528x128xf32, #tpu.memory_space<vmem>>, vector<2528x128xf32>
    %add3A = arith.addf %get3A_1, %get3A_4 : vector<2528x128xf32>
    %get3A_5 = arith.constant 0 : index
    %get3A_6 = arith.constant 0 : index
    %get3A_7 = vector.load %arg3[%get3A_5, %get3A_6] : memref<2528x128xf32, #tpu.memory_space<vmem>>, vector<2528x1xf32>
    %get3A_8 = arith.constant 0 : index
    %get3A_9 = arith.constant 0 : index
    %get3A_10 = vector.load %arg4[%get3A_8, %get3A_9] : memref<2528x128xf32, #tpu.memory_space<vmem>>, vector<2528x1xf32>
    %add3A_11 = arith.addf %get3A_7, %get3A_10 : vector<2528x1xf32>
    %max3A = arith.constant 1.000000e+00 : f32
    %max3A_12 = vector.broadcast %max3A : f32 to vector<2528x1xf32>
    %max3A_13 = arith.maximumf %add3A_11, %max3A_12 : vector<2528x1xf32>
    %div3A = arith.constant 1.000000e+00 : f32
    %div3A_14 = vector.broadcast %div3A : f32 to vector<2528x1xf32>
    %div3A_15 = arith.divf %div3A_14, %max3A_13 : vector<2528x1xf32>
    %mul3A = vector.broadcast %div3A_15 : vector<2528x1xf32> to vector<2528x128xf32>
    %mul3A_16 = arith.mulf %add3A, %mul3A : vector<2528x128xf32>
    %get3A_17 = arith.constant 0 : index
    %get3A_18 = arith.constant 0 : index
    %get3A_19 = vector.load %arg5[%get3A_17, %get3A_18] : memref<128x128xf32, #tpu.memory_space<vmem>>, vector<128x128xf32>
    %dot_general3A = arith.constant dense<0.000000e+00> : vector<2528x128xf32>
    %dot_general3A_20 = tpu.matmul %mul3A_16, %get3A_19, %dot_general3A {dimension_numbers = #tpu.dot_dimension_numbers<[1], [0], [0], [1], [0, 0, 1, 1], [], []>, transpose_lhs_hint = false} : vector<2528x128xf32>, vector<128x128xf32>, vector<2528x128xf32> -> vector<2528x128xf32>
    %get3A_21 = arith.constant 0 : index
    %get3A_22 = arith.constant 0 : index
    %get3A_23 = vector.load %arg6[%get3A_21, %get3A_22] : memref<1x128xf32, #tpu.memory_space<vmem>>, vector<1x128xf32>
    %add3A_24 = vector.broadcast %get3A_23 : vector<1x128xf32> to vector<2528x128xf32>
    %add3A_25 = arith.addf %dot_general3A_20, %add3A_24 : vector<2528x128xf32>
    %max3A_26 = arith.constant 0.000000e+00 : f32
    %max3A_27 = vector.broadcast %max3A_26 : f32 to vector<2528x128xf32>
    %max3A_28 = arith.maximumf %add3A_25, %max3A_27 : vector<2528x128xf32>
    %swap3A = arith.constant 0 : index
    %swap3A_29 = arith.constant 0 : index
    %swap3A_30 = vector.load %arg7[%swap3A, %swap3A_29] : memref<2528x128xf32, #tpu.memory_space<vmem>>, vector<2528x128xf32>
    tpu.vector_store %arg7[%swap3A, %swap3A_29], %max3A_28 {strides = array<i32>} : memref<2528x128xf32, #tpu.memory_space<vmem>>, vector<2528x128xf32>,
    return
  }
  func.func @transform_0(%arg0: i32) -> (i32, i32) {
    %c0_i32 = arith.constant 0 : i32
    %c0_i32_0 = arith.constant 0 : i32
    return %arg0, %c0_i32 : i32, i32
  }
  func.func @transform_1(%arg0: i32) -> (i32, i32) {
    %add3A = arith.constant 4 : i32
    %add3A_0 = arith.addi %arg0, %add3A : i32
    %c0_i32 = arith.constant 0 : i32
    %c0_i32_1 = arith.constant 0 : i32
    return %add3A_0, %c0_i32 : i32, i32
  }
  func.func @transform_2(%arg0: i32) -> (i32, i32) {
    %c0_i32 = arith.constant 0 : i32
    %c0_i32_0 = arith.constant 0 : i32
    return %arg0, %c0_i32 : i32, i32
  }
  func.func @transform_3(%arg0: i32) -> (i32, i32) {
    %add3A = arith.constant 4 : i32
    %add3A_0 = arith.addi %arg0, %add3A : i32
    %c0_i32 = arith.constant 0 : i32
    %c0_i32_1 = arith.constant 0 : i32
    return %add3A_0, %c0_i32 : i32, i32
  }
  func.func @transform_4(%arg0: i32) -> (i32, i32) {
    %c0_i32 = arith.constant 0 : i32
    %c0_i32_0 = arith.constant 0 : i32
    %c0_i32_1 = arith.constant 0 : i32
    return %c0_i32, %c0_i32_0 : i32, i32
  }
  func.func @transform_5(%arg0: i32) -> (i32, i32) {
    %c0_i32 = arith.constant 0 : i32
    %c0_i32_0 = arith.constant 0 : i32
    %c0_i32_1 = arith.constant 0 : i32
    return %c0_i32, %c0_i32_0 : i32, i32
  }
  func.func @transform_6(%arg0: i32) -> (i32, i32) {
    %c0_i32 = arith.constant 0 : i32
    %c0_i32_0 = arith.constant 0 : i32
    return %arg0, %c0_i32 : i32, i32
  }
}

</mosaic_0001>

<sc_bundles>
// kernel: kernel.11.cloned.1.call-start
scs
__scs_entry_jumppad:
0x0: {  	(pc) =	sbr.rel $0x88, $3  }
0x1: {  	(tag) =	ssettag $0x0;
	lr =	simm.s32 $0x1  }
0x2: {  	[smem:$0x3F97] =	sst lr;
	_ =	strace $0xD0000000  }
0x3: {  	_ = 	snop  }
0x4: {  	_ = 	snop  }
0x5: {  	_ = 	snop  }
0x6: {  	_ = 	snop  }
0x7: {  	_ = 	snop  }
__scs_overlays_trampoline_lowered:
0x8: {  	[smem:$0x3FA6] =	sst s0  }
0x9: {  	[smem:$0x3FA7] =	sst s1  }
0xa: {  	[smem:$0x3FA8] =	sst s2  }
0xb: {  	[smem:$0x3FA9] =	sst s3  }
0xc: {  	[smem:$0x3FAA] =	sst s4  }
0xd: {  	[smem:$0x3FAB] =	sst s5  }
0xe: {  	[smem:$0x3FAC] =	sst s6  }
0xf: {  	[smem:$0x3FAD] =	sst s7  }
0x10: {  	[smem:$0x3FAE] =	sst s8  }
0x11: {  	[smem:$0x3FAF] =	sst s9;
	s0 =	simm.s32 @!p0 $0x0  }
0x12: {  	s1 =	sld [smem:$0x3F95];
	s0 =	simm.s32 @p0 $0x1  }
0x13: {  	[smem:$0x3FB0] =	sst s0;
	s0 =	simm.s32 @!p1 $0x0  }
0x14: {  	s2 =	sld [smem:$0x3F94];
	s0 =	simm.s32 @p1 $0x1  }
0x15: {  	[smem:$0x3FB1] =	sst s0;
	s0 =	simm.s32 @!p2 $0x0  }
0x16: {  	s3 =	sld [smem:$0x3FDB];
	s0 =	simm.s32 @p2 $0x1  }
0x17: {  	s4 =	simm.s32 $0x1BF5;
	[smem:$0x3FB3] =	sst s0  }
0x18: {  	s0 =	sld [smem:$0x3F96];
	_ =	swait.ge [sflag:s4], $0x0  }
0x19: {  	s7 =	sld [smem:$0x3F97]  }
0x1a: {  	s8 =	sadd.s32 $0xFFFFE003, lr  }
0x1b: {  	s9 =	sadd.s32 $0xFFFFFEF7, lr;
	s5 =	simm.s32 $0xFFFFFFFF;
	p2 =	slt.u32 s8, $0xFFFFF086  }
0x1c: {  	p1 =	slt.u32 s9, $0xF7A;
	s5 =	simm.s32 @!p2 $0x0  }
0x1d: {  	s5 =	simm.s32 @p1 $0x1;
	p0 =	seq.s32 s7, s2  }
0x1e: {  	s7 =	smul.u32 @!p0 $0xF7A, s2;
	p2 =	seq.s32 @!p0 s5, $0x0  }
0x1f: {  	s9 =	smul.u32 $0xF7A, s1;
	s8 =	simm.s32 @!p0 $0x1BF5;
	p2 =	por !p2, p0  }
0x20: {  	[sflag:s8] =	ssyncset.s32 @!p0 $0xFFFFF086;
	s6 =	sadd.s32 @!p0 s3, s7;
	s7 =	simm.s32 @!p0 $0x108  }
0x21: {  	s3 =	sadd.s32 s3, s9;
	s6 =	sadd.s32 @!p0 $0x88, s6;
	s7 =	simm.s32 @p2 $0x1082  }
0x22: {  	[simem:s7], [sflag:s8] =	dma.local @!p0 [hbm:s6], $0xF7A  }
0x23: {  	s9 =	sor.u32 $0xD0000000, s2;
	s6 =	simm.s32 $0x108;
	_ =	swait.ge @!p0 [sflag:s8], $0x0  }
0x24: {  	s3 =	sadd.s32 $0x88, s3;
	s6 =	simm.s32 @!p1 $0x1082;
	[sflag:s4] =	ssyncset.s32 $0xFFFFF086  }
0x25: {  	[simem:s6], [sflag:s4] =	dma.local [hbm:s3], $0xF7A  }
0x26: {  	[smem:$0x3F97] =	sst s1;
	(tag) =	ssettag s2;
	_ =	strace s9  }
0x27: {  	s1 =	sld [smem:$0x3FA7]  }
0x28: {  	s2 =	sld [smem:$0x3FA8]  }
0x29: {  	s4 =	sld [smem:$0x3FAA]  }
0x2a: {  	p0 =	seq.s32 s5, $0x0;
	s5 =	sld [smem:$0x3FAB]  }
0x2b: {  	s6 =	sld [smem:$0x3FAC]  }
0x2c: {  	s7 =	sld [smem:$0x3FAD]  }
0x2d: {  	s3 =	simm.s32 $0x108;
	s8 =	sld [smem:$0x3FAE]  }
0x2e: {  	s3 =	simm.s32 @!p0 $0x1082;
	s9 =	sld [smem:$0x3FAF]  }
0x2f: {  	lr =	sadd.s32 s0, s3;
	s0 =	sld [smem:$0x3FA6]  }
0x30: {  	s3 =	sld [smem:$0x3FA9]  }
0x31: {  	[smem:$0x3FB2] =	sst s10  }
0x32: {  	s10 =	sld [smem:$0x3FB0];
	_ =	sdelay $0x3  }
0x33: {  	p0 =	seq.s32 s10, $0x1;
	s10 =	sld [smem:$0x3FB2];
	_ =	sdelay $0x3  }
0x34: {  	[smem:$0x3FB2] =	sst s10  }
0x35: {  	s10 =	sld [smem:$0x3FB1];
	_ =	sdelay $0x3  }
0x36: {  	p1 =	seq.s32 s10, $0x1;
	s10 =	sld [smem:$0x3FB2];
	_ =	sdelay $0x3  }
0x37: {  	[smem:$0x3FB2] =	sst s10  }
0x38: {  	s10 =	sld [smem:$0x3FB3]  }
0x39: {  	_ = 	snop;
	(pc) =	sbr.ind lr, $3  }
0x3a: {  	_ = 	snop  }
0x3b: {  	_ = 	snop  }
0x3c: {  	p2 =	seq.s32 s10, $0x1;
	s10 =	sld [smem:$0x3FB2]  }
0x3d: {  	_ =	shalt  }
0x3e: {  	_ =	shalt  }
0x3f: {  	_ =	shalt  }
0x40: {  	_ =	shalt  }
0x41: {  	_ =	shalt  }
0x42: {  	_ =	shalt  }
0x43: {  	_ =	shalt  }
0x44: {  	_ =	shalt  }
0x45: {  	_ =	shalt  }
0x46: {  	_ =	shalt  }
0x47: {  	_ =	shalt  }
0x48: {  	_ =	shalt  }
0x49: {  	_ =	shalt  }
0x4a: {  	_ =	shalt  }
0x4b: {  	_ =	shalt  }
0x4c: {  	_ =	shalt  }
0x4d: {  	_ =	shalt  }
0x4e: {  	_ =	shalt  }
0x4f: {  	_ =	shalt  }
0x50: {  	_ =	shalt  }
0x51: {  	_ =	shalt  }
0x52: {  	_ =	shalt  }
0x53: {  	_ =	shalt  }
0x54: {  	_ =	shalt  }
0x55: {  	_ =	shalt  }
0x56: {  	_ =	shalt  }
0x57: {  	_ =	shalt  }
0x58: {  	_ =	shalt  }
0x59: {  	_ =	shalt  }
0x5a: {  	_ =	shalt  }
0x5b: {  	_ =	shalt  }
0x5c: {  	_ =	shalt  }
0x5d: {  	_ =	shalt  }
0x5e: {  	_ =	shalt  }
0x5f: {  	_ =	shalt  }
0x60: {  	_ =	shalt  }
0x61: {  	_ =	shalt  }
0x62: {  	_ =	shalt  }
0x63: {  	_ =	shalt  }
0x64: {  	_ =	shalt  }
0x65: {  	_ =	shalt  }
0x66: {  	_ =	shalt  }
0x67: {  	_ =	shalt  }
0x68: {  	_ =	shalt  }
0x69: {  	_ =	shalt  }
0x6a: {  	_ =	shalt  }
0x6b: {  	_ =	shalt  }
0x6c: {  	_ =	shalt  }
0x6d: {  	_ =	shalt  }
0x6e: {  	_ =	shalt  }
0x6f: {  	_ =	shalt  }
0x70: {  	_ =	shalt  }
0x71: {  	_ =	shalt  }
0x72: {  	_ =	shalt  }
0x73: {  	_ =	shalt  }
0x74: {  	_ =	shalt  }
0x75: {  	_ =	shalt  }
0x76: {  	_ =	shalt  }
0x77: {  	_ =	shalt  }
0x78: {  	_ =	shalt  }
0x79: {  	_ =	shalt  }
0x7a: {  	_ =	shalt  }
0x7b: {  	_ =	shalt  }
0x7c: {  	_ =	shalt  }
0x7d: {  	_ =	shalt  }
0x7e: {  	_ =	shalt  }
0x7f: {  	_ =	shalt  }
0x80: {  	_ =	shalt  }
0x81: {  	_ =	shalt  }
0x82: {  	_ =	shalt  }
0x83: {  	_ =	shalt  }
0x84: {  	_ =	shalt  }
0x85: {  	_ =	shalt  }
0x86: {  	_ =	shalt  }
0x87: {  	_ =	shalt  }
.Lfunc_end0:
.L_simem_size_0:
called_computation_lowered:
.L_overlay_start_0:
0x88: {  	s2 =	sld [smem:$0x3FD9]  }
0x89: {  	s3 =	sld [smem:$0x3FFE];
	_ =	sdelay $0x1  }
0x8a: {  	s1 =	srdreg.scid  }
0x8b: {  	s0 =	sand.u32 $0x1, s1  }
0x8c: {  	s17 =	sshll.u32 s0, $0xA;
	s2 =	sadd.s32 s3, s2  }
0x8d: {  	s2 =	sadd.s32 s2, s17  }
0x8e: {  	[smem:$0x3FBE] =	sst s2  }
0x8f: {  	_ = 	snop  }
0x90: {  	(tm) =	ssettm $0x1  }
0x91: {  	s18 =	sld [smem:$0x3FFB];
	_ =	sdelay $0x3  }
0x92: {  	_ =	strace s18  }
0x93: {  	s2 =	sld [smem:$0x3FFC];
	_ =	sdelay $0x3  }
0x94: {  	_ =	strace s2  }
0x95: {  	s2 =	sld [smem:$0x3FFD];
	_ =	sdelay $0x3  }
0x96: {  	_ =	strace s2  }
0x97: {  	_ =	strace $0x8FFFFFFF  }
0x98: {  	s19 =	sld [smem:$0x3FDB];
	_ =	sdelay $0x1  }
0x99: {  	s20 =	simm.s32 $_scs_section_size  }
0x9a: {  	s4 =	simm.s32 $_size__tile_overlayer_lowered;
	s5 =	simm.s32 $_tile_overlayer_lowered  }
0x9b: {  	s6 =	simm.s32 $0x1BFF;
	s21 =	sshll.u32 s5, $0x1;
	s3 =	sadd.s32 s20, s19  }
0x9c: {  	s22 =	simm.s32 $0x0;
	s4 =	sshll.u32 s4, $0x1;
	s5 =	sadd.s32 s21, s3  }
0x9d: {  	[timem:s22], [sflag:s6] =	dma.local [hbm:s5], s4  }
0x9e: {  	_ =	swait.ge [sflag:s6], s4  }
0x9f: {  	s4 =	ssub.s32 $0x0, s4;
	[sflag:s6] =	ssyncset.done $0x0  }
0xa0: {  	[sflag:s6] =	ssyncadd.s32 s4;
	_ =	sdelay $0x1  }
0xa1: {  	s23 =	simm.s32 $0x1B8B  }
0xa2: {  	_ =	swait.ge [sflag:s23], $0x1  }
0xa3: {  	[sflag:s23] =	ssyncset.done $0x0  }
0xa4: {  	[sflag:s23] =	ssyncadd.s32 $0xFFFFFFFF  }
0xa5: {  	s4 =	sld [smem:$0x0]  }
0xa6: {  	s5 =	sand.u32 $0xFFFFFFFE, s1  }
0xa7: {  	p0 =	sne.s32 s1, s5  }
0xa8: {  	s5 =	sshll.u32 @p0 s5, $0xE  }
0xa9: {  	s5 =	sadd.s32 @p0 $0x11B8D, s5;
	s6 =	sshll.u32 @p0 s4, $0x11  }
0xaa: {  	s5 =	sor.u32 @p0 s6, s5  }
0xab: {  	[sflag:s5] =	ssyncadd.remote.s32 @p0 $0x1;
	_ =	sdelay $0x1  }
0xac: {  	s5 =	simm.s32 @p0 $0x1B8D  }
0xad: {  	_ =	swait.eq @p0 [sflag:s5], $0x1  }
0xae: {  	[sflag:s5] =	ssyncadd.s32 @p0 $0xFFFFFFFF  }
0xaf: {  	s6 =	sshll.u32 @!p0 s1, $0xE  }
0xb0: {  	s6 =	sor.u32 @!p0 $0x4000, s6;
	s5 =	simm.s32 @!p0 $0x1B8D  }
0xb1: {  	s4 =	sshll.u32 @!p0 s4, $0x11;
	s6 =	sadd.s32 @!p0 $0x11B8D, s6;
	_ =	swait.eq @!p0 [sflag:s5], $0x1  }
0xb2: {  	s4 =	sor.u32 @!p0 s4, s6;
	[sflag:s5] =	ssyncadd.s32 @!p0 $0xFFFFFFFF  }
0xb3: {  	s25 =	simm.s32 $0x1B8E;
	s24 =	sld [smem:$0x3FFE];
	[sflag:s4] =	ssyncadd.remote.s32 @!p0 $0x1  }
0xb4: {  	s26 =	simm.s32 $execute0_lowered;
	[smem:$0x3FD2] =	sst s25  }
0xb5: {  	s5 =	sshll.u32 s26, $0x1;
	_ =	strace $0x80000049;
	[dreg:$0x1] =	wrdreg $0xFFFFFFFF  }
0xb6: {  	s28 =	simm.s32 $_size_execute0_lowered;
	s3 =	sadd.s32 s3, s5;
	[dreg:$0x0] =	wrdreg $0x0  }
0xb7: {  	s5 =	sshll.u32 s28, $0x1;
	[dreg:$0x2] =	wrdreg s3  }
0xb8: {  	[dreg:$0x3] =	wrdreg s5  }
0xb9: {  	[dreg:$0x4] =	wrdreg $0xC0  }
0xba: {  	_ =	task [dreg:s22], $0x5FFFF  }
0xbb: {  	[dreg:$0x1] =	wrdreg $0xFFFFFFFF  }
0xbc: {  	[dreg:$0x0] =	wrdreg $0x60  }
0xbd: {  	[dreg:$0x2] =	wrdreg s24  }
0xbe: {  	[dreg:$0x3] =	wrdreg $0x44000  }
0xbf: {  	[dreg:$0x4] =	wrdreg $0x9  }
0xc0: {  	_ =	task.clear_ibuf [dreg:s22], $0x5FFFF;
	_ =	strace $0x90000049  }
0xc1: {  	s29 =	simm.s32 $0x9;
	_ =	strace $0x8000004B  }
0xc2: {  	_ =	swait.ge [sflag:s29], $0x1  }
0xc3: {  	[sflag:s29] =	ssyncadd.s32 $0xFFFFFFFF  }
0xc4: {  	_ =	strace $0x9000004B  }
0xc5: {  	_ =	sfence  }
0xc6: {  	s30 =	sld [smem:$0x0];
	_ =	sdelay $0x2  }
0xc7: {  	s31 =	sshll.u32 s1, $0xD;
	s1 =	sshrl.u32 s1, $0x2  }
0xc8: {  	s4 =	sand.u32 $0x4000, s31;
	s1 =	sadd.s32 s1, s30  }
0xc9: {  	s0 =	sor.u32 s4, s0;
	s1 =	sshll.u32 s1, $0x11  }
0xca: {  	s0 =	sor.u32 s1, s0  }
0xcb: {  	s0 =	sadd.s32 $0x8F2B, s0  }
0xcc: {  	[sflag:s0] =	ssyncadd.remote.s32 $0x1  }
0xcd: {  	_ =	sfence.sel $0xFFFF  }
0xce: {  	[dreg:$0x0] =	wrdreg $0xFFFFFFFF;
	(pc) =	sbr.abs _section_cstart, $3  }
0xcf: {  	[dreg:$0x1] =	wrdreg $0xFFFFFFFF  }
0xd0: {  	_ =	task.clear_ibuf [dreg:s22], $0x2FFFF;
	_ =	strace $0x9FFFFFFF  }
0xd1: {  	(tm) =	ssettm $0x7FFFFFFF  }
tec
execute0_lowered:
.L_overlay_start_1:
0x0: {  	(tag) =	ssettag $0x1  }
0x1: {  	s5 =	rddreg [dreg:$0x0]  }
0x2: {  	s2 =	rddreg [dreg:$0x1]  }
0x3: {  	s0 =	rddreg [dreg:$0x2];
	s1 =	stileid.u32;
	s3 =	simm.s32 $0x0  }
0x4: {  	s6 =	srdreg.scid;
	s17 =	simm.s32 $0x1;
	s4 =	smul.u32 $0x2780, s1  }
0x5: {  	s18 =	simm.s32 $0x2;
	s19 =	simm.s32 $0x0;
	s7 =	smul.u32 $0x278, s1  }
0x6: {  	[smem:$0x7FF] =	sst s3;
	s6 =	sand.u32 $0x1, s6;
	s10 =	smul.u32 $0x4F000, s1  }
0x7: {  	s11 =	sadd.s32 $0x4000, s5;
	s14 =	smul.u32 $0x4F00, s1;
	s31 =	sshll.u32 s1, $0x6  }
0x8: {  	_ =	strace $0x8000004A;
	s8 =	smul.u32 $0x2780, s6;
	s9 =	sshll.u32 s6, $0x4  }
0x9: {  	s24 =	ssub.s32 $0x2, s6;
	s6 =	smul.u32 $0x4F000, s6;
	s9 =	sor.u32 s1, s9  }
0xa: {  	s12 =	sadd.s32 s4, s5;
	s4 =	sadd.s32 $0xB5C00, s5;
	s13 =	sshrl.u32 s24, $0x1  }
0xb: {  	s25 =	sshrl.u32 s10, $0x2;
	s9 =	smul.u32 $0x4F00, s9;
	s7 =	sadd.s32 s7, s8  }
0xc: {  	s13 =	ssub.s32 s24, s13;
	s16 =	sadd.s32 s25, s2;
	s28 =	sadd.s32 s14, s6  }
0xd: {  	s14 =	sor.u32 $0x1C07, s31;
	s7 =	sshll.u32 s7, $0x4;
	s29 =	sadd.s32 $0x200, s28  }
.Ltmp0:
0xe: {  	s10 =	smax.u32 s13, $0x1;
	s13 =	simm.s32 $0x7;
	(pc) =	sbr.rel .LBB2_1-.Ltmp0, $4  }
0xf: {  	s15 =	sadd.s32 s7, s5;
	s26 =	sshrl.u32 s9, $0x3;
	s5 =	sadd.s32 $0x3F400, s12  }
0x10: {  	s30 =	sshrl.u32 s29, $0x3;
	s12 =	simm.s32 $0x400;
	s6 =	sadd.s32 s11, s26  }
0x11: {  	s8 =	sadd.s32 $0x105400, s15;
	s9 =	sadd.s32 $0xB6400, s15;
	s11 =	sadd.s32 s30, s11  }
0x12: {  	s15 =	sshrl.u32 s16, $0x3;
	s16 =	simm.s32 $0x100;
	s7 =	sadd.s32 $0x20, s6  }
.LBB2_11:
0x13: {  	_ =	swait.ge [sflag:s17], $0x4000  }
0x14: {  	[sflag:s17] =	ssyncset.done $0x0  }
0x15: {  	[sflag:s17] =	ssyncadd.s32 $0xFFFFC000  }
0x16: {  	_ =	swait.ge [sflag:s18], $0x4000  }
0x17: {  	s19 =	sadd.s32 $0x1, s19;
	[sflag:s18] =	ssyncset.done $0x0  }
0x18: {  	p0 =	sne.s32 s19, s10;
	[sflag:s18] =	ssyncadd.s32 $0xFFFFC000  }
.Ltmp1:
0x19: {  	[bflag:$0x0] =	sbarrier.arrive $0xFFFF;
	(pc) =	sbr.rel @!p0 .LBB2_12-.Ltmp1, $4  }
0x1a: {  	[hbm:s9], [sflag:s14] =	dma.local [spmem:s15], $0x2780  }
0x1b: {  	_ =	swait.ge [sflag:s13], $0x2780  }
0x1c: {  	[sflag:s13] =	ssyncset.done $0x0  }
0x1d: {  	[sflag:s13] =	ssyncadd.s32 $0xFFFFD880  }
.LBB2_1:
0x1e: {  	[tilespmem:s12], [sflag:$0x7] =	stream.linear.gather [hbm4b:s4+s3], $0x4000, $0x38;
	[tilespmem:$0x18000] =	vst v63  }
0x1f: {  	_ =	swait.ge [sflag:s13], $0x4000  }
0x20: {  	[sflag:s13] =	ssyncset.done $0x0  }
0x21: {  	[sflag:s13] =	ssyncadd.s32 $0xFFFFC000  }
0x22: {  	[spmem:s15], [sflag:s14] =	dma.local [hbm:s5], $0x2780  }
0x23: {  	_ =	swait.ge [sflag:s13], $0x2780  }
0x24: {  	[sflag:s13] =	ssyncset.done $0x0  }
0x25: {  	[sflag:s13] =	ssyncadd.s32 $0xFFFFD880  }
0x26: {  	[tilespmem:s3], [sflag:$0x7] =	stream.linear.gather [hbm4b:s6+s3], $0x100, $0x38;
	[tilespmem:$0x18000] =	vst v63  }
0x27: {  	_ =	swait.ge [sflag:s13], $0x100  }
0x28: {  	[sflag:s13] =	ssyncset.done $0x0  }
0x29: {  	[sflag:s13] =	ssyncadd.s32 $0xFFFFFF00  }
0x2a: {  	[tilespmem:s16], [sflag:$0x7] =	stream.linear.gather [hbm4b:s7+s3], $0x100, $0x38;
	[tilespmem:$0x18000] =	vst v63  }
.Ltmp2:
0x2b: {  	_ =	swait.ge [sflag:s13], $0x100;
	(pc) =	sbr.rel .LBB2_2-.Ltmp2, $4  }
0x2c: {  	[sflag:s13] =	ssyncset.done $0x0  }
0x2d: {  	[sflag:s13] =	ssyncadd.s32 $0xFFFFFF00  }
0x2e: {  	[bflag:$0x0] =	sbarrier.arrive $0xFFFF  }
0x2f: {  	s20 =	smov.u32 s11;
	s21 =	simm.s32 $0x0  }
.LBB2_4:
0x30: {  	p0 =	seq.s32 s22, $0x2  }
0x31: {  	p1 =	slt.u32 @p0 s21, $0x2  }
0x32: {  	p2 =	por !p1, !p0  }
0x33: {  	s22 =	simm.s32 @!p2 $0x0  }
0x34: {  	[tilespmem:s22], [sflag:$0x3] =	stream.linear.gather @!p2 [hbm4b:s20+s22], $0x100, $0x38;
	[tilespmem:$0x18000] =	vst v63  }
0x35: {  	p2 =	por p1, !p0  }
0x36: {  	s22 =	simm.s32 @!p2 $0x1;
	p3 =	sgt.u32 @!p2 s21, $0x4C  }
0x37: {  	_ =	swait.ge @!p2 [sflag:s22], $0x4000;
	p1 =	por @p0 p3, p1  }
0x38: {  	[sflag:s22] =	ssyncset.done @!p2 $0x0;
	p1 =	por p1, !p0  }
0x39: {  	[sflag:s22] =	ssyncadd.s32 @!p2 $0xFFFFC000;
	s22 =	simm.s32 @!p1 $0x0  }
0x3a: {  	[tilespmem:s22], [sflag:$0x3] =	stream.linear.gather @!p1 [hbm4b:s20+s22], $0x100, $0x38;
	[tilespmem:$0x18000] =	vst v63  }
0x3b: {  	s22 =	simm.s32 @!p2 $0x5  }
0x3c: {  	s23 =	simm.s32 @p0 $0x200;
	_ =	swait.ge @!p2 [sflag:s22], $0x100  }
0x3d: {  	s24 =	simm.s32 @p0 $0x400;
	p1 =	slt.u32 @!p0 s21, $0x2;
	[sflag:s22] =	ssyncset.done @!p2 $0x0  }
0x3e: {  	[sflag:s22] =	ssyncadd.s32 @!p2 $0xFFFFFF00;
	s22 =	simm.s32 @p0 $0x80;
	p2 =	por !p1, p0  }
0x3f: {  	[spmem:s2] =	stream.indirect.scatter.add.f32 @p0 [tilespmem:s24], [sflag:$0x1], $0x80, s23, s22, $0xb8;
	[tilespmem:$0x18000] =	vst v63  }
0x40: {  	s22 =	simm.s32 @!p2 $0x0;
	s23 =	simm.s32 @!p2 $0x100  }
0x41: {  	[tilespmem:s23], [sflag:$0x4] =	stream.linear.gather @!p2 [hbm4b:s20+s22], $0x100, $0x38;
	[tilespmem:$0x18000] =	vst v63  }
0x42: {  	p2 =	por p1, p0  }
0x43: {  	s22 =	simm.s32 @!p2 $0x2;
	p3 =	sgt.u32 @!p2 s21, $0x4C  }
0x44: {  	_ =	swait.ge @!p2 [sflag:s22], $0x4000;
	p1 =	por @!p0 p3, p1  }
0x45: {  	[sflag:s22] =	ssyncset.done @!p2 $0x0;
	p1 =	por p1, p0  }
0x46: {  	[sflag:s22] =	ssyncadd.s32 @!p2 $0xFFFFC000;
	s22 =	simm.s32 @!p1 $0x0;
	s23 =	simm.s32 @!p1 $0x100  }
0x47: {  	[tilespmem:s23], [sflag:$0x4] =	stream.linear.gather @!p1 [hbm4b:s20+s22], $0x100, $0x38;
	[tilespmem:$0x18000] =	vst v63  }
0x48: {  	s22 =	simm.s32 @!p2 $0x6  }
0x49: {  	_ =	swait.ge @!p2 [sflag:s22], $0x100  }
0x4a: {  	s24 =	simm.s32 @!p0 $0x400;
	[sflag:s22] =	ssyncset.done @!p2 $0x0  }
0x4b: {  	s23 =	simm.s32 @!p0 $0x300;
	[sflag:s22] =	ssyncadd.s32 @!p2 $0xFFFFFF00;
	s22 =	simm.s32 @!p0 $0x80  }
0x4c: {  	[spmem:s2] =	stream.indirect.scatter.add.f32 @!p0 [tilespmem:s24], [sflag:$0x2], $0x80, s23, s22, $0xb8;
	[tilespmem:$0x18000] =	vst v63  }
.LBB2_5:
0x4d: {  	s21 =	sadd.s32 $0x1, s21  }
0x4e: {  	p0 =	sne.s32 s21, $0x4F  }
.Ltmp3:
0x4f: {  	_ = 	snop;
	(pc) =	sbr.rel @!p0 .LBB2_6-.Ltmp3, $2  }
0x50: {  	_ =	sdelay $0x2  }
0x51: {  	s20 =	sadd.s32 $0x20, s20  }
.LBB2_2:
0x52: {  	s22 =	sand.u32 $0x3, s21  }
0x53: {  	p0 =	sgt.s32 s22, $0x1  }
.Ltmp4:
0x54: {  	_ = 	snop;
	(pc) =	sbr.rel @p0 .LBB2_4-.Ltmp4, $1  }
0x55: {  	_ =	sdelay $0x3  }
0x56: {  	p0 =	seq.s32 s22, $0x0  }
0x57: {  	p1 =	slt.u32 @p0 s21, $0x2  }
0x58: {  	p2 =	por !p1, !p0  }
0x59: {  	s22 =	simm.s32 @!p2 $0x0;
	s23 =	simm.s32 @!p2 $0x200  }
0x5a: {  	[tilespmem:s23], [sflag:$0x5] =	stream.linear.gather @!p2 [hbm4b:s20+s22], $0x100, $0x38;
	[tilespmem:$0x18000] =	vst v63  }
0x5b: {  	p2 =	por p1, !p0  }
0x5c: {  	s22 =	simm.s32 @!p2 $0x1;
	p3 =	sgt.u32 @!p2 s21, $0x4C  }
0x5d: {  	_ =	swait.ge @!p2 [sflag:s22], $0x4000;
	p1 =	por @p0 p3, p1  }
0x5e: {  	[sflag:s22] =	ssyncset.done @!p2 $0x0;
	p1 =	por p1, !p0  }
0x5f: {  	[sflag:s22] =	ssyncadd.s32 @!p2 $0xFFFFC000;
	s22 =	simm.s32 @!p1 $0x0;
	s23 =	simm.s32 @!p1 $0x200  }
0x60: {  	[tilespmem:s23], [sflag:$0x5] =	stream.linear.gather @!p1 [hbm4b:s20+s22], $0x100, $0x38;
	[tilespmem:$0x18000] =	vst v63  }
0x61: {  	s22 =	simm.s32 @!p2 $0x3  }
0x62: {  	s24 =	simm.s32 @p0 $0x400;
	_ =	swait.ge @!p2 [sflag:s22], $0x100  }
0x63: {  	s23 =	simm.s32 @p0 $0x0;
	p1 =	slt.u32 @!p0 s21, $0x2;
	[sflag:s22] =	ssyncset.done @!p2 $0x0  }
0x64: {  	[sflag:s22] =	ssyncadd.s32 @!p2 $0xFFFFFF00;
	s22 =	simm.s32 @p0 $0x80;
	p2 =	por !p1, p0  }
0x65: {  	[spmem:s2] =	stream.indirect.scatter.add.f32 @p0 [tilespmem:s24], [sflag:$0x1], $0x80, s23, s22, $0xb8;
	[tilespmem:$0x18000] =	vst v63  }
0x66: {  	s22 =	simm.s32 @!p2 $0x0;
	s23 =	simm.s32 @!p2 $0x300  }
0x67: {  	[tilespmem:s23], [sflag:$0x6] =	stream.linear.gather @!p2 [hbm4b:s20+s22], $0x100, $0x38;
	[tilespmem:$0x18000] =	vst v63  }
0x68: {  	p2 =	por p1, p0  }
0x69: {  	s22 =	simm.s32 @!p2 $0x2;
	p3 =	sgt.u32 @!p2 s21, $0x4C  }
0x6a: {  	_ =	swait.ge @!p2 [sflag:s22], $0x4000;
	p1 =	por @!p0 p3, p1  }
0x6b: {  	[sflag:s22] =	ssyncset.done @!p2 $0x0;
	p1 =	por p1, p0  }
0x6c: {  	[sflag:s22] =	ssyncadd.s32 @!p2 $0xFFFFC000;
	s22 =	simm.s32 @!p1 $0x0;
	s23 =	simm.s32 @!p1 $0x300  }
0x6d: {  	[tilespmem:s23], [sflag:$0x6] =	stream.linear.gather @!p1 [hbm4b:s20+s22], $0x100, $0x38;
	[tilespmem:$0x18000] =	vst v63  }
.Ltmp5:
0x6e: {  	s22 =	simm.s32 @!p2 $0x4;
	(pc) =	sbr.rel .LBB2_5-.Ltmp5, $4  }
0x6f: {  	_ =	swait.ge @!p2 [sflag:s22], $0x100  }
0x70: {  	s24 =	simm.s32 @!p0 $0x400;
	[sflag:s22] =	ssyncset.done @!p2 $0x0  }
0x71: {  	s23 =	simm.s32 @!p0 $0x100;
	[sflag:s22] =	ssyncadd.s32 @!p2 $0xFFFFFF00;
	s22 =	simm.s32 @!p0 $0x80  }
0x72: {  	[spmem:s2] =	stream.indirect.scatter.add.f32 @!p0 [tilespmem:s24], [sflag:$0x2], $0x80, s23, s22, $0xb8;
	[tilespmem:$0x18000] =	vst v63  }
.LBB2_6:
0x73: {  	_ =	swait.ge [sflag:s17], $0x4000  }
0x74: {  	[sflag:s17] =	ssyncset.done $0x0  }
0x75: {  	[sflag:s17] =	ssyncadd.s32 $0xFFFFC000  }
0x76: {  	_ =	swait.ge [sflag:s18], $0x4000  }
0x77: {  	[sflag:s18] =	ssyncset.done $0x0  }
0x78: {  	[sflag:s18] =	ssyncadd.s32 $0xFFFFC000  }
0x79: {  	[bflag:$0x0] =	sbarrier.arrive $0xFFFF  }
0x7a: {  	[hbm:s8], [sflag:s14] =	dma.local [spmem:s15], $0x2780  }
0x7b: {  	_ =	swait.ge [sflag:s13], $0x2780  }
0x7c: {  	[sflag:s13] =	ssyncset.done $0x0  }
0x7d: {  	[sflag:s13] =	ssyncadd.s32 $0xFFFFD880  }
0x7e: {  	[spmem:s15], [sflag:s14] =	dma.local [hbm:s5], $0x2780  }
0x7f: {  	_ =	swait.ge [sflag:s13], $0x2780  }
0x80: {  	[sflag:s13] =	ssyncset.done $0x0  }
0x81: {  	s20 =	simm.s32 $0x0;
	[sflag:s13] =	ssyncadd.s32 $0xFFFFD880  }
0x82: {  	[tilespmem:s20], [sflag:$0x7] =	stream.linear.gather [hbm4b:s6+s20], $0x100, $0x38;
	[tilespmem:$0x18000] =	vst v63  }
0x83: {  	_ =	swait.ge [sflag:s13], $0x100  }
0x84: {  	[sflag:s13] =	ssyncset.done $0x0  }
0x85: {  	[sflag:s13] =	ssyncadd.s32 $0xFFFFFF00  }
0x86: {  	[tilespmem:s16], [sflag:$0x7] =	stream.linear.gather [hbm4b:s7+s20], $0x100, $0x38;
	[tilespmem:$0x18000] =	vst v63  }
.Ltmp6:
0x87: {  	_ =	swait.ge [sflag:s13], $0x100;
	(pc) =	sbr.rel .LBB2_7-.Ltmp6, $4  }
0x88: {  	[sflag:s13] =	ssyncset.done $0x0  }
0x89: {  	[sflag:s13] =	ssyncadd.s32 $0xFFFFFF00  }
0x8a: {  	[bflag:$0x0] =	sbarrier.arrive $0xFFFF  }
0x8b: {  	s21 =	smov.u32 s11  }
.LBB2_9:
0x8c: {  	p0 =	seq.s32 s22, $0x2  }
0x8d: {  	p1 =	slt.u32 @p0 s20, $0x2  }
0x8e: {  	p2 =	por !p1, !p0  }
0x8f: {  	s22 =	simm.s32 @!p2 $0x0  }
0x90: {  	[tilespmem:s22], [sflag:$0x3] =	stream.linear.gather @!p2 [hbm4b:s21+s22], $0x100, $0x38;
	[tilespmem:$0x18000] =	vst v63  }
0x91: {  	p2 =	por p1, !p0  }
0x92: {  	s22 =	simm.s32 @!p2 $0x1;
	p3 =	sgt.u32 @!p2 s20, $0x4C  }
0x93: {  	_ =	swait.ge @!p2 [sflag:s22], $0x4000;
	p1 =	por @p0 p3, p1  }
0x94: {  	[sflag:s22] =	ssyncset.done @!p2 $0x0;
	p1 =	por p1, !p0  }
0x95: {  	[sflag:s22] =	ssyncadd.s32 @!p2 $0xFFFFC000;
	s22 =	simm.s32 @!p1 $0x0  }
0x96: {  	[tilespmem:s22], [sflag:$0x3] =	stream.linear.gather @!p1 [hbm4b:s21+s22], $0x100, $0x38;
	[tilespmem:$0x18000] =	vst v63  }
0x97: {  	s22 =	simm.s32 @!p2 $0x5  }
0x98: {  	s23 =	simm.s32 @p0 $0x280;
	_ =	swait.ge @!p2 [sflag:s22], $0x100  }
0x99: {  	s24 =	simm.s32 @p0 $0x400;
	p1 =	slt.u32 @!p0 s20, $0x2;
	[sflag:s22] =	ssyncset.done @!p2 $0x0  }
0x9a: {  	[sflag:s22] =	ssyncadd.s32 @!p2 $0xFFFFFF00;
	s22 =	simm.s32 @p0 $0x80;
	p2 =	por !p1, p0  }
0x9b: {  	[spmem:s2] =	stream.indirect.scatter.add.f32 @p0 [tilespmem:s24], [sflag:$0x1], $0x80, s23, s22, $0xb8;
	[tilespmem:$0x18000] =	vst v63  }
0x9c: {  	s22 =	simm.s32 @!p2 $0x0;
	s23 =	simm.s32 @!p2 $0x100  }
0x9d: {  	[tilespmem:s23], [sflag:$0x4] =	stream.linear.gather @!p2 [hbm4b:s21+s22], $0x100, $0x38;
	[tilespmem:$0x18000] =	vst v63  }
0x9e: {  	p2 =	por p1, p0  }
0x9f: {  	s22 =	simm.s32 @!p2 $0x2;
	p3 =	sgt.u32 @!p2 s20, $0x4C  }
0xa0: {  	_ =	swait.ge @!p2 [sflag:s22], $0x4000;
	p1 =	por @!p0 p3, p1  }
0xa1: {  	[sflag:s22] =	ssyncset.done @!p2 $0x0;
	p1 =	por p1, p0  }
0xa2: {  	[sflag:s22] =	ssyncadd.s32 @!p2 $0xFFFFC000;
	s22 =	simm.s32 @!p1 $0x0;
	s23 =	simm.s32 @!p1 $0x100  }
0xa3: {  	[tilespmem:s23], [sflag:$0x4] =	stream.linear.gather @!p1 [hbm4b:s21+s22], $0x100, $0x38;
	[tilespmem:$0x18000] =	vst v63  }
0xa4: {  	s22 =	simm.s32 @!p2 $0x6  }
0xa5: {  	_ =	swait.ge @!p2 [sflag:s22], $0x100  }
0xa6: {  	s24 =	simm.s32 @!p0 $0x400;
	[sflag:s22] =	ssyncset.done @!p2 $0x0  }
0xa7: {  	s23 =	simm.s32 @!p0 $0x380;
	[sflag:s22] =	ssyncadd.s32 @!p2 $0xFFFFFF00;
	s22 =	simm.s32 @!p0 $0x80  }
0xa8: {  	[spmem:s2] =	stream.indirect.scatter.add.f32 @!p0 [tilespmem:s24], [sflag:$0x2], $0x80, s23, s22, $0xb8;
	[tilespmem:$0x18000] =	vst v63  }
.LBB2_10:
0xa9: {  	s20 =	sadd.s32 $0x1, s20  }
0xaa: {  	p0 =	sne.s32 s20, $0x4F  }
.Ltmp7:
0xab: {  	_ = 	snop;
	(pc) =	sbr.rel @!p0 .LBB2_11-.Ltmp7, $2  }
0xac: {  	_ =	sdelay $0x2  }
0xad: {  	s21 =	sadd.s32 $0x20, s21  }
.LBB2_7:
0xae: {  	s22 =	sand.u32 $0x3, s20  }
0xaf: {  	p0 =	sgt.s32 s22, $0x1  }
.Ltmp8:
0xb0: {  	_ = 	snop;
	(pc) =	sbr.rel @p0 .LBB2_9-.Ltmp8, $1  }
0xb1: {  	_ =	sdelay $0x3  }
0xb2: {  	p0 =	seq.s32 s22, $0x0  }
0xb3: {  	p1 =	slt.u32 @p0 s20, $0x2  }
0xb4: {  	p2 =	por !p1, !p0  }
0xb5: {  	s22 =	simm.s32 @!p2 $0x0;
	s23 =	simm.s32 @!p2 $0x200  }
0xb6: {  	[tilespmem:s23], [sflag:$0x5] =	stream.linear.gather @!p2 [hbm4b:s21+s22], $0x100, $0x38;
	[tilespmem:$0x18000] =	vst v63  }
0xb7: {  	p2 =	por p1, !p0  }
0xb8: {  	s22 =	simm.s32 @!p2 $0x1;
	p3 =	sgt.u32 @!p2 s20, $0x4C  }
0xb9: {  	_ =	swait.ge @!p2 [sflag:s22], $0x4000;
	p1 =	por @p0 p3, p1  }
0xba: {  	[sflag:s22] =	ssyncset.done @!p2 $0x0;
	p1 =	por p1, !p0  }
0xbb: {  	[sflag:s22] =	ssyncadd.s32 @!p2 $0xFFFFC000;
	s22 =	simm.s32 @!p1 $0x0;
	s23 =	simm.s32 @!p1 $0x200  }
0xbc: {  	[tilespmem:s23], [sflag:$0x5] =	stream.linear.gather @!p1 [hbm4b:s21+s22], $0x100, $0x38;
	[tilespmem:$0x18000] =	vst v63  }
0xbd: {  	s22 =	simm.s32 @!p2 $0x3  }
0xbe: {  	_ =	swait.ge @!p2 [sflag:s22], $0x100  }
0xbf: {  	s23 =	simm.s32 @p0 $0x400;
	p1 =	slt.u32 @!p0 s20, $0x2;
	[sflag:s22] =	ssyncset.done @!p2 $0x0  }
0xc0: {  	[sflag:s22] =	ssyncadd.s32 @!p2 $0xFFFFFF00;
	s22 =	simm.s32 @p0 $0x80;
	p2 =	por !p1, p0  }
0xc1: {  	[spmem:s2] =	stream.indirect.scatter.add.f32 @p0 [tilespmem:s23], [sflag:$0x1], $0x80, s22, s22, $0xb8;
	[tilespmem:$0x18000] =	vst v63  }
0xc2: {  	s22 =	simm.s32 @!p2 $0x0;
	s23 =	simm.s32 @!p2 $0x300  }
0xc3: {  	[tilespmem:s23], [sflag:$0x6] =	stream.linear.gather @!p2 [hbm4b:s21+s22], $0x100, $0x38;
	[tilespmem:$0x18000] =	vst v63  }
0xc4: {  	p2 =	por p1, p0  }
0xc5: {  	s22 =	simm.s32 @!p2 $0x2;
	p3 =	sgt.u32 @!p2 s20, $0x4C  }
0xc6: {  	_ =	swait.ge @!p2 [sflag:s22], $0x4000;
	p1 =	por @!p0 p3, p1  }
0xc7: {  	[sflag:s22] =	ssyncset.done @!p2 $0x0;
	p1 =	por p1, p0  }
0xc8: {  	[sflag:s22] =	ssyncadd.s32 @!p2 $0xFFFFC000;
	s22 =	simm.s32 @!p1 $0x0;
	s23 =	simm.s32 @!p1 $0x300  }
0xc9: {  	[tilespmem:s23], [sflag:$0x6] =	stream.linear.gather @!p1 [hbm4b:s21+s22], $0x100, $0x38;
	[tilespmem:$0x18000] =	vst v63  }
.Ltmp9:
0xca: {  	s22 =	simm.s32 @!p2 $0x4;
	(pc) =	sbr.rel .LBB2_10-.Ltmp9, $4  }
0xcb: {  	_ =	swait.ge @!p2 [sflag:s22], $0x100  }
0xcc: {  	s24 =	simm.s32 @!p0 $0x400;
	[sflag:s22] =	ssyncset.done @!p2 $0x0  }
0xcd: {  	s23 =	simm.s32 @!p0 $0x180;
	[sflag:s22] =	ssyncadd.s32 @!p2 $0xFFFFFF00;
	s22 =	simm.s32 @!p0 $0x80  }
0xce: {  	[spmem:s2] =	stream.indirect.scatter.add.f32 @!p0 [tilespmem:s24], [sflag:$0x2], $0x80, s23, s22, $0xb8;
	[tilespmem:$0x18000] =	vst v63  }
.LBB2_12:
0xcf: {  	_ =	sfence.sel $0x180000  }
0xd0: {  	[bflag:$0x0] =	sbarrier.arrive $0xFFFF  }
0xd1: {  	p0 =	sne.s32 s1, $0x0;
	_ =	strace $0x9000004A  }
0xd2: {  	s0 =	sadd.s32 @!p0 $0x100000, s0;
	[bflag:$0x2] =	sbarrier.arrive $0xFFFF  }
0xd3: {  	[sflag:s0] =	ssyncadd.tile.s32 @!p0 $0x1;
	_ =	shalt  }
.Lfunc_end2:
_tile_overlayer_lowered:
.L_overlay_start_2:
0xd4: {  	(tag) =	ssettag $0x2  }
0xd5: {  	s0 =	rddreg [dreg:$0x0];
	s2 =	stileid.u32  }
0xd6: {  	s1 =	rddreg [dreg:$0x1];
	p0 =	sne.s32 s2, $0x0  }
0xd7: {  	s3 =	rddreg [dreg:$0x2];
	[bflag:$0x3] =	sbarrier.arrive $0xFFFF;
	s2 =	simm.s32 @!p0 $0x1C07  }
0xd8: {  	[timem:s3], [sflag:s2] =	dma.local @!p0 [hbm:s0], s1  }
0xd9: {  	s0 =	simm.s32 @!p0 $0x7  }
0xda: {  	_ =	swait.ge @!p0 [sflag:s0], s1  }
0xdb: {  	s1 =	ssub.s32 @!p0 $0x0, s1;
	[sflag:s0] =	ssyncset.done @!p0 $0x0  }
0xdc: {  	[sflag:s0] =	ssyncadd.s32 @!p0 s1  }
0xdd: {  	[bflag:$0x3] =	sbarrier.arrive $0xFFFF  }
0xde: {  	_ =	shalt  }

// kernel: kernel.14.cloned.1.call-start
scs
__scs_entry_jumppad:
0x0: {  	(pc) =	sbr.rel $0x88, $3  }
0x1: {  	(tag) =	ssettag $0x0;
	lr =	simm.s32 $0x1  }
0x2: {  	[smem:$0x3F97] =	sst lr;
	_ =	strace $0xD0000000  }
0x3: {  	_ = 	snop  }
0x4: {  	_ = 	snop  }
0x5: {  	_ = 	snop  }
0x6: {  	_ = 	snop  }
0x7: {  	_ = 	snop  }
__scs_overlays_trampoline_lowered:
0x8: {  	[smem:$0x3FA6] =	sst s0  }
0x9: {  	[smem:$0x3FA7] =	sst s1  }
0xa: {  	[smem:$0x3FA8] =	sst s2  }
0xb: {  	[smem:$0x3FA9] =	sst s3  }
0xc: {  	[smem:$0x3FAA] =	sst s4  }
0xd: {  	[smem:$0x3FAB] =	sst s5  }
0xe: {  	[smem:$0x3FAC] =	sst s6  }
0xf: {  	[smem:$0x3FAD] =	sst s7  }
0x10: {  	[smem:$0x3FAE] =	sst s8  }
0x11: {  	[smem:$0x3FAF] =	sst s9;
	s0 =	simm.s32 @!p0 $0x0  }
0x12: {  	s1 =	sld [smem:$0x3F95];
	s0 =	simm.s32 @p0 $0x1  }
0x13: {  	[smem:$0x3FB0] =	sst s0;
	s0 =	simm.s32 @!p1 $0x0  }
0x14: {  	s2 =	sld [smem:$0x3F94];
	s0 =	simm.s32 @p1 $0x1  }
0x15: {  	[smem:$0x3FB1] =	sst s0;
	s0 =	simm.s32 @!p2 $0x0  }
0x16: {  	s3 =	sld [smem:$0x3FDB];
	s0 =	simm.s32 @p2 $0x1  }
0x17: {  	s4 =	simm.s32 $0x1BF5;
	[smem:$0x3FB3] =	sst s0  }
0x18: {  	s0 =	sld [smem:$0x3F96];
	_ =	swait.ge [sflag:s4], $0x0  }
0x19: {  	s7 =	sld [smem:$0x3F97]  }
0x1a: {  	s8 =	sadd.s32 $0xFFFFE003, lr  }
0x1b: {  	s9 =	sadd.s32 $0xFFFFFEF7, lr;
	s5 =	simm.s32 $0xFFFFFFFF;
	p2 =	slt.u32 s8, $0xFFFFF086  }
0x1c: {  	p1 =	slt.u32 s9, $0xF7A;
	s5 =	simm.s32 @!p2 $0x0  }
0x1d: {  	s5 =	simm.s32 @p1 $0x1;
	p0 =	seq.s32 s7, s2  }
0x1e: {  	s7 =	smul.u32 @!p0 $0xF7A, s2;
	p2 =	seq.s32 @!p0 s5, $0x0  }
0x1f: {  	s9 =	smul.u32 $0xF7A, s1;
	s8 =	simm.s32 @!p0 $0x1BF5;
	p2 =	por !p2, p0  }
0x20: {  	[sflag:s8] =	ssyncset.s32 @!p0 $0xFFFFF086;
	s6 =	sadd.s32 @!p0 s3, s7;
	s7 =	simm.s32 @!p0 $0x108  }
0x21: {  	s3 =	sadd.s32 s3, s9;
	s6 =	sadd.s32 @!p0 $0x88, s6;
	s7 =	simm.s32 @p2 $0x1082  }
0x22: {  	[simem:s7], [sflag:s8] =	dma.local @!p0 [hbm:s6], $0xF7A  }
0x23: {  	s9 =	sor.u32 $0xD0000000, s2;
	s6 =	simm.s32 $0x108;
	_ =	swait.ge @!p0 [sflag:s8], $0x0  }
0x24: {  	s3 =	sadd.s32 $0x88, s3;
	s6 =	simm.s32 @!p1 $0x1082;
	[sflag:s4] =	ssyncset.s32 $0xFFFFF086  }
0x25: {  	[simem:s6], [sflag:s4] =	dma.local [hbm:s3], $0xF7A  }
0x26: {  	[smem:$0x3F97] =	sst s1;
	(tag) =	ssettag s2;
	_ =	strace s9  }
0x27: {  	s1 =	sld [smem:$0x3FA7]  }
0x28: {  	s2 =	sld [smem:$0x3FA8]  }
0x29: {  	s4 =	sld [smem:$0x3FAA]  }
0x2a: {  	p0 =	seq.s32 s5, $0x0;
	s5 =	sld [smem:$0x3FAB]  }
0x2b: {  	s6 =	sld [smem:$0x3FAC]  }
0x2c: {  	s7 =	sld [smem:$0x3FAD]  }
0x2d: {  	s3 =	simm.s32 $0x108;
	s8 =	sld [smem:$0x3FAE]  }
0x2e: {  	s3 =	simm.s32 @!p0 $0x1082;
	s9 =	sld [smem:$0x3FAF]  }
0x2f: {  	lr =	sadd.s32 s0, s3;
	s0 =	sld [smem:$0x3FA6]  }
0x30: {  	s3 =	sld [smem:$0x3FA9]  }
0x31: {  	[smem:$0x3FB2] =	sst s10  }
0x32: {  	s10 =	sld [smem:$0x3FB0];
	_ =	sdelay $0x3  }
0x33: {  	p0 =	seq.s32 s10, $0x1;
	s10 =	sld [smem:$0x3FB2];
	_ =	sdelay $0x3  }
0x34: {  	[smem:$0x3FB2] =	sst s10  }
0x35: {  	s10 =	sld [smem:$0x3FB1];
	_ =	sdelay $0x3  }
0x36: {  	p1 =	seq.s32 s10, $0x1;
	s10 =	sld [smem:$0x3FB2];
	_ =	sdelay $0x3  }
0x37: {  	[smem:$0x3FB2] =	sst s10  }
0x38: {  	s10 =	sld [smem:$0x3FB3]  }
0x39: {  	_ = 	snop;
	(pc) =	sbr.ind lr, $3  }
0x3a: {  	_ = 	snop  }
0x3b: {  	_ = 	snop  }
0x3c: {  	p2 =	seq.s32 s10, $0x1;
	s10 =	sld [smem:$0x3FB2]  }
0x3d: {  	_ =	shalt  }
0x3e: {  	_ =	shalt  }
0x3f: {  	_ =	shalt  }
0x40: {  	_ =	shalt  }
0x41: {  	_ =	shalt  }
0x42: {  	_ =	shalt  }
0x43: {  	_ =	shalt  }
0x44: {  	_ =	shalt  }
0x45: {  	_ =	shalt  }
0x46: {  	_ =	shalt  }
0x47: {  	_ =	shalt  }
0x48: {  	_ =	shalt  }
0x49: {  	_ =	shalt  }
0x4a: {  	_ =	shalt  }
0x4b: {  	_ =	shalt  }
0x4c: {  	_ =	shalt  }
0x4d: {  	_ =	shalt  }
0x4e: {  	_ =	shalt  }
0x4f: {  	_ =	shalt  }
0x50: {  	_ =	shalt  }
0x51: {  	_ =	shalt  }
0x52: {  	_ =	shalt  }
0x53: {  	_ =	shalt  }
0x54: {  	_ =	shalt  }
0x55: {  	_ =	shalt  }
0x56: {  	_ =	shalt  }
0x57: {  	_ =	shalt  }
0x58: {  	_ =	shalt  }
0x59: {  	_ =	shalt  }
0x5a: {  	_ =	shalt  }
0x5b: {  	_ =	shalt  }
0x5c: {  	_ =	shalt  }
0x5d: {  	_ =	shalt  }
0x5e: {  	_ =	shalt  }
0x5f: {  	_ =	shalt  }
0x60: {  	_ =	shalt  }
0x61: {  	_ =	shalt  }
0x62: {  	_ =	shalt  }
0x63: {  	_ =	shalt  }
0x64: {  	_ =	shalt  }
0x65: {  	_ =	shalt  }
0x66: {  	_ =	shalt  }
0x67: {  	_ =	shalt  }
0x68: {  	_ =	shalt  }
0x69: {  	_ =	shalt  }
0x6a: {  	_ =	shalt  }
0x6b: {  	_ =	shalt  }
0x6c: {  	_ =	shalt  }
0x6d: {  	_ =	shalt  }
0x6e: {  	_ =	shalt  }
0x6f: {  	_ =	shalt  }
0x70: {  	_ =	shalt  }
0x71: {  	_ =	shalt  }
0x72: {  	_ =	shalt  }
0x73: {  	_ =	shalt  }
0x74: {  	_ =	shalt  }
0x75: {  	_ =	shalt  }
0x76: {  	_ =	shalt  }
0x77: {  	_ =	shalt  }
0x78: {  	_ =	shalt  }
0x79: {  	_ =	shalt  }
0x7a: {  	_ =	shalt  }
0x7b: {  	_ =	shalt  }
0x7c: {  	_ =	shalt  }
0x7d: {  	_ =	shalt  }
0x7e: {  	_ =	shalt  }
0x7f: {  	_ =	shalt  }
0x80: {  	_ =	shalt  }
0x81: {  	_ =	shalt  }
0x82: {  	_ =	shalt  }
0x83: {  	_ =	shalt  }
0x84: {  	_ =	shalt  }
0x85: {  	_ =	shalt  }
0x86: {  	_ =	shalt  }
0x87: {  	_ =	shalt  }
.Lfunc_end0:
.L_simem_size_0:
called_computation.1_lowered:
.L_overlay_start_0:
0x88: {  	s2 =	sld [smem:$0x3FD9]  }
0x89: {  	s3 =	sld [smem:$0x3FFE];
	_ =	sdelay $0x1  }
0x8a: {  	s1 =	srdreg.scid  }
0x8b: {  	s0 =	sand.u32 $0x1, s1  }
0x8c: {  	s16 =	sshll.u32 s0, $0xA;
	s2 =	sadd.s32 s3, s2  }
0x8d: {  	s2 =	sadd.s32 s2, s16  }
0x8e: {  	[smem:$0x3FBE] =	sst s2  }
0x8f: {  	_ = 	snop  }
0x90: {  	(tm) =	ssettm $0x1  }
0x91: {  	s17 =	sld [smem:$0x3FFB];
	_ =	sdelay $0x3  }
0x92: {  	_ =	strace s17  }
0x93: {  	s2 =	sld [smem:$0x3FFC];
	_ =	sdelay $0x3  }
0x94: {  	_ =	strace s2  }
0x95: {  	s2 =	sld [smem:$0x3FFD];
	_ =	sdelay $0x3  }
0x96: {  	_ =	strace s2  }
0x97: {  	_ =	strace $0x8FFFFFFF  }
0x98: {  	s18 =	sld [smem:$0x3FDB];
	_ =	sdelay $0x1  }
0x99: {  	s19 =	simm.s32 $_scs_section_size  }
0x9a: {  	s4 =	simm.s32 $_size__tile_overlayer_lowered;
	s5 =	simm.s32 $_tile_overlayer_lowered  }
0x9b: {  	s22 =	simm.s32 $0x1BFF;
	s21 =	sshll.u32 s5, $0x1;
	s2 =	sadd.s32 s19, s18  }
0x9c: {  	s6 =	simm.s32 $0x0;
	s20 =	sshll.u32 s4, $0x1;
	s4 =	sadd.s32 s21, s2  }
0x9d: {  	[timem:s6], [sflag:s22] =	dma.local [hbm:s4], s20  }
0x9e: {  	_ =	swait.ge [sflag:s22], s20  }
0x9f: {  	s3 =	ssub.s32 $0x0, s20;
	[sflag:s22] =	ssyncset.done $0x0  }
0xa0: {  	[sflag:s22] =	ssyncadd.s32 s3;
	_ =	sdelay $0x1  }
0xa1: {  	s23 =	simm.s32 $0x1B8B  }
0xa2: {  	_ =	swait.ge [sflag:s23], $0x1  }
0xa3: {  	[sflag:s23] =	ssyncset.done $0x0  }
0xa4: {  	s25 =	simm.s32 $0x1B8E;
	s24 =	sld [smem:$0x3FFE];
	[sflag:s23] =	ssyncadd.s32 $0xFFFFFFFF  }
0xa5: {  	s26 =	simm.s32 $execute0_lowered;
	[smem:$0x3FD2] =	sst s25  }
0xa6: {  	s4 =	sshll.u32 s26, $0x1;
	_ =	strace $0x80000046;
	[dreg:$0x1] =	wrdreg $0xFFFFFFFF  }
0xa7: {  	s28 =	simm.s32 $_size_execute0_lowered;
	s2 =	sadd.s32 s2, s4;
	[dreg:$0x0] =	wrdreg $0x0  }
0xa8: {  	s4 =	sshll.u32 s28, $0x1;
	[dreg:$0x2] =	wrdreg s2  }
0xa9: {  	[dreg:$0x3] =	wrdreg s4  }
0xaa: {  	[dreg:$0x4] =	wrdreg $0xC0  }
0xab: {  	_ =	task [dreg:s6], $0x5FFFF  }
0xac: {  	[dreg:$0x1] =	wrdreg $0xFFFFFFFF  }
0xad: {  	[dreg:$0x0] =	wrdreg $0x60  }
0xae: {  	[dreg:$0x2] =	wrdreg s24  }
0xaf: {  	[dreg:$0x3] =	wrdreg $0x84000  }
0xb0: {  	[dreg:$0x4] =	wrdreg $0xA  }
0xb1: {  	_ =	task.clear_ibuf [dreg:s6], $0x5FFFF;
	_ =	strace $0x90000046  }
0xb2: {  	s29 =	simm.s32 $0xA;
	_ =	strace $0x80000048  }
0xb3: {  	_ =	swait.ge [sflag:s29], $0x1  }
0xb4: {  	[sflag:s29] =	ssyncadd.s32 $0xFFFFFFFF  }
0xb5: {  	_ =	strace $0x90000048  }
0xb6: {  	_ =	sfence  }
0xb7: {  	s30 =	sld [smem:$0x0];
	_ =	sdelay $0x2  }
0xb8: {  	s31 =	sshll.u32 s1, $0xD;
	s1 =	sshrl.u32 s1, $0x2  }
0xb9: {  	s3 =	sand.u32 $0x4000, s31;
	s1 =	sadd.s32 s1, s30  }
0xba: {  	s0 =	sor.u32 s3, s0;
	s1 =	sshll.u32 s1, $0x11  }
0xbb: {  	s0 =	sor.u32 s1, s0  }
0xbc: {  	s0 =	sadd.s32 $0x8F2B, s0  }
0xbd: {  	[sflag:s0] =	ssyncadd.remote.s32 $0x1  }
0xbe: {  	_ =	sfence.sel $0xFFFF  }
0xbf: {  	[dreg:$0x0] =	wrdreg $0xFFFFFFFF;
	(pc) =	sbr.abs _section_cstart, $3  }
0xc0: {  	[dreg:$0x1] =	wrdreg $0xFFFFFFFF  }
0xc1: {  	_ =	task.clear_ibuf [dreg:s6], $0x2FFFF;
	_ =	strace $0x9FFFFFFF  }
0xc2: {  	(tm) =	ssettm $0x7FFFFFFF  }
0xc3: {  	_ =	shalt  }
tec
execute0_lowered:
.L_overlay_start_1:
0x0: {  	(tag) =	ssettag $0x1  }
0x1: {  	s0 =	rddreg [dreg:$0x0]  }
0x2: {  	s2 =	rddreg [dreg:$0x1];
	s3 =	simm.s32 $0x0  }
0x3: {  	s11 =	stileid.u32;
	s1 =	srdreg.scid;
	s14 =	simm.s32 $0x9  }
0x4: {  	s15 =	simm.s32 $0x100;
	s16 =	simm.s32 $0x200;
	s17 =	simm.s32 $0x80  }
0x5: {  	s28 =	simm.s32 $0x7;
	s29 =	simm.s32 $0x280;
	s30 =	simm.s32 $0x8  }
0x6: {  	s31 =	simm.s32 $0x380;
	[smem:$0x7FF] =	sst s3;
	s5 =	smul.u32 $0x2780, s11  }
0x7: {  	s1 =	sand.u32 $0x1, s1;
	s4 =	sadd.s32 $0x17C00, s0;
	s18 =	smul.u32 $0x4F000, s11  }
0x8: {  	s8 =	sadd.s32 $0x4000, s0;
	s20 =	smul.u32 $0x4F00, s11;
	s22 =	sshll.u32 s11, $0x6  }
0x9: {  	_ =	strace $0x80000047;
	s6 =	smul.u32 $0x27800, s1;
	s9 =	sshll.u32 s1, $0x4  }
0xa: {  	s19 =	ssub.s32 $0x2, s1;
	s1 =	smul.u32 $0x4F000, s1;
	s7 =	sadd.s32 s5, s0  }
0xb: {  	s9 =	sor.u32 s11, s9;
	s10 =	sshrl.u32 s19, $0x1;
	s5 =	sadd.s32 s5, s6  }
0xc: {  	s9 =	smul.u32 $0x4F00, s9;
	s6 =	sshrl.u32 s18, $0x2;
	s21 =	sadd.s32 $0x3F400, s7  }
0xd: {  	s1 =	sadd.s32 s20, s1;
	s18 =	simm.s32 $0x400;
	s20 =	simm.s32 $0x300  }
0xe: {  	s0 =	sadd.s32 s5, s0;
	s5 =	ssub.s32 s19, s10;
	s12 =	sadd.s32 s6, s2  }
0xf: {  	[dreg:$0x3] =	wrdreg s21;
	s6 =	sor.u32 $0x1C09, s22;
	s1 =	sadd.s32 $0x300, s1  }
0x10: {  	s19 =	simm.s32 $0x4400;
	s21 =	simm.s32 $0x1;
	s22 =	simm.s32 $0x4  }
0x11: {  	s23 =	sshrl.u32 s9, $0x3;
	s10 =	sadd.s32 $0x66C00, s0;
	s11 =	smax.u32 s5, $0x1  }
.Ltmp0:
0x12: {  	s26 =	sshrl.u32 s1, $0x3;
	s13 =	sshrl.u32 s12, $0x3;
	(pc) =	sbr.rel .LBB2_1-.Ltmp0, $4  }
0x13: {  	s0 =	simm.s32 $0x5;
	s1 =	simm.s32 $0x0;
	s7 =	sadd.s32 s8, s23  }
0x14: {  	s5 =	sadd.s32 s26, s8;
	s23 =	simm.s32 $0x6;
	s24 =	sadd.s32 $0x20, s7  }
0x15: {  	s26 =	simm.s32 $0x3;
	s25 =	sadd.s32 $0x40, s7;
	[dreg:$0x4] =	wrdreg s24  }
0x16: {  	[dreg:$0x5] =	wrdreg s25;
	s24 =	simm.s32 $0x2;
	s25 =	simm.s32 $0x180  }
.LBB2_35:
0x17: {  	_ =	swait.ge [sflag:s22], $0x4000  }
0x18: {  	[sflag:s22] =	ssyncset.done $0x0  }
0x19: {  	[sflag:s22] =	ssyncadd.s32 $0xFFFFC000  }
0x1a: {  	_ =	swait.ge [sflag:s26], $0x4000  }
0x1b: {  	s1 =	sadd.s32 $0x1, s1;
	[sflag:s26] =	ssyncset.done $0x0  }
0x1c: {  	p0 =	sne.s32 s1, s11;
	[sflag:s26] =	ssyncadd.s32 $0xFFFFC000  }
.Ltmp1:
0x1d: {  	[bflag:$0x0] =	sbarrier.arrive $0xFFFF;
	(pc) =	sbr.rel @!p0 .LBB2_36-.Ltmp1, $4  }
0x1e: {  	[hbm:s10], [sflag:s6] =	dma.local [spmem:s13], $0x2780  }
0x1f: {  	_ =	swait.ge [sflag:s14], $0x2780  }
0x20: {  	[sflag:s14] =	ssyncset.done $0x0  }
0x21: {  	[sflag:s14] =	ssyncadd.s32 $0xFFFFD880  }
.LBB2_1:
0x22: {  	s8 =	rddreg [dreg:$0x3]  }
0x23: {  	[spmem:s13], [sflag:s6] =	dma.local [hbm:s8], $0x2780  }
0x24: {  	_ =	swait.ge [sflag:s14], $0x2780  }
0x25: {  	[sflag:s14] =	ssyncset.done $0x0  }
0x26: {  	[sflag:s14] =	ssyncadd.s32 $0xFFFFD880  }
0x27: {  	[tilespmem:s3], [sflag:$0x9] =	stream.linear.gather [hbm4b:s7+s3], $0x100, $0x38;
	[tilespmem:$0x1C000] =	vst v63  }
0x28: {  	_ =	swait.ge [sflag:s14], $0x100  }
0x29: {  	[sflag:s14] =	ssyncset.done $0x0  }
0x2a: {  	s9 =	rddreg [dreg:$0x4];
	[sflag:s14] =	ssyncadd.s32 $0xFFFFFF00  }
0x2b: {  	[tilespmem:s15], [sflag:$0x9] =	stream.linear.gather [hbm4b:s9+s3], $0x100, $0x38;
	[tilespmem:$0x1C000] =	vst v63  }
0x2c: {  	_ =	swait.ge [sflag:s14], $0x100  }
0x2d: {  	[sflag:s14] =	ssyncset.done $0x0  }
0x2e: {  	s12 =	rddreg [dreg:$0x5];
	[sflag:s14] =	ssyncadd.s32 $0xFFFFFF00  }
0x2f: {  	[tilespmem:s16], [sflag:$0x9] =	stream.linear.gather [hbm4b:s12+s3], $0x100, $0x38;
	[tilespmem:$0x1C000] =	vst v63  }
0x30: {  	_ =	swait.ge [sflag:s14], $0x100  }
.Ltmp2:
0x31: {  	[sflag:s14] =	ssyncset.done $0x0;
	(pc) =	sbr.rel .LBB2_2-.Ltmp2, $4  }
0x32: {  	[sflag:s14] =	ssyncadd.s32 $0xFFFFFF00  }
0x33: {  	[tilespmem:s18], [sflag:$0x1] =	stream.indirect.gather [hbm4b:s4+s17], $0x80, s3, s17, $0xb8;
	[tilespmem:$0x1C000] =	vst v63  }
0x34: {  	[bflag:$0x0] =	sbarrier.arrive $0xFFFF  }
0x35: {  	s8 =	simm.s32 $0x0;
	s12 =	smov.u32 s5  }
.LBB2_13:
0x36: {  	_ =	swait.ge [sflag:s24], $0x4000  }
0x37: {  	[sflag:s24] =	ssyncset.done $0x0  }
0x38: {  	[sflag:s24] =	ssyncadd.s32 $0xFFFFC000  }
0x39: {  	[spmem:s2] =	stream.indirect.scatter.add.f32 [tilespmem:s19], [sflag:$0x4], $0x80, s25, s17, $0xb8;
	[tilespmem:$0x1C000] =	vst v63  }
.LBB2_25:
0x3a: {  	_ =	swait.ge [sflag:s21], $0x4000  }
0x3b: {  	[sflag:s21] =	ssyncset.done $0x0  }
0x3c: {  	[sflag:s21] =	ssyncadd.s32 $0xFFFFC000  }
0x3d: {  	[spmem:s2] =	stream.indirect.scatter.add.f32 [tilespmem:s18], [sflag:$0x3], $0x80, s29, s17, $0xb8;
	[tilespmem:$0x1C000] =	vst v63  }
.LBB2_34:
0x3e: {  	s8 =	sadd.s32 $0x1, s8  }
0x3f: {  	p0 =	sne.s32 s8, $0x4F  }
.Ltmp3:
0x40: {  	_ = 	snop;
	(pc) =	sbr.rel @!p0 .LBB2_35-.Ltmp3, $2  }
0x41: {  	_ =	sdelay $0x2  }
0x42: {  	s12 =	sadd.s32 $0x20, s12  }
.LBB2_2:
0x43: {  	s9 =	sand.u32 $0x3, s8  }
0x44: {  	p0 =	sgt.s32 s9, $0x1  }
.Ltmp4:
0x45: {  	_ = 	snop;
	(pc) =	sbr.rel @p0 .LBB2_26-.Ltmp4, $1  }
0x46: {  	_ =	sdelay $0x3  }
0x47: {  	p0 =	seq.s32 s9, $0x0  }
.Ltmp5:
0x48: {  	_ = 	snop;
	(pc) =	sbr.rel @!p0 .LBB2_11-.Ltmp5, $1  }
0x49: {  	_ =	sdelay $0x3  }
0x4a: {  	p0 =	seq.s32 s8, $0x0  }
.Ltmp6:
0x4b: {  	_ = 	snop;
	(pc) =	sbr.rel @p0 .LBB2_7-.Ltmp6, $1  }
0x4c: {  	_ =	sdelay $0x3  }
0x4d: {  	p0 =	seq.s32 s8, $0x4E  }
.Ltmp7:
0x4e: {  	_ = 	snop;
	(pc) =	sbr.rel @p0 .LBB2_10-.Ltmp7, $1  }
0x4f: {  	_ =	sdelay $0x3  }
0x50: {  	p0 =	sgt.u32 s8, $0x1  }
.Ltmp8:
0x51: {  	_ = 	snop;
	(pc) =	sbr.rel @!p0 .LBB2_7-.Ltmp8, $4  }
0x52: {  	_ = 	snop  }
0x53: {  	_ =	swait.ge [sflag:s22], $0x4000  }
0x54: {  	[sflag:s22] =	ssyncset.done $0x0  }
0x55: {  	[sflag:s22] =	ssyncadd.s32 $0xFFFFC000  }
0x56: {  	p0 =	sgt.u32 s8, $0x4B  }
.Ltmp9:
0x57: {  	_ = 	snop;
	(pc) =	sbr.rel @p0 .LBB2_10-.Ltmp9, $4  }
.Ltmp10:
0x58: {  	_ =	swait.ge [sflag:s23], $0x100;
	(pc) =	sbr.rel @!p0 .LBB2_9-.Ltmp10, $4  }
0x59: {  	[sflag:s23] =	ssyncset.done $0x0  }
0x5a: {  	[sflag:s23] =	ssyncadd.s32 $0xFFFFFF00  }
0x5b: {  	[tilespmem:s19], [sflag:$0x2] =	stream.indirect.gather [hbm4b:s4+s17], $0x80, s15, s17, $0xb8;
	[tilespmem:$0x1C000] =	vst v63  }
0x5c: {  	_ = 	snop  }
.LBB2_26:
0x5d: {  	p1 =	seq.s32 s9, $0x2  }
.Ltmp11:
0x5e: {  	_ = 	snop;
	(pc) =	sbr.rel @!p1 .LBB2_27-.Ltmp11, $2  }
0x5f: {  	_ =	sdelay $0x2  }
0x60: {  	p0 =	seq.s32 s8, $0x0  }
.Ltmp12:
0x61: {  	(pc) =	sbr.rel @p0 .LBB2_22-.Ltmp12, $1  }
0x62: {  	_ =	sdelay $0x3  }
0x63: {  	p0 =	seq.s32 s8, $0x4E  }
.Ltmp13:
0x64: {  	_ = 	snop;
	(pc) =	sbr.rel @p0 .LBB2_25-.Ltmp13, $1  }
0x65: {  	_ =	sdelay $0x3  }
0x66: {  	p0 =	sgt.u32 s8, $0x1  }
.Ltmp14:
0x67: {  	_ = 	snop;
	(pc) =	sbr.rel @!p0 .LBB2_22-.Ltmp14, $4  }
0x68: {  	_ = 	snop  }
0x69: {  	_ =	swait.ge [sflag:s22], $0x4000  }
0x6a: {  	[sflag:s22] =	ssyncset.done $0x0  }
0x6b: {  	[sflag:s22] =	ssyncadd.s32 $0xFFFFC000  }
0x6c: {  	p0 =	sgt.u32 s8, $0x4B  }
.Ltmp15:
0x6d: {  	_ = 	snop;
	(pc) =	sbr.rel @p0 .LBB2_25-.Ltmp15, $4  }
.Ltmp16:
0x6e: {  	_ =	swait.ge [sflag:s30], $0x100;
	(pc) =	sbr.rel @!p0 .LBB2_24-.Ltmp16, $4  }
0x6f: {  	[sflag:s30] =	ssyncset.done $0x0  }
0x70: {  	[sflag:s30] =	ssyncadd.s32 $0xFFFFFF00  }
0x71: {  	[tilespmem:s19], [sflag:$0x2] =	stream.indirect.gather [hbm4b:s4+s17], $0x80, s20, s17, $0xb8;
	[tilespmem:$0x1C000] =	vst v63  }
0x72: {  	_ = 	snop  }
.LBB2_11:
0x73: {  	p0 =	seq.s32 s8, $0x0  }
.Ltmp17:
0x74: {  	_ = 	snop;
	(pc) =	sbr.rel @p0 .LBB2_15-.Ltmp17, $1  }
0x75: {  	_ =	sdelay $0x3  }
0x76: {  	p0 =	sne.s32 s8, $0x4E  }
.Ltmp18:
0x77: {  	_ = 	snop;
	(pc) =	sbr.rel @!p0 .LBB2_13-.Ltmp18, $1  }
0x78: {  	_ =	sdelay $0x3  }
0x79: {  	p0 =	sgt.u32 s8, $0x1  }
.Ltmp19:
0x7a: {  	_ = 	snop;
	(pc) =	sbr.rel @!p0 .LBB2_15-.Ltmp19, $4  }
0x7b: {  	_ = 	snop  }
0x7c: {  	_ =	swait.ge [sflag:s26], $0x4000  }
0x7d: {  	[sflag:s26] =	ssyncset.done $0x0  }
0x7e: {  	[sflag:s26] =	ssyncadd.s32 $0xFFFFC000  }
0x7f: {  	p0 =	slt.u32 s8, $0x4C  }
.Ltmp20:
0x80: {  	_ = 	snop;
	(pc) =	sbr.rel @p0 .LBB2_16-.Ltmp20, $4  }
0x81: {  	_ =	swait.ge [sflag:s28], $0x100  }
0x82: {  	[sflag:s28] =	ssyncset.done $0x0  }
0x83: {  	[sflag:s28] =	ssyncadd.s32 $0xFFFFFF00  }
0x84: {  	[tilespmem:s18], [sflag:$0x1] =	stream.indirect.gather [hbm4b:s4+s17], $0x80, s16, s17, $0xb8;
	[tilespmem:$0x1C000] =	vst v63  }
.Ltmp21:
0x85: {  	(pc) =	sbr.rel .LBB2_34-.Ltmp21, $4  }
0x86: {  	_ =	swait.ge [sflag:s24], $0x4000  }
0x87: {  	[sflag:s24] =	ssyncset.done $0x0  }
0x88: {  	[sflag:s24] =	ssyncadd.s32 $0xFFFFC000  }
0x89: {  	[spmem:s2] =	stream.indirect.scatter.add.f32 [tilespmem:s19], [sflag:$0x4], $0x80, s25, s17, $0xb8;
	[tilespmem:$0x1C000] =	vst v63  }
.LBB2_27:
.Ltmp22:
0x8a: {  	(pc) =	sbr.rel @p0 .LBB2_30-.Ltmp22, $1  }
0x8b: {  	_ =	sdelay $0x3  }
0x8c: {  	p0 =	seq.s32 s8, $0x4E  }
.Ltmp23:
0x8d: {  	_ = 	snop;
	(pc) =	sbr.rel @p0 .LBB2_33-.Ltmp23, $1  }
0x8e: {  	_ =	sdelay $0x3  }
0x8f: {  	p0 =	sgt.u32 s8, $0x1  }
.Ltmp24:
0x90: {  	_ = 	snop;
	(pc) =	sbr.rel @!p0 .LBB2_30-.Ltmp24, $4  }
0x91: {  	_ = 	snop  }
0x92: {  	_ =	swait.ge [sflag:s26], $0x4000  }
0x93: {  	[sflag:s26] =	ssyncset.done $0x0  }
0x94: {  	[sflag:s26] =	ssyncadd.s32 $0xFFFFC000  }
0x95: {  	p0 =	sgt.u32 s8, $0x4B  }
.Ltmp25:
0x96: {  	_ = 	snop;
	(pc) =	sbr.rel @p0 .LBB2_33-.Ltmp25, $4  }
.Ltmp26:
0x97: {  	_ =	swait.ge [sflag:s0], $0x100;
	(pc) =	sbr.rel @!p0 .LBB2_32-.Ltmp26, $4  }
0x98: {  	[sflag:s0] =	ssyncset.done $0x0  }
0x99: {  	[sflag:s0] =	ssyncadd.s32 $0xFFFFFF00  }
0x9a: {  	[tilespmem:s18], [sflag:$0x1] =	stream.indirect.gather [hbm4b:s4+s17], $0x80, s3, s17, $0xb8;
	[tilespmem:$0x1C000] =	vst v63  }
0x9b: {  	_ = 	snop  }
.LBB2_7:
0x9c: {  	[tilespmem:s19], [sflag:$0x2] =	stream.indirect.gather [hbm4b:s4+s17], $0x80, s15, s17, $0xb8;
	[tilespmem:$0x1C000] =	vst v63  }
.LBB2_9:
0x9d: {  	[tilespmem:s20], [sflag:$0x8] =	stream.linear.gather [hbm4b:s12+s3], $0x100, $0x38;
	[tilespmem:$0x1C000] =	vst v63  }
.LBB2_10:
.Ltmp27:
0x9e: {  	(pc) =	sbr.rel .LBB2_34-.Ltmp27, $4  }
0x9f: {  	_ =	swait.ge [sflag:s21], $0x4000  }
0xa0: {  	[sflag:s21] =	ssyncset.done $0x0  }
0xa1: {  	[sflag:s21] =	ssyncadd.s32 $0xFFFFC000  }
0xa2: {  	[spmem:s2] =	stream.indirect.scatter.add.f32 [tilespmem:s18], [sflag:$0x3], $0x80, s17, s17, $0xb8;
	[tilespmem:$0x1C000] =	vst v63  }
.LBB2_22:
0xa3: {  	[tilespmem:s19], [sflag:$0x2] =	stream.indirect.gather [hbm4b:s4+s17], $0x80, s20, s17, $0xb8;
	[tilespmem:$0x1C000] =	vst v63  }
.LBB2_24:
.Ltmp28:
0xa4: {  	(pc) =	sbr.rel .LBB2_25-.Ltmp28, $2  }
0xa5: {  	_ =	sdelay $0x2  }
0xa6: {  	[tilespmem:s15], [sflag:$0x6] =	stream.linear.gather [hbm4b:s12+s3], $0x100, $0x38;
	[tilespmem:$0x1C000] =	vst v63  }
.LBB2_15:
0xa7: {  	[tilespmem:s18], [sflag:$0x1] =	stream.indirect.gather [hbm4b:s4+s17], $0x80, s16, s17, $0xb8;
	[tilespmem:$0x1C000] =	vst v63  }
.LBB2_16:
0xa8: {  	[tilespmem:s3], [sflag:$0x5] =	stream.linear.gather [hbm4b:s12+s3], $0x100, $0x38;
	[tilespmem:$0x1C000] =	vst v63  }
.Ltmp29:
0xa9: {  	_ = 	snop;
	(pc) =	sbr.rel .LBB2_34-.Ltmp29, $4  }
0xaa: {  	_ =	swait.ge [sflag:s24], $0x4000  }
0xab: {  	[sflag:s24] =	ssyncset.done $0x0  }
0xac: {  	[sflag:s24] =	ssyncadd.s32 $0xFFFFC000  }
0xad: {  	[spmem:s2] =	stream.indirect.scatter.add.f32 [tilespmem:s19], [sflag:$0x4], $0x80, s25, s17, $0xb8;
	[tilespmem:$0x1C000] =	vst v63  }
.LBB2_30:
0xae: {  	[tilespmem:s18], [sflag:$0x1] =	stream.indirect.gather [hbm4b:s4+s17], $0x80, s3, s17, $0xb8;
	[tilespmem:$0x1C000] =	vst v63  }
.LBB2_32:
0xaf: {  	[tilespmem:s16], [sflag:$0x7] =	stream.linear.gather [hbm4b:s12+s3], $0x100, $0x38;
	[tilespmem:$0x1C000] =	vst v63  }
.LBB2_33:
.Ltmp30:
0xb0: {  	(pc) =	sbr.rel .LBB2_34-.Ltmp30, $4  }
0xb1: {  	_ =	swait.ge [sflag:s24], $0x4000  }
0xb2: {  	[sflag:s24] =	ssyncset.done $0x0  }
0xb3: {  	[sflag:s24] =	ssyncadd.s32 $0xFFFFC000  }
0xb4: {  	[spmem:s2] =	stream.indirect.scatter.add.f32 [tilespmem:s19], [sflag:$0x4], $0x80, s31, s17, $0xb8;
	[tilespmem:$0x1C000] =	vst v63  }
.LBB2_36:
0xb5: {  	_ =	sfence.sel $0x180000  }
0xb6: {  	[bflag:$0x0] =	sbarrier.arrive $0xFFFF  }
0xb7: {  	_ =	strace $0x90000047  }
0xb8: {  	s0 =	stileid.u32;
	[bflag:$0x2] =	sbarrier.arrive $0xFFFF  }
0xb9: {  	p0 =	sne.s32 s0, $0x0;
	s0 =	rddreg [dreg:$0x2]  }
0xba: {  	s0 =	sadd.s32 @!p0 $0x100000, s0  }
0xbb: {  	[sflag:s0] =	ssyncadd.tile.s32 @!p0 $0x1;
	_ =	shalt  }
.Lfunc_end2:
_tile_overlayer_lowered:
.L_overlay_start_2:
0xbc: {  	(tag) =	ssettag $0x2  }
0xbd: {  	s0 =	rddreg [dreg:$0x0];
	s2 =	stileid.u32  }
0xbe: {  	s1 =	rddreg [dreg:$0x1];
	p0 =	sne.s32 s2, $0x0  }
0xbf: {  	s3 =	rddreg [dreg:$0x2];
	[bflag:$0x3] =	sbarrier.arrive $0xFFFF;
	s2 =	simm.s32 @!p0 $0x1C09  }
0xc0: {  	[timem:s3], [sflag:s2] =	dma.local @!p0 [hbm:s0], s1  }
0xc1: {  	s0 =	simm.s32 @!p0 $0x9  }
0xc2: {  	_ =	swait.ge @!p0 [sflag:s0], s1  }
0xc3: {  	s1 =	ssub.s32 @!p0 $0x0, s1;
	[sflag:s0] =	ssyncset.done @!p0 $0x0  }
0xc4: {  	[sflag:s0] =	ssyncadd.s32 @!p0 s1  }
0xc5: {  	[bflag:$0x3] =	sbarrier.arrive $0xFFFF  }
0xc6: {  	_ =	shalt  }

// kernel: kernel.17.cloned.1.call-start
scs
__scs_entry_jumppad:
0x0: {  	(pc) =	sbr.rel $0x88, $3  }
0x1: {  	(tag) =	ssettag $0x0;
	lr =	simm.s32 $0x1  }
0x2: {  	[smem:$0x3F97] =	sst lr;
	_ =	strace $0xD0000000  }
0x3: {  	_ = 	snop  }
0x4: {  	_ = 	snop  }
0x5: {  	_ = 	snop  }
0x6: {  	_ = 	snop  }
0x7: {  	_ = 	snop  }
__scs_overlays_trampoline_lowered:
0x8: {  	[smem:$0x3FA6] =	sst s0  }
0x9: {  	[smem:$0x3FA7] =	sst s1  }
0xa: {  	[smem:$0x3FA8] =	sst s2  }
0xb: {  	[smem:$0x3FA9] =	sst s3  }
0xc: {  	[smem:$0x3FAA] =	sst s4  }
0xd: {  	[smem:$0x3FAB] =	sst s5  }
0xe: {  	[smem:$0x3FAC] =	sst s6  }
0xf: {  	[smem:$0x3FAD] =	sst s7  }
0x10: {  	[smem:$0x3FAE] =	sst s8  }
0x11: {  	[smem:$0x3FAF] =	sst s9;
	s0 =	simm.s32 @!p0 $0x0  }
0x12: {  	s1 =	sld [smem:$0x3F95];
	s0 =	simm.s32 @p0 $0x1  }
0x13: {  	[smem:$0x3FB0] =	sst s0;
	s0 =	simm.s32 @!p1 $0x0  }
0x14: {  	s2 =	sld [smem:$0x3F94];
	s0 =	simm.s32 @p1 $0x1  }
0x15: {  	[smem:$0x3FB1] =	sst s0;
	s0 =	simm.s32 @!p2 $0x0  }
0x16: {  	s3 =	sld [smem:$0x3FDB];
	s0 =	simm.s32 @p2 $0x1  }
0x17: {  	s4 =	simm.s32 $0x1BF5;
	[smem:$0x3FB3] =	sst s0  }
0x18: {  	s0 =	sld [smem:$0x3F96];
	_ =	swait.ge [sflag:s4], $0x0  }
0x19: {  	s7 =	sld [smem:$0x3F97]  }
0x1a: {  	s8 =	sadd.s32 $0xFFFFE003, lr  }
0x1b: {  	s9 =	sadd.s32 $0xFFFFFEF7, lr;
	s5 =	simm.s32 $0xFFFFFFFF;
	p2 =	slt.u32 s8, $0xFFFFF086  }
0x1c: {  	p1 =	slt.u32 s9, $0xF7A;
	s5 =	simm.s32 @!p2 $0x0  }
0x1d: {  	s5 =	simm.s32 @p1 $0x1;
	p0 =	seq.s32 s7, s2  }
0x1e: {  	s7 =	smul.u32 @!p0 $0xF7A, s2;
	p2 =	seq.s32 @!p0 s5, $0x0  }
0x1f: {  	s9 =	smul.u32 $0xF7A, s1;
	s8 =	simm.s32 @!p0 $0x1BF5;
	p2 =	por !p2, p0  }
0x20: {  	[sflag:s8] =	ssyncset.s32 @!p0 $0xFFFFF086;
	s6 =	sadd.s32 @!p0 s3, s7;
	s7 =	simm.s32 @!p0 $0x108  }
0x21: {  	s3 =	sadd.s32 s3, s9;
	s6 =	sadd.s32 @!p0 $0x88, s6;
	s7 =	simm.s32 @p2 $0x1082  }
0x22: {  	[simem:s7], [sflag:s8] =	dma.local @!p0 [hbm:s6], $0xF7A  }
0x23: {  	s9 =	sor.u32 $0xD0000000, s2;
	s6 =	simm.s32 $0x108;
	_ =	swait.ge @!p0 [sflag:s8], $0x0  }
0x24: {  	s3 =	sadd.s32 $0x88, s3;
	s6 =	simm.s32 @!p1 $0x1082;
	[sflag:s4] =	ssyncset.s32 $0xFFFFF086  }
0x25: {  	[simem:s6], [sflag:s4] =	dma.local [hbm:s3], $0xF7A  }
0x26: {  	[smem:$0x3F97] =	sst s1;
	(tag) =	ssettag s2;
	_ =	strace s9  }
0x27: {  	s1 =	sld [smem:$0x3FA7]  }
0x28: {  	s2 =	sld [smem:$0x3FA8]  }
0x29: {  	s4 =	sld [smem:$0x3FAA]  }
0x2a: {  	p0 =	seq.s32 s5, $0x0;
	s5 =	sld [smem:$0x3FAB]  }
0x2b: {  	s6 =	sld [smem:$0x3FAC]  }
0x2c: {  	s7 =	sld [smem:$0x3FAD]  }
0x2d: {  	s3 =	simm.s32 $0x108;
	s8 =	sld [smem:$0x3FAE]  }
0x2e: {  	s3 =	simm.s32 @!p0 $0x1082;
	s9 =	sld [smem:$0x3FAF]  }
0x2f: {  	lr =	sadd.s32 s0, s3;
	s0 =	sld [smem:$0x3FA6]  }
0x30: {  	s3 =	sld [smem:$0x3FA9]  }
0x31: {  	[smem:$0x3FB2] =	sst s10  }
0x32: {  	s10 =	sld [smem:$0x3FB0];
	_ =	sdelay $0x3  }
0x33: {  	p0 =	seq.s32 s10, $0x1;
	s10 =	sld [smem:$0x3FB2];
	_ =	sdelay $0x3  }
0x34: {  	[smem:$0x3FB2] =	sst s10  }
0x35: {  	s10 =	sld [smem:$0x3FB1];
	_ =	sdelay $0x3  }
0x36: {  	p1 =	seq.s32 s10, $0x1;
	s10 =	sld [smem:$0x3FB2];
	_ =	sdelay $0x3  }
0x37: {  	[smem:$0x3FB2] =	sst s10  }
0x38: {  	s10 =	sld [smem:$0x3FB3]  }
0x39: {  	_ = 	snop;
	(pc) =	sbr.ind lr, $3  }
0x3a: {  	_ = 	snop  }
0x3b: {  	_ = 	snop  }
0x3c: {  	p2 =	seq.s32 s10, $0x1;
	s10 =	sld [smem:$0x3FB2]  }
0x3d: {  	_ =	shalt  }
0x3e: {  	_ =	shalt  }
0x3f: {  	_ =	shalt  }
0x40: {  	_ =	shalt  }
0x41: {  	_ =	shalt  }
0x42: {  	_ =	shalt  }
0x43: {  	_ =	shalt  }
0x44: {  	_ =	shalt  }
0x45: {  	_ =	shalt  }
0x46: {  	_ =	shalt  }
0x47: {  	_ =	shalt  }
0x48: {  	_ =	shalt  }
0x49: {  	_ =	shalt  }
0x4a: {  	_ =	shalt  }
0x4b: {  	_ =	shalt  }
0x4c: {  	_ =	shalt  }
0x4d: {  	_ =	shalt  }
0x4e: {  	_ =	shalt  }
0x4f: {  	_ =	shalt  }
0x50: {  	_ =	shalt  }
0x51: {  	_ =	shalt  }
0x52: {  	_ =	shalt  }
0x53: {  	_ =	shalt  }
0x54: {  	_ =	shalt  }
0x55: {  	_ =	shalt  }
0x56: {  	_ =	shalt  }
0x57: {  	_ =	shalt  }
0x58: {  	_ =	shalt  }
0x59: {  	_ =	shalt  }
0x5a: {  	_ =	shalt  }
0x5b: {  	_ =	shalt  }
0x5c: {  	_ =	shalt  }
0x5d: {  	_ =	shalt  }
0x5e: {  	_ =	shalt  }
0x5f: {  	_ =	shalt  }
0x60: {  	_ =	shalt  }
0x61: {  	_ =	shalt  }
0x62: {  	_ =	shalt  }
0x63: {  	_ =	shalt  }
0x64: {  	_ =	shalt  }
0x65: {  	_ =	shalt  }
0x66: {  	_ =	shalt  }
0x67: {  	_ =	shalt  }
0x68: {  	_ =	shalt  }
0x69: {  	_ =	shalt  }
0x6a: {  	_ =	shalt  }
0x6b: {  	_ =	shalt  }
0x6c: {  	_ =	shalt  }
0x6d: {  	_ =	shalt  }
0x6e: {  	_ =	shalt  }
0x6f: {  	_ =	shalt  }
0x70: {  	_ =	shalt  }
0x71: {  	_ =	shalt  }
0x72: {  	_ =	shalt  }
0x73: {  	_ =	shalt  }
0x74: {  	_ =	shalt  }
0x75: {  	_ =	shalt  }
0x76: {  	_ =	shalt  }
0x77: {  	_ =	shalt  }
0x78: {  	_ =	shalt  }
0x79: {  	_ =	shalt  }
0x7a: {  	_ =	shalt  }
0x7b: {  	_ =	shalt  }
0x7c: {  	_ =	shalt  }
0x7d: {  	_ =	shalt  }
0x7e: {  	_ =	shalt  }
0x7f: {  	_ =	shalt  }
0x80: {  	_ =	shalt  }
0x81: {  	_ =	shalt  }
0x82: {  	_ =	shalt  }
0x83: {  	_ =	shalt  }
0x84: {  	_ =	shalt  }
0x85: {  	_ =	shalt  }
0x86: {  	_ =	shalt  }
0x87: {  	_ =	shalt  }
.Lfunc_end0:
.L_simem_size_0:
called_computation.2_lowered:
.L_overlay_start_0:
0x88: {  	s2 =	sld [smem:$0x3FD9]  }
0x89: {  	s3 =	sld [smem:$0x3FFE];
	_ =	sdelay $0x1  }
0x8a: {  	s1 =	srdreg.scid  }
0x8b: {  	s0 =	sand.u32 $0x1, s1  }
0x8c: {  	s17 =	sshll.u32 s0, $0xA;
	s2 =	sadd.s32 s3, s2  }
0x8d: {  	s2 =	sadd.s32 s2, s17  }
0x8e: {  	[smem:$0x3FBE] =	sst s2  }
0x8f: {  	_ = 	snop  }
0x90: {  	s2 =	sld [smem:$0x3FD0];
	(tm) =	ssettm $0x1  }
0x91: {  	s18 =	sld [smem:$0x3FFB];
	_ =	sdelay $0x3  }
0x92: {  	_ =	strace s18  }
0x93: {  	s3 =	sld [smem:$0x3FFC];
	_ =	sdelay $0x3  }
0x94: {  	_ =	strace s3  }
0x95: {  	s3 =	sld [smem:$0x3FFD];
	_ =	sdelay $0x3  }
0x96: {  	_ =	strace s3  }
0x97: {  	_ =	strace $0x8FFFFFFF  }
0x98: {  	s19 =	sld [smem:$0x3FDB];
	_ =	sdelay $0x1  }
0x99: {  	s4 =	simm.s32 $_scs_section_size  }
0x9a: {  	s5 =	simm.s32 $_size__tile_overlayer_lowered;
	s6 =	simm.s32 $_tile_overlayer_lowered  }
0x9b: {  	s22 =	simm.s32 $0x1BFF;
	s21 =	sshll.u32 s6, $0x1;
	s3 =	sadd.s32 s4, s19  }
0x9c: {  	s7 =	simm.s32 $0x0;
	s20 =	sshll.u32 s5, $0x1;
	s5 =	sadd.s32 s21, s3  }
0x9d: {  	[timem:s7], [sflag:s22] =	dma.local [hbm:s5], s20  }
0x9e: {  	_ =	swait.ge [sflag:s22], s20  }
0x9f: {  	s4 =	ssub.s32 $0x0, s20;
	[sflag:s22] =	ssyncset.done $0x0  }
0xa0: {  	[sflag:s22] =	ssyncadd.s32 s4;
	_ =	sdelay $0x1  }
0xa1: {  	s23 =	simm.s32 $0x1B8B  }
0xa2: {  	_ =	swait.ge [sflag:s23], $0x1  }
0xa3: {  	[sflag:s23] =	ssyncset.done $0x0  }
0xa4: {  	s25 =	simm.s32 $0x1B8E;
	s24 =	sld [smem:$0x3FFE];
	[sflag:s23] =	ssyncadd.s32 $0xFFFFFFFF  }
0xa5: {  	s26 =	simm.s32 $execute0_lowered;
	[smem:$0x3FD2] =	sst s25  }
0xa6: {  	s5 =	sshll.u32 s26, $0x1;
	_ =	strace $0x8000004C;
	[dreg:$0x1] =	wrdreg $0xFFFFFFFF  }
0xa7: {  	s28 =	simm.s32 $_size_execute0_lowered;
	s3 =	sadd.s32 s3, s5;
	[dreg:$0x0] =	wrdreg $0x0  }
0xa8: {  	s5 =	sshll.u32 s28, $0x1;
	[dreg:$0x2] =	wrdreg s3  }
0xa9: {  	[dreg:$0x3] =	wrdreg s5  }
0xaa: {  	[dreg:$0x4] =	wrdreg $0xC0  }
0xab: {  	_ =	task [dreg:s7], $0x5FFFF  }
0xac: {  	[dreg:$0x1] =	wrdreg $0xFFFFFFFF  }
0xad: {  	[dreg:$0x0] =	wrdreg $0x60  }
0xae: {  	[dreg:$0x2] =	wrdreg s24  }
0xaf: {  	[dreg:$0x3] =	wrdreg s2  }
0xb0: {  	[dreg:$0x4] =	wrdreg $0x84000  }
0xb1: {  	[dreg:$0x5] =	wrdreg $0x9  }
0xb2: {  	_ =	task.clear_ibuf [dreg:s7], $0x6FFFF;
	_ =	strace $0x9000004C  }
0xb3: {  	s29 =	simm.s32 $0x9;
	_ =	strace $0x8000004E  }
0xb4: {  	_ =	swait.ge [sflag:s29], $0x1  }
0xb5: {  	[sflag:s29] =	ssyncadd.s32 $0xFFFFFFFF  }
0xb6: {  	_ =	strace $0x9000004E  }
0xb7: {  	_ =	sfence  }
0xb8: {  	s30 =	sld [smem:$0x0];
	_ =	sdelay $0x2  }
0xb9: {  	s31 =	sshll.u32 s1, $0xD;
	s1 =	sshrl.u32 s1, $0x2  }
0xba: {  	s3 =	sand.u32 $0x4000, s31;
	s1 =	sadd.s32 s1, s30  }
0xbb: {  	s0 =	sor.u32 s3, s0;
	s1 =	sshll.u32 s1, $0x11  }
0xbc: {  	s0 =	sor.u32 s1, s0  }
0xbd: {  	s0 =	sadd.s32 $0x8F2B, s0  }
0xbe: {  	[sflag:s0] =	ssyncadd.remote.s32 $0x1  }
0xbf: {  	_ =	sfence.sel $0xFFFF  }
0xc0: {  	[dreg:$0x0] =	wrdreg $0xFFFFFFFF;
	(pc) =	sbr.abs _section_cstart, $3  }
0xc1: {  	[dreg:$0x1] =	wrdreg $0xFFFFFFFF  }
0xc2: {  	_ =	task.clear_ibuf [dreg:s7], $0x2FFFF;
	_ =	strace $0x9FFFFFFF  }
0xc3: {  	(tm) =	ssettm $0x7FFFFFFF  }
tec
execute0_lowered:
.L_overlay_start_1:
0x0: {  	(tag) =	ssettag $0x1  }
0x1: {  	s0 =	rddreg [dreg:$0x0]  }
0x2: {  	s1 =	rddreg [dreg:$0x1]  }
0x3: {  	s2 =	rddreg [dreg:$0x2]  }
0x4: {  	s3 =	simm.s32 $0x0;
	s13 =	stileid.u32;
	s4 =	srdreg.scid  }
0x5: {  	s14 =	simm.s32 $0x9;
	s15 =	simm.s32 $0x100;
	s16 =	simm.s32 $0x200  }
0x6: {  	s28 =	simm.s32 $0x7;
	s29 =	simm.s32 $0x280;
	s30 =	simm.s32 $0x8  }
0x7: {  	s31 =	simm.s32 $0x380;
	[smem:$0x7FF] =	sst s3;
	s5 =	smul.u32 $0x2780, s13  }
0x8: {  	s6 =	sand.u32 $0x1, s4;
	s4 =	sadd.s32 $0x17C00, s0;
	s17 =	smul.u32 $0x4F000, s13  }
0x9: {  	s19 =	smul.u32 $0x4F00, s13;
	s21 =	sshll.u32 s13, $0x6;
	_ =	strace $0x8000004D  }
0xa: {  	s7 =	smul.u32 $0x27800, s6;
	s9 =	sshll.u32 s6, $0x4;
	s18 =	ssub.s32 $0x2, s6  }
0xb: {  	s11 =	smul.u32 $0x4F000, s6;
	s6 =	sor.u32 $0x1C09, s21;
	s21 =	simm.s32 $0x1  }
0xc: {  	s8 =	sadd.s32 s5, s0;
	s9 =	sor.u32 s13, s9;
	s10 =	sshrl.u32 s18, $0x1  }
0xd: {  	s5 =	sadd.s32 s5, s7;
	s9 =	smul.u32 $0x4F00, s9;
	s7 =	sshrl.u32 s17, $0x2  }
0xe: {  	s20 =	sadd.s32 $0x3F400, s8;
	s23 =	sadd.s32 s19, s11;
	s17 =	simm.s32 $0x80  }
0xf: {  	s19 =	simm.s32 $0x4400;
	s0 =	sadd.s32 s5, s0;
	s5 =	ssub.s32 s18, s10  }
0x10: {  	s12 =	sadd.s32 s7, s2;
	[dreg:$0x4] =	wrdreg s20;
	s8 =	sadd.s32 $0x300, s23  }
0x11: {  	s18 =	simm.s32 $0x400;
	s20 =	simm.s32 $0x300;
	s23 =	simm.s32 $0x6  }
0x12: {  	s22 =	sshrl.u32 s9, $0x3;
	s10 =	sadd.s32 $0x66C00, s0;
	s11 =	smax.u32 s5, $0x1  }
.Ltmp0:
0x13: {  	s26 =	sshrl.u32 s8, $0x3;
	s13 =	sshrl.u32 s12, $0x3;
	(pc) =	sbr.rel .LBB2_1-.Ltmp0, $4  }
0x14: {  	s0 =	simm.s32 $0x5;
	s7 =	sadd.s32 s1, s22;
	s5 =	sadd.s32 s26, s1  }
0x15: {  	s22 =	simm.s32 $0x4;
	s26 =	simm.s32 $0x3;
	s24 =	sadd.s32 $0x20, s7  }
0x16: {  	s1 =	simm.s32 $0x0;
	s25 =	sadd.s32 $0x40, s7;
	[dreg:$0x5] =	wrdreg s24  }
0x17: {  	[dreg:$0x6] =	wrdreg s25;
	s24 =	simm.s32 $0x2;
	s25 =	simm.s32 $0x180  }
.LBB2_35:
0x18: {  	_ =	swait.ge [sflag:s22], $0x4000  }
0x19: {  	[sflag:s22] =	ssyncset.done $0x0  }
0x1a: {  	[sflag:s22] =	ssyncadd.s32 $0xFFFFC000  }
0x1b: {  	_ =	swait.ge [sflag:s26], $0x4000  }
0x1c: {  	s1 =	sadd.s32 $0x1, s1;
	[sflag:s26] =	ssyncset.done $0x0  }
0x1d: {  	p0 =	sne.s32 s1, s11;
	[sflag:s26] =	ssyncadd.s32 $0xFFFFC000  }
.Ltmp1:
0x1e: {  	[bflag:$0x0] =	sbarrier.arrive $0xFFFF;
	(pc) =	sbr.rel @!p0 .LBB2_36-.Ltmp1, $4  }
0x1f: {  	[hbm:s10], [sflag:s6] =	dma.local [spmem:s13], $0x2780  }
0x20: {  	_ =	swait.ge [sflag:s14], $0x2780  }
0x21: {  	[sflag:s14] =	ssyncset.done $0x0  }
0x22: {  	[sflag:s14] =	ssyncadd.s32 $0xFFFFD880  }
.LBB2_1:
0x23: {  	s8 =	rddreg [dreg:$0x4]  }
0x24: {  	[spmem:s13], [sflag:s6] =	dma.local [hbm:s8], $0x2780  }
0x25: {  	_ =	swait.ge [sflag:s14], $0x2780  }
0x26: {  	[sflag:s14] =	ssyncset.done $0x0  }
0x27: {  	[sflag:s14] =	ssyncadd.s32 $0xFFFFD880  }
0x28: {  	[tilespmem:s3], [sflag:$0x9] =	stream.linear.gather [hbm4b:s7+s3], $0x100, $0x38;
	[tilespmem:$0x1C000] =	vst v63  }
0x29: {  	_ =	swait.ge [sflag:s14], $0x100  }
0x2a: {  	[sflag:s14] =	ssyncset.done $0x0  }
0x2b: {  	s9 =	rddreg [dreg:$0x5];
	[sflag:s14] =	ssyncadd.s32 $0xFFFFFF00  }
0x2c: {  	[tilespmem:s15], [sflag:$0x9] =	stream.linear.gather [hbm4b:s9+s3], $0x100, $0x38;
	[tilespmem:$0x1C000] =	vst v63  }
0x2d: {  	_ =	swait.ge [sflag:s14], $0x100  }
0x2e: {  	[sflag:s14] =	ssyncset.done $0x0  }
0x2f: {  	s12 =	rddreg [dreg:$0x6];
	[sflag:s14] =	ssyncadd.s32 $0xFFFFFF00  }
0x30: {  	[tilespmem:s16], [sflag:$0x9] =	stream.linear.gather [hbm4b:s12+s3], $0x100, $0x38;
	[tilespmem:$0x1C000] =	vst v63  }
0x31: {  	_ =	swait.ge [sflag:s14], $0x100  }
.Ltmp2:
0x32: {  	[sflag:s14] =	ssyncset.done $0x0;
	(pc) =	sbr.rel .LBB2_2-.Ltmp2, $4  }
0x33: {  	[sflag:s14] =	ssyncadd.s32 $0xFFFFFF00  }
0x34: {  	[tilespmem:s18], [sflag:$0x1] =	stream.indirect.gather [hbm4b:s4+s17], $0x80, s3, s17, $0xb8;
	[tilespmem:$0x1C000] =	vst v63  }
0x35: {  	[bflag:$0x0] =	sbarrier.arrive $0xFFFF  }
0x36: {  	s8 =	simm.s32 $0x0;
	s12 =	smov.u32 s5  }
.LBB2_13:
0x37: {  	_ =	swait.ge [sflag:s24], $0x4000  }
0x38: {  	[sflag:s24] =	ssyncset.done $0x0  }
0x39: {  	[sflag:s24] =	ssyncadd.s32 $0xFFFFC000  }
0x3a: {  	[spmem:s2] =	stream.indirect.scatter.add.f32 [tilespmem:s19], [sflag:$0x4], $0x80, s25, s17, $0xb8;
	[tilespmem:$0x1C000] =	vst v63  }
.LBB2_25:
0x3b: {  	_ =	swait.ge [sflag:s21], $0x4000  }
0x3c: {  	[sflag:s21] =	ssyncset.done $0x0  }
0x3d: {  	[sflag:s21] =	ssyncadd.s32 $0xFFFFC000  }
0x3e: {  	[spmem:s2] =	stream.indirect.scatter.add.f32 [tilespmem:s18], [sflag:$0x3], $0x80, s29, s17, $0xb8;
	[tilespmem:$0x1C000] =	vst v63  }
.LBB2_34:
0x3f: {  	s8 =	sadd.s32 $0x1, s8  }
0x40: {  	p0 =	sne.s32 s8, $0x4F  }
.Ltmp3:
0x41: {  	_ = 	snop;
	(pc) =	sbr.rel @!p0 .LBB2_35-.Ltmp3, $2  }
0x42: {  	_ =	sdelay $0x2  }
0x43: {  	s12 =	sadd.s32 $0x20, s12  }
.LBB2_2:
0x44: {  	s9 =	sand.u32 $0x3, s8  }
0x45: {  	p0 =	sgt.s32 s9, $0x1  }
.Ltmp4:
0x46: {  	_ = 	snop;
	(pc) =	sbr.rel @p0 .LBB2_26-.Ltmp4, $1  }
0x47: {  	_ =	sdelay $0x3  }
0x48: {  	p0 =	seq.s32 s9, $0x0  }
.Ltmp5:
0x49: {  	_ = 	snop;
	(pc) =	sbr.rel @!p0 .LBB2_11-.Ltmp5, $1  }
0x4a: {  	_ =	sdelay $0x3  }
0x4b: {  	p0 =	seq.s32 s8, $0x0  }
.Ltmp6:
0x4c: {  	_ = 	snop;
	(pc) =	sbr.rel @p0 .LBB2_7-.Ltmp6, $1  }
0x4d: {  	_ =	sdelay $0x3  }
0x4e: {  	p0 =	seq.s32 s8, $0x4E  }
.Ltmp7:
0x4f: {  	_ = 	snop;
	(pc) =	sbr.rel @p0 .LBB2_10-.Ltmp7, $1  }
0x50: {  	_ =	sdelay $0x3  }
0x51: {  	p0 =	sgt.u32 s8, $0x1  }
.Ltmp8:
0x52: {  	_ = 	snop;
	(pc) =	sbr.rel @!p0 .LBB2_7-.Ltmp8, $4  }
0x53: {  	_ = 	snop  }
0x54: {  	_ =	swait.ge [sflag:s22], $0x4000  }
0x55: {  	[sflag:s22] =	ssyncset.done $0x0  }
0x56: {  	[sflag:s22] =	ssyncadd.s32 $0xFFFFC000  }
0x57: {  	p0 =	sgt.u32 s8, $0x4B  }
.Ltmp9:
0x58: {  	_ = 	snop;
	(pc) =	sbr.rel @p0 .LBB2_10-.Ltmp9, $4  }
.Ltmp10:
0x59: {  	_ =	swait.ge [sflag:s23], $0x100;
	(pc) =	sbr.rel @!p0 .LBB2_9-.Ltmp10, $4  }
0x5a: {  	[sflag:s23] =	ssyncset.done $0x0  }
0x5b: {  	[sflag:s23] =	ssyncadd.s32 $0xFFFFFF00  }
0x5c: {  	[tilespmem:s19], [sflag:$0x2] =	stream.indirect.gather [hbm4b:s4+s17], $0x80, s15, s17, $0xb8;
	[tilespmem:$0x1C000] =	vst v63  }
0x5d: {  	_ = 	snop  }
.LBB2_26:
0x5e: {  	p1 =	seq.s32 s9, $0x2  }
.Ltmp11:
0x5f: {  	_ = 	snop;
	(pc) =	sbr.rel @!p1 .LBB2_27-.Ltmp11, $2  }
0x60: {  	_ =	sdelay $0x2  }
0x61: {  	p0 =	seq.s32 s8, $0x0  }
.Ltmp12:
0x62: {  	(pc) =	sbr.rel @p0 .LBB2_22-.Ltmp12, $1  }
0x63: {  	_ =	sdelay $0x3  }
0x64: {  	p0 =	seq.s32 s8, $0x4E  }
.Ltmp13:
0x65: {  	_ = 	snop;
	(pc) =	sbr.rel @p0 .LBB2_25-.Ltmp13, $1  }
0x66: {  	_ =	sdelay $0x3  }
0x67: {  	p0 =	sgt.u32 s8, $0x1  }
.Ltmp14:
0x68: {  	_ = 	snop;
	(pc) =	sbr.rel @!p0 .LBB2_22-.Ltmp14, $4  }
0x69: {  	_ = 	snop  }
0x6a: {  	_ =	swait.ge [sflag:s22], $0x4000  }
0x6b: {  	[sflag:s22] =	ssyncset.done $0x0  }
0x6c: {  	[sflag:s22] =	ssyncadd.s32 $0xFFFFC000  }
0x6d: {  	p0 =	sgt.u32 s8, $0x4B  }
.Ltmp15:
0x6e: {  	_ = 	snop;
	(pc) =	sbr.rel @p0 .LBB2_25-.Ltmp15, $4  }
.Ltmp16:
0x6f: {  	_ =	swait.ge [sflag:s30], $0x100;
	(pc) =	sbr.rel @!p0 .LBB2_24-.Ltmp16, $4  }
0x70: {  	[sflag:s30] =	ssyncset.done $0x0  }
0x71: {  	[sflag:s30] =	ssyncadd.s32 $0xFFFFFF00  }
0x72: {  	[tilespmem:s19], [sflag:$0x2] =	stream.indirect.gather [hbm4b:s4+s17], $0x80, s20, s17, $0xb8;
	[tilespmem:$0x1C000] =	vst v63  }
0x73: {  	_ = 	snop  }
.LBB2_11:
0x74: {  	p0 =	seq.s32 s8, $0x0  }
.Ltmp17:
0x75: {  	_ = 	snop;
	(pc) =	sbr.rel @p0 .LBB2_15-.Ltmp17, $1  }
0x76: {  	_ =	sdelay $0x3  }
0x77: {  	p0 =	sne.s32 s8, $0x4E  }
.Ltmp18:
0x78: {  	_ = 	snop;
	(pc) =	sbr.rel @!p0 .LBB2_13-.Ltmp18, $1  }
0x79: {  	_ =	sdelay $0x3  }
0x7a: {  	p0 =	sgt.u32 s8, $0x1  }
.Ltmp19:
0x7b: {  	_ = 	snop;
	(pc) =	sbr.rel @!p0 .LBB2_15-.Ltmp19, $4  }
0x7c: {  	_ = 	snop  }
0x7d: {  	_ =	swait.ge [sflag:s26], $0x4000  }
0x7e: {  	[sflag:s26] =	ssyncset.done $0x0  }
0x7f: {  	[sflag:s26] =	ssyncadd.s32 $0xFFFFC000  }
0x80: {  	p0 =	slt.u32 s8, $0x4C  }
.Ltmp20:
0x81: {  	_ = 	snop;
	(pc) =	sbr.rel @p0 .LBB2_16-.Ltmp20, $4  }
0x82: {  	_ =	swait.ge [sflag:s28], $0x100  }
0x83: {  	[sflag:s28] =	ssyncset.done $0x0  }
0x84: {  	[sflag:s28] =	ssyncadd.s32 $0xFFFFFF00  }
0x85: {  	[tilespmem:s18], [sflag:$0x1] =	stream.indirect.gather [hbm4b:s4+s17], $0x80, s16, s17, $0xb8;
	[tilespmem:$0x1C000] =	vst v63  }
.Ltmp21:
0x86: {  	(pc) =	sbr.rel .LBB2_34-.Ltmp21, $4  }
0x87: {  	_ =	swait.ge [sflag:s24], $0x4000  }
0x88: {  	[sflag:s24] =	ssyncset.done $0x0  }
0x89: {  	[sflag:s24] =	ssyncadd.s32 $0xFFFFC000  }
0x8a: {  	[spmem:s2] =	stream.indirect.scatter.add.f32 [tilespmem:s19], [sflag:$0x4], $0x80, s25, s17, $0xb8;
	[tilespmem:$0x1C000] =	vst v63  }
.LBB2_27:
.Ltmp22:
0x8b: {  	(pc) =	sbr.rel @p0 .LBB2_30-.Ltmp22, $1  }
0x8c: {  	_ =	sdelay $0x3  }
0x8d: {  	p0 =	seq.s32 s8, $0x4E  }
.Ltmp23:
0x8e: {  	_ = 	snop;
	(pc) =	sbr.rel @p0 .LBB2_33-.Ltmp23, $1  }
0x8f: {  	_ =	sdelay $0x3  }
0x90: {  	p0 =	sgt.u32 s8, $0x1  }
.Ltmp24:
0x91: {  	_ = 	snop;
	(pc) =	sbr.rel @!p0 .LBB2_30-.Ltmp24, $4  }
0x92: {  	_ = 	snop  }
0x93: {  	_ =	swait.ge [sflag:s26], $0x4000  }
0x94: {  	[sflag:s26] =	ssyncset.done $0x0  }
0x95: {  	[sflag:s26] =	ssyncadd.s32 $0xFFFFC000  }
0x96: {  	p0 =	sgt.u32 s8, $0x4B  }
.Ltmp25:
0x97: {  	_ = 	snop;
	(pc) =	sbr.rel @p0 .LBB2_33-.Ltmp25, $4  }
.Ltmp26:
0x98: {  	_ =	swait.ge [sflag:s0], $0x100;
	(pc) =	sbr.rel @!p0 .LBB2_32-.Ltmp26, $4  }
0x99: {  	[sflag:s0] =	ssyncset.done $0x0  }
0x9a: {  	[sflag:s0] =	ssyncadd.s32 $0xFFFFFF00  }
0x9b: {  	[tilespmem:s18], [sflag:$0x1] =	stream.indirect.gather [hbm4b:s4+s17], $0x80, s3, s17, $0xb8;
	[tilespmem:$0x1C000] =	vst v63  }
0x9c: {  	_ = 	snop  }
.LBB2_7:
0x9d: {  	[tilespmem:s19], [sflag:$0x2] =	stream.indirect.gather [hbm4b:s4+s17], $0x80, s15, s17, $0xb8;
	[tilespmem:$0x1C000] =	vst v63  }
.LBB2_9:
0x9e: {  	[tilespmem:s20], [sflag:$0x8] =	stream.linear.gather [hbm4b:s12+s3], $0x100, $0x38;
	[tilespmem:$0x1C000] =	vst v63  }
.LBB2_10:
.Ltmp27:
0x9f: {  	(pc) =	sbr.rel .LBB2_34-.Ltmp27, $4  }
0xa0: {  	_ =	swait.ge [sflag:s21], $0x4000  }
0xa1: {  	[sflag:s21] =	ssyncset.done $0x0  }
0xa2: {  	[sflag:s21] =	ssyncadd.s32 $0xFFFFC000  }
0xa3: {  	[spmem:s2] =	stream.indirect.scatter.add.f32 [tilespmem:s18], [sflag:$0x3], $0x80, s17, s17, $0xb8;
	[tilespmem:$0x1C000] =	vst v63  }
.LBB2_22:
0xa4: {  	[tilespmem:s19], [sflag:$0x2] =	stream.indirect.gather [hbm4b:s4+s17], $0x80, s20, s17, $0xb8;
	[tilespmem:$0x1C000] =	vst v63  }
.LBB2_24:
.Ltmp28:
0xa5: {  	(pc) =	sbr.rel .LBB2_25-.Ltmp28, $2  }
0xa6: {  	_ =	sdelay $0x2  }
0xa7: {  	[tilespmem:s15], [sflag:$0x6] =	stream.linear.gather [hbm4b:s12+s3], $0x100, $0x38;
	[tilespmem:$0x1C000] =	vst v63  }
.LBB2_15:
0xa8: {  	[tilespmem:s18], [sflag:$0x1] =	stream.indirect.gather [hbm4b:s4+s17], $0x80, s16, s17, $0xb8;
	[tilespmem:$0x1C000] =	vst v63  }
.LBB2_16:
0xa9: {  	[tilespmem:s3], [sflag:$0x5] =	stream.linear.gather [hbm4b:s12+s3], $0x100, $0x38;
	[tilespmem:$0x1C000] =	vst v63  }
.Ltmp29:
0xaa: {  	_ = 	snop;
	(pc) =	sbr.rel .LBB2_34-.Ltmp29, $4  }
0xab: {  	_ =	swait.ge [sflag:s24], $0x4000  }
0xac: {  	[sflag:s24] =	ssyncset.done $0x0  }
0xad: {  	[sflag:s24] =	ssyncadd.s32 $0xFFFFC000  }
0xae: {  	[spmem:s2] =	stream.indirect.scatter.add.f32 [tilespmem:s19], [sflag:$0x4], $0x80, s25, s17, $0xb8;
	[tilespmem:$0x1C000] =	vst v63  }
.LBB2_30:
0xaf: {  	[tilespmem:s18], [sflag:$0x1] =	stream.indirect.gather [hbm4b:s4+s17], $0x80, s3, s17, $0xb8;
	[tilespmem:$0x1C000] =	vst v63  }
.LBB2_32:
0xb0: {  	[tilespmem:s16], [sflag:$0x7] =	stream.linear.gather [hbm4b:s12+s3], $0x100, $0x38;
	[tilespmem:$0x1C000] =	vst v63  }
.LBB2_33:
.Ltmp30:
0xb1: {  	(pc) =	sbr.rel .LBB2_34-.Ltmp30, $4  }
0xb2: {  	_ =	swait.ge [sflag:s24], $0x4000  }
0xb3: {  	[sflag:s24] =	ssyncset.done $0x0  }
0xb4: {  	[sflag:s24] =	ssyncadd.s32 $0xFFFFC000  }
0xb5: {  	[spmem:s2] =	stream.indirect.scatter.add.f32 [tilespmem:s19], [sflag:$0x4], $0x80, s31, s17, $0xb8;
	[tilespmem:$0x1C000] =	vst v63  }
.LBB2_36:
0xb6: {  	_ =	sfence.sel $0x180000  }
0xb7: {  	[bflag:$0x0] =	sbarrier.arrive $0xFFFF  }
0xb8: {  	_ =	strace $0x9000004D  }
0xb9: {  	s0 =	stileid.u32;
	[bflag:$0x2] =	sbarrier.arrive $0xFFFF  }
0xba: {  	p0 =	sne.s32 s0, $0x0;
	s0 =	rddreg [dreg:$0x3]  }
0xbb: {  	s0 =	sadd.s32 @!p0 $0x100000, s0  }
0xbc: {  	[sflag:s0] =	ssyncadd.tile.s32 @!p0 $0x1;
	_ =	shalt  }
.Lfunc_end2:
_tile_overlayer_lowered:
.L_overlay_start_2:
0xbd: {  	(tag) =	ssettag $0x2  }
0xbe: {  	s0 =	rddreg [dreg:$0x0];
	s2 =	stileid.u32  }
0xbf: {  	s1 =	rddreg [dreg:$0x1];
	p0 =	sne.s32 s2, $0x0  }
0xc0: {  	s3 =	rddreg [dreg:$0x2];
	[bflag:$0x3] =	sbarrier.arrive $0xFFFF;
	s2 =	simm.s32 @!p0 $0x1C09  }
0xc1: {  	[timem:s3], [sflag:s2] =	dma.local @!p0 [hbm:s0], s1  }
0xc2: {  	s0 =	simm.s32 @!p0 $0x9  }
0xc3: {  	_ =	swait.ge @!p0 [sflag:s0], s1  }
0xc4: {  	s1 =	ssub.s32 @!p0 $0x0, s1;
	[sflag:s0] =	ssyncset.done @!p0 $0x0  }
0xc5: {  	[sflag:s0] =	ssyncadd.s32 @!p0 s1  }
0xc6: {  	[bflag:$0x3] =	sbarrier.arrive $0xFFFF  }
0xc7: {  	_ =	shalt  }

// kernel: kernel.20.cloned.1.call-start
scs
__scs_entry_jumppad:
0x0: {  	(pc) =	sbr.rel $0x88, $3  }
0x1: {  	(tag) =	ssettag $0x0;
	lr =	simm.s32 $0x1  }
0x2: {  	[smem:$0x3F97] =	sst lr;
	_ =	strace $0xD0000000  }
0x3: {  	_ = 	snop  }
0x4: {  	_ = 	snop  }
0x5: {  	_ = 	snop  }
0x6: {  	_ = 	snop  }
0x7: {  	_ = 	snop  }
__scs_overlays_trampoline_lowered:
0x8: {  	[smem:$0x3FA6] =	sst s0  }
0x9: {  	[smem:$0x3FA7] =	sst s1  }
0xa: {  	[smem:$0x3FA8] =	sst s2  }
0xb: {  	[smem:$0x3FA9] =	sst s3  }
0xc: {  	[smem:$0x3FAA] =	sst s4  }
0xd: {  	[smem:$0x3FAB] =	sst s5  }
0xe: {  	[smem:$0x3FAC] =	sst s6  }
0xf: {  	[smem:$0x3FAD] =	sst s7  }
0x10: {  	[smem:$0x3FAE] =	sst s8  }
0x11: {  	[smem:$0x3FAF] =	sst s9;
	s0 =	simm.s32 @!p0 $0x0  }
0x12: {  	s1 =	sld [smem:$0x3F95];
	s0 =	simm.s32 @p0 $0x1  }
0x13: {  	[smem:$0x3FB0] =	sst s0;
	s0 =	simm.s32 @!p1 $0x0  }
0x14: {  	s2 =	sld [smem:$0x3F94];
	s0 =	simm.s32 @p1 $0x1  }
0x15: {  	[smem:$0x3FB1] =	sst s0;
	s0 =	simm.s32 @!p2 $0x0  }
0x16: {  	s3 =	sld [smem:$0x3FDB];
	s0 =	simm.s32 @p2 $0x1  }
0x17: {  	s4 =	simm.s32 $0x1BF5;
	[smem:$0x3FB3] =	sst s0  }
0x18: {  	s0 =	sld [smem:$0x3F96];
	_ =	swait.ge [sflag:s4], $0x0  }
0x19: {  	s7 =	sld [smem:$0x3F97]  }
0x1a: {  	s8 =	sadd.s32 $0xFFFFE003, lr  }
0x1b: {  	s9 =	sadd.s32 $0xFFFFFEF7, lr;
	s5 =	simm.s32 $0xFFFFFFFF;
	p2 =	slt.u32 s8, $0xFFFFF086  }
0x1c: {  	p1 =	slt.u32 s9, $0xF7A;
	s5 =	simm.s32 @!p2 $0x0  }
0x1d: {  	s5 =	simm.s32 @p1 $0x1;
	p0 =	seq.s32 s7, s2  }
0x1e: {  	s7 =	smul.u32 @!p0 $0xF7A, s2;
	p2 =	seq.s32 @!p0 s5, $0x0  }
0x1f: {  	s9 =	smul.u32 $0xF7A, s1;
	s8 =	simm.s32 @!p0 $0x1BF5;
	p2 =	por !p2, p0  }
0x20: {  	[sflag:s8] =	ssyncset.s32 @!p0 $0xFFFFF086;
	s6 =	sadd.s32 @!p0 s3, s7;
	s7 =	simm.s32 @!p0 $0x108  }
0x21: {  	s3 =	sadd.s32 s3, s9;
	s6 =	sadd.s32 @!p0 $0x88, s6;
	s7 =	simm.s32 @p2 $0x1082  }
0x22: {  	[simem:s7], [sflag:s8] =	dma.local @!p0 [hbm:s6], $0xF7A  }
0x23: {  	s9 =	sor.u32 $0xD0000000, s2;
	s6 =	simm.s32 $0x108;
	_ =	swait.ge @!p0 [sflag:s8], $0x0  }
0x24: {  	s3 =	sadd.s32 $0x88, s3;
	s6 =	simm.s32 @!p1 $0x1082;
	[sflag:s4] =	ssyncset.s32 $0xFFFFF086  }
0x25: {  	[simem:s6], [sflag:s4] =	dma.local [hbm:s3], $0xF7A  }
0x26: {  	[smem:$0x3F97] =	sst s1;
	(tag) =	ssettag s2;
	_ =	strace s9  }
0x27: {  	s1 =	sld [smem:$0x3FA7]  }
0x28: {  	s2 =	sld [smem:$0x3FA8]  }
0x29: {  	s4 =	sld [smem:$0x3FAA]  }
0x2a: {  	p0 =	seq.s32 s5, $0x0;
	s5 =	sld [smem:$0x3FAB]  }
0x2b: {  	s6 =	sld [smem:$0x3FAC]  }
0x2c: {  	s7 =	sld [smem:$0x3FAD]  }
0x2d: {  	s3 =	simm.s32 $0x108;
	s8 =	sld [smem:$0x3FAE]  }
0x2e: {  	s3 =	simm.s32 @!p0 $0x1082;
	s9 =	sld [smem:$0x3FAF]  }
0x2f: {  	lr =	sadd.s32 s0, s3;
	s0 =	sld [smem:$0x3FA6]  }
0x30: {  	s3 =	sld [smem:$0x3FA9]  }
0x31: {  	[smem:$0x3FB2] =	sst s10  }
0x32: {  	s10 =	sld [smem:$0x3FB0];
	_ =	sdelay $0x3  }
0x33: {  	p0 =	seq.s32 s10, $0x1;
	s10 =	sld [smem:$0x3FB2];
	_ =	sdelay $0x3  }
0x34: {  	[smem:$0x3FB2] =	sst s10  }
0x35: {  	s10 =	sld [smem:$0x3FB1];
	_ =	sdelay $0x3  }
0x36: {  	p1 =	seq.s32 s10, $0x1;
	s10 =	sld [smem:$0x3FB2];
	_ =	sdelay $0x3  }
0x37: {  	[smem:$0x3FB2] =	sst s10  }
0x38: {  	s10 =	sld [smem:$0x3FB3]  }
0x39: {  	_ = 	snop;
	(pc) =	sbr.ind lr, $3  }
0x3a: {  	_ = 	snop  }
0x3b: {  	_ = 	snop  }
0x3c: {  	p2 =	seq.s32 s10, $0x1;
	s10 =	sld [smem:$0x3FB2]  }
0x3d: {  	_ =	shalt  }
0x3e: {  	_ =	shalt  }
0x3f: {  	_ =	shalt  }
0x40: {  	_ =	shalt  }
0x41: {  	_ =	shalt  }
0x42: {  	_ =	shalt  }
0x43: {  	_ =	shalt  }
0x44: {  	_ =	shalt  }
0x45: {  	_ =	shalt  }
0x46: {  	_ =	shalt  }
0x47: {  	_ =	shalt  }
0x48: {  	_ =	shalt  }
0x49: {  	_ =	shalt  }
0x4a: {  	_ =	shalt  }
0x4b: {  	_ =	shalt  }
0x4c: {  	_ =	shalt  }
0x4d: {  	_ =	shalt  }
0x4e: {  	_ =	shalt  }
0x4f: {  	_ =	shalt  }
0x50: {  	_ =	shalt  }
0x51: {  	_ =	shalt  }
0x52: {  	_ =	shalt  }
0x53: {  	_ =	shalt  }
0x54: {  	_ =	shalt  }
0x55: {  	_ =	shalt  }
0x56: {  	_ =	shalt  }
0x57: {  	_ =	shalt  }
0x58: {  	_ =	shalt  }
0x59: {  	_ =	shalt  }
0x5a: {  	_ =	shalt  }
0x5b: {  	_ =	shalt  }
0x5c: {  	_ =	shalt  }
0x5d: {  	_ =	shalt  }
0x5e: {  	_ =	shalt  }
0x5f: {  	_ =	shalt  }
0x60: {  	_ =	shalt  }
0x61: {  	_ =	shalt  }
0x62: {  	_ =	shalt  }
0x63: {  	_ =	shalt  }
0x64: {  	_ =	shalt  }
0x65: {  	_ =	shalt  }
0x66: {  	_ =	shalt  }
0x67: {  	_ =	shalt  }
0x68: {  	_ =	shalt  }
0x69: {  	_ =	shalt  }
0x6a: {  	_ =	shalt  }
0x6b: {  	_ =	shalt  }
0x6c: {  	_ =	shalt  }
0x6d: {  	_ =	shalt  }
0x6e: {  	_ =	shalt  }
0x6f: {  	_ =	shalt  }
0x70: {  	_ =	shalt  }
0x71: {  	_ =	shalt  }
0x72: {  	_ =	shalt  }
0x73: {  	_ =	shalt  }
0x74: {  	_ =	shalt  }
0x75: {  	_ =	shalt  }
0x76: {  	_ =	shalt  }
0x77: {  	_ =	shalt  }
0x78: {  	_ =	shalt  }
0x79: {  	_ =	shalt  }
0x7a: {  	_ =	shalt  }
0x7b: {  	_ =	shalt  }
0x7c: {  	_ =	shalt  }
0x7d: {  	_ =	shalt  }
0x7e: {  	_ =	shalt  }
0x7f: {  	_ =	shalt  }
0x80: {  	_ =	shalt  }
0x81: {  	_ =	shalt  }
0x82: {  	_ =	shalt  }
0x83: {  	_ =	shalt  }
0x84: {  	_ =	shalt  }
0x85: {  	_ =	shalt  }
0x86: {  	_ =	shalt  }
0x87: {  	_ =	shalt  }
.Lfunc_end0:
.L_simem_size_0:
called_computation.3_lowered:
.L_overlay_start_0:
0x88: {  	s2 =	sld [smem:$0x3FD9]  }
0x89: {  	s3 =	sld [smem:$0x3FFE];
	_ =	sdelay $0x1  }
0x8a: {  	s1 =	srdreg.scid  }
0x8b: {  	s0 =	sand.u32 $0x1, s1  }
0x8c: {  	s16 =	sshll.u32 s0, $0xA;
	s2 =	sadd.s32 s3, s2  }
0x8d: {  	s2 =	sadd.s32 s2, s16  }
0x8e: {  	[smem:$0x3FBE] =	sst s2  }
0x8f: {  	_ = 	snop  }
0x90: {  	(tm) =	ssettm $0x1  }
0x91: {  	s17 =	sld [smem:$0x3FFB];
	_ =	sdelay $0x3  }
0x92: {  	_ =	strace s17  }
0x93: {  	s2 =	sld [smem:$0x3FFC];
	_ =	sdelay $0x3  }
0x94: {  	_ =	strace s2  }
0x95: {  	s2 =	sld [smem:$0x3FFD];
	_ =	sdelay $0x3  }
0x96: {  	_ =	strace s2  }
0x97: {  	_ =	strace $0x8FFFFFFF  }
0x98: {  	s18 =	sld [smem:$0x3FDB];
	_ =	sdelay $0x1  }
0x99: {  	s19 =	simm.s32 $_scs_section_size  }
0x9a: {  	s4 =	simm.s32 $_size__tile_overlayer_lowered;
	s5 =	simm.s32 $_tile_overlayer_lowered  }
0x9b: {  	s22 =	simm.s32 $0x1BFF;
	s21 =	sshll.u32 s5, $0x1;
	s2 =	sadd.s32 s19, s18  }
0x9c: {  	s6 =	simm.s32 $0x0;
	s20 =	sshll.u32 s4, $0x1;
	s4 =	sadd.s32 s21, s2  }
0x9d: {  	[timem:s6], [sflag:s22] =	dma.local [hbm:s4], s20  }
0x9e: {  	_ =	swait.ge [sflag:s22], s20  }
0x9f: {  	s3 =	ssub.s32 $0x0, s20;
	[sflag:s22] =	ssyncset.done $0x0  }
0xa0: {  	[sflag:s22] =	ssyncadd.s32 s3;
	_ =	sdelay $0x1  }
0xa1: {  	s23 =	simm.s32 $0x1B8B  }
0xa2: {  	_ =	swait.ge [sflag:s23], $0x1  }
0xa3: {  	[sflag:s23] =	ssyncset.done $0x0  }
0xa4: {  	s25 =	simm.s32 $0x1B8E;
	s24 =	sld [smem:$0x3FFE];
	[sflag:s23] =	ssyncadd.s32 $0xFFFFFFFF  }
0xa5: {  	s26 =	simm.s32 $execute0_lowered;
	[smem:$0x3FD2] =	sst s25  }
0xa6: {  	s4 =	sshll.u32 s26, $0x1;
	_ =	strace $0x8000004F;
	[dreg:$0x1] =	wrdreg $0xFFFFFFFF  }
0xa7: {  	s28 =	simm.s32 $_size_execute0_lowered;
	s2 =	sadd.s32 s2, s4;
	[dreg:$0x0] =	wrdreg $0x0  }
0xa8: {  	s4 =	sshll.u32 s28, $0x1;
	[dreg:$0x2] =	wrdreg s2  }
0xa9: {  	[dreg:$0x3] =	wrdreg s4  }
0xaa: {  	[dreg:$0x4] =	wrdreg $0xC0  }
0xab: {  	_ =	task [dreg:s6], $0x5FFFF  }
0xac: {  	[dreg:$0x1] =	wrdreg $0xFFFFFFFF  }
0xad: {  	[dreg:$0x0] =	wrdreg $0x60  }
0xae: {  	[dreg:$0x2] =	wrdreg s24  }
0xaf: {  	[dreg:$0x3] =	wrdreg $0x84000  }
0xb0: {  	[dreg:$0x4] =	wrdreg $0x9  }
0xb1: {  	_ =	task.clear_ibuf [dreg:s6], $0x5FFFF;
	_ =	strace $0x9000004F  }
0xb2: {  	s29 =	simm.s32 $0x9;
	_ =	strace $0x80000051  }
0xb3: {  	_ =	swait.ge [sflag:s29], $0x1  }
0xb4: {  	[sflag:s29] =	ssyncadd.s32 $0xFFFFFFFF  }
0xb5: {  	_ =	strace $0x90000051  }
0xb6: {  	_ =	sfence  }
0xb7: {  	s30 =	sld [smem:$0x0];
	_ =	sdelay $0x2  }
0xb8: {  	s31 =	sshll.u32 s1, $0xD;
	s1 =	sshrl.u32 s1, $0x2  }
0xb9: {  	s3 =	sand.u32 $0x4000, s31;
	s1 =	sadd.s32 s1, s30  }
0xba: {  	s0 =	sor.u32 s3, s0;
	s1 =	sshll.u32 s1, $0x11  }
0xbb: {  	s0 =	sor.u32 s1, s0  }
0xbc: {  	s0 =	sadd.s32 $0x8F2B, s0  }
0xbd: {  	[sflag:s0] =	ssyncadd.remote.s32 $0x1  }
0xbe: {  	_ =	sfence.sel $0xFFFF  }
0xbf: {  	[dreg:$0x0] =	wrdreg $0xFFFFFFFF;
	(pc) =	sbr.abs _section_cstart, $3  }
0xc0: {  	[dreg:$0x1] =	wrdreg $0xFFFFFFFF  }
0xc1: {  	_ =	task.clear_ibuf [dreg:s6], $0x2FFFF;
	_ =	strace $0x9FFFFFFF  }
0xc2: {  	(tm) =	ssettm $0x7FFFFFFF  }
0xc3: {  	_ =	shalt  }
tec
execute0_lowered:
.L_overlay_start_1:
0x0: {  	(tag) =	ssettag $0x1  }
0x1: {  	s0 =	rddreg [dreg:$0x0]  }
0x2: {  	s2 =	rddreg [dreg:$0x1];
	s3 =	simm.s32 $0x0  }
0x3: {  	s11 =	stileid.u32;
	s1 =	srdreg.scid;
	s14 =	simm.s32 $0x9  }
0x4: {  	s15 =	simm.s32 $0x100;
	s16 =	simm.s32 $0x200;
	s17 =	simm.s32 $0x80  }
0x5: {  	s28 =	simm.s32 $0x7;
	s29 =	simm.s32 $0x280;
	s30 =	simm.s32 $0x8  }
0x6: {  	s31 =	simm.s32 $0x380;
	[smem:$0x7FF] =	sst s3;
	s5 =	smul.u32 $0x2780, s11  }
0x7: {  	s1 =	sand.u32 $0x1, s1;
	s4 =	sadd.s32 $0x17C00, s0;
	s18 =	smul.u32 $0x4F000, s11  }
0x8: {  	s8 =	sadd.s32 $0x4000, s0;
	s20 =	smul.u32 $0x4F00, s11;
	s22 =	sshll.u32 s11, $0x6  }
0x9: {  	_ =	strace $0x80000050;
	s6 =	smul.u32 $0x27800, s1;
	s9 =	sshll.u32 s1, $0x4  }
0xa: {  	s19 =	ssub.s32 $0x2, s1;
	s1 =	smul.u32 $0x4F000, s1;
	s7 =	sadd.s32 s5, s0  }
0xb: {  	s9 =	sor.u32 s11, s9;
	s10 =	sshrl.u32 s19, $0x1;
	s5 =	sadd.s32 s5, s6  }
0xc: {  	s9 =	smul.u32 $0x4F00, s9;
	s6 =	sshrl.u32 s18, $0x2;
	s21 =	sadd.s32 $0x3F400, s7  }
0xd: {  	s1 =	sadd.s32 s20, s1;
	s18 =	simm.s32 $0x400;
	s20 =	simm.s32 $0x300  }
0xe: {  	s0 =	sadd.s32 s5, s0;
	s5 =	ssub.s32 s19, s10;
	s12 =	sadd.s32 s6, s2  }
0xf: {  	[dreg:$0x3] =	wrdreg s21;
	s6 =	sor.u32 $0x1C09, s22;
	s1 =	sadd.s32 $0x300, s1  }
0x10: {  	s19 =	simm.s32 $0x4400;
	s21 =	simm.s32 $0x1;
	s22 =	simm.s32 $0x4  }
0x11: {  	s23 =	sshrl.u32 s9, $0x3;
	s10 =	sadd.s32 $0x66C00, s0;
	s11 =	smax.u32 s5, $0x1  }
.Ltmp0:
0x12: {  	s26 =	sshrl.u32 s1, $0x3;
	s13 =	sshrl.u32 s12, $0x3;
	(pc) =	sbr.rel .LBB2_1-.Ltmp0, $4  }
0x13: {  	s0 =	simm.s32 $0x5;
	s1 =	simm.s32 $0x0;
	s7 =	sadd.s32 s8, s23  }
0x14: {  	s5 =	sadd.s32 s26, s8;
	s23 =	simm.s32 $0x6;
	s24 =	sadd.s32 $0x20, s7  }
0x15: {  	s26 =	simm.s32 $0x3;
	s25 =	sadd.s32 $0x40, s7;
	[dreg:$0x4] =	wrdreg s24  }
0x16: {  	[dreg:$0x5] =	wrdreg s25;
	s24 =	simm.s32 $0x2;
	s25 =	simm.s32 $0x180  }
.LBB2_35:
0x17: {  	_ =	swait.ge [sflag:s22], $0x4000  }
0x18: {  	[sflag:s22] =	ssyncset.done $0x0  }
0x19: {  	[sflag:s22] =	ssyncadd.s32 $0xFFFFC000  }
0x1a: {  	_ =	swait.ge [sflag:s26], $0x4000  }
0x1b: {  	s1 =	sadd.s32 $0x1, s1;
	[sflag:s26] =	ssyncset.done $0x0  }
0x1c: {  	p0 =	sne.s32 s1, s11;
	[sflag:s26] =	ssyncadd.s32 $0xFFFFC000  }
.Ltmp1:
0x1d: {  	[bflag:$0x0] =	sbarrier.arrive $0xFFFF;
	(pc) =	sbr.rel @!p0 .LBB2_36-.Ltmp1, $4  }
0x1e: {  	[hbm:s10], [sflag:s6] =	dma.local [spmem:s13], $0x2780  }
0x1f: {  	_ =	swait.ge [sflag:s14], $0x2780  }
0x20: {  	[sflag:s14] =	ssyncset.done $0x0  }
0x21: {  	[sflag:s14] =	ssyncadd.s32 $0xFFFFD880  }
.LBB2_1:
0x22: {  	s8 =	rddreg [dreg:$0x3]  }
0x23: {  	[spmem:s13], [sflag:s6] =	dma.local [hbm:s8], $0x2780  }
0x24: {  	_ =	swait.ge [sflag:s14], $0x2780  }
0x25: {  	[sflag:s14] =	ssyncset.done $0x0  }
0x26: {  	[sflag:s14] =	ssyncadd.s32 $0xFFFFD880  }
0x27: {  	[tilespmem:s3], [sflag:$0x9] =	stream.linear.gather [hbm4b:s7+s3], $0x100, $0x38;
	[tilespmem:$0x1C000] =	vst v63  }
0x28: {  	_ =	swait.ge [sflag:s14], $0x100  }
0x29: {  	[sflag:s14] =	ssyncset.done $0x0  }
0x2a: {  	s9 =	rddreg [dreg:$0x4];
	[sflag:s14] =	ssyncadd.s32 $0xFFFFFF00  }
0x2b: {  	[tilespmem:s15], [sflag:$0x9] =	stream.linear.gather [hbm4b:s9+s3], $0x100, $0x38;
	[tilespmem:$0x1C000] =	vst v63  }
0x2c: {  	_ =	swait.ge [sflag:s14], $0x100  }
0x2d: {  	[sflag:s14] =	ssyncset.done $0x0  }
0x2e: {  	s12 =	rddreg [dreg:$0x5];
	[sflag:s14] =	ssyncadd.s32 $0xFFFFFF00  }
0x2f: {  	[tilespmem:s16], [sflag:$0x9] =	stream.linear.gather [hbm4b:s12+s3], $0x100, $0x38;
	[tilespmem:$0x1C000] =	vst v63  }
0x30: {  	_ =	swait.ge [sflag:s14], $0x100  }
.Ltmp2:
0x31: {  	[sflag:s14] =	ssyncset.done $0x0;
	(pc) =	sbr.rel .LBB2_2-.Ltmp2, $4  }
0x32: {  	[sflag:s14] =	ssyncadd.s32 $0xFFFFFF00  }
0x33: {  	[tilespmem:s18], [sflag:$0x1] =	stream.indirect.gather [hbm4b:s4+s17], $0x80, s3, s17, $0xb8;
	[tilespmem:$0x1C000] =	vst v63  }
0x34: {  	[bflag:$0x0] =	sbarrier.arrive $0xFFFF  }
0x35: {  	s8 =	simm.s32 $0x0;
	s12 =	smov.u32 s5  }
.LBB2_13:
0x36: {  	_ =	swait.ge [sflag:s24], $0x4000  }
0x37: {  	[sflag:s24] =	ssyncset.done $0x0  }
0x38: {  	[sflag:s24] =	ssyncadd.s32 $0xFFFFC000  }
0x39: {  	[spmem:s2] =	stream.indirect.scatter.add.f32 [tilespmem:s19], [sflag:$0x4], $0x80, s25, s17, $0xb8;
	[tilespmem:$0x1C000] =	vst v63  }
.LBB2_25:
0x3a: {  	_ =	swait.ge [sflag:s21], $0x4000  }
0x3b: {  	[sflag:s21] =	ssyncset.done $0x0  }
0x3c: {  	[sflag:s21] =	ssyncadd.s32 $0xFFFFC000  }
0x3d: {  	[spmem:s2] =	stream.indirect.scatter.add.f32 [tilespmem:s18], [sflag:$0x3], $0x80, s29, s17, $0xb8;
	[tilespmem:$0x1C000] =	vst v63  }
.LBB2_34:
0x3e: {  	s8 =	sadd.s32 $0x1, s8  }
0x3f: {  	p0 =	sne.s32 s8, $0x4F  }
.Ltmp3:
0x40: {  	_ = 	snop;
	(pc) =	sbr.rel @!p0 .LBB2_35-.Ltmp3, $2  }
0x41: {  	_ =	sdelay $0x2  }
0x42: {  	s12 =	sadd.s32 $0x20, s12  }
.LBB2_2:
0x43: {  	s9 =	sand.u32 $0x3, s8  }
0x44: {  	p0 =	sgt.s32 s9, $0x1  }
.Ltmp4:
0x45: {  	_ = 	snop;
	(pc) =	sbr.rel @p0 .LBB2_26-.Ltmp4, $1  }
0x46: {  	_ =	sdelay $0x3  }
0x47: {  	p0 =	seq.s32 s9, $0x0  }
.Ltmp5:
0x48: {  	_ = 	snop;
	(pc) =	sbr.rel @!p0 .LBB2_11-.Ltmp5, $1  }
0x49: {  	_ =	sdelay $0x3  }
0x4a: {  	p0 =	seq.s32 s8, $0x0  }
.Ltmp6:
0x4b: {  	_ = 	snop;
	(pc) =	sbr.rel @p0 .LBB2_7-.Ltmp6, $1  }
0x4c: {  	_ =	sdelay $0x3  }
0x4d: {  	p0 =	seq.s32 s8, $0x4E  }
.Ltmp7:
0x4e: {  	_ = 	snop;
	(pc) =	sbr.rel @p0 .LBB2_10-.Ltmp7, $1  }
0x4f: {  	_ =	sdelay $0x3  }
0x50: {  	p0 =	sgt.u32 s8, $0x1  }
.Ltmp8:
0x51: {  	_ = 	snop;
	(pc) =	sbr.rel @!p0 .LBB2_7-.Ltmp8, $4  }
0x52: {  	_ = 	snop  }
0x53: {  	_ =	swait.ge [sflag:s22], $0x4000  }
0x54: {  	[sflag:s22] =	ssyncset.done $0x0  }
0x55: {  	[sflag:s22] =	ssyncadd.s32 $0xFFFFC000  }
0x56: {  	p0 =	sgt.u32 s8, $0x4B  }
.Ltmp9:
0x57: {  	_ = 	snop;
	(pc) =	sbr.rel @p0 .LBB2_10-.Ltmp9, $4  }
.Ltmp10:
0x58: {  	_ =	swait.ge [sflag:s23], $0x100;
	(pc) =	sbr.rel @!p0 .LBB2_9-.Ltmp10, $4  }
0x59: {  	[sflag:s23] =	ssyncset.done $0x0  }
0x5a: {  	[sflag:s23] =	ssyncadd.s32 $0xFFFFFF00  }
0x5b: {  	[tilespmem:s19], [sflag:$0x2] =	stream.indirect.gather [hbm4b:s4+s17], $0x80, s15, s17, $0xb8;
	[tilespmem:$0x1C000] =	vst v63  }
0x5c: {  	_ = 	snop  }
.LBB2_26:
0x5d: {  	p1 =	seq.s32 s9, $0x2  }
.Ltmp11:
0x5e: {  	_ = 	snop;
	(pc) =	sbr.rel @!p1 .LBB2_27-.Ltmp11, $2  }
0x5f: {  	_ =	sdelay $0x2  }
0x60: {  	p0 =	seq.s32 s8, $0x0  }
.Ltmp12:
0x61: {  	(pc) =	sbr.rel @p0 .LBB2_22-.Ltmp12, $1  }
0x62: {  	_ =	sdelay $0x3  }
0x63: {  	p0 =	seq.s32 s8, $0x4E  }
.Ltmp13:
0x64: {  	_ = 	snop;
	(pc) =	sbr.rel @p0 .LBB2_25-.Ltmp13, $1  }
0x65: {  	_ =	sdelay $0x3  }
0x66: {  	p0 =	sgt.u32 s8, $0x1  }
.Ltmp14:
0x67: {  	_ = 	snop;
	(pc) =	sbr.rel @!p0 .LBB2_22-.Ltmp14, $4  }
0x68: {  	_ = 	snop  }
0x69: {  	_ =	swait.ge [sflag:s22], $0x4000  }
0x6a: {  	[sflag:s22] =	ssyncset.done $0x0  }
0x6b: {  	[sflag:s22] =	ssyncadd.s32 $0xFFFFC000  }
0x6c: {  	p0 =	sgt.u32 s8, $0x4B  }
.Ltmp15:
0x6d: {  	_ = 	snop;
	(pc) =	sbr.rel @p0 .LBB2_25-.Ltmp15, $4  }
.Ltmp16:
0x6e: {  	_ =	swait.ge [sflag:s30], $0x100;
	(pc) =	sbr.rel @!p0 .LBB2_24-.Ltmp16, $4  }
0x6f: {  	[sflag:s30] =	ssyncset.done $0x0  }
0x70: {  	[sflag:s30] =	ssyncadd.s32 $0xFFFFFF00  }
0x71: {  	[tilespmem:s19], [sflag:$0x2] =	stream.indirect.gather [hbm4b:s4+s17], $0x80, s20, s17, $0xb8;
	[tilespmem:$0x1C000] =	vst v63  }
0x72: {  	_ = 	snop  }
.LBB2_11:
0x73: {  	p0 =	seq.s32 s8, $0x0  }
.Ltmp17:
0x74: {  	_ = 	snop;
	(pc) =	sbr.rel @p0 .LBB2_15-.Ltmp17, $1  }
0x75: {  	_ =	sdelay $0x3  }
0x76: {  	p0 =	sne.s32 s8, $0x4E  }
.Ltmp18:
0x77: {  	_ = 	snop;
	(pc) =	sbr.rel @!p0 .LBB2_13-.Ltmp18, $1  }
0x78: {  	_ =	sdelay $0x3  }
0x79: {  	p0 =	sgt.u32 s8, $0x1  }
.Ltmp19:
0x7a: {  	_ = 	snop;
	(pc) =	sbr.rel @!p0 .LBB2_15-.Ltmp19, $4  }
0x7b: {  	_ = 	snop  }
0x7c: {  	_ =	swait.ge [sflag:s26], $0x4000  }
0x7d: {  	[sflag:s26] =	ssyncset.done $0x0  }
0x7e: {  	[sflag:s26] =	ssyncadd.s32 $0xFFFFC000  }
0x7f: {  	p0 =	slt.u32 s8, $0x4C  }
.Ltmp20:
0x80: {  	_ = 	snop;
	(pc) =	sbr.rel @p0 .LBB2_16-.Ltmp20, $4  }
0x81: {  	_ =	swait.ge [sflag:s28], $0x100  }
0x82: {  	[sflag:s28] =	ssyncset.done $0x0  }
0x83: {  	[sflag:s28] =	ssyncadd.s32 $0xFFFFFF00  }
0x84: {  	[tilespmem:s18], [sflag:$0x1] =	stream.indirect.gather [hbm4b:s4+s17], $0x80, s16, s17, $0xb8;
	[tilespmem:$0x1C000] =	vst v63  }
.Ltmp21:
0x85: {  	(pc) =	sbr.rel .LBB2_34-.Ltmp21, $4  }
0x86: {  	_ =	swait.ge [sflag:s24], $0x4000  }
0x87: {  	[sflag:s24] =	ssyncset.done $0x0  }
0x88: {  	[sflag:s24] =	ssyncadd.s32 $0xFFFFC000  }
0x89: {  	[spmem:s2] =	stream.indirect.scatter.add.f32 [tilespmem:s19], [sflag:$0x4], $0x80, s25, s17, $0xb8;
	[tilespmem:$0x1C000] =	vst v63  }
.LBB2_27:
.Ltmp22:
0x8a: {  	(pc) =	sbr.rel @p0 .LBB2_30-.Ltmp22, $1  }
0x8b: {  	_ =	sdelay $0x3  }
0x8c: {  	p0 =	seq.s32 s8, $0x4E  }
.Ltmp23:
0x8d: {  	_ = 	snop;
	(pc) =	sbr.rel @p0 .LBB2_33-.Ltmp23, $1  }
0x8e: {  	_ =	sdelay $0x3  }
0x8f: {  	p0 =	sgt.u32 s8, $0x1  }
.Ltmp24:
0x90: {  	_ = 	snop;
	(pc) =	sbr.rel @!p0 .LBB2_30-.Ltmp24, $4  }
0x91: {  	_ = 	snop  }
0x92: {  	_ =	swait.ge [sflag:s26], $0x4000  }
0x93: {  	[sflag:s26] =	ssyncset.done $0x0  }
0x94: {  	[sflag:s26] =	ssyncadd.s32 $0xFFFFC000  }
0x95: {  	p0 =	sgt.u32 s8, $0x4B  }
.Ltmp25:
0x96: {  	_ = 	snop;
	(pc) =	sbr.rel @p0 .LBB2_33-.Ltmp25, $4  }
.Ltmp26:
0x97: {  	_ =	swait.ge [sflag:s0], $0x100;
	(pc) =	sbr.rel @!p0 .LBB2_32-.Ltmp26, $4  }
0x98: {  	[sflag:s0] =	ssyncset.done $0x0  }
0x99: {  	[sflag:s0] =	ssyncadd.s32 $0xFFFFFF00  }
0x9a: {  	[tilespmem:s18], [sflag:$0x1] =	stream.indirect.gather [hbm4b:s4+s17], $0x80, s3, s17, $0xb8;
	[tilespmem:$0x1C000] =	vst v63  }
0x9b: {  	_ = 	snop  }
.LBB2_7:
0x9c: {  	[tilespmem:s19], [sflag:$0x2] =	stream.indirect.gather [hbm4b:s4+s17], $0x80, s15, s17, $0xb8;
	[tilespmem:$0x1C000] =	vst v63  }
.LBB2_9:
0x9d: {  	[tilespmem:s20], [sflag:$0x8] =	stream.linear.gather [hbm4b:s12+s3], $0x100, $0x38;
	[tilespmem:$0x1C000] =	vst v63  }
.LBB2_10:
.Ltmp27:
0x9e: {  	(pc) =	sbr.rel .LBB2_34-.Ltmp27, $4  }
0x9f: {  	_ =	swait.ge [sflag:s21], $0x4000  }
0xa0: {  	[sflag:s21] =	ssyncset.done $0x0  }
0xa1: {  	[sflag:s21] =	ssyncadd.s32 $0xFFFFC000  }
0xa2: {  	[spmem:s2] =	stream.indirect.scatter.add.f32 [tilespmem:s18], [sflag:$0x3], $0x80, s17, s17, $0xb8;
	[tilespmem:$0x1C000] =	vst v63  }
.LBB2_22:
0xa3: {  	[tilespmem:s19], [sflag:$0x2] =	stream.indirect.gather [hbm4b:s4+s17], $0x80, s20, s17, $0xb8;
	[tilespmem:$0x1C000] =	vst v63  }
.LBB2_24:
.Ltmp28:
0xa4: {  	(pc) =	sbr.rel .LBB2_25-.Ltmp28, $2  }
0xa5: {  	_ =	sdelay $0x2  }
0xa6: {  	[tilespmem:s15], [sflag:$0x6] =	stream.linear.gather [hbm4b:s12+s3], $0x100, $0x38;
	[tilespmem:$0x1C000] =	vst v63  }
.LBB2_15:
0xa7: {  	[tilespmem:s18], [sflag:$0x1] =	stream.indirect.gather [hbm4b:s4+s17], $0x80, s16, s17, $0xb8;
	[tilespmem:$0x1C000] =	vst v63  }
.LBB2_16:
0xa8: {  	[tilespmem:s3], [sflag:$0x5] =	stream.linear.gather [hbm4b:s12+s3], $0x100, $0x38;
	[tilespmem:$0x1C000] =	vst v63  }
.Ltmp29:
0xa9: {  	_ = 	snop;
	(pc) =	sbr.rel .LBB2_34-.Ltmp29, $4  }
0xaa: {  	_ =	swait.ge [sflag:s24], $0x4000  }
0xab: {  	[sflag:s24] =	ssyncset.done $0x0  }
0xac: {  	[sflag:s24] =	ssyncadd.s32 $0xFFFFC000  }
0xad: {  	[spmem:s2] =	stream.indirect.scatter.add.f32 [tilespmem:s19], [sflag:$0x4], $0x80, s25, s17, $0xb8;
	[tilespmem:$0x1C000] =	vst v63  }
.LBB2_30:
0xae: {  	[tilespmem:s18], [sflag:$0x1] =	stream.indirect.gather [hbm4b:s4+s17], $0x80, s3, s17, $0xb8;
	[tilespmem:$0x1C000] =	vst v63  }
.LBB2_32:
0xaf: {  	[tilespmem:s16], [sflag:$0x7] =	stream.linear.gather [hbm4b:s12+s3], $0x100, $0x38;
	[tilespmem:$0x1C000] =	vst v63  }
.LBB2_33:
.Ltmp30:
0xb0: {  	(pc) =	sbr.rel .LBB2_34-.Ltmp30, $4  }
0xb1: {  	_ =	swait.ge [sflag:s24], $0x4000  }
0xb2: {  	[sflag:s24] =	ssyncset.done $0x0  }
0xb3: {  	[sflag:s24] =	ssyncadd.s32 $0xFFFFC000  }
0xb4: {  	[spmem:s2] =	stream.indirect.scatter.add.f32 [tilespmem:s19], [sflag:$0x4], $0x80, s31, s17, $0xb8;
	[tilespmem:$0x1C000] =	vst v63  }
.LBB2_36:
0xb5: {  	_ =	sfence.sel $0x180000  }
0xb6: {  	[bflag:$0x0] =	sbarrier.arrive $0xFFFF  }
0xb7: {  	_ =	strace $0x90000050  }
0xb8: {  	s0 =	stileid.u32;
	[bflag:$0x2] =	sbarrier.arrive $0xFFFF  }
0xb9: {  	p0 =	sne.s32 s0, $0x0;
	s0 =	rddreg [dreg:$0x2]  }
0xba: {  	s0 =	sadd.s32 @!p0 $0x100000, s0  }
0xbb: {  	[sflag:s0] =	ssyncadd.tile.s32 @!p0 $0x1;
	_ =	shalt  }
.Lfunc_end2:
_tile_overlayer_lowered:
.L_overlay_start_2:
0xbc: {  	(tag) =	ssettag $0x2  }
0xbd: {  	s0 =	rddreg [dreg:$0x0];
	s2 =	stileid.u32  }
0xbe: {  	s1 =	rddreg [dreg:$0x1];
	p0 =	sne.s32 s2, $0x0  }
0xbf: {  	s3 =	rddreg [dreg:$0x2];
	[bflag:$0x3] =	sbarrier.arrive $0xFFFF;
	s2 =	simm.s32 @!p0 $0x1C09  }
0xc0: {  	[timem:s3], [sflag:s2] =	dma.local @!p0 [hbm:s0], s1  }
0xc1: {  	s0 =	simm.s32 @!p0 $0x9  }
0xc2: {  	_ =	swait.ge @!p0 [sflag:s0], s1  }
0xc3: {  	s1 =	ssub.s32 @!p0 $0x0, s1;
	[sflag:s0] =	ssyncset.done @!p0 $0x0  }
0xc4: {  	[sflag:s0] =	ssyncadd.s32 @!p0 s1  }
0xc5: {  	[bflag:$0x3] =	sbarrier.arrive $0xFFFF  }
0xc6: {  	_ =	shalt  }

// kernel: kernel.23.cloned.1.call-start
scs
__scs_entry_jumppad:
0x0: {  	(pc) =	sbr.rel $0x88, $3  }
0x1: {  	(tag) =	ssettag $0x0;
	lr =	simm.s32 $0x1  }
0x2: {  	[smem:$0x3F97] =	sst lr;
	_ =	strace $0xD0000000  }
0x3: {  	_ = 	snop  }
0x4: {  	_ = 	snop  }
0x5: {  	_ = 	snop  }
0x6: {  	_ = 	snop  }
0x7: {  	_ = 	snop  }
__scs_overlays_trampoline_lowered:
0x8: {  	[smem:$0x3FA6] =	sst s0  }
0x9: {  	[smem:$0x3FA7] =	sst s1  }
0xa: {  	[smem:$0x3FA8] =	sst s2  }
0xb: {  	[smem:$0x3FA9] =	sst s3  }
0xc: {  	[smem:$0x3FAA] =	sst s4  }
0xd: {  	[smem:$0x3FAB] =	sst s5  }
0xe: {  	[smem:$0x3FAC] =	sst s6  }
0xf: {  	[smem:$0x3FAD] =	sst s7  }
0x10: {  	[smem:$0x3FAE] =	sst s8  }
0x11: {  	[smem:$0x3FAF] =	sst s9;
	s0 =	simm.s32 @!p0 $0x0  }
0x12: {  	s1 =	sld [smem:$0x3F95];
	s0 =	simm.s32 @p0 $0x1  }
0x13: {  	[smem:$0x3FB0] =	sst s0;
	s0 =	simm.s32 @!p1 $0x0  }
0x14: {  	s2 =	sld [smem:$0x3F94];
	s0 =	simm.s32 @p1 $0x1  }
0x15: {  	[smem:$0x3FB1] =	sst s0;
	s0 =	simm.s32 @!p2 $0x0  }
0x16: {  	s3 =	sld [smem:$0x3FDB];
	s0 =	simm.s32 @p2 $0x1  }
0x17: {  	s4 =	simm.s32 $0x1BF5;
	[smem:$0x3FB3] =	sst s0  }
0x18: {  	s0 =	sld [smem:$0x3F96];
	_ =	swait.ge [sflag:s4], $0x0  }
0x19: {  	s7 =	sld [smem:$0x3F97]  }
0x1a: {  	s8 =	sadd.s32 $0xFFFFE003, lr  }
0x1b: {  	s9 =	sadd.s32 $0xFFFFFEF7, lr;
	s5 =	simm.s32 $0xFFFFFFFF;
	p2 =	slt.u32 s8, $0xFFFFF086  }
0x1c: {  	p1 =	slt.u32 s9, $0xF7A;
	s5 =	simm.s32 @!p2 $0x0  }
0x1d: {  	s5 =	simm.s32 @p1 $0x1;
	p0 =	seq.s32 s7, s2  }
0x1e: {  	s7 =	smul.u32 @!p0 $0xF7A, s2;
	p2 =	seq.s32 @!p0 s5, $0x0  }
0x1f: {  	s9 =	smul.u32 $0xF7A, s1;
	s8 =	simm.s32 @!p0 $0x1BF5;
	p2 =	por !p2, p0  }
0x20: {  	[sflag:s8] =	ssyncset.s32 @!p0 $0xFFFFF086;
	s6 =	sadd.s32 @!p0 s3, s7;
	s7 =	simm.s32 @!p0 $0x108  }
0x21: {  	s3 =	sadd.s32 s3, s9;
	s6 =	sadd.s32 @!p0 $0x88, s6;
	s7 =	simm.s32 @p2 $0x1082  }
0x22: {  	[simem:s7], [sflag:s8] =	dma.local @!p0 [hbm:s6], $0xF7A  }
0x23: {  	s9 =	sor.u32 $0xD0000000, s2;
	s6 =	simm.s32 $0x108;
	_ =	swait.ge @!p0 [sflag:s8], $0x0  }
0x24: {  	s3 =	sadd.s32 $0x88, s3;
	s6 =	simm.s32 @!p1 $0x1082;
	[sflag:s4] =	ssyncset.s32 $0xFFFFF086  }
0x25: {  	[simem:s6], [sflag:s4] =	dma.local [hbm:s3], $0xF7A  }
0x26: {  	[smem:$0x3F97] =	sst s1;
	(tag) =	ssettag s2;
	_ =	strace s9  }
0x27: {  	s1 =	sld [smem:$0x3FA7]  }
0x28: {  	s2 =	sld [smem:$0x3FA8]  }
0x29: {  	s4 =	sld [smem:$0x3FAA]  }
0x2a: {  	p0 =	seq.s32 s5, $0x0;
	s5 =	sld [smem:$0x3FAB]  }
0x2b: {  	s6 =	sld [smem:$0x3FAC]  }
0x2c: {  	s7 =	sld [smem:$0x3FAD]  }
0x2d: {  	s3 =	simm.s32 $0x108;
	s8 =	sld [smem:$0x3FAE]  }
0x2e: {  	s3 =	simm.s32 @!p0 $0x1082;
	s9 =	sld [smem:$0x3FAF]  }
0x2f: {  	lr =	sadd.s32 s0, s3;
	s0 =	sld [smem:$0x3FA6]  }
0x30: {  	s3 =	sld [smem:$0x3FA9]  }
0x31: {  	[smem:$0x3FB2] =	sst s10  }
0x32: {  	s10 =	sld [smem:$0x3FB0];
	_ =	sdelay $0x3  }
0x33: {  	p0 =	seq.s32 s10, $0x1;
	s10 =	sld [smem:$0x3FB2];
	_ =	sdelay $0x3  }
0x34: {  	[smem:$0x3FB2] =	sst s10  }
0x35: {  	s10 =	sld [smem:$0x3FB1];
	_ =	sdelay $0x3  }
0x36: {  	p1 =	seq.s32 s10, $0x1;
	s10 =	sld [smem:$0x3FB2];
	_ =	sdelay $0x3  }
0x37: {  	[smem:$0x3FB2] =	sst s10  }
0x38: {  	s10 =	sld [smem:$0x3FB3]  }
0x39: {  	_ = 	snop;
	(pc) =	sbr.ind lr, $3  }
0x3a: {  	_ = 	snop  }
0x3b: {  	_ = 	snop  }
0x3c: {  	p2 =	seq.s32 s10, $0x1;
	s10 =	sld [smem:$0x3FB2]  }
0x3d: {  	_ =	shalt  }
0x3e: {  	_ =	shalt  }
0x3f: {  	_ =	shalt  }
0x40: {  	_ =	shalt  }
0x41: {  	_ =	shalt  }
0x42: {  	_ =	shalt  }
0x43: {  	_ =	shalt  }
0x44: {  	_ =	shalt  }
0x45: {  	_ =	shalt  }
0x46: {  	_ =	shalt  }
0x47: {  	_ =	shalt  }
0x48: {  	_ =	shalt  }
0x49: {  	_ =	shalt  }
0x4a: {  	_ =	shalt  }
0x4b: {  	_ =	shalt  }
0x4c: {  	_ =	shalt  }
0x4d: {  	_ =	shalt  }
0x4e: {  	_ =	shalt  }
0x4f: {  	_ =	shalt  }
0x50: {  	_ =	shalt  }
0x51: {  	_ =	shalt  }
0x52: {  	_ =	shalt  }
0x53: {  	_ =	shalt  }
0x54: {  	_ =	shalt  }
0x55: {  	_ =	shalt  }
0x56: {  	_ =	shalt  }
0x57: {  	_ =	shalt  }
0x58: {  	_ =	shalt  }
0x59: {  	_ =	shalt  }
0x5a: {  	_ =	shalt  }
0x5b: {  	_ =	shalt  }
0x5c: {  	_ =	shalt  }
0x5d: {  	_ =	shalt  }
0x5e: {  	_ =	shalt  }
0x5f: {  	_ =	shalt  }
0x60: {  	_ =	shalt  }
0x61: {  	_ =	shalt  }
0x62: {  	_ =	shalt  }
0x63: {  	_ =	shalt  }
0x64: {  	_ =	shalt  }
0x65: {  	_ =	shalt  }
0x66: {  	_ =	shalt  }
0x67: {  	_ =	shalt  }
0x68: {  	_ =	shalt  }
0x69: {  	_ =	shalt  }
0x6a: {  	_ =	shalt  }
0x6b: {  	_ =	shalt  }
0x6c: {  	_ =	shalt  }
0x6d: {  	_ =	shalt  }
0x6e: {  	_ =	shalt  }
0x6f: {  	_ =	shalt  }
0x70: {  	_ =	shalt  }
0x71: {  	_ =	shalt  }
0x72: {  	_ =	shalt  }
0x73: {  	_ =	shalt  }
0x74: {  	_ =	shalt  }
0x75: {  	_ =	shalt  }
0x76: {  	_ =	shalt  }
0x77: {  	_ =	shalt  }
0x78: {  	_ =	shalt  }
0x79: {  	_ =	shalt  }
0x7a: {  	_ =	shalt  }
0x7b: {  	_ =	shalt  }
0x7c: {  	_ =	shalt  }
0x7d: {  	_ =	shalt  }
0x7e: {  	_ =	shalt  }
0x7f: {  	_ =	shalt  }
0x80: {  	_ =	shalt  }
0x81: {  	_ =	shalt  }
0x82: {  	_ =	shalt  }
0x83: {  	_ =	shalt  }
0x84: {  	_ =	shalt  }
0x85: {  	_ =	shalt  }
0x86: {  	_ =	shalt  }
0x87: {  	_ =	shalt  }
.Lfunc_end0:
.L_simem_size_0:
called_computation.4_lowered:
.L_overlay_start_0:
0x88: {  	s2 =	sld [smem:$0x3FD9]  }
0x89: {  	s3 =	sld [smem:$0x3FFE];
	_ =	sdelay $0x1  }
0x8a: {  	s1 =	srdreg.scid  }
0x8b: {  	s0 =	sand.u32 $0x1, s1  }
0x8c: {  	s17 =	sshll.u32 s0, $0xA;
	s2 =	sadd.s32 s3, s2  }
0x8d: {  	s2 =	sadd.s32 s2, s17  }
0x8e: {  	[smem:$0x3FBE] =	sst s2  }
0x8f: {  	_ = 	snop  }
0x90: {  	s2 =	sld [smem:$0x3FD0];
	(tm) =	ssettm $0x1  }
0x91: {  	s18 =	sld [smem:$0x3FFB];
	_ =	sdelay $0x3  }
0x92: {  	_ =	strace s18  }
0x93: {  	s3 =	sld [smem:$0x3FFC];
	_ =	sdelay $0x3  }
0x94: {  	_ =	strace s3  }
0x95: {  	s3 =	sld [smem:$0x3FFD];
	_ =	sdelay $0x3  }
0x96: {  	_ =	strace s3  }
0x97: {  	_ =	strace $0x8FFFFFFF  }
0x98: {  	s19 =	sld [smem:$0x3FDB];
	_ =	sdelay $0x1  }
0x99: {  	s4 =	simm.s32 $_scs_section_size  }
0x9a: {  	s5 =	simm.s32 $_size__tile_overlayer_lowered;
	s6 =	simm.s32 $_tile_overlayer_lowered  }
0x9b: {  	s22 =	simm.s32 $0x1BFF;
	s21 =	sshll.u32 s6, $0x1;
	s3 =	sadd.s32 s4, s19  }
0x9c: {  	s7 =	simm.s32 $0x0;
	s20 =	sshll.u32 s5, $0x1;
	s5 =	sadd.s32 s21, s3  }
0x9d: {  	[timem:s7], [sflag:s22] =	dma.local [hbm:s5], s20  }
0x9e: {  	_ =	swait.ge [sflag:s22], s20  }
0x9f: {  	s4 =	ssub.s32 $0x0, s20;
	[sflag:s22] =	ssyncset.done $0x0  }
0xa0: {  	[sflag:s22] =	ssyncadd.s32 s4;
	_ =	sdelay $0x1  }
0xa1: {  	s23 =	simm.s32 $0x1B8B  }
0xa2: {  	_ =	swait.ge [sflag:s23], $0x1  }
0xa3: {  	[sflag:s23] =	ssyncset.done $0x0  }
0xa4: {  	s25 =	simm.s32 $0x1B8E;
	s24 =	sld [smem:$0x3FFE];
	[sflag:s23] =	ssyncadd.s32 $0xFFFFFFFF  }
0xa5: {  	s26 =	simm.s32 $execute0_lowered;
	[smem:$0x3FD2] =	sst s25  }
0xa6: {  	s5 =	sshll.u32 s26, $0x1;
	_ =	strace $0x80000052;
	[dreg:$0x1] =	wrdreg $0xFFFFFFFF  }
0xa7: {  	s28 =	simm.s32 $_size_execute0_lowered;
	s3 =	sadd.s32 s3, s5;
	[dreg:$0x0] =	wrdreg $0x0  }
0xa8: {  	s5 =	sshll.u32 s28, $0x1;
	[dreg:$0x2] =	wrdreg s3  }
0xa9: {  	[dreg:$0x3] =	wrdreg s5  }
0xaa: {  	[dreg:$0x4] =	wrdreg $0xC0  }
0xab: {  	_ =	task [dreg:s7], $0x5FFFF  }
0xac: {  	[dreg:$0x1] =	wrdreg $0xFFFFFFFF  }
0xad: {  	[dreg:$0x0] =	wrdreg $0x60  }
0xae: {  	[dreg:$0x2] =	wrdreg s24  }
0xaf: {  	[dreg:$0x3] =	wrdreg s2  }
0xb0: {  	[dreg:$0x4] =	wrdreg $0x84000  }
0xb1: {  	[dreg:$0x5] =	wrdreg $0x9  }
0xb2: {  	_ =	task.clear_ibuf [dreg:s7], $0x6FFFF;
	_ =	strace $0x90000052  }
0xb3: {  	s29 =	simm.s32 $0x9;
	_ =	strace $0x80000054  }
0xb4: {  	_ =	swait.ge [sflag:s29], $0x1  }
0xb5: {  	[sflag:s29] =	ssyncadd.s32 $0xFFFFFFFF  }
0xb6: {  	_ =	strace $0x90000054  }
0xb7: {  	_ =	sfence  }
0xb8: {  	s30 =	sld [smem:$0x0];
	_ =	sdelay $0x2  }
0xb9: {  	s31 =	sshll.u32 s1, $0xD;
	s1 =	sshrl.u32 s1, $0x2  }
0xba: {  	s3 =	sand.u32 $0x4000, s31;
	s1 =	sadd.s32 s1, s30  }
0xbb: {  	s0 =	sor.u32 s3, s0;
	s1 =	sshll.u32 s1, $0x11  }
0xbc: {  	s0 =	sor.u32 s1, s0  }
0xbd: {  	s0 =	sadd.s32 $0x8F2B, s0  }
0xbe: {  	[sflag:s0] =	ssyncadd.remote.s32 $0x1  }
0xbf: {  	_ =	sfence.sel $0xFFFF  }
0xc0: {  	[dreg:$0x0] =	wrdreg $0xFFFFFFFF;
	(pc) =	sbr.abs _section_cstart, $3  }
0xc1: {  	[dreg:$0x1] =	wrdreg $0xFFFFFFFF  }
0xc2: {  	_ =	task.clear_ibuf [dreg:s7], $0x2FFFF;
	_ =	strace $0x9FFFFFFF  }
0xc3: {  	(tm) =	ssettm $0x7FFFFFFF  }
tec
execute0_lowered:
.L_overlay_start_1:
0x0: {  	(tag) =	ssettag $0x1  }
0x1: {  	s0 =	rddreg [dreg:$0x0]  }
0x2: {  	s1 =	rddreg [dreg:$0x1]  }
0x3: {  	s2 =	rddreg [dreg:$0x2]  }
0x4: {  	s3 =	simm.s32 $0x0;
	s13 =	stileid.u32;
	s4 =	srdreg.scid  }
0x5: {  	s14 =	simm.s32 $0x9;
	s15 =	simm.s32 $0x100;
	s16 =	simm.s32 $0x200  }
0x6: {  	s28 =	simm.s32 $0x7;
	s29 =	simm.s32 $0x280;
	s30 =	simm.s32 $0x8  }
0x7: {  	s31 =	simm.s32 $0x380;
	[smem:$0x7FF] =	sst s3;
	s5 =	smul.u32 $0x2780, s13  }
0x8: {  	s6 =	sand.u32 $0x1, s4;
	s4 =	sadd.s32 $0x4000, s0;
	s17 =	smul.u32 $0x4F000, s13  }
0x9: {  	s19 =	smul.u32 $0x4F00, s13;
	s21 =	sshll.u32 s13, $0x6;
	_ =	strace $0x80000053  }
0xa: {  	s7 =	smul.u32 $0x27800, s6;
	s9 =	sshll.u32 s6, $0x4;
	s18 =	ssub.s32 $0x2, s6  }
0xb: {  	s11 =	smul.u32 $0x4F000, s6;
	s6 =	sor.u32 $0x1C09, s21;
	s21 =	simm.s32 $0x1  }
0xc: {  	s8 =	sadd.s32 s5, s0;
	s9 =	sor.u32 s13, s9;
	s10 =	sshrl.u32 s18, $0x1  }
0xd: {  	s5 =	sadd.s32 s5, s7;
	s9 =	smul.u32 $0x4F00, s9;
	s7 =	sshrl.u32 s17, $0x2  }
0xe: {  	s20 =	sadd.s32 $0x3F400, s8;
	s23 =	sadd.s32 s19, s11;
	s17 =	simm.s32 $0x80  }
0xf: {  	s19 =	simm.s32 $0x4400;
	s0 =	sadd.s32 s5, s0;
	s5 =	ssub.s32 s18, s10  }
0x10: {  	s12 =	sadd.s32 s7, s2;
	[dreg:$0x4] =	wrdreg s20;
	s8 =	sadd.s32 $0x300, s23  }
0x11: {  	s18 =	simm.s32 $0x400;
	s20 =	simm.s32 $0x300;
	s23 =	simm.s32 $0x6  }
0x12: {  	s22 =	sshrl.u32 s9, $0x3;
	s10 =	sadd.s32 $0x66C00, s0;
	s11 =	smax.u32 s5, $0x1  }
.Ltmp0:
0x13: {  	s26 =	sshrl.u32 s8, $0x3;
	s13 =	sshrl.u32 s12, $0x3;
	(pc) =	sbr.rel .LBB2_1-.Ltmp0, $4  }
0x14: {  	s0 =	simm.s32 $0x5;
	s7 =	sadd.s32 s1, s22;
	s5 =	sadd.s32 s26, s1  }
0x15: {  	s22 =	simm.s32 $0x4;
	s26 =	simm.s32 $0x3;
	s24 =	sadd.s32 $0x20, s7  }
0x16: {  	s1 =	simm.s32 $0x0;
	s25 =	sadd.s32 $0x40, s7;
	[dreg:$0x5] =	wrdreg s24  }
0x17: {  	[dreg:$0x6] =	wrdreg s25;
	s24 =	simm.s32 $0x2;
	s25 =	simm.s32 $0x180  }
.LBB2_35:
0x18: {  	_ =	swait.ge [sflag:s22], $0x4000  }
0x19: {  	[sflag:s22] =	ssyncset.done $0x0  }
0x1a: {  	[sflag:s22] =	ssyncadd.s32 $0xFFFFC000  }
0x1b: {  	_ =	swait.ge [sflag:s26], $0x4000  }
0x1c: {  	s1 =	sadd.s32 $0x1, s1;
	[sflag:s26] =	ssyncset.done $0x0  }
0x1d: {  	p0 =	sne.s32 s1, s11;
	[sflag:s26] =	ssyncadd.s32 $0xFFFFC000  }
.Ltmp1:
0x1e: {  	[bflag:$0x0] =	sbarrier.arrive $0xFFFF;
	(pc) =	sbr.rel @!p0 .LBB2_36-.Ltmp1, $4  }
0x1f: {  	[hbm:s10], [sflag:s6] =	dma.local [spmem:s13], $0x2780  }
0x20: {  	_ =	swait.ge [sflag:s14], $0x2780  }
0x21: {  	[sflag:s14] =	ssyncset.done $0x0  }
0x22: {  	[sflag:s14] =	ssyncadd.s32 $0xFFFFD880  }
.LBB2_1:
0x23: {  	s8 =	rddreg [dreg:$0x4]  }
0x24: {  	[spmem:s13], [sflag:s6] =	dma.local [hbm:s8], $0x2780  }
0x25: {  	_ =	swait.ge [sflag:s14], $0x2780  }
0x26: {  	[sflag:s14] =	ssyncset.done $0x0  }
0x27: {  	[sflag:s14] =	ssyncadd.s32 $0xFFFFD880  }
0x28: {  	[tilespmem:s3], [sflag:$0x9] =	stream.linear.gather [hbm4b:s7+s3], $0x100, $0x38;
	[tilespmem:$0x1C000] =	vst v63  }
0x29: {  	_ =	swait.ge [sflag:s14], $0x100  }
0x2a: {  	[sflag:s14] =	ssyncset.done $0x0  }
0x2b: {  	s9 =	rddreg [dreg:$0x5];
	[sflag:s14] =	ssyncadd.s32 $0xFFFFFF00  }
0x2c: {  	[tilespmem:s15], [sflag:$0x9] =	stream.linear.gather [hbm4b:s9+s3], $0x100, $0x38;
	[tilespmem:$0x1C000] =	vst v63  }
0x2d: {  	_ =	swait.ge [sflag:s14], $0x100  }
0x2e: {  	[sflag:s14] =	ssyncset.done $0x0  }
0x2f: {  	s12 =	rddreg [dreg:$0x6];
	[sflag:s14] =	ssyncadd.s32 $0xFFFFFF00  }
0x30: {  	[tilespmem:s16], [sflag:$0x9] =	stream.linear.gather [hbm4b:s12+s3], $0x100, $0x38;
	[tilespmem:$0x1C000] =	vst v63  }
0x31: {  	_ =	swait.ge [sflag:s14], $0x100  }
.Ltmp2:
0x32: {  	[sflag:s14] =	ssyncset.done $0x0;
	(pc) =	sbr.rel .LBB2_2-.Ltmp2, $4  }
0x33: {  	[sflag:s14] =	ssyncadd.s32 $0xFFFFFF00  }
0x34: {  	[tilespmem:s18], [sflag:$0x1] =	stream.indirect.gather [hbm4b:s4+s17], $0x80, s3, s17, $0xb8;
	[tilespmem:$0x1C000] =	vst v63  }
0x35: {  	[bflag:$0x0] =	sbarrier.arrive $0xFFFF  }
0x36: {  	s8 =	simm.s32 $0x0;
	s12 =	smov.u32 s5  }
.LBB2_13:
0x37: {  	_ =	swait.ge [sflag:s24], $0x4000  }
0x38: {  	[sflag:s24] =	ssyncset.done $0x0  }
0x39: {  	[sflag:s24] =	ssyncadd.s32 $0xFFFFC000  }
0x3a: {  	[spmem:s2] =	stream.indirect.scatter.add.f32 [tilespmem:s19], [sflag:$0x4], $0x80, s25, s17, $0xb8;
	[tilespmem:$0x1C000] =	vst v63  }
.LBB2_25:
0x3b: {  	_ =	swait.ge [sflag:s21], $0x4000  }
0x3c: {  	[sflag:s21] =	ssyncset.done $0x0  }
0x3d: {  	[sflag:s21] =	ssyncadd.s32 $0xFFFFC000  }
0x3e: {  	[spmem:s2] =	stream.indirect.scatter.add.f32 [tilespmem:s18], [sflag:$0x3], $0x80, s29, s17, $0xb8;
	[tilespmem:$0x1C000] =	vst v63  }
.LBB2_34:
0x3f: {  	s8 =	sadd.s32 $0x1, s8  }
0x40: {  	p0 =	sne.s32 s8, $0x4F  }
.Ltmp3:
0x41: {  	_ = 	snop;
	(pc) =	sbr.rel @!p0 .LBB2_35-.Ltmp3, $2  }
0x42: {  	_ =	sdelay $0x2  }
0x43: {  	s12 =	sadd.s32 $0x20, s12  }
.LBB2_2:
0x44: {  	s9 =	sand.u32 $0x3, s8  }
0x45: {  	p0 =	sgt.s32 s9, $0x1  }
.Ltmp4:
0x46: {  	_ = 	snop;
	(pc) =	sbr.rel @p0 .LBB2_26-.Ltmp4, $1  }
0x47: {  	_ =	sdelay $0x3  }
0x48: {  	p0 =	seq.s32 s9, $0x0  }
.Ltmp5:
0x49: {  	_ = 	snop;
	(pc) =	sbr.rel @!p0 .LBB2_11-.Ltmp5, $1  }
0x4a: {  	_ =	sdelay $0x3  }
0x4b: {  	p0 =	seq.s32 s8, $0x0  }
.Ltmp6:
0x4c: {  	_ = 	snop;
	(pc) =	sbr.rel @p0 .LBB2_7-.Ltmp6, $1  }
0x4d: {  	_ =	sdelay $0x3  }
0x4e: {  	p0 =	seq.s32 s8, $0x4E  }
.Ltmp7:
0x4f: {  	_ = 	snop;
	(pc) =	sbr.rel @p0 .LBB2_10-.Ltmp7, $1  }
0x50: {  	_ =	sdelay $0x3  }
0x51: {  	p0 =	sgt.u32 s8, $0x1  }
.Ltmp8:
0x52: {  	_ = 	snop;
	(pc) =	sbr.rel @!p0 .LBB2_7-.Ltmp8, $4  }
0x53: {  	_ = 	snop  }
0x54: {  	_ =	swait.ge [sflag:s22], $0x4000  }
0x55: {  	[sflag:s22] =	ssyncset.done $0x0  }
0x56: {  	[sflag:s22] =	ssyncadd.s32 $0xFFFFC000  }
0x57: {  	p0 =	sgt.u32 s8, $0x4B  }
.Ltmp9:
0x58: {  	_ = 	snop;
	(pc) =	sbr.rel @p0 .LBB2_10-.Ltmp9, $4  }
.Ltmp10:
0x59: {  	_ =	swait.ge [sflag:s23], $0x100;
	(pc) =	sbr.rel @!p0 .LBB2_9-.Ltmp10, $4  }
0x5a: {  	[sflag:s23] =	ssyncset.done $0x0  }
0x5b: {  	[sflag:s23] =	ssyncadd.s32 $0xFFFFFF00  }
0x5c: {  	[tilespmem:s19], [sflag:$0x2] =	stream.indirect.gather [hbm4b:s4+s17], $0x80, s15, s17, $0xb8;
	[tilespmem:$0x1C000] =	vst v63  }
0x5d: {  	_ = 	snop  }
.LBB2_26:
0x5e: {  	p1 =	seq.s32 s9, $0x2  }
.Ltmp11:
0x5f: {  	_ = 	snop;
	(pc) =	sbr.rel @!p1 .LBB2_27-.Ltmp11, $2  }
0x60: {  	_ =	sdelay $0x2  }
0x61: {  	p0 =	seq.s32 s8, $0x0  }
.Ltmp12:
0x62: {  	(pc) =	sbr.rel @p0 .LBB2_22-.Ltmp12, $1  }
0x63: {  	_ =	sdelay $0x3  }
0x64: {  	p0 =	seq.s32 s8, $0x4E  }
.Ltmp13:
0x65: {  	_ = 	snop;
	(pc) =	sbr.rel @p0 .LBB2_25-.Ltmp13, $1  }
0x66: {  	_ =	sdelay $0x3  }
0x67: {  	p0 =	sgt.u32 s8, $0x1  }
.Ltmp14:
0x68: {  	_ = 	snop;
	(pc) =	sbr.rel @!p0 .LBB2_22-.Ltmp14, $4  }
0x69: {  	_ = 	snop  }
0x6a: {  	_ =	swait.ge [sflag:s22], $0x4000  }
0x6b: {  	[sflag:s22] =	ssyncset.done $0x0  }
0x6c: {  	[sflag:s22] =	ssyncadd.s32 $0xFFFFC000  }
0x6d: {  	p0 =	sgt.u32 s8, $0x4B  }
.Ltmp15:
0x6e: {  	_ = 	snop;
	(pc) =	sbr.rel @p0 .LBB2_25-.Ltmp15, $4  }
.Ltmp16:
0x6f: {  	_ =	swait.ge [sflag:s30], $0x100;
	(pc) =	sbr.rel @!p0 .LBB2_24-.Ltmp16, $4  }
0x70: {  	[sflag:s30] =	ssyncset.done $0x0  }
0x71: {  	[sflag:s30] =	ssyncadd.s32 $0xFFFFFF00  }
0x72: {  	[tilespmem:s19], [sflag:$0x2] =	stream.indirect.gather [hbm4b:s4+s17], $0x80, s20, s17, $0xb8;
	[tilespmem:$0x1C000] =	vst v63  }
0x73: {  	_ = 	snop  }
.LBB2_11:
0x74: {  	p0 =	seq.s32 s8, $0x0  }
.Ltmp17:
0x75: {  	_ = 	snop;
	(pc) =	sbr.rel @p0 .LBB2_15-.Ltmp17, $1  }
0x76: {  	_ =	sdelay $0x3  }
0x77: {  	p0 =	sne.s32 s8, $0x4E  }
.Ltmp18:
0x78: {  	_ = 	snop;
	(pc) =	sbr.rel @!p0 .LBB2_13-.Ltmp18, $1  }
0x79: {  	_ =	sdelay $0x3  }
0x7a: {  	p0 =	sgt.u32 s8, $0x1  }
.Ltmp19:
0x7b: {  	_ = 	snop;
	(pc) =	sbr.rel @!p0 .LBB2_15-.Ltmp19, $4  }
0x7c: {  	_ = 	snop  }
0x7d: {  	_ =	swait.ge [sflag:s26], $0x4000  }
0x7e: {  	[sflag:s26] =	ssyncset.done $0x0  }
0x7f: {  	[sflag:s26] =	ssyncadd.s32 $0xFFFFC000  }
0x80: {  	p0 =	slt.u32 s8, $0x4C  }
.Ltmp20:
0x81: {  	_ = 	snop;
	(pc) =	sbr.rel @p0 .LBB2_16-.Ltmp20, $4  }
0x82: {  	_ =	swait.ge [sflag:s28], $0x100  }
0x83: {  	[sflag:s28] =	ssyncset.done $0x0  }
0x84: {  	[sflag:s28] =	ssyncadd.s32 $0xFFFFFF00  }
0x85: {  	[tilespmem:s18], [sflag:$0x1] =	stream.indirect.gather [hbm4b:s4+s17], $0x80, s16, s17, $0xb8;
	[tilespmem:$0x1C000] =	vst v63  }
.Ltmp21:
0x86: {  	(pc) =	sbr.rel .LBB2_34-.Ltmp21, $4  }
0x87: {  	_ =	swait.ge [sflag:s24], $0x4000  }
0x88: {  	[sflag:s24] =	ssyncset.done $0x0  }
0x89: {  	[sflag:s24] =	ssyncadd.s32 $0xFFFFC000  }
0x8a: {  	[spmem:s2] =	stream.indirect.scatter.add.f32 [tilespmem:s19], [sflag:$0x4], $0x80, s25, s17, $0xb8;
	[tilespmem:$0x1C000] =	vst v63  }
.LBB2_27:
.Ltmp22:
0x8b: {  	(pc) =	sbr.rel @p0 .LBB2_30-.Ltmp22, $1  }
0x8c: {  	_ =	sdelay $0x3  }
0x8d: {  	p0 =	seq.s32 s8, $0x4E  }
.Ltmp23:
0x8e: {  	_ = 	snop;
	(pc) =	sbr.rel @p0 .LBB2_33-.Ltmp23, $1  }
0x8f: {  	_ =	sdelay $0x3  }
0x90: {  	p0 =	sgt.u32 s8, $0x1  }
.Ltmp24:
0x91: {  	_ = 	snop;
	(pc) =	sbr.rel @!p0 .LBB2_30-.Ltmp24, $4  }
0x92: {  	_ = 	snop  }
0x93: {  	_ =	swait.ge [sflag:s26], $0x4000  }
0x94: {  	[sflag:s26] =	ssyncset.done $0x0  }
0x95: {  	[sflag:s26] =	ssyncadd.s32 $0xFFFFC000  }
0x96: {  	p0 =	sgt.u32 s8, $0x4B  }
.Ltmp25:
0x97: {  	_ = 	snop;
	(pc) =	sbr.rel @p0 .LBB2_33-.Ltmp25, $4  }
.Ltmp26:
0x98: {  	_ =	swait.ge [sflag:s0], $0x100;
	(pc) =	sbr.rel @!p0 .LBB2_32-.Ltmp26, $4  }
0x99: {  	[sflag:s0] =	ssyncset.done $0x0  }
0x9a: {  	[sflag:s0] =	ssyncadd.s32 $0xFFFFFF00  }
0x9b: {  	[tilespmem:s18], [sflag:$0x1] =	stream.indirect.gather [hbm4b:s4+s17], $0x80, s3, s17, $0xb8;
	[tilespmem:$0x1C000] =	vst v63  }
0x9c: {  	_ = 	snop  }
.LBB2_7:
0x9d: {  	[tilespmem:s19], [sflag:$0x2] =	stream.indirect.gather [hbm4b:s4+s17], $0x80, s15, s17, $0xb8;
	[tilespmem:$0x1C000] =	vst v63  }
.LBB2_9:
0x9e: {  	[tilespmem:s20], [sflag:$0x8] =	stream.linear.gather [hbm4b:s12+s3], $0x100, $0x38;
	[tilespmem:$0x1C000] =	vst v63  }
.LBB2_10:
.Ltmp27:
0x9f: {  	(pc) =	sbr.rel .LBB2_34-.Ltmp27, $4  }
0xa0: {  	_ =	swait.ge [sflag:s21], $0x4000  }
0xa1: {  	[sflag:s21] =	ssyncset.done $0x0  }
0xa2: {  	[sflag:s21] =	ssyncadd.s32 $0xFFFFC000  }
0xa3: {  	[spmem:s2] =	stream.indirect.scatter.add.f32 [tilespmem:s18], [sflag:$0x3], $0x80, s17, s17, $0xb8;
	[tilespmem:$0x1C000] =	vst v63  }
.LBB2_22:
0xa4: {  	[tilespmem:s19], [sflag:$0x2] =	stream.indirect.gather [hbm4b:s4+s17], $0x80, s20, s17, $0xb8;
	[tilespmem:$0x1C000] =	vst v63  }
.LBB2_24:
.Ltmp28:
0xa5: {  	(pc) =	sbr.rel .LBB2_25-.Ltmp28, $2  }
0xa6: {  	_ =	sdelay $0x2  }
0xa7: {  	[tilespmem:s15], [sflag:$0x6] =	stream.linear.gather [hbm4b:s12+s3], $0x100, $0x38;
	[tilespmem:$0x1C000] =	vst v63  }
.LBB2_15:
0xa8: {  	[tilespmem:s18], [sflag:$0x1] =	stream.indirect.gather [hbm4b:s4+s17], $0x80, s16, s17, $0xb8;
	[tilespmem:$0x1C000] =	vst v63  }
.LBB2_16:
0xa9: {  	[tilespmem:s3], [sflag:$0x5] =	stream.linear.gather [hbm4b:s12+s3], $0x100, $0x38;
	[tilespmem:$0x1C000] =	vst v63  }
.Ltmp29:
0xaa: {  	_ = 	snop;
	(pc) =	sbr.rel .LBB2_34-.Ltmp29, $4  }
0xab: {  	_ =	swait.ge [sflag:s24], $0x4000  }
0xac: {  	[sflag:s24] =	ssyncset.done $0x0  }
0xad: {  	[sflag:s24] =	ssyncadd.s32 $0xFFFFC000  }
0xae: {  	[spmem:s2] =	stream.indirect.scatter.add.f32 [tilespmem:s19], [sflag:$0x4], $0x80, s25, s17, $0xb8;
	[tilespmem:$0x1C000] =	vst v63  }
.LBB2_30:
0xaf: {  	[tilespmem:s18], [sflag:$0x1] =	stream.indirect.gather [hbm4b:s4+s17], $0x80, s3, s17, $0xb8;
	[tilespmem:$0x1C000] =	vst v63  }
.LBB2_32:
0xb0: {  	[tilespmem:s16], [sflag:$0x7] =	stream.linear.gather [hbm4b:s12+s3], $0x100, $0x38;
	[tilespmem:$0x1C000] =	vst v63  }
.LBB2_33:
.Ltmp30:
0xb1: {  	(pc) =	sbr.rel .LBB2_34-.Ltmp30, $4  }
0xb2: {  	_ =	swait.ge [sflag:s24], $0x4000  }
0xb3: {  	[sflag:s24] =	ssyncset.done $0x0  }
0xb4: {  	[sflag:s24] =	ssyncadd.s32 $0xFFFFC000  }
0xb5: {  	[spmem:s2] =	stream.indirect.scatter.add.f32 [tilespmem:s19], [sflag:$0x4], $0x80, s31, s17, $0xb8;
	[tilespmem:$0x1C000] =	vst v63  }
.LBB2_36:
0xb6: {  	_ =	sfence.sel $0x180000  }
0xb7: {  	[bflag:$0x0] =	sbarrier.arrive $0xFFFF  }
0xb8: {  	_ =	strace $0x90000053  }
0xb9: {  	s0 =	stileid.u32;
	[bflag:$0x2] =	sbarrier.arrive $0xFFFF  }
0xba: {  	p0 =	sne.s32 s0, $0x0;
	s0 =	rddreg [dreg:$0x3]  }
0xbb: {  	s0 =	sadd.s32 @!p0 $0x100000, s0  }
0xbc: {  	[sflag:s0] =	ssyncadd.tile.s32 @!p0 $0x1;
	_ =	shalt  }
.Lfunc_end2:
_tile_overlayer_lowered:
.L_overlay_start_2:
0xbd: {  	(tag) =	ssettag $0x2  }
0xbe: {  	s0 =	rddreg [dreg:$0x0];
	s2 =	stileid.u32  }
0xbf: {  	s1 =	rddreg [dreg:$0x1];
	p0 =	sne.s32 s2, $0x0  }
0xc0: {  	s3 =	rddreg [dreg:$0x2];
	[bflag:$0x3] =	sbarrier.arrive $0xFFFF;
	s2 =	simm.s32 @!p0 $0x1C09  }
0xc1: {  	[timem:s3], [sflag:s2] =	dma.local @!p0 [hbm:s0], s1  }
0xc2: {  	s0 =	simm.s32 @!p0 $0x9  }
0xc3: {  	_ =	swait.ge @!p0 [sflag:s0], s1  }
0xc4: {  	s1 =	ssub.s32 @!p0 $0x0, s1;
	[sflag:s0] =	ssyncset.done @!p0 $0x0  }
0xc5: {  	[sflag:s0] =	ssyncadd.s32 @!p0 s1  }
0xc6: {  	[bflag:$0x3] =	sbarrier.arrive $0xFFFF  }
0xc7: {  	_ =	shalt  }

</sc_bundles>
